<compile_context>
chip_gen: v7x
topology: tpu7x:2x2x1
jax: 0.10.2.dev20260603
libtpu: 0.0.44.dev20260713+nightly
codegen_flags: <defaults>
</compile_context>

<pallas_src>
import functools

import jax
import jax.numpy as jnp
from jax import lax
from jax.experimental import pallas as pl
from jax.experimental.pallas import tpu as pltpu
from jax.experimental.pallas import tpu_sc as plsc

_N = 1024
_D = 128
_P = 4096
_R = 3
_K = 16
_RK = _R * _K
_CURRENT_TIME = 200.0

_NW = 32
_NODES_W = _N // _NW
_PAIRS_W = _P // _NW
_NSTEP = 8
_NPS = _NODES_W // _NSTEP
_ROWS = _NPS * _RK
_PAIR_BLK = 512


def _make_sc_kernel():
    mesh = plsc.VectorSubcoreMesh(core_axis_name="c", subcore_axis_name="s")

    @functools.partial(
        pl.kernel, mesh=mesh,
        compiler_params=pltpu.CompilerParams(
            needs_layout_passes=False, use_tc_tiling_on_sc=False),
        out_type=[jax.ShapeDtypeStruct((_R * _N, _D), jnp.float32),
                  jax.ShapeDtypeStruct((_P, _D), jnp.float32)],
        scratch_types=[
            pltpu.VMEM((_NODES_W * _RK,), jnp.int32),
            pltpu.VMEM((_ROWS, _D // 2), jnp.int32),
            pltpu.VMEM((_ROWS, _D // 2), jnp.int32),
            pltpu.VMEM((2 * _PAIRS_W,), jnp.int32),
            pltpu.VMEM((2 * _PAIRS_W, _D // 2), jnp.int32),
            pltpu.VMEM((_PAIRS_W, _D), jnp.float32),
            pltpu.VMEM((_R * _NODES_W, _D), jnp.float32),
            pltpu.SemaphoreType.DMA,
            pltpu.SemaphoreType.DMA,
            pltpu.SemaphoreType.DMA,
            pltpu.SemaphoreType.DMA,
        ],
    )
    def sc_body(ebf_hbm, idx_hbm, mn_hbm, g_hbm, de_hbm,
                idx_v, rows0, rows1, mn_v, prow_v, de_v, gbuf,
                sem0, sem1, semp0, semp1):
        wid = lax.axis_index("s") * 2 + lax.axis_index("c")
        pltpu.sync_copy(mn_hbm.at[pl.ds(wid * 2 * _PAIRS_W, 2 * _PAIRS_W)],
                        mn_v)
        cpp0 = pltpu.async_copy(ebf_hbm.at[mn_v.at[pl.ds(0, _PAIRS_W)]],
                                prow_v.at[pl.ds(0, _PAIRS_W)], semp0)
        cpp1 = pltpu.async_copy(
            ebf_hbm.at[mn_v.at[pl.ds(_PAIRS_W, _PAIRS_W)]],
            prow_v.at[pl.ds(_PAIRS_W, _PAIRS_W)], semp1)
        pltpu.sync_copy(idx_hbm.at[pl.ds(wid * _NODES_W * _RK,
                                         _NODES_W * _RK)], idx_v)

        bufs = (rows0, rows1)
        sems = (sem0, sem1)

        def fire(t):
            return pltpu.async_copy(
                ebf_hbm.at[idx_v.at[pl.ds(t * _ROWS, _ROWS)]],
                bufs[t % 2], sems[t % 2])

        cps = {0: fire(0), 1: fire(1)}
        for t in range(_NSTEP):
            cps[t].wait()
            buf = bufs[t % 2]

            def grp_body(g, _, _buf=buf, _t=t):
                u = g // _R
                r = g - u * _R
                base = g * _K

                def row_blk(j, accs, _buf=_buf, _base=base):
                    out = list(accs)
                    for jj in range(4):
                        row = _base + j * 4 + jj
                        for c in range(4):
                            w = _buf[row, pl.ds(c * 16, 16)]
                            v = plsc.bitcast(w, jnp.bfloat16)
                            a, b = plsc.unpack(
                                v, format=plsc.PackFormat.INTERLEAVED)
                            out[2 * c] = out[2 * c] + a
                            out[2 * c + 1] = out[2 * c + 1] + b
                    return tuple(out)

                accs = tuple(jnp.zeros((16,), jnp.float32) for _ in range(8))
                accs = lax.fori_loop(0, _K // 4, row_blk, accs)
                orow = r * _NODES_W + _t * _NPS + u
                for c in range(8):
                    gbuf[orow, pl.ds(c * 16, 16)] = accs[c]
                return 0

            lax.fori_loop(0, _NPS * _R, grp_body, 0)
            if t + 2 < _NSTEP:
                cps[t + 2] = fire(t + 2)

        for r in range(_R):
            pltpu.sync_copy(
                gbuf.at[pl.ds(r * _NODES_W, _NODES_W)],
                g_hbm.at[pl.ds(r * _N + wid * _NODES_W, _NODES_W)])

        cpp0.wait()
        cpp1.wait()

        def pair_body(p, _):
            for c in range(4):
                wa = prow_v[2 * p, pl.ds(c * 16, 16)]
                wb = prow_v[2 * p + 1, pl.ds(c * 16, 16)]
                a1, a2 = plsc.unpack(plsc.bitcast(wa, jnp.bfloat16),
                                     format=plsc.PackFormat.INTERLEAVED)
                b1, b2 = plsc.unpack(plsc.bitcast(wb, jnp.bfloat16),
                                     format=plsc.PackFormat.INTERLEAVED)
                de_v[p, pl.ds(c * 32, 16)] = a1 - b1
                de_v[p, pl.ds(c * 32 + 16, 16)] = a2 - b2
            return 0

        lax.fori_loop(0, _PAIRS_W, pair_body, 0)
        pltpu.sync_copy(de_v, de_hbm.at[pl.ds(wid * _PAIRS_W, _PAIRS_W)])

    return sc_body


_sc_stage = _make_sc_kernel()


def _dense_stage(ev_ref, g_ref, de_ref, pr_ref, Wp_ref, Wb_ref, bb_ref,
                 theta_ref, q1_ref, q2_ref, out_ref):
    theta = theta_ref[0, 0]
    alpha = jnp.sum(jnp.exp(-theta * (_CURRENT_TIME - ev_ref[...])))
    x = jnp.zeros((_N, _D), jnp.float32)
    for r in range(_R):
        x = x + jnp.dot(g_ref[r * _N:(r + 1) * _N, :], Wb_ref[r],
                        preferred_element_type=jnp.float32)
    bbar = jnp.mean(bb_ref[...], axis=0, keepdims=True)
    x = x * (1.0 / _RK) + bbar
    s = jnp.mean(jax.nn.sigmoid(x), axis=1, keepdims=True)
    diffs = jnp.dot(de_ref[...], Wp_ref[...],
                    preferred_element_type=jnp.float32)
    d2 = jnp.sum(diffs * diffs, axis=1, keepdims=True)
    q1 = q1_ref[0, 0]
    q2 = q2_ref[0, 0]
    for blk in range(_P // _PAIR_BLK):
        lo, hi = blk * _PAIR_BLK, (blk + 1) * _PAIR_BLK
        iota = lax.broadcasted_iota(jnp.int32, (_PAIR_BLK, _N), 1)
        ohm = (pr_ref[lo:hi, 0:1] == iota).astype(jnp.float32)
        ohn = (pr_ref[lo:hi, 1:2] == iota).astype(jnp.float32)
        lamn = 0.5 * jnp.dot(ohm + ohn, s, preferred_element_type=jnp.float32)
        lam = -jnp.sqrt(d2[lo:hi, :] + 1e-12) + alpha + lamn
        y = q1 * jnp.exp(lam) + q2 * lam
        out_ref[lo:hi, :] = jax.nn.sigmoid(y)


def kernel(node_pairs, adj_matrix, event_history, neighbor_data, node_embeds,
           W_proj, W_beta, b_beta, decay_theta, q1, q2):
    del adj_matrix
    f32 = jnp.float32
    i32 = jnp.int32
    E = node_embeds.astype(f32)
    ev = event_history.astype(f32)
    theta = jnp.reshape(decay_theta.astype(f32), (1, 1))
    q1r = jnp.reshape(jnp.asarray(q1, f32), (1, 1))
    q2r = jnp.reshape(jnp.asarray(q2, f32), (1, 1))

    half = jnp.arange(16, dtype=i32)
    intra = jnp.stack([half, half + 16], axis=1).reshape(32)
    perm = (jnp.arange(4, dtype=i32)[:, None] * 32 + intra[None, :]).reshape(
        _D)
    ebf16 = E[:, perm].astype(jnp.bfloat16)
    ebf = jax.lax.bitcast_convert_type(
        ebf16.reshape(_N, _D // 2, 2), jnp.int32)

    pairs = node_pairs.astype(i32)
    idxp = neighbor_data.astype(i32).reshape(-1)
    mnflat = pairs.reshape(-1)

    g, de = _sc_stage(ebf, idxp, mnflat)

    out = pl.pallas_call(
        _dense_stage,
        out_shape=jax.ShapeDtypeStruct((_P, 1), f32),
    )(ev, g, de, pairs, W_proj.astype(f32), W_beta.astype(f32),
      b_beta.astype(f32), theta, q1r, q2r)
    return out.reshape(_P)

# --- scband reference (transcript-rebuilt; emitter-appended) ---
"""Pipeline reference for scband-msrl-6305011991198 (READ-ONLY COPY).

The authoritative reference and input builder live on the scoring server;
editing this copy changes nothing except your own understanding.
"""

import jax, jax.numpy as jnp
import numpy as np

N = 1024
D = 128
P = 4096
R = 3
K = 16
T = 100000
CURRENT_TIME = 200.0

def setup_inputs(seed: int = 0) -> dict:
    key = jax.random.key(seed)
    ks = jax.random.split(key, 10)
    node_pairs = jax.random.randint(ks[0], (P, 2), 0, N)
    adj = (jax.random.uniform(ks[1], (N, N)) < 0.01).astype(jnp.float32)
    adj = jnp.maximum(adj, adj.T)
    event_history = 50.0 + 100.0 * jax.random.uniform(ks[2], (T,))
    neighbor_data = jax.random.randint(ks[3], (N, R, K), 0, N)
    node_embeds = jax.random.normal(ks[4], (N, D))
    W_proj = jax.random.normal(ks[5], (D, D)) / np.sqrt(D)
    W_beta = jax.random.normal(ks[6], (R, D, D)) / np.sqrt(D)
    b_beta = jnp.zeros((R, D), dtype=jnp.float32)
    decay_theta = jnp.float32(0.2)
    q1 = jnp.float32(0.5)
    q2 = jnp.float32(0.5)
    return {"node_pairs": node_pairs, "adj_matrix": adj, "event_history": event_history,
            "neighbor_data": neighbor_data, "node_embeds": node_embeds, "W_proj": W_proj,
            "W_beta": W_beta, "b_beta": b_beta, "decay_theta": decay_theta, "q1": q1, "q2": q2}

def reference(node_pairs, adj_matrix, event_history, neighbor_data, node_embeds,
              W_proj, W_beta, b_beta, decay_theta, q1, q2):
    m = node_pairs[:, 0]
    n = node_pairs[:, 1]
    # --- HistoricalEdgeModule: base intensity (single shared node-type projection) ---
    proj = node_embeds @ W_proj
    diff = proj[m] - proj[n]
    gamma_base = -jnp.sqrt(jnp.sum(diff * diff, axis=-1) + 1e-12)
    # decay-weighted sum over all historical events (same scalar added per pair, as in source)
    delta_t = CURRENT_TIME - event_history
    sum_alpha = jnp.sum(jnp.exp(-decay_theta * delta_t))
    lambda_hist = gamma_base + sum_alpha
    # --- TriadicClosureModule ---
    A = adj_matrix
    tri_counts = jnp.einsum('ij,jk,ki->i', A, A, A)  # diag(A @ A @ A)
    degree = jnp.sum(A, axis=1)
    denom = degree * (degree - 1.0)
    denom = jnp.where(denom == 0, 1e-06, denom)
    C = 2.0 * tri_counts / denom
    common = A[m] * A[n]  # [P, N] common-neighbor mask
    # source computes delta_v = v_k - v_k => g_term is exactly 0; kept faithful
    g_term = -jnp.sum((node_embeds - node_embeds) ** 2, axis=-1)
    lambda_tri = jnp.sum(common * (C * g_term)[None, :], axis=-1)
    # --- NeighborInfluenceModule: meso aggregation + macro influence ---
    neigh_emb = node_embeds[neighbor_data]          # [N, R, K, D] gather
    h_r = jnp.mean(neigh_emb, axis=2)               # [N, R, D]
    h_agg = jnp.einsum('nrd,rde->nre', h_r, W_beta) + b_beta[None, :, :]
    x_tilde = jnp.mean(h_agg, axis=1)               # [N, D]
    eps = jax.nn.sigmoid(x_tilde)
    lambda_neigh = jnp.mean(0.5 * (eps[m] + eps[n]), axis=-1)
    # --- combine ---
    lambda_total = lambda_hist + lambda_tri + lambda_neigh
    lambda_final = jnp.exp(lambda_total)
    Y = q1 * lambda_final + q2 * lambda_total
    return jax.nn.sigmoid(Y)

if __name__ == "__main__":
    import jax
    _d = setup_inputs()
    print(jax.jit(kernel)(*tuple(_d.values())))

</pallas_src>

<mosaic_0001>
#map = affine_map<(d0, d1) -> (0, 0)>
#map1 = affine_map<(d0, d1) -> (0)>
module attributes {stable_mosaic.version = 14 : i64} {
  func.func @sc_body(%arg0: i32, %arg1: i32, %arg2: memref<1024x64xi32, #tpu.memory_space<hbm>>, %arg3: memref<49152xi32, #tpu.memory_space<hbm>>, %arg4: memref<8192xi32, #tpu.memory_space<hbm>>, %arg5: memref<3072x128xf32, #tpu.memory_space<hbm>>, %arg6: memref<4096x128xf32, #tpu.memory_space<hbm>>, %arg7: memref<1536xi32, #tpu.memory_space<vmem>>, %arg8: memref<192x64xi32, #tpu.memory_space<vmem>>, %arg9: memref<192x64xi32, #tpu.memory_space<vmem>>, %arg10: memref<256xi32, #tpu.memory_space<vmem>>, %arg11: memref<256x64xi32, #tpu.memory_space<vmem>>, %arg12: memref<128x128xf32, #tpu.memory_space<vmem>>, %arg13: memref<96x128xf32, #tpu.memory_space<vmem>>, %arg14: memref<!tpu.dma_semaphore, #tpu.memory_space<semaphore_mem>>, %arg15: memref<!tpu.dma_semaphore, #tpu.memory_space<semaphore_mem>>, %arg16: memref<!tpu.dma_semaphore, #tpu.memory_space<semaphore_mem>>, %arg17: memref<!tpu.dma_semaphore, #tpu.memory_space<semaphore_mem>>) attributes {dimension_semantics = [#tpu.dimension_semantics<core_parallel>, #tpu.dimension_semantics<subcore_parallel>], iteration_bounds = array<i64: 2, 16>, scalar_prefetch = 0 : i64, scratch_operands = 11 : i64, tpu.core_type = #tpu.core_type<sc_vector_subcore>, window_params = [{transform_indices = #map}, {transform_indices = #map1}, {transform_indices = #map1}, {transform_indices = #map}, {transform_indices = #map}]} {
    %mul3A = arith.constant 2 : i32
    %mul3A_0 = arith.muli %arg1, %mul3A : i32
    %add3A = arith.addi %mul3A_0, %arg0 : i32
    %mul3A_1 = arith.constant 2 : i32
    %mul3A_2 = arith.muli %add3A, %mul3A_1 : i32
    %mul3A_3 = arith.constant 128 : i32
    %mul3A_4 = arith.muli %mul3A_2, %mul3A_3 : i32
    "tpu.region"() ({
      %run_scoped3A = tpu.sem_alloc : memref<!tpu.dma_semaphore, #tpu.memory_space<semaphore_mem>>
      %dma_start3A_195 = tpu.memref_slice %arg4[%mul3A_4] : memref<8192xi32, #tpu.memory_space<hbm>> -> memref<256xi32, #tpu.memory_space<hbm>>
      %dma_start3A_196 = tpu.memref_slice %arg4[%mul3A_4] : memref<8192xi32, #tpu.memory_space<hbm>> -> memref<256xi32, #tpu.memory_space<hbm>>
      tpu.enqueue_dma source(%dma_start3A_196 : memref<256xi32, #tpu.memory_space<hbm>>) target(%arg10 : memref<256xi32, #tpu.memory_space<vmem>>) target_semaphore(%run_scoped3A : memref<!tpu.dma_semaphore, #tpu.memory_space<semaphore_mem>>)
      %dma_wait3A_197 = tpu.memref_slice %arg4[%mul3A_4] : memref<8192xi32, #tpu.memory_space<hbm>> -> memref<256xi32, #tpu.memory_space<hbm>>
      %dma_wait3A_198 = tpu.memref_slice %arg4[%mul3A_4] : memref<8192xi32, #tpu.memory_space<hbm>> -> memref<256xi32, #tpu.memory_space<hbm>>
      tpu.wait_dma2 semaphore(%run_scoped3A : memref<!tpu.dma_semaphore, #tpu.memory_space<semaphore_mem>>) src(%dma_wait3A_198 : memref<256xi32, #tpu.memory_space<hbm>>) dst(%arg10 : memref<256xi32, #tpu.memory_space<vmem>>)
      tpu.yield
    }) : () -> ()
    %dma_start3A = arith.constant 0 : i32
    %dma_start3A_5 = arith.constant 0 : i32
    %dma_start3A_6 = tpu.memref_slice %arg11[%dma_start3A, %dma_start3A_5] : memref<256x64xi32, #tpu.memory_space<vmem>> -> memref<128x64xi32, #tpu.memory_space<vmem>>
    %dma_start3A_7 = arith.constant 0 : i32
    %dma_start3A_8 = tpu.memref_slice %arg10[%dma_start3A_7] : memref<256xi32, #tpu.memory_space<vmem>> -> memref<128xi32, #tpu.memory_space<vmem>>
    %dma_start3A_9 = arith.constant 0 : i32
    %dma_start3A_10 = arith.constant 0 : i32
    %dma_start3A_11 = tpu.memref_slice %arg2[%dma_start3A_9, %dma_start3A_10] : memref<1024x64xi32, #tpu.memory_space<hbm>> -> memref<1024x64xi32, #tpu.memory_space<hbm>>
    tpu.enqueue_indirect_dma source(%dma_start3A_11 : memref<1024x64xi32, #tpu.memory_space<hbm>>) target(%dma_start3A_6 : memref<128x64xi32, #tpu.memory_space<vmem>>) offsets(%dma_start3A_8 : memref<128xi32, #tpu.memory_space<vmem>>) semaphore(%arg16 : memref<!tpu.dma_semaphore, #tpu.memory_space<semaphore_mem>>)
    %dma_start3A_12 = arith.constant 128 : i32
    %dma_start3A_13 = arith.constant 0 : i32
    %dma_start3A_14 = tpu.memref_slice %arg11[%dma_start3A_12, %dma_start3A_13] : memref<256x64xi32, #tpu.memory_space<vmem>> -> memref<128x64xi32, #tpu.memory_space<vmem>>
    %dma_start3A_15 = arith.constant 128 : i32
    %dma_start3A_16 = tpu.memref_slice %arg10[%dma_start3A_15] : memref<256xi32, #tpu.memory_space<vmem>> -> memref<128xi32, #tpu.memory_space<vmem>>
    %dma_start3A_17 = arith.constant 0 : i32
    %dma_start3A_18 = arith.constant 0 : i32
    %dma_start3A_19 = tpu.memref_slice %arg2[%dma_start3A_17, %dma_start3A_18] : memref<1024x64xi32, #tpu.memory_space<hbm>> -> memref<1024x64xi32, #tpu.memory_space<hbm>>
    tpu.enqueue_indirect_dma source(%dma_start3A_19 : memref<1024x64xi32, #tpu.memory_space<hbm>>) target(%dma_start3A_14 : memref<128x64xi32, #tpu.memory_space<vmem>>) offsets(%dma_start3A_16 : memref<128xi32, #tpu.memory_space<vmem>>) semaphore(%arg17 : memref<!tpu.dma_semaphore, #tpu.memory_space<semaphore_mem>>)
    %mul3A_20 = arith.constant 32 : i32
    %mul3A_21 = arith.muli %add3A, %mul3A_20 : i32
    %mul3A_22 = arith.constant 48 : i32
    %mul3A_23 = arith.muli %mul3A_21, %mul3A_22 : i32
    "tpu.region"() ({
      %run_scoped3A = tpu.sem_alloc : memref<!tpu.dma_semaphore, #tpu.memory_space<semaphore_mem>>
      %dma_start3A_195 = tpu.memref_slice %arg3[%mul3A_23] : memref<49152xi32, #tpu.memory_space<hbm>> -> memref<1536xi32, #tpu.memory_space<hbm>>
      %dma_start3A_196 = tpu.memref_slice %arg3[%mul3A_23] : memref<49152xi32, #tpu.memory_space<hbm>> -> memref<1536xi32, #tpu.memory_space<hbm>>
      tpu.enqueue_dma source(%dma_start3A_196 : memref<1536xi32, #tpu.memory_space<hbm>>) target(%arg7 : memref<1536xi32, #tpu.memory_space<vmem>>) target_semaphore(%run_scoped3A : memref<!tpu.dma_semaphore, #tpu.memory_space<semaphore_mem>>)
      %dma_wait3A_197 = tpu.memref_slice %arg3[%mul3A_23] : memref<49152xi32, #tpu.memory_space<hbm>> -> memref<1536xi32, #tpu.memory_space<hbm>>
      %dma_wait3A_198 = tpu.memref_slice %arg3[%mul3A_23] : memref<49152xi32, #tpu.memory_space<hbm>> -> memref<1536xi32, #tpu.memory_space<hbm>>
      tpu.wait_dma2 semaphore(%run_scoped3A : memref<!tpu.dma_semaphore, #tpu.memory_space<semaphore_mem>>) src(%dma_wait3A_198 : memref<1536xi32, #tpu.memory_space<hbm>>) dst(%arg7 : memref<1536xi32, #tpu.memory_space<vmem>>)
      tpu.yield
    }) : () -> ()
    %dma_start3A_24 = arith.constant 0 : i32
    %dma_start3A_25 = tpu.memref_slice %arg7[%dma_start3A_24] : memref<1536xi32, #tpu.memory_space<vmem>> -> memref<192xi32, #tpu.memory_space<vmem>>
    %dma_start3A_26 = arith.constant 0 : i32
    %dma_start3A_27 = arith.constant 0 : i32
    %dma_start3A_28 = tpu.memref_slice %arg2[%dma_start3A_26, %dma_start3A_27] : memref<1024x64xi32, #tpu.memory_space<hbm>> -> memref<1024x64xi32, #tpu.memory_space<hbm>>
    tpu.enqueue_indirect_dma source(%dma_start3A_28 : memref<1024x64xi32, #tpu.memory_space<hbm>>) target(%arg8 : memref<192x64xi32, #tpu.memory_space<vmem>>) offsets(%dma_start3A_25 : memref<192xi32, #tpu.memory_space<vmem>>) semaphore(%arg14 : memref<!tpu.dma_semaphore, #tpu.memory_space<semaphore_mem>>)
    %dma_start3A_29 = arith.constant 192 : i32
    %dma_start3A_30 = tpu.memref_slice %arg7[%dma_start3A_29] : memref<1536xi32, #tpu.memory_space<vmem>> -> memref<192xi32, #tpu.memory_space<vmem>>
    %dma_start3A_31 = arith.constant 0 : i32
    %dma_start3A_32 = arith.constant 0 : i32
    %dma_start3A_33 = tpu.memref_slice %arg2[%dma_start3A_31, %dma_start3A_32] : memref<1024x64xi32, #tpu.memory_space<hbm>> -> memref<1024x64xi32, #tpu.memory_space<hbm>>
    tpu.enqueue_indirect_dma source(%dma_start3A_33 : memref<1024x64xi32, #tpu.memory_space<hbm>>) target(%arg9 : memref<192x64xi32, #tpu.memory_space<vmem>>) offsets(%dma_start3A_30 : memref<192xi32, #tpu.memory_space<vmem>>) semaphore(%arg15 : memref<!tpu.dma_semaphore, #tpu.memory_space<semaphore_mem>>)
    %dma_wait3A = arith.constant 0 : i32
    %dma_wait3A_34 = tpu.memref_slice %arg7[%dma_wait3A] : memref<1536xi32, #tpu.memory_space<vmem>> -> memref<192xi32, #tpu.memory_space<vmem>>
    %dma_wait3A_35 = arith.constant 0 : i32
    %dma_wait3A_36 = arith.constant 0 : i32
    %dma_wait3A_37 = tpu.memref_slice %arg2[%dma_wait3A_35, %dma_wait3A_36] : memref<1024x64xi32, #tpu.memory_space<hbm>> -> memref<1024x64xi32, #tpu.memory_space<hbm>>
    tpu.wait_indirect_dma semaphore(%arg14 : memref<!tpu.dma_semaphore, #tpu.memory_space<semaphore_mem>>) src(%dma_wait3A_37 : memref<1024x64xi32, #tpu.memory_space<hbm>>) dst(%arg8 : memref<192x64xi32, #tpu.memory_space<vmem>>)
    %scan3A = arith.constant 0 : i32
    %scan3A_38 = arith.constant 0 : i32
    %scan3A_39 = arith.constant 12 : i32
    %scan3A_40 = arith.addi %scan3A_38, %scan3A_39 : i32
    %scan3A_41 = arith.constant 1 : i32
    %scan3A_42 = scf.for %scan3A_195 = %scan3A_38 to %scan3A_40 step %scan3A_41 iter_args(%scan3A_196 = %scan3A) -> (i32)  : i32 {
      %jit3A = arith.constant 3 : i32
      %div3A = arith.divsi %scan3A_195, %jit3A : i32
      %sign3A = arith.constant 0 : i32
      %sign3A_197 = arith.cmpi sgt, %scan3A_195, %sign3A : i32
      %sign3A_198 = arith.extui %sign3A_197 : i1 to i32
      %sign3A_199 = arith.constant 0 : i32
      %sign3A_200 = arith.cmpi slt, %scan3A_195, %sign3A_199 : i32
      %sign3A_201 = arith.extui %sign3A_200 : i1 to i32
      %sign3A_202 = arith.subi %sign3A_198, %sign3A_201 : i32
      %sign3A_203 = arith.constant 0 : i32
      %sign3A_204 = arith.cmpi sgt, %jit3A, %sign3A_203 : i32
      %sign3A_205 = arith.extui %sign3A_204 : i1 to i32
      %sign3A_206 = arith.constant 0 : i32
      %sign3A_207 = arith.cmpi slt, %jit3A, %sign3A_206 : i32
      %sign3A_208 = arith.extui %sign3A_207 : i1 to i32
      %sign3A_209 = arith.subi %sign3A_205, %sign3A_208 : i32
      %ne3A = arith.cmpi ne, %sign3A_202, %sign3A_209 : i32
      %rem3A = arith.remsi %scan3A_195, %jit3A : i32
      %ne3A_210 = arith.constant 0 : i32
      %ne3A_211 = arith.cmpi ne, %rem3A, %ne3A_210 : i32
      %and3A = arith.andi %ne3A, %ne3A_211 : i1
      %sub3A = arith.constant 1 : i32
      %sub3A_212 = arith.subi %div3A, %sub3A : i32
      %select_n3A = arith.select %and3A, %sub3A_212, %div3A : i32
      %mul3A_213 = arith.constant 3 : i32
      %mul3A_214 = arith.muli %select_n3A, %mul3A_213 : i32
      %sub3A_215 = arith.subi %scan3A_195, %mul3A_214 : i32
      %mul3A_216 = arith.constant 16 : i32
      %mul3A_217 = arith.muli %scan3A_195, %mul3A_216 : i32
      %broadcast_in_dim3A = arith.constant 0.000000e+00 : f32
      %broadcast_in_dim3A_218 = vector.broadcast %broadcast_in_dim3A : f32 to vector<16xf32>
      %broadcast_in_dim3A_219 = arith.constant 0.000000e+00 : f32
      %broadcast_in_dim3A_220 = vector.broadcast %broadcast_in_dim3A_219 : f32 to vector<16xf32>
      %broadcast_in_dim3A_221 = arith.constant 0.000000e+00 : f32
      %broadcast_in_dim3A_222 = vector.broadcast %broadcast_in_dim3A_221 : f32 to vector<16xf32>
      %broadcast_in_dim3A_223 = arith.constant 0.000000e+00 : f32
      %broadcast_in_dim3A_224 = vector.broadcast %broadcast_in_dim3A_223 : f32 to vector<16xf32>
      %broadcast_in_dim3A_225 = arith.constant 0.000000e+00 : f32
      %broadcast_in_dim3A_226 = vector.broadcast %broadcast_in_dim3A_225 : f32 to vector<16xf32>
      %broadcast_in_dim3A_227 = arith.constant 0.000000e+00 : f32
      %broadcast_in_dim3A_228 = vector.broadcast %broadcast_in_dim3A_227 : f32 to vector<16xf32>
      %broadcast_in_dim3A_229 = arith.constant 0.000000e+00 : f32
      %broadcast_in_dim3A_230 = vector.broadcast %broadcast_in_dim3A_229 : f32 to vector<16xf32>
      %broadcast_in_dim3A_231 = arith.constant 0.000000e+00 : f32
      %broadcast_in_dim3A_232 = vector.broadcast %broadcast_in_dim3A_231 : f32 to vector<16xf32>
      %scan3A_233 = arith.constant 0 : i32
      %scan3A_234 = arith.constant 4 : i32
      %scan3A_235 = arith.addi %scan3A_233, %scan3A_234 : i32
      %scan3A_236 = arith.constant 1 : i32
      %scan3A_237:8 = scf.for %scan3A_268 = %scan3A_233 to %scan3A_235 step %scan3A_236 iter_args(%scan3A_269 = %broadcast_in_dim3A_218, %scan3A_270 = %broadcast_in_dim3A_220, %scan3A_271 = %broadcast_in_dim3A_222, %scan3A_272 = %broadcast_in_dim3A_224, %scan3A_273 = %broadcast_in_dim3A_226, %scan3A_274 = %broadcast_in_dim3A_228, %scan3A_275 = %broadcast_in_dim3A_230, %scan3A_276 = %broadcast_in_dim3A_232) -> (vector<16xf32>, vector<16xf32>, vector<16xf32>, vector<16xf32>, vector<16xf32>, vector<16xf32>, vector<16xf32>, vector<16xf32>)  : i32 {
        %mul3A_277 = arith.constant 4 : i32
        %mul3A_278 = arith.muli %scan3A_268, %mul3A_277 : i32
        %add3A_279 = arith.addi %mul3A_217, %mul3A_278 : i32
        %add3A_280 = arith.constant 0 : i32
        %add3A_281 = arith.addi %add3A_279, %add3A_280 : i32
        %get3A = arith.index_cast %add3A_281 : i32 to index
        %get3A_282 = arith.constant 0 : index
        %get3A_283 = tpu.vector_load %arg8[%get3A, %get3A_282] {strides = array<i32>} : memref<192x64xi32, #tpu.memory_space<vmem>>, vector<16xi32>,
        %bitcast3A = vector.bitcast %get3A_283 : vector<16xi32> to vector<32xbf16>
        %unpack3A = tpu.unpack_subelements %bitcast3A, 0 {pack_format = #tpu.pack_format<interleaved>} : vector<32xbf16> -> vector<16xf32>
        %unpack3A_284 = tpu.unpack_subelements %bitcast3A, 1 {pack_format = #tpu.pack_format<interleaved>} : vector<32xbf16> -> vector<16xf32>
        %add3A_285 = arith.addf %scan3A_269, %unpack3A : vector<16xf32>
        %add3A_286 = arith.addf %scan3A_270, %unpack3A_284 : vector<16xf32>
        %get3A_287 = arith.index_cast %add3A_281 : i32 to index
        %get3A_288 = arith.constant 16 : index
        %get3A_289 = tpu.vector_load %arg8[%get3A_287, %get3A_288] {strides = array<i32>} : memref<192x64xi32, #tpu.memory_space<vmem>>, vector<16xi32>,
        %bitcast3A_290 = vector.bitcast %get3A_289 : vector<16xi32> to vector<32xbf16>
        %unpack3A_291 = tpu.unpack_subelements %bitcast3A_290, 0 {pack_format = #tpu.pack_format<interleaved>} : vector<32xbf16> -> vector<16xf32>
        %unpack3A_292 = tpu.unpack_subelements %bitcast3A_290, 1 {pack_format = #tpu.pack_format<interleaved>} : vector<32xbf16> -> vector<16xf32>
        %add3A_293 = arith.addf %scan3A_271, %unpack3A_291 : vector<16xf32>
        %add3A_294 = arith.addf %scan3A_272, %unpack3A_292 : vector<16xf32>
        %get3A_295 = arith.index_cast %add3A_281 : i32 to index
        %get3A_296 = arith.constant 32 : index
        %get3A_297 = tpu.vector_load %arg8[%get3A_295, %get3A_296] {strides = array<i32>} : memref<192x64xi32, #tpu.memory_space<vmem>>, vector<16xi32>,
        %bitcast3A_298 = vector.bitcast %get3A_297 : vector<16xi32> to vector<32xbf16>
        %unpack3A_299 = tpu.unpack_subelements %bitcast3A_298, 0 {pack_format = #tpu.pack_format<interleaved>} : vector<32xbf16> -> vector<16xf32>
        %unpack3A_300 = tpu.unpack_subelements %bitcast3A_298, 1 {pack_format = #tpu.pack_format<interleaved>} : vector<32xbf16> -> vector<16xf32>
        %add3A_301 = arith.addf %scan3A_273, %unpack3A_299 : vector<16xf32>
        %add3A_302 = arith.addf %scan3A_274, %unpack3A_300 : vector<16xf32>
        %get3A_303 = arith.index_cast %add3A_281 : i32 to index
        %get3A_304 = arith.constant 48 : index
        %get3A_305 = tpu.vector_load %arg8[%get3A_303, %get3A_304] {strides = array<i32>} : memref<192x64xi32, #tpu.memory_space<vmem>>, vector<16xi32>,
        %bitcast3A_306 = vector.bitcast %get3A_305 : vector<16xi32> to vector<32xbf16>
        %unpack3A_307 = tpu.unpack_subelements %bitcast3A_306, 0 {pack_format = #tpu.pack_format<interleaved>} : vector<32xbf16> -> vector<16xf32>
        %unpack3A_308 = tpu.unpack_subelements %bitcast3A_306, 1 {pack_format = #tpu.pack_format<interleaved>} : vector<32xbf16> -> vector<16xf32>
        %add3A_309 = arith.addf %scan3A_275, %unpack3A_307 : vector<16xf32>
        %add3A_310 = arith.addf %scan3A_276, %unpack3A_308 : vector<16xf32>
        %mul3A_311 = arith.constant 4 : i32
        %mul3A_312 = arith.muli %scan3A_268, %mul3A_311 : i32
        %add3A_313 = arith.addi %mul3A_217, %mul3A_312 : i32
        %add3A_314 = arith.constant 1 : i32
        %add3A_315 = arith.addi %add3A_313, %add3A_314 : i32
        %get3A_316 = arith.index_cast %add3A_315 : i32 to index
        %get3A_317 = arith.constant 0 : index
        %get3A_318 = tpu.vector_load %arg8[%get3A_316, %get3A_317] {strides = array<i32>} : memref<192x64xi32, #tpu.memory_space<vmem>>, vector<16xi32>,
        %bitcast3A_319 = vector.bitcast %get3A_318 : vector<16xi32> to vector<32xbf16>
        %unpack3A_320 = tpu.unpack_subelements %bitcast3A_319, 0 {pack_format = #tpu.pack_format<interleaved>} : vector<32xbf16> -> vector<16xf32>
        %unpack3A_321 = tpu.unpack_subelements %bitcast3A_319, 1 {pack_format = #tpu.pack_format<interleaved>} : vector<32xbf16> -> vector<16xf32>
        %add3A_322 = arith.addf %add3A_285, %unpack3A_320 : vector<16xf32>
        %add3A_323 = arith.addf %add3A_286, %unpack3A_321 : vector<16xf32>
        %get3A_324 = arith.index_cast %add3A_315 : i32 to index
        %get3A_325 = arith.constant 16 : index
        %get3A_326 = tpu.vector_load %arg8[%get3A_324, %get3A_325] {strides = array<i32>} : memref<192x64xi32, #tpu.memory_space<vmem>>, vector<16xi32>,
        %bitcast3A_327 = vector.bitcast %get3A_326 : vector<16xi32> to vector<32xbf16>
        %unpack3A_328 = tpu.unpack_subelements %bitcast3A_327, 0 {pack_format = #tpu.pack_format<interleaved>} : vector<32xbf16> -> vector<16xf32>
        %unpack3A_329 = tpu.unpack_subelements %bitcast3A_327, 1 {pack_format = #tpu.pack_format<interleaved>} : vector<32xbf16> -> vector<16xf32>
        %add3A_330 = arith.addf %add3A_293, %unpack3A_328 : vector<16xf32>
        %add3A_331 = arith.addf %add3A_294, %unpack3A_329 : vector<16xf32>
        %get3A_332 = arith.index_cast %add3A_315 : i32 to index
        %get3A_333 = arith.constant 32 : index
        %get3A_334 = tpu.vector_load %arg8[%get3A_332, %get3A_333] {strides = array<i32>} : memref<192x64xi32, #tpu.memory_space<vmem>>, vector<16xi32>,
        %bitcast3A_335 = vector.bitcast %get3A_334 : vector<16xi32> to vector<32xbf16>
        %unpack3A_336 = tpu.unpack_subelements %bitcast3A_335, 0 {pack_format = #tpu.pack_format<interleaved>} : vector<32xbf16> -> vector<16xf32>
        %unpack3A_337 = tpu.unpack_subelements %bitcast3A_335, 1 {pack_format = #tpu.pack_format<interleaved>} : vector<32xbf16> -> vector<16xf32>
        %add3A_338 = arith.addf %add3A_301, %unpack3A_336 : vector<16xf32>
        %add3A_339 = arith.addf %add3A_302, %unpack3A_337 : vector<16xf32>
        %get3A_340 = arith.index_cast %add3A_315 : i32 to index
        %get3A_341 = arith.constant 48 : index
        %get3A_342 = tpu.vector_load %arg8[%get3A_340, %get3A_341] {strides = array<i32>} : memref<192x64xi32, #tpu.memory_space<vmem>>, vector<16xi32>,
        %bitcast3A_343 = vector.bitcast %get3A_342 : vector<16xi32> to vector<32xbf16>
        %unpack3A_344 = tpu.unpack_subelements %bitcast3A_343, 0 {pack_format = #tpu.pack_format<interleaved>} : vector<32xbf16> -> vector<16xf32>
        %unpack3A_345 = tpu.unpack_subelements %bitcast3A_343, 1 {pack_format = #tpu.pack_format<interleaved>} : vector<32xbf16> -> vector<16xf32>
        %add3A_346 = arith.addf %add3A_309, %unpack3A_344 : vector<16xf32>
        %add3A_347 = arith.addf %add3A_310, %unpack3A_345 : vector<16xf32>
        %mul3A_348 = arith.constant 4 : i32
        %mul3A_349 = arith.muli %scan3A_268, %mul3A_348 : i32
        %add3A_350 = arith.addi %mul3A_217, %mul3A_349 : i32
        %add3A_351 = arith.constant 2 : i32
        %add3A_352 = arith.addi %add3A_350, %add3A_351 : i32
        %get3A_353 = arith.index_cast %add3A_352 : i32 to index
        %get3A_354 = arith.constant 0 : index
        %get3A_355 = tpu.vector_load %arg8[%get3A_353, %get3A_354] {strides = array<i32>} : memref<192x64xi32, #tpu.memory_space<vmem>>, vector<16xi32>,
        %bitcast3A_356 = vector.bitcast %get3A_355 : vector<16xi32> to vector<32xbf16>
        %unpack3A_357 = tpu.unpack_subelements %bitcast3A_356, 0 {pack_format = #tpu.pack_format<interleaved>} : vector<32xbf16> -> vector<16xf32>
        %unpack3A_358 = tpu.unpack_subelements %bitcast3A_356, 1 {pack_format = #tpu.pack_format<interleaved>} : vector<32xbf16> -> vector<16xf32>
        %add3A_359 = arith.addf %add3A_322, %unpack3A_357 : vector<16xf32>
        %add3A_360 = arith.addf %add3A_323, %unpack3A_358 : vector<16xf32>
        %get3A_361 = arith.index_cast %add3A_352 : i32 to index
        %get3A_362 = arith.constant 16 : index
        %get3A_363 = tpu.vector_load %arg8[%get3A_361, %get3A_362] {strides = array<i32>} : memref<192x64xi32, #tpu.memory_space<vmem>>, vector<16xi32>,
        %bitcast3A_364 = vector.bitcast %get3A_363 : vector<16xi32> to vector<32xbf16>
        %unpack3A_365 = tpu.unpack_subelements %bitcast3A_364, 0 {pack_format = #tpu.pack_format<interleaved>} : vector<32xbf16> -> vector<16xf32>
        %unpack3A_366 = tpu.unpack_subelements %bitcast3A_364, 1 {pack_format = #tpu.pack_format<interleaved>} : vector<32xbf16> -> vector<16xf32>
        %add3A_367 = arith.addf %add3A_330, %unpack3A_365 : vector<16xf32>
        %add3A_368 = arith.addf %add3A_331, %unpack3A_366 : vector<16xf32>
        %get3A_369 = arith.index_cast %add3A_352 : i32 to index
        %get3A_370 = arith.constant 32 : index
        %get3A_371 = tpu.vector_load %arg8[%get3A_369, %get3A_370] {strides = array<i32>} : memref<192x64xi32, #tpu.memory_space<vmem>>, vector<16xi32>,
        %bitcast3A_372 = vector.bitcast %get3A_371 : vector<16xi32> to vector<32xbf16>
        %unpack3A_373 = tpu.unpack_subelements %bitcast3A_372, 0 {pack_format = #tpu.pack_format<interleaved>} : vector<32xbf16> -> vector<16xf32>
        %unpack3A_374 = tpu.unpack_subelements %bitcast3A_372, 1 {pack_format = #tpu.pack_format<interleaved>} : vector<32xbf16> -> vector<16xf32>
        %add3A_375 = arith.addf %add3A_338, %unpack3A_373 : vector<16xf32>
        %add3A_376 = arith.addf %add3A_339, %unpack3A_374 : vector<16xf32>
        %get3A_377 = arith.index_cast %add3A_352 : i32 to index
        %get3A_378 = arith.constant 48 : index
        %get3A_379 = tpu.vector_load %arg8[%get3A_377, %get3A_378] {strides = array<i32>} : memref<192x64xi32, #tpu.memory_space<vmem>>, vector<16xi32>,
        %bitcast3A_380 = vector.bitcast %get3A_379 : vector<16xi32> to vector<32xbf16>
        %unpack3A_381 = tpu.unpack_subelements %bitcast3A_380, 0 {pack_format = #tpu.pack_format<interleaved>} : vector<32xbf16> -> vector<16xf32>
        %unpack3A_382 = tpu.unpack_subelements %bitcast3A_380, 1 {pack_format = #tpu.pack_format<interleaved>} : vector<32xbf16> -> vector<16xf32>
        %add3A_383 = arith.addf %add3A_346, %unpack3A_381 : vector<16xf32>
        %add3A_384 = arith.addf %add3A_347, %unpack3A_382 : vector<16xf32>
        %mul3A_385 = arith.constant 4 : i32
        %mul3A_386 = arith.muli %scan3A_268, %mul3A_385 : i32
        %add3A_387 = arith.addi %mul3A_217, %mul3A_386 : i32
        %add3A_388 = arith.constant 3 : i32
        %add3A_389 = arith.addi %add3A_387, %add3A_388 : i32
        %get3A_390 = arith.index_cast %add3A_389 : i32 to index
        %get3A_391 = arith.constant 0 : index
        %get3A_392 = tpu.vector_load %arg8[%get3A_390, %get3A_391] {strides = array<i32>} : memref<192x64xi32, #tpu.memory_space<vmem>>, vector<16xi32>,
        %bitcast3A_393 = vector.bitcast %get3A_392 : vector<16xi32> to vector<32xbf16>
        %unpack3A_394 = tpu.unpack_subelements %bitcast3A_393, 0 {pack_format = #tpu.pack_format<interleaved>} : vector<32xbf16> -> vector<16xf32>
        %unpack3A_395 = tpu.unpack_subelements %bitcast3A_393, 1 {pack_format = #tpu.pack_format<interleaved>} : vector<32xbf16> -> vector<16xf32>
        %add3A_396 = arith.addf %add3A_359, %unpack3A_394 : vector<16xf32>
        %add3A_397 = arith.addf %add3A_360, %unpack3A_395 : vector<16xf32>
        %get3A_398 = arith.index_cast %add3A_389 : i32 to index
        %get3A_399 = arith.constant 16 : index
        %get3A_400 = tpu.vector_load %arg8[%get3A_398, %get3A_399] {strides = array<i32>} : memref<192x64xi32, #tpu.memory_space<vmem>>, vector<16xi32>,
        %bitcast3A_401 = vector.bitcast %get3A_400 : vector<16xi32> to vector<32xbf16>
        %unpack3A_402 = tpu.unpack_subelements %bitcast3A_401, 0 {pack_format = #tpu.pack_format<interleaved>} : vector<32xbf16> -> vector<16xf32>
        %unpack3A_403 = tpu.unpack_subelements %bitcast3A_401, 1 {pack_format = #tpu.pack_format<interleaved>} : vector<32xbf16> -> vector<16xf32>
        %add3A_404 = arith.addf %add3A_367, %unpack3A_402 : vector<16xf32>
        %add3A_405 = arith.addf %add3A_368, %unpack3A_403 : vector<16xf32>
        %get3A_406 = arith.index_cast %add3A_389 : i32 to index
        %get3A_407 = arith.constant 32 : index
        %get3A_408 = tpu.vector_load %arg8[%get3A_406, %get3A_407] {strides = array<i32>} : memref<192x64xi32, #tpu.memory_space<vmem>>, vector<16xi32>,
        %bitcast3A_409 = vector.bitcast %get3A_408 : vector<16xi32> to vector<32xbf16>
        %unpack3A_410 = tpu.unpack_subelements %bitcast3A_409, 0 {pack_format = #tpu.pack_format<interleaved>} : vector<32xbf16> -> vector<16xf32>
        %unpack3A_411 = tpu.unpack_subelements %bitcast3A_409, 1 {pack_format = #tpu.pack_format<interleaved>} : vector<32xbf16> -> vector<16xf32>
        %add3A_412 = arith.addf %add3A_375, %unpack3A_410 : vector<16xf32>
        %add3A_413 = arith.addf %add3A_376, %unpack3A_411 : vector<16xf32>
        %get3A_414 = arith.index_cast %add3A_389 : i32 to index
        %get3A_415 = arith.constant 48 : index
        %get3A_416 = tpu.vector_load %arg8[%get3A_414, %get3A_415] {strides = array<i32>} : memref<192x64xi32, #tpu.memory_space<vmem>>, vector<16xi32>,
        %bitcast3A_417 = vector.bitcast %get3A_416 : vector<16xi32> to vector<32xbf16>
        %unpack3A_418 = tpu.unpack_subelements %bitcast3A_417, 0 {pack_format = #tpu.pack_format<interleaved>} : vector<32xbf16> -> vector<16xf32>
        %unpack3A_419 = tpu.unpack_subelements %bitcast3A_417, 1 {pack_format = #tpu.pack_format<interleaved>} : vector<32xbf16> -> vector<16xf32>
        %add3A_420 = arith.addf %add3A_383, %unpack3A_418 : vector<16xf32>
        %add3A_421 = arith.addf %add3A_384, %unpack3A_419 : vector<16xf32>
        scf.yield %add3A_396, %add3A_397, %add3A_404, %add3A_405, %add3A_412, %add3A_413, %add3A_420, %add3A_421 : vector<16xf32>, vector<16xf32>, vector<16xf32>, vector<16xf32>, vector<16xf32>, vector<16xf32>, vector<16xf32>, vector<16xf32>
      }
      %scan3A_238 = arith.constant 4 : i32
      %mul3A_239 = arith.constant 32 : i32
      %mul3A_240 = arith.muli %sub3A_215, %mul3A_239 : i32
      %add3A_241 = arith.constant 0 : i32
      %add3A_242 = arith.addi %mul3A_240, %add3A_241 : i32
      %add3A_243 = arith.addi %add3A_242, %select_n3A : i32
      %swap3A = arith.index_cast %add3A_243 : i32 to index
      %swap3A_244 = arith.constant 0 : index
      %swap3A_245 = tpu.vector_load %arg13[%swap3A, %swap3A_244] {strides = array<i32>} : memref<96x128xf32, #tpu.memory_space<vmem>>, vector<16xf32>,
      tpu.vector_store %arg13[%swap3A, %swap3A_244], %scan3A_237#0 {strides = array<i32>} : memref<96x128xf32, #tpu.memory_space<vmem>>, vector<16xf32>,
      %swap3A_246 = arith.index_cast %add3A_243 : i32 to index
      %swap3A_247 = arith.constant 16 : index
      %swap3A_248 = tpu.vector_load %arg13[%swap3A_246, %swap3A_247] {strides = array<i32>} : memref<96x128xf32, #tpu.memory_space<vmem>>, vector<16xf32>,
      tpu.vector_store %arg13[%swap3A_246, %swap3A_247], %scan3A_237#1 {strides = array<i32>} : memref<96x128xf32, #tpu.memory_space<vmem>>, vector<16xf32>,
      %swap3A_249 = arith.index_cast %add3A_243 : i32 to index
      %swap3A_250 = arith.constant 32 : index
      %swap3A_251 = tpu.vector_load %arg13[%swap3A_249, %swap3A_250] {strides = array<i32>} : memref<96x128xf32, #tpu.memory_space<vmem>>, vector<16xf32>,
      tpu.vector_store %arg13[%swap3A_249, %swap3A_250], %scan3A_237#2 {strides = array<i32>} : memref<96x128xf32, #tpu.memory_space<vmem>>, vector<16xf32>,
      %swap3A_252 = arith.index_cast %add3A_243 : i32 to index
      %swap3A_253 = arith.constant 48 : index
      %swap3A_254 = tpu.vector_load %arg13[%swap3A_252, %swap3A_253] {strides = array<i32>} : memref<96x128xf32, #tpu.memory_space<vmem>>, vector<16xf32>,
      tpu.vector_store %arg13[%swap3A_252, %swap3A_253], %scan3A_237#3 {strides = array<i32>} : memref<96x128xf32, #tpu.memory_space<vmem>>, vector<16xf32>,
      %swap3A_255 = arith.index_cast %add3A_243 : i32 to index
      %swap3A_256 = arith.constant 64 : index
      %swap3A_257 = tpu.vector_load %arg13[%swap3A_255, %swap3A_256] {strides = array<i32>} : memref<96x128xf32, #tpu.memory_space<vmem>>, vector<16xf32>,
      tpu.vector_store %arg13[%swap3A_255, %swap3A_256], %scan3A_237#4 {strides = array<i32>} : memref<96x128xf32, #tpu.memory_space<vmem>>, vector<16xf32>,
      %swap3A_258 = arith.index_cast %add3A_243 : i32 to index
      %swap3A_259 = arith.constant 80 : index
      %swap3A_260 = tpu.vector_load %arg13[%swap3A_258, %swap3A_259] {strides = array<i32>} : memref<96x128xf32, #tpu.memory_space<vmem>>, vector<16xf32>,
      tpu.vector_store %arg13[%swap3A_258, %swap3A_259], %scan3A_237#5 {strides = array<i32>} : memref<96x128xf32, #tpu.memory_space<vmem>>, vector<16xf32>,
      %swap3A_261 = arith.index_cast %add3A_243 : i32 to index
      %swap3A_262 = arith.constant 96 : index
      %swap3A_263 = tpu.vector_load %arg13[%swap3A_261, %swap3A_262] {strides = array<i32>} : memref<96x128xf32, #tpu.memory_space<vmem>>, vector<16xf32>,
      tpu.vector_store %arg13[%swap3A_261, %swap3A_262], %scan3A_237#6 {strides = array<i32>} : memref<96x128xf32, #tpu.memory_space<vmem>>, vector<16xf32>,
      %swap3A_264 = arith.index_cast %add3A_243 : i32 to index
      %swap3A_265 = arith.constant 112 : index
      %swap3A_266 = tpu.vector_load %arg13[%swap3A_264, %swap3A_265] {strides = array<i32>} : memref<96x128xf32, #tpu.memory_space<vmem>>, vector<16xf32>,
      tpu.vector_store %arg13[%swap3A_264, %swap3A_265], %scan3A_237#7 {strides = array<i32>} : memref<96x128xf32, #tpu.memory_space<vmem>>, vector<16xf32>,
      %scan3A_267 = arith.constant 0 : i32
      scf.yield %scan3A_267 : i32
    }
    %scan3A_43 = arith.constant 12 : i32
    %dma_start3A_44 = arith.constant 384 : i32
    %dma_start3A_45 = tpu.memref_slice %arg7[%dma_start3A_44] : memref<1536xi32, #tpu.memory_space<vmem>> -> memref<192xi32, #tpu.memory_space<vmem>>
    %dma_start3A_46 = arith.constant 0 : i32
    %dma_start3A_47 = arith.constant 0 : i32
    %dma_start3A_48 = tpu.memref_slice %arg2[%dma_start3A_46, %dma_start3A_47] : memref<1024x64xi32, #tpu.memory_space<hbm>> -> memref<1024x64xi32, #tpu.memory_space<hbm>>
    tpu.enqueue_indirect_dma source(%dma_start3A_48 : memref<1024x64xi32, #tpu.memory_space<hbm>>) target(%arg8 : memref<192x64xi32, #tpu.memory_space<vmem>>) offsets(%dma_start3A_45 : memref<192xi32, #tpu.memory_space<vmem>>) semaphore(%arg14 : memref<!tpu.dma_semaphore, #tpu.memory_space<semaphore_mem>>)
    %dma_wait3A_49 = arith.constant 192 : i32
    %dma_wait3A_50 = tpu.memref_slice %arg7[%dma_wait3A_49] : memref<1536xi32, #tpu.memory_space<vmem>> -> memref<192xi32, #tpu.memory_space<vmem>>
    %dma_wait3A_51 = arith.constant 0 : i32
    %dma_wait3A_52 = arith.constant 0 : i32
    %dma_wait3A_53 = tpu.memref_slice %arg2[%dma_wait3A_51, %dma_wait3A_52] : memref<1024x64xi32, #tpu.memory_space<hbm>> -> memref<1024x64xi32, #tpu.memory_space<hbm>>
    tpu.wait_indirect_dma semaphore(%arg15 : memref<!tpu.dma_semaphore, #tpu.memory_space<semaphore_mem>>) src(%dma_wait3A_53 : memref<1024x64xi32, #tpu.memory_space<hbm>>) dst(%arg9 : memref<192x64xi32, #tpu.memory_space<vmem>>)
    %scan3A_54 = arith.constant 0 : i32
    %scan3A_55 = arith.constant 0 : i32
    %scan3A_56 = arith.constant 12 : i32
    %scan3A_57 = arith.addi %scan3A_55, %scan3A_56 : i32
    %scan3A_58 = arith.constant 1 : i32
    %scan3A_59 = scf.for %scan3A_195 = %scan3A_55 to %scan3A_57 step %scan3A_58 iter_args(%scan3A_196 = %scan3A_54) -> (i32)  : i32 {
      %jit3A = arith.constant 3 : i32
      %div3A = arith.divsi %scan3A_195, %jit3A : i32
      %sign3A = arith.constant 0 : i32
      %sign3A_197 = arith.cmpi sgt, %scan3A_195, %sign3A : i32
      %sign3A_198 = arith.extui %sign3A_197 : i1 to i32
      %sign3A_199 = arith.constant 0 : i32
      %sign3A_200 = arith.cmpi slt, %scan3A_195, %sign3A_199 : i32
      %sign3A_201 = arith.extui %sign3A_200 : i1 to i32
      %sign3A_202 = arith.subi %sign3A_198, %sign3A_201 : i32
      %sign3A_203 = arith.constant 0 : i32
      %sign3A_204 = arith.cmpi sgt, %jit3A, %sign3A_203 : i32
      %sign3A_205 = arith.extui %sign3A_204 : i1 to i32
      %sign3A_206 = arith.constant 0 : i32
      %sign3A_207 = arith.cmpi slt, %jit3A, %sign3A_206 : i32
      %sign3A_208 = arith.extui %sign3A_207 : i1 to i32
      %sign3A_209 = arith.subi %sign3A_205, %sign3A_208 : i32
      %ne3A = arith.cmpi ne, %sign3A_202, %sign3A_209 : i32
      %rem3A = arith.remsi %scan3A_195, %jit3A : i32
      %ne3A_210 = arith.constant 0 : i32
      %ne3A_211 = arith.cmpi ne, %rem3A, %ne3A_210 : i32
      %and3A = arith.andi %ne3A, %ne3A_211 : i1
      %sub3A = arith.constant 1 : i32
      %sub3A_212 = arith.subi %div3A, %sub3A : i32
      %select_n3A = arith.select %and3A, %sub3A_212, %div3A : i32
      %mul3A_213 = arith.constant 3 : i32
      %mul3A_214 = arith.muli %select_n3A, %mul3A_213 : i32
      %sub3A_215 = arith.subi %scan3A_195, %mul3A_214 : i32
      %mul3A_216 = arith.constant 16 : i32
      %mul3A_217 = arith.muli %scan3A_195, %mul3A_216 : i32
      %broadcast_in_dim3A = arith.constant 0.000000e+00 : f32
      %broadcast_in_dim3A_218 = vector.broadcast %broadcast_in_dim3A : f32 to vector<16xf32>
      %broadcast_in_dim3A_219 = arith.constant 0.000000e+00 : f32
      %broadcast_in_dim3A_220 = vector.broadcast %broadcast_in_dim3A_219 : f32 to vector<16xf32>
      %broadcast_in_dim3A_221 = arith.constant 0.000000e+00 : f32
      %broadcast_in_dim3A_222 = vector.broadcast %broadcast_in_dim3A_221 : f32 to vector<16xf32>
      %broadcast_in_dim3A_223 = arith.constant 0.000000e+00 : f32
      %broadcast_in_dim3A_224 = vector.broadcast %broadcast_in_dim3A_223 : f32 to vector<16xf32>
      %broadcast_in_dim3A_225 = arith.constant 0.000000e+00 : f32
      %broadcast_in_dim3A_226 = vector.broadcast %broadcast_in_dim3A_225 : f32 to vector<16xf32>
      %broadcast_in_dim3A_227 = arith.constant 0.000000e+00 : f32
      %broadcast_in_dim3A_228 = vector.broadcast %broadcast_in_dim3A_227 : f32 to vector<16xf32>
      %broadcast_in_dim3A_229 = arith.constant 0.000000e+00 : f32
      %broadcast_in_dim3A_230 = vector.broadcast %broadcast_in_dim3A_229 : f32 to vector<16xf32>
      %broadcast_in_dim3A_231 = arith.constant 0.000000e+00 : f32
      %broadcast_in_dim3A_232 = vector.broadcast %broadcast_in_dim3A_231 : f32 to vector<16xf32>
      %scan3A_233 = arith.constant 0 : i32
      %scan3A_234 = arith.constant 4 : i32
      %scan3A_235 = arith.addi %scan3A_233, %scan3A_234 : i32
      %scan3A_236 = arith.constant 1 : i32
      %scan3A_237:8 = scf.for %scan3A_268 = %scan3A_233 to %scan3A_235 step %scan3A_236 iter_args(%scan3A_269 = %broadcast_in_dim3A_218, %scan3A_270 = %broadcast_in_dim3A_220, %scan3A_271 = %broadcast_in_dim3A_222, %scan3A_272 = %broadcast_in_dim3A_224, %scan3A_273 = %broadcast_in_dim3A_226, %scan3A_274 = %broadcast_in_dim3A_228, %scan3A_275 = %broadcast_in_dim3A_230, %scan3A_276 = %broadcast_in_dim3A_232) -> (vector<16xf32>, vector<16xf32>, vector<16xf32>, vector<16xf32>, vector<16xf32>, vector<16xf32>, vector<16xf32>, vector<16xf32>)  : i32 {
        %mul3A_277 = arith.constant 4 : i32
        %mul3A_278 = arith.muli %scan3A_268, %mul3A_277 : i32
        %add3A_279 = arith.addi %mul3A_217, %mul3A_278 : i32
        %add3A_280 = arith.constant 0 : i32
        %add3A_281 = arith.addi %add3A_279, %add3A_280 : i32
        %get3A = arith.index_cast %add3A_281 : i32 to index
        %get3A_282 = arith.constant 0 : index
        %get3A_283 = tpu.vector_load %arg9[%get3A, %get3A_282] {strides = array<i32>} : memref<192x64xi32, #tpu.memory_space<vmem>>, vector<16xi32>,
        %bitcast3A = vector.bitcast %get3A_283 : vector<16xi32> to vector<32xbf16>
        %unpack3A = tpu.unpack_subelements %bitcast3A, 0 {pack_format = #tpu.pack_format<interleaved>} : vector<32xbf16> -> vector<16xf32>
        %unpack3A_284 = tpu.unpack_subelements %bitcast3A, 1 {pack_format = #tpu.pack_format<interleaved>} : vector<32xbf16> -> vector<16xf32>
        %add3A_285 = arith.addf %scan3A_269, %unpack3A : vector<16xf32>
        %add3A_286 = arith.addf %scan3A_270, %unpack3A_284 : vector<16xf32>
        %get3A_287 = arith.index_cast %add3A_281 : i32 to index
        %get3A_288 = arith.constant 16 : index
        %get3A_289 = tpu.vector_load %arg9[%get3A_287, %get3A_288] {strides = array<i32>} : memref<192x64xi32, #tpu.memory_space<vmem>>, vector<16xi32>,
        %bitcast3A_290 = vector.bitcast %get3A_289 : vector<16xi32> to vector<32xbf16>
        %unpack3A_291 = tpu.unpack_subelements %bitcast3A_290, 0 {pack_format = #tpu.pack_format<interleaved>} : vector<32xbf16> -> vector<16xf32>
        %unpack3A_292 = tpu.unpack_subelements %bitcast3A_290, 1 {pack_format = #tpu.pack_format<interleaved>} : vector<32xbf16> -> vector<16xf32>
        %add3A_293 = arith.addf %scan3A_271, %unpack3A_291 : vector<16xf32>
        %add3A_294 = arith.addf %scan3A_272, %unpack3A_292 : vector<16xf32>
        %get3A_295 = arith.index_cast %add3A_281 : i32 to index
        %get3A_296 = arith.constant 32 : index
        %get3A_297 = tpu.vector_load %arg9[%get3A_295, %get3A_296] {strides = array<i32>} : memref<192x64xi32, #tpu.memory_space<vmem>>, vector<16xi32>,
        %bitcast3A_298 = vector.bitcast %get3A_297 : vector<16xi32> to vector<32xbf16>
        %unpack3A_299 = tpu.unpack_subelements %bitcast3A_298, 0 {pack_format = #tpu.pack_format<interleaved>} : vector<32xbf16> -> vector<16xf32>
        %unpack3A_300 = tpu.unpack_subelements %bitcast3A_298, 1 {pack_format = #tpu.pack_format<interleaved>} : vector<32xbf16> -> vector<16xf32>
        %add3A_301 = arith.addf %scan3A_273, %unpack3A_299 : vector<16xf32>
        %add3A_302 = arith.addf %scan3A_274, %unpack3A_300 : vector<16xf32>
        %get3A_303 = arith.index_cast %add3A_281 : i32 to index
        %get3A_304 = arith.constant 48 : index
        %get3A_305 = tpu.vector_load %arg9[%get3A_303, %get3A_304] {strides = array<i32>} : memref<192x64xi32, #tpu.memory_space<vmem>>, vector<16xi32>,
        %bitcast3A_306 = vector.bitcast %get3A_305 : vector<16xi32> to vector<32xbf16>
        %unpack3A_307 = tpu.unpack_subelements %bitcast3A_306, 0 {pack_format = #tpu.pack_format<interleaved>} : vector<32xbf16> -> vector<16xf32>
        %unpack3A_308 = tpu.unpack_subelements %bitcast3A_306, 1 {pack_format = #tpu.pack_format<interleaved>} : vector<32xbf16> -> vector<16xf32>
        %add3A_309 = arith.addf %scan3A_275, %unpack3A_307 : vector<16xf32>
        %add3A_310 = arith.addf %scan3A_276, %unpack3A_308 : vector<16xf32>
        %mul3A_311 = arith.constant 4 : i32
        %mul3A_312 = arith.muli %scan3A_268, %mul3A_311 : i32
        %add3A_313 = arith.addi %mul3A_217, %mul3A_312 : i32
        %add3A_314 = arith.constant 1 : i32
        %add3A_315 = arith.addi %add3A_313, %add3A_314 : i32
        %get3A_316 = arith.index_cast %add3A_315 : i32 to index
        %get3A_317 = arith.constant 0 : index
        %get3A_318 = tpu.vector_load %arg9[%get3A_316, %get3A_317] {strides = array<i32>} : memref<192x64xi32, #tpu.memory_space<vmem>>, vector<16xi32>,
        %bitcast3A_319 = vector.bitcast %get3A_318 : vector<16xi32> to vector<32xbf16>
        %unpack3A_320 = tpu.unpack_subelements %bitcast3A_319, 0 {pack_format = #tpu.pack_format<interleaved>} : vector<32xbf16> -> vector<16xf32>
        %unpack3A_321 = tpu.unpack_subelements %bitcast3A_319, 1 {pack_format = #tpu.pack_format<interleaved>} : vector<32xbf16> -> vector<16xf32>
        %add3A_322 = arith.addf %add3A_285, %unpack3A_320 : vector<16xf32>
        %add3A_323 = arith.addf %add3A_286, %unpack3A_321 : vector<16xf32>
        %get3A_324 = arith.index_cast %add3A_315 : i32 to index
        %get3A_325 = arith.constant 16 : index
        %get3A_326 = tpu.vector_load %arg9[%get3A_324, %get3A_325] {strides = array<i32>} : memref<192x64xi32, #tpu.memory_space<vmem>>, vector<16xi32>,
        %bitcast3A_327 = vector.bitcast %get3A_326 : vector<16xi32> to vector<32xbf16>
        %unpack3A_328 = tpu.unpack_subelements %bitcast3A_327, 0 {pack_format = #tpu.pack_format<interleaved>} : vector<32xbf16> -> vector<16xf32>
        %unpack3A_329 = tpu.unpack_subelements %bitcast3A_327, 1 {pack_format = #tpu.pack_format<interleaved>} : vector<32xbf16> -> vector<16xf32>
        %add3A_330 = arith.addf %add3A_293, %unpack3A_328 : vector<16xf32>
        %add3A_331 = arith.addf %add3A_294, %unpack3A_329 : vector<16xf32>
        %get3A_332 = arith.index_cast %add3A_315 : i32 to index
        %get3A_333 = arith.constant 32 : index
        %get3A_334 = tpu.vector_load %arg9[%get3A_332, %get3A_333] {strides = array<i32>} : memref<192x64xi32, #tpu.memory_space<vmem>>, vector<16xi32>,
        %bitcast3A_335 = vector.bitcast %get3A_334 : vector<16xi32> to vector<32xbf16>
        %unpack3A_336 = tpu.unpack_subelements %bitcast3A_335, 0 {pack_format = #tpu.pack_format<interleaved>} : vector<32xbf16> -> vector<16xf32>
        %unpack3A_337 = tpu.unpack_subelements %bitcast3A_335, 1 {pack_format = #tpu.pack_format<interleaved>} : vector<32xbf16> -> vector<16xf32>
        %add3A_338 = arith.addf %add3A_301, %unpack3A_336 : vector<16xf32>
        %add3A_339 = arith.addf %add3A_302, %unpack3A_337 : vector<16xf32>
        %get3A_340 = arith.index_cast %add3A_315 : i32 to index
        %get3A_341 = arith.constant 48 : index
        %get3A_342 = tpu.vector_load %arg9[%get3A_340, %get3A_341] {strides = array<i32>} : memref<192x64xi32, #tpu.memory_space<vmem>>, vector<16xi32>,
        %bitcast3A_343 = vector.bitcast %get3A_342 : vector<16xi32> to vector<32xbf16>
        %unpack3A_344 = tpu.unpack_subelements %bitcast3A_343, 0 {pack_format = #tpu.pack_format<interleaved>} : vector<32xbf16> -> vector<16xf32>
        %unpack3A_345 = tpu.unpack_subelements %bitcast3A_343, 1 {pack_format = #tpu.pack_format<interleaved>} : vector<32xbf16> -> vector<16xf32>
        %add3A_346 = arith.addf %add3A_309, %unpack3A_344 : vector<16xf32>
        %add3A_347 = arith.addf %add3A_310, %unpack3A_345 : vector<16xf32>
        %mul3A_348 = arith.constant 4 : i32
        %mul3A_349 = arith.muli %scan3A_268, %mul3A_348 : i32
        %add3A_350 = arith.addi %mul3A_217, %mul3A_349 : i32
        %add3A_351 = arith.constant 2 : i32
        %add3A_352 = arith.addi %add3A_350, %add3A_351 : i32
        %get3A_353 = arith.index_cast %add3A_352 : i32 to index
        %get3A_354 = arith.constant 0 : index
        %get3A_355 = tpu.vector_load %arg9[%get3A_353, %get3A_354] {strides = array<i32>} : memref<192x64xi32, #tpu.memory_space<vmem>>, vector<16xi32>,
        %bitcast3A_356 = vector.bitcast %get3A_355 : vector<16xi32> to vector<32xbf16>
        %unpack3A_357 = tpu.unpack_subelements %bitcast3A_356, 0 {pack_format = #tpu.pack_format<interleaved>} : vector<32xbf16> -> vector<16xf32>
        %unpack3A_358 = tpu.unpack_subelements %bitcast3A_356, 1 {pack_format = #tpu.pack_format<interleaved>} : vector<32xbf16> -> vector<16xf32>
        %add3A_359 = arith.addf %add3A_322, %unpack3A_357 : vector<16xf32>
        %add3A_360 = arith.addf %add3A_323, %unpack3A_358 : vector<16xf32>
        %get3A_361 = arith.index_cast %add3A_352 : i32 to index
        %get3A_362 = arith.constant 16 : index
        %get3A_363 = tpu.vector_load %arg9[%get3A_361, %get3A_362] {strides = array<i32>} : memref<192x64xi32, #tpu.memory_space<vmem>>, vector<16xi32>,
        %bitcast3A_364 = vector.bitcast %get3A_363 : vector<16xi32> to vector<32xbf16>
        %unpack3A_365 = tpu.unpack_subelements %bitcast3A_364, 0 {pack_format = #tpu.pack_format<interleaved>} : vector<32xbf16> -> vector<16xf32>
        %unpack3A_366 = tpu.unpack_subelements %bitcast3A_364, 1 {pack_format = #tpu.pack_format<interleaved>} : vector<32xbf16> -> vector<16xf32>
        %add3A_367 = arith.addf %add3A_330, %unpack3A_365 : vector<16xf32>
        %add3A_368 = arith.addf %add3A_331, %unpack3A_366 : vector<16xf32>
        %get3A_369 = arith.index_cast %add3A_352 : i32 to index
        %get3A_370 = arith.constant 32 : index
        %get3A_371 = tpu.vector_load %arg9[%get3A_369, %get3A_370] {strides = array<i32>} : memref<192x64xi32, #tpu.memory_space<vmem>>, vector<16xi32>,
        %bitcast3A_372 = vector.bitcast %get3A_371 : vector<16xi32> to vector<32xbf16>
        %unpack3A_373 = tpu.unpack_subelements %bitcast3A_372, 0 {pack_format = #tpu.pack_format<interleaved>} : vector<32xbf16> -> vector<16xf32>
        %unpack3A_374 = tpu.unpack_subelements %bitcast3A_372, 1 {pack_format = #tpu.pack_format<interleaved>} : vector<32xbf16> -> vector<16xf32>
        %add3A_375 = arith.addf %add3A_338, %unpack3A_373 : vector<16xf32>
        %add3A_376 = arith.addf %add3A_339, %unpack3A_374 : vector<16xf32>
        %get3A_377 = arith.index_cast %add3A_352 : i32 to index
        %get3A_378 = arith.constant 48 : index
        %get3A_379 = tpu.vector_load %arg9[%get3A_377, %get3A_378] {strides = array<i32>} : memref<192x64xi32, #tpu.memory_space<vmem>>, vector<16xi32>,
        %bitcast3A_380 = vector.bitcast %get3A_379 : vector<16xi32> to vector<32xbf16>
        %unpack3A_381 = tpu.unpack_subelements %bitcast3A_380, 0 {pack_format = #tpu.pack_format<interleaved>} : vector<32xbf16> -> vector<16xf32>
        %unpack3A_382 = tpu.unpack_subelements %bitcast3A_380, 1 {pack_format = #tpu.pack_format<interleaved>} : vector<32xbf16> -> vector<16xf32>
        %add3A_383 = arith.addf %add3A_346, %unpack3A_381 : vector<16xf32>
        %add3A_384 = arith.addf %add3A_347, %unpack3A_382 : vector<16xf32>
        %mul3A_385 = arith.constant 4 : i32
        %mul3A_386 = arith.muli %scan3A_268, %mul3A_385 : i32
        %add3A_387 = arith.addi %mul3A_217, %mul3A_386 : i32
        %add3A_388 = arith.constant 3 : i32
        %add3A_389 = arith.addi %add3A_387, %add3A_388 : i32
        %get3A_390 = arith.index_cast %add3A_389 : i32 to index
        %get3A_391 = arith.constant 0 : index
        %get3A_392 = tpu.vector_load %arg9[%get3A_390, %get3A_391] {strides = array<i32>} : memref<192x64xi32, #tpu.memory_space<vmem>>, vector<16xi32>,
        %bitcast3A_393 = vector.bitcast %get3A_392 : vector<16xi32> to vector<32xbf16>
        %unpack3A_394 = tpu.unpack_subelements %bitcast3A_393, 0 {pack_format = #tpu.pack_format<interleaved>} : vector<32xbf16> -> vector<16xf32>
        %unpack3A_395 = tpu.unpack_subelements %bitcast3A_393, 1 {pack_format = #tpu.pack_format<interleaved>} : vector<32xbf16> -> vector<16xf32>
        %add3A_396 = arith.addf %add3A_359, %unpack3A_394 : vector<16xf32>
        %add3A_397 = arith.addf %add3A_360, %unpack3A_395 : vector<16xf32>
        %get3A_398 = arith.index_cast %add3A_389 : i32 to index
        %get3A_399 = arith.constant 16 : index
        %get3A_400 = tpu.vector_load %arg9[%get3A_398, %get3A_399] {strides = array<i32>} : memref<192x64xi32, #tpu.memory_space<vmem>>, vector<16xi32>,
        %bitcast3A_401 = vector.bitcast %get3A_400 : vector<16xi32> to vector<32xbf16>
        %unpack3A_402 = tpu.unpack_subelements %bitcast3A_401, 0 {pack_format = #tpu.pack_format<interleaved>} : vector<32xbf16> -> vector<16xf32>
        %unpack3A_403 = tpu.unpack_subelements %bitcast3A_401, 1 {pack_format = #tpu.pack_format<interleaved>} : vector<32xbf16> -> vector<16xf32>
        %add3A_404 = arith.addf %add3A_367, %unpack3A_402 : vector<16xf32>
        %add3A_405 = arith.addf %add3A_368, %unpack3A_403 : vector<16xf32>
        %get3A_406 = arith.index_cast %add3A_389 : i32 to index
        %get3A_407 = arith.constant 32 : index
        %get3A_408 = tpu.vector_load %arg9[%get3A_406, %get3A_407] {strides = array<i32>} : memref<192x64xi32, #tpu.memory_space<vmem>>, vector<16xi32>,
        %bitcast3A_409 = vector.bitcast %get3A_408 : vector<16xi32> to vector<32xbf16>
        %unpack3A_410 = tpu.unpack_subelements %bitcast3A_409, 0 {pack_format = #tpu.pack_format<interleaved>} : vector<32xbf16> -> vector<16xf32>
        %unpack3A_411 = tpu.unpack_subelements %bitcast3A_409, 1 {pack_format = #tpu.pack_format<interleaved>} : vector<32xbf16> -> vector<16xf32>
        %add3A_412 = arith.addf %add3A_375, %unpack3A_410 : vector<16xf32>
        %add3A_413 = arith.addf %add3A_376, %unpack3A_411 : vector<16xf32>
        %get3A_414 = arith.index_cast %add3A_389 : i32 to index
        %get3A_415 = arith.constant 48 : index
        %get3A_416 = tpu.vector_load %arg9[%get3A_414, %get3A_415] {strides = array<i32>} : memref<192x64xi32, #tpu.memory_space<vmem>>, vector<16xi32>,
        %bitcast3A_417 = vector.bitcast %get3A_416 : vector<16xi32> to vector<32xbf16>
        %unpack3A_418 = tpu.unpack_subelements %bitcast3A_417, 0 {pack_format = #tpu.pack_format<interleaved>} : vector<32xbf16> -> vector<16xf32>
        %unpack3A_419 = tpu.unpack_subelements %bitcast3A_417, 1 {pack_format = #tpu.pack_format<interleaved>} : vector<32xbf16> -> vector<16xf32>
        %add3A_420 = arith.addf %add3A_383, %unpack3A_418 : vector<16xf32>
        %add3A_421 = arith.addf %add3A_384, %unpack3A_419 : vector<16xf32>
        scf.yield %add3A_396, %add3A_397, %add3A_404, %add3A_405, %add3A_412, %add3A_413, %add3A_420, %add3A_421 : vector<16xf32>, vector<16xf32>, vector<16xf32>, vector<16xf32>, vector<16xf32>, vector<16xf32>, vector<16xf32>, vector<16xf32>
      }
      %scan3A_238 = arith.constant 4 : i32
      %mul3A_239 = arith.constant 32 : i32
      %mul3A_240 = arith.muli %sub3A_215, %mul3A_239 : i32
      %add3A_241 = arith.constant 4 : i32
      %add3A_242 = arith.addi %mul3A_240, %add3A_241 : i32
      %add3A_243 = arith.addi %add3A_242, %select_n3A : i32
      %swap3A = arith.index_cast %add3A_243 : i32 to index
      %swap3A_244 = arith.constant 0 : index
      %swap3A_245 = tpu.vector_load %arg13[%swap3A, %swap3A_244] {strides = array<i32>} : memref<96x128xf32, #tpu.memory_space<vmem>>, vector<16xf32>,
      tpu.vector_store %arg13[%swap3A, %swap3A_244], %scan3A_237#0 {strides = array<i32>} : memref<96x128xf32, #tpu.memory_space<vmem>>, vector<16xf32>,
      %swap3A_246 = arith.index_cast %add3A_243 : i32 to index
      %swap3A_247 = arith.constant 16 : index
      %swap3A_248 = tpu.vector_load %arg13[%swap3A_246, %swap3A_247] {strides = array<i32>} : memref<96x128xf32, #tpu.memory_space<vmem>>, vector<16xf32>,
      tpu.vector_store %arg13[%swap3A_246, %swap3A_247], %scan3A_237#1 {strides = array<i32>} : memref<96x128xf32, #tpu.memory_space<vmem>>, vector<16xf32>,
      %swap3A_249 = arith.index_cast %add3A_243 : i32 to index
      %swap3A_250 = arith.constant 32 : index
      %swap3A_251 = tpu.vector_load %arg13[%swap3A_249, %swap3A_250] {strides = array<i32>} : memref<96x128xf32, #tpu.memory_space<vmem>>, vector<16xf32>,
      tpu.vector_store %arg13[%swap3A_249, %swap3A_250], %scan3A_237#2 {strides = array<i32>} : memref<96x128xf32, #tpu.memory_space<vmem>>, vector<16xf32>,
      %swap3A_252 = arith.index_cast %add3A_243 : i32 to index
      %swap3A_253 = arith.constant 48 : index
      %swap3A_254 = tpu.vector_load %arg13[%swap3A_252, %swap3A_253] {strides = array<i32>} : memref<96x128xf32, #tpu.memory_space<vmem>>, vector<16xf32>,
      tpu.vector_store %arg13[%swap3A_252, %swap3A_253], %scan3A_237#3 {strides = array<i32>} : memref<96x128xf32, #tpu.memory_space<vmem>>, vector<16xf32>,
      %swap3A_255 = arith.index_cast %add3A_243 : i32 to index
      %swap3A_256 = arith.constant 64 : index
      %swap3A_257 = tpu.vector_load %arg13[%swap3A_255, %swap3A_256] {strides = array<i32>} : memref<96x128xf32, #tpu.memory_space<vmem>>, vector<16xf32>,
      tpu.vector_store %arg13[%swap3A_255, %swap3A_256], %scan3A_237#4 {strides = array<i32>} : memref<96x128xf32, #tpu.memory_space<vmem>>, vector<16xf32>,
      %swap3A_258 = arith.index_cast %add3A_243 : i32 to index
      %swap3A_259 = arith.constant 80 : index
      %swap3A_260 = tpu.vector_load %arg13[%swap3A_258, %swap3A_259] {strides = array<i32>} : memref<96x128xf32, #tpu.memory_space<vmem>>, vector<16xf32>,
      tpu.vector_store %arg13[%swap3A_258, %swap3A_259], %scan3A_237#5 {strides = array<i32>} : memref<96x128xf32, #tpu.memory_space<vmem>>, vector<16xf32>,
      %swap3A_261 = arith.index_cast %add3A_243 : i32 to index
      %swap3A_262 = arith.constant 96 : index
      %swap3A_263 = tpu.vector_load %arg13[%swap3A_261, %swap3A_262] {strides = array<i32>} : memref<96x128xf32, #tpu.memory_space<vmem>>, vector<16xf32>,
      tpu.vector_store %arg13[%swap3A_261, %swap3A_262], %scan3A_237#6 {strides = array<i32>} : memref<96x128xf32, #tpu.memory_space<vmem>>, vector<16xf32>,
      %swap3A_264 = arith.index_cast %add3A_243 : i32 to index
      %swap3A_265 = arith.constant 112 : index
      %swap3A_266 = tpu.vector_load %arg13[%swap3A_264, %swap3A_265] {strides = array<i32>} : memref<96x128xf32, #tpu.memory_space<vmem>>, vector<16xf32>,
      tpu.vector_store %arg13[%swap3A_264, %swap3A_265], %scan3A_237#7 {strides = array<i32>} : memref<96x128xf32, #tpu.memory_space<vmem>>, vector<16xf32>,
      %scan3A_267 = arith.constant 0 : i32
      scf.yield %scan3A_267 : i32
    }
    %scan3A_60 = arith.constant 12 : i32
    %dma_start3A_61 = arith.constant 576 : i32
    %dma_start3A_62 = tpu.memref_slice %arg7[%dma_start3A_61] : memref<1536xi32, #tpu.memory_space<vmem>> -> memref<192xi32, #tpu.memory_space<vmem>>
    %dma_start3A_63 = arith.constant 0 : i32
    %dma_start3A_64 = arith.constant 0 : i32
    %dma_start3A_65 = tpu.memref_slice %arg2[%dma_start3A_63, %dma_start3A_64] : memref<1024x64xi32, #tpu.memory_space<hbm>> -> memref<1024x64xi32, #tpu.memory_space<hbm>>
    tpu.enqueue_indirect_dma source(%dma_start3A_65 : memref<1024x64xi32, #tpu.memory_space<hbm>>) target(%arg9 : memref<192x64xi32, #tpu.memory_space<vmem>>) offsets(%dma_start3A_62 : memref<192xi32, #tpu.memory_space<vmem>>) semaphore(%arg15 : memref<!tpu.dma_semaphore, #tpu.memory_space<semaphore_mem>>)
    %dma_wait3A_66 = arith.constant 384 : i32
    %dma_wait3A_67 = tpu.memref_slice %arg7[%dma_wait3A_66] : memref<1536xi32, #tpu.memory_space<vmem>> -> memref<192xi32, #tpu.memory_space<vmem>>
    %dma_wait3A_68 = arith.constant 0 : i32
    %dma_wait3A_69 = arith.constant 0 : i32
    %dma_wait3A_70 = tpu.memref_slice %arg2[%dma_wait3A_68, %dma_wait3A_69] : memref<1024x64xi32, #tpu.memory_space<hbm>> -> memref<1024x64xi32, #tpu.memory_space<hbm>>
    tpu.wait_indirect_dma semaphore(%arg14 : memref<!tpu.dma_semaphore, #tpu.memory_space<semaphore_mem>>) src(%dma_wait3A_70 : memref<1024x64xi32, #tpu.memory_space<hbm>>) dst(%arg8 : memref<192x64xi32, #tpu.memory_space<vmem>>)
    %scan3A_71 = arith.constant 0 : i32
    %scan3A_72 = arith.constant 0 : i32
    %scan3A_73 = arith.constant 12 : i32
    %scan3A_74 = arith.addi %scan3A_72, %scan3A_73 : i32
    %scan3A_75 = arith.constant 1 : i32
    %scan3A_76 = scf.for %scan3A_195 = %scan3A_72 to %scan3A_74 step %scan3A_75 iter_args(%scan3A_196 = %scan3A_71) -> (i32)  : i32 {
      %jit3A = arith.constant 3 : i32
      %div3A = arith.divsi %scan3A_195, %jit3A : i32
      %sign3A = arith.constant 0 : i32
      %sign3A_197 = arith.cmpi sgt, %scan3A_195, %sign3A : i32
      %sign3A_198 = arith.extui %sign3A_197 : i1 to i32
      %sign3A_199 = arith.constant 0 : i32
      %sign3A_200 = arith.cmpi slt, %scan3A_195, %sign3A_199 : i32
      %sign3A_201 = arith.extui %sign3A_200 : i1 to i32
      %sign3A_202 = arith.subi %sign3A_198, %sign3A_201 : i32
      %sign3A_203 = arith.constant 0 : i32
      %sign3A_204 = arith.cmpi sgt, %jit3A, %sign3A_203 : i32
      %sign3A_205 = arith.extui %sign3A_204 : i1 to i32
      %sign3A_206 = arith.constant 0 : i32
      %sign3A_207 = arith.cmpi slt, %jit3A, %sign3A_206 : i32
      %sign3A_208 = arith.extui %sign3A_207 : i1 to i32
      %sign3A_209 = arith.subi %sign3A_205, %sign3A_208 : i32
      %ne3A = arith.cmpi ne, %sign3A_202, %sign3A_209 : i32
      %rem3A = arith.remsi %scan3A_195, %jit3A : i32
      %ne3A_210 = arith.constant 0 : i32
      %ne3A_211 = arith.cmpi ne, %rem3A, %ne3A_210 : i32
      %and3A = arith.andi %ne3A, %ne3A_211 : i1
      %sub3A = arith.constant 1 : i32
      %sub3A_212 = arith.subi %div3A, %sub3A : i32
      %select_n3A = arith.select %and3A, %sub3A_212, %div3A : i32
      %mul3A_213 = arith.constant 3 : i32
      %mul3A_214 = arith.muli %select_n3A, %mul3A_213 : i32
      %sub3A_215 = arith.subi %scan3A_195, %mul3A_214 : i32
      %mul3A_216 = arith.constant 16 : i32
      %mul3A_217 = arith.muli %scan3A_195, %mul3A_216 : i32
      %broadcast_in_dim3A = arith.constant 0.000000e+00 : f32
      %broadcast_in_dim3A_218 = vector.broadcast %broadcast_in_dim3A : f32 to vector<16xf32>
      %broadcast_in_dim3A_219 = arith.constant 0.000000e+00 : f32
      %broadcast_in_dim3A_220 = vector.broadcast %broadcast_in_dim3A_219 : f32 to vector<16xf32>
      %broadcast_in_dim3A_221 = arith.constant 0.000000e+00 : f32
      %broadcast_in_dim3A_222 = vector.broadcast %broadcast_in_dim3A_221 : f32 to vector<16xf32>
      %broadcast_in_dim3A_223 = arith.constant 0.000000e+00 : f32
      %broadcast_in_dim3A_224 = vector.broadcast %broadcast_in_dim3A_223 : f32 to vector<16xf32>
      %broadcast_in_dim3A_225 = arith.constant 0.000000e+00 : f32
      %broadcast_in_dim3A_226 = vector.broadcast %broadcast_in_dim3A_225 : f32 to vector<16xf32>
      %broadcast_in_dim3A_227 = arith.constant 0.000000e+00 : f32
      %broadcast_in_dim3A_228 = vector.broadcast %broadcast_in_dim3A_227 : f32 to vector<16xf32>
      %broadcast_in_dim3A_229 = arith.constant 0.000000e+00 : f32
      %broadcast_in_dim3A_230 = vector.broadcast %broadcast_in_dim3A_229 : f32 to vector<16xf32>
      %broadcast_in_dim3A_231 = arith.constant 0.000000e+00 : f32
      %broadcast_in_dim3A_232 = vector.broadcast %broadcast_in_dim3A_231 : f32 to vector<16xf32>
      %scan3A_233 = arith.constant 0 : i32
      %scan3A_234 = arith.constant 4 : i32
      %scan3A_235 = arith.addi %scan3A_233, %scan3A_234 : i32
      %scan3A_236 = arith.constant 1 : i32
      %scan3A_237:8 = scf.for %scan3A_268 = %scan3A_233 to %scan3A_235 step %scan3A_236 iter_args(%scan3A_269 = %broadcast_in_dim3A_218, %scan3A_270 = %broadcast_in_dim3A_220, %scan3A_271 = %broadcast_in_dim3A_222, %scan3A_272 = %broadcast_in_dim3A_224, %scan3A_273 = %broadcast_in_dim3A_226, %scan3A_274 = %broadcast_in_dim3A_228, %scan3A_275 = %broadcast_in_dim3A_230, %scan3A_276 = %broadcast_in_dim3A_232) -> (vector<16xf32>, vector<16xf32>, vector<16xf32>, vector<16xf32>, vector<16xf32>, vector<16xf32>, vector<16xf32>, vector<16xf32>)  : i32 {
        %mul3A_277 = arith.constant 4 : i32
        %mul3A_278 = arith.muli %scan3A_268, %mul3A_277 : i32
        %add3A_279 = arith.addi %mul3A_217, %mul3A_278 : i32
        %add3A_280 = arith.constant 0 : i32
        %add3A_281 = arith.addi %add3A_279, %add3A_280 : i32
        %get3A = arith.index_cast %add3A_281 : i32 to index
        %get3A_282 = arith.constant 0 : index
        %get3A_283 = tpu.vector_load %arg8[%get3A, %get3A_282] {strides = array<i32>} : memref<192x64xi32, #tpu.memory_space<vmem>>, vector<16xi32>,
        %bitcast3A = vector.bitcast %get3A_283 : vector<16xi32> to vector<32xbf16>
        %unpack3A = tpu.unpack_subelements %bitcast3A, 0 {pack_format = #tpu.pack_format<interleaved>} : vector<32xbf16> -> vector<16xf32>
        %unpack3A_284 = tpu.unpack_subelements %bitcast3A, 1 {pack_format = #tpu.pack_format<interleaved>} : vector<32xbf16> -> vector<16xf32>
        %add3A_285 = arith.addf %scan3A_269, %unpack3A : vector<16xf32>
        %add3A_286 = arith.addf %scan3A_270, %unpack3A_284 : vector<16xf32>
        %get3A_287 = arith.index_cast %add3A_281 : i32 to index
        %get3A_288 = arith.constant 16 : index
        %get3A_289 = tpu.vector_load %arg8[%get3A_287, %get3A_288] {strides = array<i32>} : memref<192x64xi32, #tpu.memory_space<vmem>>, vector<16xi32>,
        %bitcast3A_290 = vector.bitcast %get3A_289 : vector<16xi32> to vector<32xbf16>
        %unpack3A_291 = tpu.unpack_subelements %bitcast3A_290, 0 {pack_format = #tpu.pack_format<interleaved>} : vector<32xbf16> -> vector<16xf32>
        %unpack3A_292 = tpu.unpack_subelements %bitcast3A_290, 1 {pack_format = #tpu.pack_format<interleaved>} : vector<32xbf16> -> vector<16xf32>
        %add3A_293 = arith.addf %scan3A_271, %unpack3A_291 : vector<16xf32>
        %add3A_294 = arith.addf %scan3A_272, %unpack3A_292 : vector<16xf32>
        %get3A_295 = arith.index_cast %add3A_281 : i32 to index
        %get3A_296 = arith.constant 32 : index
        %get3A_297 = tpu.vector_load %arg8[%get3A_295, %get3A_296] {strides = array<i32>} : memref<192x64xi32, #tpu.memory_space<vmem>>, vector<16xi32>,
        %bitcast3A_298 = vector.bitcast %get3A_297 : vector<16xi32> to vector<32xbf16>
        %unpack3A_299 = tpu.unpack_subelements %bitcast3A_298, 0 {pack_format = #tpu.pack_format<interleaved>} : vector<32xbf16> -> vector<16xf32>
        %unpack3A_300 = tpu.unpack_subelements %bitcast3A_298, 1 {pack_format = #tpu.pack_format<interleaved>} : vector<32xbf16> -> vector<16xf32>
        %add3A_301 = arith.addf %scan3A_273, %unpack3A_299 : vector<16xf32>
        %add3A_302 = arith.addf %scan3A_274, %unpack3A_300 : vector<16xf32>
        %get3A_303 = arith.index_cast %add3A_281 : i32 to index
        %get3A_304 = arith.constant 48 : index
        %get3A_305 = tpu.vector_load %arg8[%get3A_303, %get3A_304] {strides = array<i32>} : memref<192x64xi32, #tpu.memory_space<vmem>>, vector<16xi32>,
        %bitcast3A_306 = vector.bitcast %get3A_305 : vector<16xi32> to vector<32xbf16>
        %unpack3A_307 = tpu.unpack_subelements %bitcast3A_306, 0 {pack_format = #tpu.pack_format<interleaved>} : vector<32xbf16> -> vector<16xf32>
        %unpack3A_308 = tpu.unpack_subelements %bitcast3A_306, 1 {pack_format = #tpu.pack_format<interleaved>} : vector<32xbf16> -> vector<16xf32>
        %add3A_309 = arith.addf %scan3A_275, %unpack3A_307 : vector<16xf32>
        %add3A_310 = arith.addf %scan3A_276, %unpack3A_308 : vector<16xf32>
        %mul3A_311 = arith.constant 4 : i32
        %mul3A_312 = arith.muli %scan3A_268, %mul3A_311 : i32
        %add3A_313 = arith.addi %mul3A_217, %mul3A_312 : i32
        %add3A_314 = arith.constant 1 : i32
        %add3A_315 = arith.addi %add3A_313, %add3A_314 : i32
        %get3A_316 = arith.index_cast %add3A_315 : i32 to index
        %get3A_317 = arith.constant 0 : index
        %get3A_318 = tpu.vector_load %arg8[%get3A_316, %get3A_317] {strides = array<i32>} : memref<192x64xi32, #tpu.memory_space<vmem>>, vector<16xi32>,
        %bitcast3A_319 = vector.bitcast %get3A_318 : vector<16xi32> to vector<32xbf16>
        %unpack3A_320 = tpu.unpack_subelements %bitcast3A_319, 0 {pack_format = #tpu.pack_format<interleaved>} : vector<32xbf16> -> vector<16xf32>
        %unpack3A_321 = tpu.unpack_subelements %bitcast3A_319, 1 {pack_format = #tpu.pack_format<interleaved>} : vector<32xbf16> -> vector<16xf32>
        %add3A_322 = arith.addf %add3A_285, %unpack3A_320 : vector<16xf32>
        %add3A_323 = arith.addf %add3A_286, %unpack3A_321 : vector<16xf32>
        %get3A_324 = arith.index_cast %add3A_315 : i32 to index
        %get3A_325 = arith.constant 16 : index
        %get3A_326 = tpu.vector_load %arg8[%get3A_324, %get3A_325] {strides = array<i32>} : memref<192x64xi32, #tpu.memory_space<vmem>>, vector<16xi32>,
        %bitcast3A_327 = vector.bitcast %get3A_326 : vector<16xi32> to vector<32xbf16>
        %unpack3A_328 = tpu.unpack_subelements %bitcast3A_327, 0 {pack_format = #tpu.pack_format<interleaved>} : vector<32xbf16> -> vector<16xf32>
        %unpack3A_329 = tpu.unpack_subelements %bitcast3A_327, 1 {pack_format = #tpu.pack_format<interleaved>} : vector<32xbf16> -> vector<16xf32>
        %add3A_330 = arith.addf %add3A_293, %unpack3A_328 : vector<16xf32>
        %add3A_331 = arith.addf %add3A_294, %unpack3A_329 : vector<16xf32>
        %get3A_332 = arith.index_cast %add3A_315 : i32 to index
        %get3A_333 = arith.constant 32 : index
        %get3A_334 = tpu.vector_load %arg8[%get3A_332, %get3A_333] {strides = array<i32>} : memref<192x64xi32, #tpu.memory_space<vmem>>, vector<16xi32>,
        %bitcast3A_335 = vector.bitcast %get3A_334 : vector<16xi32> to vector<32xbf16>
        %unpack3A_336 = tpu.unpack_subelements %bitcast3A_335, 0 {pack_format = #tpu.pack_format<interleaved>} : vector<32xbf16> -> vector<16xf32>
        %unpack3A_337 = tpu.unpack_subelements %bitcast3A_335, 1 {pack_format = #tpu.pack_format<interleaved>} : vector<32xbf16> -> vector<16xf32>
        %add3A_338 = arith.addf %add3A_301, %unpack3A_336 : vector<16xf32>
        %add3A_339 = arith.addf %add3A_302, %unpack3A_337 : vector<16xf32>
        %get3A_340 = arith.index_cast %add3A_315 : i32 to index
        %get3A_341 = arith.constant 48 : index
        %get3A_342 = tpu.vector_load %arg8[%get3A_340, %get3A_341] {strides = array<i32>} : memref<192x64xi32, #tpu.memory_space<vmem>>, vector<16xi32>,
        %bitcast3A_343 = vector.bitcast %get3A_342 : vector<16xi32> to vector<32xbf16>
        %unpack3A_344 = tpu.unpack_subelements %bitcast3A_343, 0 {pack_format = #tpu.pack_format<interleaved>} : vector<32xbf16> -> vector<16xf32>
        %unpack3A_345 = tpu.unpack_subelements %bitcast3A_343, 1 {pack_format = #tpu.pack_format<interleaved>} : vector<32xbf16> -> vector<16xf32>
        %add3A_346 = arith.addf %add3A_309, %unpack3A_344 : vector<16xf32>
        %add3A_347 = arith.addf %add3A_310, %unpack3A_345 : vector<16xf32>
        %mul3A_348 = arith.constant 4 : i32
        %mul3A_349 = arith.muli %scan3A_268, %mul3A_348 : i32
        %add3A_350 = arith.addi %mul3A_217, %mul3A_349 : i32
        %add3A_351 = arith.constant 2 : i32
        %add3A_352 = arith.addi %add3A_350, %add3A_351 : i32
        %get3A_353 = arith.index_cast %add3A_352 : i32 to index
        %get3A_354 = arith.constant 0 : index
        %get3A_355 = tpu.vector_load %arg8[%get3A_353, %get3A_354] {strides = array<i32>} : memref<192x64xi32, #tpu.memory_space<vmem>>, vector<16xi32>,
        %bitcast3A_356 = vector.bitcast %get3A_355 : vector<16xi32> to vector<32xbf16>
        %unpack3A_357 = tpu.unpack_subelements %bitcast3A_356, 0 {pack_format = #tpu.pack_format<interleaved>} : vector<32xbf16> -> vector<16xf32>
        %unpack3A_358 = tpu.unpack_subelements %bitcast3A_356, 1 {pack_format = #tpu.pack_format<interleaved>} : vector<32xbf16> -> vector<16xf32>
        %add3A_359 = arith.addf %add3A_322, %unpack3A_357 : vector<16xf32>
        %add3A_360 = arith.addf %add3A_323, %unpack3A_358 : vector<16xf32>
        %get3A_361 = arith.index_cast %add3A_352 : i32 to index
        %get3A_362 = arith.constant 16 : index
        %get3A_363 = tpu.vector_load %arg8[%get3A_361, %get3A_362] {strides = array<i32>} : memref<192x64xi32, #tpu.memory_space<vmem>>, vector<16xi32>,
        %bitcast3A_364 = vector.bitcast %get3A_363 : vector<16xi32> to vector<32xbf16>
        %unpack3A_365 = tpu.unpack_subelements %bitcast3A_364, 0 {pack_format = #tpu.pack_format<interleaved>} : vector<32xbf16> -> vector<16xf32>
        %unpack3A_366 = tpu.unpack_subelements %bitcast3A_364, 1 {pack_format = #tpu.pack_format<interleaved>} : vector<32xbf16> -> vector<16xf32>
        %add3A_367 = arith.addf %add3A_330, %unpack3A_365 : vector<16xf32>
        %add3A_368 = arith.addf %add3A_331, %unpack3A_366 : vector<16xf32>
        %get3A_369 = arith.index_cast %add3A_352 : i32 to index
        %get3A_370 = arith.constant 32 : index
        %get3A_371 = tpu.vector_load %arg8[%get3A_369, %get3A_370] {strides = array<i32>} : memref<192x64xi32, #tpu.memory_space<vmem>>, vector<16xi32>,
        %bitcast3A_372 = vector.bitcast %get3A_371 : vector<16xi32> to vector<32xbf16>
        %unpack3A_373 = tpu.unpack_subelements %bitcast3A_372, 0 {pack_format = #tpu.pack_format<interleaved>} : vector<32xbf16> -> vector<16xf32>
        %unpack3A_374 = tpu.unpack_subelements %bitcast3A_372, 1 {pack_format = #tpu.pack_format<interleaved>} : vector<32xbf16> -> vector<16xf32>
        %add3A_375 = arith.addf %add3A_338, %unpack3A_373 : vector<16xf32>
        %add3A_376 = arith.addf %add3A_339, %unpack3A_374 : vector<16xf32>
        %get3A_377 = arith.index_cast %add3A_352 : i32 to index
        %get3A_378 = arith.constant 48 : index
        %get3A_379 = tpu.vector_load %arg8[%get3A_377, %get3A_378] {strides = array<i32>} : memref<192x64xi32, #tpu.memory_space<vmem>>, vector<16xi32>,
        %bitcast3A_380 = vector.bitcast %get3A_379 : vector<16xi32> to vector<32xbf16>
        %unpack3A_381 = tpu.unpack_subelements %bitcast3A_380, 0 {pack_format = #tpu.pack_format<interleaved>} : vector<32xbf16> -> vector<16xf32>
        %unpack3A_382 = tpu.unpack_subelements %bitcast3A_380, 1 {pack_format = #tpu.pack_format<interleaved>} : vector<32xbf16> -> vector<16xf32>
        %add3A_383 = arith.addf %add3A_346, %unpack3A_381 : vector<16xf32>
        %add3A_384 = arith.addf %add3A_347, %unpack3A_382 : vector<16xf32>
        %mul3A_385 = arith.constant 4 : i32
        %mul3A_386 = arith.muli %scan3A_268, %mul3A_385 : i32
        %add3A_387 = arith.addi %mul3A_217, %mul3A_386 : i32
        %add3A_388 = arith.constant 3 : i32
        %add3A_389 = arith.addi %add3A_387, %add3A_388 : i32
        %get3A_390 = arith.index_cast %add3A_389 : i32 to index
        %get3A_391 = arith.constant 0 : index
        %get3A_392 = tpu.vector_load %arg8[%get3A_390, %get3A_391] {strides = array<i32>} : memref<192x64xi32, #tpu.memory_space<vmem>>, vector<16xi32>,
        %bitcast3A_393 = vector.bitcast %get3A_392 : vector<16xi32> to vector<32xbf16>
        %unpack3A_394 = tpu.unpack_subelements %bitcast3A_393, 0 {pack_format = #tpu.pack_format<interleaved>} : vector<32xbf16> -> vector<16xf32>
        %unpack3A_395 = tpu.unpack_subelements %bitcast3A_393, 1 {pack_format = #tpu.pack_format<interleaved>} : vector<32xbf16> -> vector<16xf32>
        %add3A_396 = arith.addf %add3A_359, %unpack3A_394 : vector<16xf32>
        %add3A_397 = arith.addf %add3A_360, %unpack3A_395 : vector<16xf32>
        %get3A_398 = arith.index_cast %add3A_389 : i32 to index
        %get3A_399 = arith.constant 16 : index
        %get3A_400 = tpu.vector_load %arg8[%get3A_398, %get3A_399] {strides = array<i32>} : memref<192x64xi32, #tpu.memory_space<vmem>>, vector<16xi32>,
        %bitcast3A_401 = vector.bitcast %get3A_400 : vector<16xi32> to vector<32xbf16>
        %unpack3A_402 = tpu.unpack_subelements %bitcast3A_401, 0 {pack_format = #tpu.pack_format<interleaved>} : vector<32xbf16> -> vector<16xf32>
        %unpack3A_403 = tpu.unpack_subelements %bitcast3A_401, 1 {pack_format = #tpu.pack_format<interleaved>} : vector<32xbf16> -> vector<16xf32>
        %add3A_404 = arith.addf %add3A_367, %unpack3A_402 : vector<16xf32>
        %add3A_405 = arith.addf %add3A_368, %unpack3A_403 : vector<16xf32>
        %get3A_406 = arith.index_cast %add3A_389 : i32 to index
        %get3A_407 = arith.constant 32 : index
        %get3A_408 = tpu.vector_load %arg8[%get3A_406, %get3A_407] {strides = array<i32>} : memref<192x64xi32, #tpu.memory_space<vmem>>, vector<16xi32>,
        %bitcast3A_409 = vector.bitcast %get3A_408 : vector<16xi32> to vector<32xbf16>
        %unpack3A_410 = tpu.unpack_subelements %bitcast3A_409, 0 {pack_format = #tpu.pack_format<interleaved>} : vector<32xbf16> -> vector<16xf32>
        %unpack3A_411 = tpu.unpack_subelements %bitcast3A_409, 1 {pack_format = #tpu.pack_format<interleaved>} : vector<32xbf16> -> vector<16xf32>
        %add3A_412 = arith.addf %add3A_375, %unpack3A_410 : vector<16xf32>
        %add3A_413 = arith.addf %add3A_376, %unpack3A_411 : vector<16xf32>
        %get3A_414 = arith.index_cast %add3A_389 : i32 to index
        %get3A_415 = arith.constant 48 : index
        %get3A_416 = tpu.vector_load %arg8[%get3A_414, %get3A_415] {strides = array<i32>} : memref<192x64xi32, #tpu.memory_space<vmem>>, vector<16xi32>,
        %bitcast3A_417 = vector.bitcast %get3A_416 : vector<16xi32> to vector<32xbf16>
        %unpack3A_418 = tpu.unpack_subelements %bitcast3A_417, 0 {pack_format = #tpu.pack_format<interleaved>} : vector<32xbf16> -> vector<16xf32>
        %unpack3A_419 = tpu.unpack_subelements %bitcast3A_417, 1 {pack_format = #tpu.pack_format<interleaved>} : vector<32xbf16> -> vector<16xf32>
        %add3A_420 = arith.addf %add3A_383, %unpack3A_418 : vector<16xf32>
        %add3A_421 = arith.addf %add3A_384, %unpack3A_419 : vector<16xf32>
        scf.yield %add3A_396, %add3A_397, %add3A_404, %add3A_405, %add3A_412, %add3A_413, %add3A_420, %add3A_421 : vector<16xf32>, vector<16xf32>, vector<16xf32>, vector<16xf32>, vector<16xf32>, vector<16xf32>, vector<16xf32>, vector<16xf32>
      }
      %scan3A_238 = arith.constant 4 : i32
      %mul3A_239 = arith.constant 32 : i32
      %mul3A_240 = arith.muli %sub3A_215, %mul3A_239 : i32
      %add3A_241 = arith.constant 8 : i32
      %add3A_242 = arith.addi %mul3A_240, %add3A_241 : i32
      %add3A_243 = arith.addi %add3A_242, %select_n3A : i32
      %swap3A = arith.index_cast %add3A_243 : i32 to index
      %swap3A_244 = arith.constant 0 : index
      %swap3A_245 = tpu.vector_load %arg13[%swap3A, %swap3A_244] {strides = array<i32>} : memref<96x128xf32, #tpu.memory_space<vmem>>, vector<16xf32>,
      tpu.vector_store %arg13[%swap3A, %swap3A_244], %scan3A_237#0 {strides = array<i32>} : memref<96x128xf32, #tpu.memory_space<vmem>>, vector<16xf32>,
      %swap3A_246 = arith.index_cast %add3A_243 : i32 to index
      %swap3A_247 = arith.constant 16 : index
      %swap3A_248 = tpu.vector_load %arg13[%swap3A_246, %swap3A_247] {strides = array<i32>} : memref<96x128xf32, #tpu.memory_space<vmem>>, vector<16xf32>,
      tpu.vector_store %arg13[%swap3A_246, %swap3A_247], %scan3A_237#1 {strides = array<i32>} : memref<96x128xf32, #tpu.memory_space<vmem>>, vector<16xf32>,
      %swap3A_249 = arith.index_cast %add3A_243 : i32 to index
      %swap3A_250 = arith.constant 32 : index
      %swap3A_251 = tpu.vector_load %arg13[%swap3A_249, %swap3A_250] {strides = array<i32>} : memref<96x128xf32, #tpu.memory_space<vmem>>, vector<16xf32>,
      tpu.vector_store %arg13[%swap3A_249, %swap3A_250], %scan3A_237#2 {strides = array<i32>} : memref<96x128xf32, #tpu.memory_space<vmem>>, vector<16xf32>,
      %swap3A_252 = arith.index_cast %add3A_243 : i32 to index
      %swap3A_253 = arith.constant 48 : index
      %swap3A_254 = tpu.vector_load %arg13[%swap3A_252, %swap3A_253] {strides = array<i32>} : memref<96x128xf32, #tpu.memory_space<vmem>>, vector<16xf32>,
      tpu.vector_store %arg13[%swap3A_252, %swap3A_253], %scan3A_237#3 {strides = array<i32>} : memref<96x128xf32, #tpu.memory_space<vmem>>, vector<16xf32>,
      %swap3A_255 = arith.index_cast %add3A_243 : i32 to index
      %swap3A_256 = arith.constant 64 : index
      %swap3A_257 = tpu.vector_load %arg13[%swap3A_255, %swap3A_256] {strides = array<i32>} : memref<96x128xf32, #tpu.memory_space<vmem>>, vector<16xf32>,
      tpu.vector_store %arg13[%swap3A_255, %swap3A_256], %scan3A_237#4 {strides = array<i32>} : memref<96x128xf32, #tpu.memory_space<vmem>>, vector<16xf32>,
      %swap3A_258 = arith.index_cast %add3A_243 : i32 to index
      %swap3A_259 = arith.constant 80 : index
      %swap3A_260 = tpu.vector_load %arg13[%swap3A_258, %swap3A_259] {strides = array<i32>} : memref<96x128xf32, #tpu.memory_space<vmem>>, vector<16xf32>,
      tpu.vector_store %arg13[%swap3A_258, %swap3A_259], %scan3A_237#5 {strides = array<i32>} : memref<96x128xf32, #tpu.memory_space<vmem>>, vector<16xf32>,
      %swap3A_261 = arith.index_cast %add3A_243 : i32 to index
      %swap3A_262 = arith.constant 96 : index
      %swap3A_263 = tpu.vector_load %arg13[%swap3A_261, %swap3A_262] {strides = array<i32>} : memref<96x128xf32, #tpu.memory_space<vmem>>, vector<16xf32>,
      tpu.vector_store %arg13[%swap3A_261, %swap3A_262], %scan3A_237#6 {strides = array<i32>} : memref<96x128xf32, #tpu.memory_space<vmem>>, vector<16xf32>,
      %swap3A_264 = arith.index_cast %add3A_243 : i32 to index
      %swap3A_265 = arith.constant 112 : index
      %swap3A_266 = tpu.vector_load %arg13[%swap3A_264, %swap3A_265] {strides = array<i32>} : memref<96x128xf32, #tpu.memory_space<vmem>>, vector<16xf32>,
      tpu.vector_store %arg13[%swap3A_264, %swap3A_265], %scan3A_237#7 {strides = array<i32>} : memref<96x128xf32, #tpu.memory_space<vmem>>, vector<16xf32>,
      %scan3A_267 = arith.constant 0 : i32
      scf.yield %scan3A_267 : i32
    }
    %scan3A_77 = arith.constant 12 : i32
    %dma_start3A_78 = arith.constant 768 : i32
    %dma_start3A_79 = tpu.memref_slice %arg7[%dma_start3A_78] : memref<1536xi32, #tpu.memory_space<vmem>> -> memref<192xi32, #tpu.memory_space<vmem>>
    %dma_start3A_80 = arith.constant 0 : i32
    %dma_start3A_81 = arith.constant 0 : i32
    %dma_start3A_82 = tpu.memref_slice %arg2[%dma_start3A_80, %dma_start3A_81] : memref<1024x64xi32, #tpu.memory_space<hbm>> -> memref<1024x64xi32, #tpu.memory_space<hbm>>
    tpu.enqueue_indirect_dma source(%dma_start3A_82 : memref<1024x64xi32, #tpu.memory_space<hbm>>) target(%arg8 : memref<192x64xi32, #tpu.memory_space<vmem>>) offsets(%dma_start3A_79 : memref<192xi32, #tpu.memory_space<vmem>>) semaphore(%arg14 : memref<!tpu.dma_semaphore, #tpu.memory_space<semaphore_mem>>)
    %dma_wait3A_83 = arith.constant 576 : i32
    %dma_wait3A_84 = tpu.memref_slice %arg7[%dma_wait3A_83] : memref<1536xi32, #tpu.memory_space<vmem>> -> memref<192xi32, #tpu.memory_space<vmem>>
    %dma_wait3A_85 = arith.constant 0 : i32
    %dma_wait3A_86 = arith.constant 0 : i32
    %dma_wait3A_87 = tpu.memref_slice %arg2[%dma_wait3A_85, %dma_wait3A_86] : memref<1024x64xi32, #tpu.memory_space<hbm>> -> memref<1024x64xi32, #tpu.memory_space<hbm>>
    tpu.wait_indirect_dma semaphore(%arg15 : memref<!tpu.dma_semaphore, #tpu.memory_space<semaphore_mem>>) src(%dma_wait3A_87 : memref<1024x64xi32, #tpu.memory_space<hbm>>) dst(%arg9 : memref<192x64xi32, #tpu.memory_space<vmem>>)
    %scan3A_88 = arith.constant 0 : i32
    %scan3A_89 = arith.constant 0 : i32
    %scan3A_90 = arith.constant 12 : i32
    %scan3A_91 = arith.addi %scan3A_89, %scan3A_90 : i32
    %scan3A_92 = arith.constant 1 : i32
    %scan3A_93 = scf.for %scan3A_195 = %scan3A_89 to %scan3A_91 step %scan3A_92 iter_args(%scan3A_196 = %scan3A_88) -> (i32)  : i32 {
      %jit3A = arith.constant 3 : i32
      %div3A = arith.divsi %scan3A_195, %jit3A : i32
      %sign3A = arith.constant 0 : i32
      %sign3A_197 = arith.cmpi sgt, %scan3A_195, %sign3A : i32
      %sign3A_198 = arith.extui %sign3A_197 : i1 to i32
      %sign3A_199 = arith.constant 0 : i32
      %sign3A_200 = arith.cmpi slt, %scan3A_195, %sign3A_199 : i32
      %sign3A_201 = arith.extui %sign3A_200 : i1 to i32
      %sign3A_202 = arith.subi %sign3A_198, %sign3A_201 : i32
      %sign3A_203 = arith.constant 0 : i32
      %sign3A_204 = arith.cmpi sgt, %jit3A, %sign3A_203 : i32
      %sign3A_205 = arith.extui %sign3A_204 : i1 to i32
      %sign3A_206 = arith.constant 0 : i32
      %sign3A_207 = arith.cmpi slt, %jit3A, %sign3A_206 : i32
      %sign3A_208 = arith.extui %sign3A_207 : i1 to i32
      %sign3A_209 = arith.subi %sign3A_205, %sign3A_208 : i32
      %ne3A = arith.cmpi ne, %sign3A_202, %sign3A_209 : i32
      %rem3A = arith.remsi %scan3A_195, %jit3A : i32
      %ne3A_210 = arith.constant 0 : i32
      %ne3A_211 = arith.cmpi ne, %rem3A, %ne3A_210 : i32
      %and3A = arith.andi %ne3A, %ne3A_211 : i1
      %sub3A = arith.constant 1 : i32
      %sub3A_212 = arith.subi %div3A, %sub3A : i32
      %select_n3A = arith.select %and3A, %sub3A_212, %div3A : i32
      %mul3A_213 = arith.constant 3 : i32
      %mul3A_214 = arith.muli %select_n3A, %mul3A_213 : i32
      %sub3A_215 = arith.subi %scan3A_195, %mul3A_214 : i32
      %mul3A_216 = arith.constant 16 : i32
      %mul3A_217 = arith.muli %scan3A_195, %mul3A_216 : i32
      %broadcast_in_dim3A = arith.constant 0.000000e+00 : f32
      %broadcast_in_dim3A_218 = vector.broadcast %broadcast_in_dim3A : f32 to vector<16xf32>
      %broadcast_in_dim3A_219 = arith.constant 0.000000e+00 : f32
      %broadcast_in_dim3A_220 = vector.broadcast %broadcast_in_dim3A_219 : f32 to vector<16xf32>
      %broadcast_in_dim3A_221 = arith.constant 0.000000e+00 : f32
      %broadcast_in_dim3A_222 = vector.broadcast %broadcast_in_dim3A_221 : f32 to vector<16xf32>
      %broadcast_in_dim3A_223 = arith.constant 0.000000e+00 : f32
      %broadcast_in_dim3A_224 = vector.broadcast %broadcast_in_dim3A_223 : f32 to vector<16xf32>
      %broadcast_in_dim3A_225 = arith.constant 0.000000e+00 : f32
      %broadcast_in_dim3A_226 = vector.broadcast %broadcast_in_dim3A_225 : f32 to vector<16xf32>
      %broadcast_in_dim3A_227 = arith.constant 0.000000e+00 : f32
      %broadcast_in_dim3A_228 = vector.broadcast %broadcast_in_dim3A_227 : f32 to vector<16xf32>
      %broadcast_in_dim3A_229 = arith.constant 0.000000e+00 : f32
      %broadcast_in_dim3A_230 = vector.broadcast %broadcast_in_dim3A_229 : f32 to vector<16xf32>
      %broadcast_in_dim3A_231 = arith.constant 0.000000e+00 : f32
      %broadcast_in_dim3A_232 = vector.broadcast %broadcast_in_dim3A_231 : f32 to vector<16xf32>
      %scan3A_233 = arith.constant 0 : i32
      %scan3A_234 = arith.constant 4 : i32
      %scan3A_235 = arith.addi %scan3A_233, %scan3A_234 : i32
      %scan3A_236 = arith.constant 1 : i32
      %scan3A_237:8 = scf.for %scan3A_268 = %scan3A_233 to %scan3A_235 step %scan3A_236 iter_args(%scan3A_269 = %broadcast_in_dim3A_218, %scan3A_270 = %broadcast_in_dim3A_220, %scan3A_271 = %broadcast_in_dim3A_222, %scan3A_272 = %broadcast_in_dim3A_224, %scan3A_273 = %broadcast_in_dim3A_226, %scan3A_274 = %broadcast_in_dim3A_228, %scan3A_275 = %broadcast_in_dim3A_230, %scan3A_276 = %broadcast_in_dim3A_232) -> (vector<16xf32>, vector<16xf32>, vector<16xf32>, vector<16xf32>, vector<16xf32>, vector<16xf32>, vector<16xf32>, vector<16xf32>)  : i32 {
        %mul3A_277 = arith.constant 4 : i32
        %mul3A_278 = arith.muli %scan3A_268, %mul3A_277 : i32
        %add3A_279 = arith.addi %mul3A_217, %mul3A_278 : i32
        %add3A_280 = arith.constant 0 : i32
        %add3A_281 = arith.addi %add3A_279, %add3A_280 : i32
        %get3A = arith.index_cast %add3A_281 : i32 to index
        %get3A_282 = arith.constant 0 : index
        %get3A_283 = tpu.vector_load %arg9[%get3A, %get3A_282] {strides = array<i32>} : memref<192x64xi32, #tpu.memory_space<vmem>>, vector<16xi32>,
        %bitcast3A = vector.bitcast %get3A_283 : vector<16xi32> to vector<32xbf16>
        %unpack3A = tpu.unpack_subelements %bitcast3A, 0 {pack_format = #tpu.pack_format<interleaved>} : vector<32xbf16> -> vector<16xf32>
        %unpack3A_284 = tpu.unpack_subelements %bitcast3A, 1 {pack_format = #tpu.pack_format<interleaved>} : vector<32xbf16> -> vector<16xf32>
        %add3A_285 = arith.addf %scan3A_269, %unpack3A : vector<16xf32>
        %add3A_286 = arith.addf %scan3A_270, %unpack3A_284 : vector<16xf32>
        %get3A_287 = arith.index_cast %add3A_281 : i32 to index
        %get3A_288 = arith.constant 16 : index
        %get3A_289 = tpu.vector_load %arg9[%get3A_287, %get3A_288] {strides = array<i32>} : memref<192x64xi32, #tpu.memory_space<vmem>>, vector<16xi32>,
        %bitcast3A_290 = vector.bitcast %get3A_289 : vector<16xi32> to vector<32xbf16>
        %unpack3A_291 = tpu.unpack_subelements %bitcast3A_290, 0 {pack_format = #tpu.pack_format<interleaved>} : vector<32xbf16> -> vector<16xf32>
        %unpack3A_292 = tpu.unpack_subelements %bitcast3A_290, 1 {pack_format = #tpu.pack_format<interleaved>} : vector<32xbf16> -> vector<16xf32>
        %add3A_293 = arith.addf %scan3A_271, %unpack3A_291 : vector<16xf32>
        %add3A_294 = arith.addf %scan3A_272, %unpack3A_292 : vector<16xf32>
        %get3A_295 = arith.index_cast %add3A_281 : i32 to index
        %get3A_296 = arith.constant 32 : index
        %get3A_297 = tpu.vector_load %arg9[%get3A_295, %get3A_296] {strides = array<i32>} : memref<192x64xi32, #tpu.memory_space<vmem>>, vector<16xi32>,
        %bitcast3A_298 = vector.bitcast %get3A_297 : vector<16xi32> to vector<32xbf16>
        %unpack3A_299 = tpu.unpack_subelements %bitcast3A_298, 0 {pack_format = #tpu.pack_format<interleaved>} : vector<32xbf16> -> vector<16xf32>
        %unpack3A_300 = tpu.unpack_subelements %bitcast3A_298, 1 {pack_format = #tpu.pack_format<interleaved>} : vector<32xbf16> -> vector<16xf32>
        %add3A_301 = arith.addf %scan3A_273, %unpack3A_299 : vector<16xf32>
        %add3A_302 = arith.addf %scan3A_274, %unpack3A_300 : vector<16xf32>
        %get3A_303 = arith.index_cast %add3A_281 : i32 to index
        %get3A_304 = arith.constant 48 : index
        %get3A_305 = tpu.vector_load %arg9[%get3A_303, %get3A_304] {strides = array<i32>} : memref<192x64xi32, #tpu.memory_space<vmem>>, vector<16xi32>,
        %bitcast3A_306 = vector.bitcast %get3A_305 : vector<16xi32> to vector<32xbf16>
        %unpack3A_307 = tpu.unpack_subelements %bitcast3A_306, 0 {pack_format = #tpu.pack_format<interleaved>} : vector<32xbf16> -> vector<16xf32>
        %unpack3A_308 = tpu.unpack_subelements %bitcast3A_306, 1 {pack_format = #tpu.pack_format<interleaved>} : vector<32xbf16> -> vector<16xf32>
        %add3A_309 = arith.addf %scan3A_275, %unpack3A_307 : vector<16xf32>
        %add3A_310 = arith.addf %scan3A_276, %unpack3A_308 : vector<16xf32>
        %mul3A_311 = arith.constant 4 : i32
        %mul3A_312 = arith.muli %scan3A_268, %mul3A_311 : i32
        %add3A_313 = arith.addi %mul3A_217, %mul3A_312 : i32
        %add3A_314 = arith.constant 1 : i32
        %add3A_315 = arith.addi %add3A_313, %add3A_314 : i32
        %get3A_316 = arith.index_cast %add3A_315 : i32 to index
        %get3A_317 = arith.constant 0 : index
        %get3A_318 = tpu.vector_load %arg9[%get3A_316, %get3A_317] {strides = array<i32>} : memref<192x64xi32, #tpu.memory_space<vmem>>, vector<16xi32>,
        %bitcast3A_319 = vector.bitcast %get3A_318 : vector<16xi32> to vector<32xbf16>
        %unpack3A_320 = tpu.unpack_subelements %bitcast3A_319, 0 {pack_format = #tpu.pack_format<interleaved>} : vector<32xbf16> -> vector<16xf32>
        %unpack3A_321 = tpu.unpack_subelements %bitcast3A_319, 1 {pack_format = #tpu.pack_format<interleaved>} : vector<32xbf16> -> vector<16xf32>
        %add3A_322 = arith.addf %add3A_285, %unpack3A_320 : vector<16xf32>
        %add3A_323 = arith.addf %add3A_286, %unpack3A_321 : vector<16xf32>
        %get3A_324 = arith.index_cast %add3A_315 : i32 to index
        %get3A_325 = arith.constant 16 : index
        %get3A_326 = tpu.vector_load %arg9[%get3A_324, %get3A_325] {strides = array<i32>} : memref<192x64xi32, #tpu.memory_space<vmem>>, vector<16xi32>,
        %bitcast3A_327 = vector.bitcast %get3A_326 : vector<16xi32> to vector<32xbf16>
        %unpack3A_328 = tpu.unpack_subelements %bitcast3A_327, 0 {pack_format = #tpu.pack_format<interleaved>} : vector<32xbf16> -> vector<16xf32>
        %unpack3A_329 = tpu.unpack_subelements %bitcast3A_327, 1 {pack_format = #tpu.pack_format<interleaved>} : vector<32xbf16> -> vector<16xf32>
        %add3A_330 = arith.addf %add3A_293, %unpack3A_328 : vector<16xf32>
        %add3A_331 = arith.addf %add3A_294, %unpack3A_329 : vector<16xf32>
        %get3A_332 = arith.index_cast %add3A_315 : i32 to index
        %get3A_333 = arith.constant 32 : index
        %get3A_334 = tpu.vector_load %arg9[%get3A_332, %get3A_333] {strides = array<i32>} : memref<192x64xi32, #tpu.memory_space<vmem>>, vector<16xi32>,
        %bitcast3A_335 = vector.bitcast %get3A_334 : vector<16xi32> to vector<32xbf16>
        %unpack3A_336 = tpu.unpack_subelements %bitcast3A_335, 0 {pack_format = #tpu.pack_format<interleaved>} : vector<32xbf16> -> vector<16xf32>
        %unpack3A_337 = tpu.unpack_subelements %bitcast3A_335, 1 {pack_format = #tpu.pack_format<interleaved>} : vector<32xbf16> -> vector<16xf32>
        %add3A_338 = arith.addf %add3A_301, %unpack3A_336 : vector<16xf32>
        %add3A_339 = arith.addf %add3A_302, %unpack3A_337 : vector<16xf32>
        %get3A_340 = arith.index_cast %add3A_315 : i32 to index
        %get3A_341 = arith.constant 48 : index
        %get3A_342 = tpu.vector_load %arg9[%get3A_340, %get3A_341] {strides = array<i32>} : memref<192x64xi32, #tpu.memory_space<vmem>>, vector<16xi32>,
        %bitcast3A_343 = vector.bitcast %get3A_342 : vector<16xi32> to vector<32xbf16>
        %unpack3A_344 = tpu.unpack_subelements %bitcast3A_343, 0 {pack_format = #tpu.pack_format<interleaved>} : vector<32xbf16> -> vector<16xf32>
        %unpack3A_345 = tpu.unpack_subelements %bitcast3A_343, 1 {pack_format = #tpu.pack_format<interleaved>} : vector<32xbf16> -> vector<16xf32>
        %add3A_346 = arith.addf %add3A_309, %unpack3A_344 : vector<16xf32>
        %add3A_347 = arith.addf %add3A_310, %unpack3A_345 : vector<16xf32>
        %mul3A_348 = arith.constant 4 : i32
        %mul3A_349 = arith.muli %scan3A_268, %mul3A_348 : i32
        %add3A_350 = arith.addi %mul3A_217, %mul3A_349 : i32
        %add3A_351 = arith.constant 2 : i32
        %add3A_352 = arith.addi %add3A_350, %add3A_351 : i32
        %get3A_353 = arith.index_cast %add3A_352 : i32 to index
        %get3A_354 = arith.constant 0 : index
        %get3A_355 = tpu.vector_load %arg9[%get3A_353, %get3A_354] {strides = array<i32>} : memref<192x64xi32, #tpu.memory_space<vmem>>, vector<16xi32>,
        %bitcast3A_356 = vector.bitcast %get3A_355 : vector<16xi32> to vector<32xbf16>
        %unpack3A_357 = tpu.unpack_subelements %bitcast3A_356, 0 {pack_format = #tpu.pack_format<interleaved>} : vector<32xbf16> -> vector<16xf32>
        %unpack3A_358 = tpu.unpack_subelements %bitcast3A_356, 1 {pack_format = #tpu.pack_format<interleaved>} : vector<32xbf16> -> vector<16xf32>
        %add3A_359 = arith.addf %add3A_322, %unpack3A_357 : vector<16xf32>
        %add3A_360 = arith.addf %add3A_323, %unpack3A_358 : vector<16xf32>
        %get3A_361 = arith.index_cast %add3A_352 : i32 to index
        %get3A_362 = arith.constant 16 : index
        %get3A_363 = tpu.vector_load %arg9[%get3A_361, %get3A_362] {strides = array<i32>} : memref<192x64xi32, #tpu.memory_space<vmem>>, vector<16xi32>,
        %bitcast3A_364 = vector.bitcast %get3A_363 : vector<16xi32> to vector<32xbf16>
        %unpack3A_365 = tpu.unpack_subelements %bitcast3A_364, 0 {pack_format = #tpu.pack_format<interleaved>} : vector<32xbf16> -> vector<16xf32>
        %unpack3A_366 = tpu.unpack_subelements %bitcast3A_364, 1 {pack_format = #tpu.pack_format<interleaved>} : vector<32xbf16> -> vector<16xf32>
        %add3A_367 = arith.addf %add3A_330, %unpack3A_365 : vector<16xf32>
        %add3A_368 = arith.addf %add3A_331, %unpack3A_366 : vector<16xf32>
        %get3A_369 = arith.index_cast %add3A_352 : i32 to index
        %get3A_370 = arith.constant 32 : index
        %get3A_371 = tpu.vector_load %arg9[%get3A_369, %get3A_370] {strides = array<i32>} : memref<192x64xi32, #tpu.memory_space<vmem>>, vector<16xi32>,
        %bitcast3A_372 = vector.bitcast %get3A_371 : vector<16xi32> to vector<32xbf16>
        %unpack3A_373 = tpu.unpack_subelements %bitcast3A_372, 0 {pack_format = #tpu.pack_format<interleaved>} : vector<32xbf16> -> vector<16xf32>
        %unpack3A_374 = tpu.unpack_subelements %bitcast3A_372, 1 {pack_format = #tpu.pack_format<interleaved>} : vector<32xbf16> -> vector<16xf32>
        %add3A_375 = arith.addf %add3A_338, %unpack3A_373 : vector<16xf32>
        %add3A_376 = arith.addf %add3A_339, %unpack3A_374 : vector<16xf32>
        %get3A_377 = arith.index_cast %add3A_352 : i32 to index
        %get3A_378 = arith.constant 48 : index
        %get3A_379 = tpu.vector_load %arg9[%get3A_377, %get3A_378] {strides = array<i32>} : memref<192x64xi32, #tpu.memory_space<vmem>>, vector<16xi32>,
        %bitcast3A_380 = vector.bitcast %get3A_379 : vector<16xi32> to vector<32xbf16>
        %unpack3A_381 = tpu.unpack_subelements %bitcast3A_380, 0 {pack_format = #tpu.pack_format<interleaved>} : vector<32xbf16> -> vector<16xf32>
        %unpack3A_382 = tpu.unpack_subelements %bitcast3A_380, 1 {pack_format = #tpu.pack_format<interleaved>} : vector<32xbf16> -> vector<16xf32>
        %add3A_383 = arith.addf %add3A_346, %unpack3A_381 : vector<16xf32>
        %add3A_384 = arith.addf %add3A_347, %unpack3A_382 : vector<16xf32>
        %mul3A_385 = arith.constant 4 : i32
        %mul3A_386 = arith.muli %scan3A_268, %mul3A_385 : i32
        %add3A_387 = arith.addi %mul3A_217, %mul3A_386 : i32
        %add3A_388 = arith.constant 3 : i32
        %add3A_389 = arith.addi %add3A_387, %add3A_388 : i32
        %get3A_390 = arith.index_cast %add3A_389 : i32 to index
        %get3A_391 = arith.constant 0 : index
        %get3A_392 = tpu.vector_load %arg9[%get3A_390, %get3A_391] {strides = array<i32>} : memref<192x64xi32, #tpu.memory_space<vmem>>, vector<16xi32>,
        %bitcast3A_393 = vector.bitcast %get3A_392 : vector<16xi32> to vector<32xbf16>
        %unpack3A_394 = tpu.unpack_subelements %bitcast3A_393, 0 {pack_format = #tpu.pack_format<interleaved>} : vector<32xbf16> -> vector<16xf32>
        %unpack3A_395 = tpu.unpack_subelements %bitcast3A_393, 1 {pack_format = #tpu.pack_format<interleaved>} : vector<32xbf16> -> vector<16xf32>
        %add3A_396 = arith.addf %add3A_359, %unpack3A_394 : vector<16xf32>
        %add3A_397 = arith.addf %add3A_360, %unpack3A_395 : vector<16xf32>
        %get3A_398 = arith.index_cast %add3A_389 : i32 to index
        %get3A_399 = arith.constant 16 : index
        %get3A_400 = tpu.vector_load %arg9[%get3A_398, %get3A_399] {strides = array<i32>} : memref<192x64xi32, #tpu.memory_space<vmem>>, vector<16xi32>,
        %bitcast3A_401 = vector.bitcast %get3A_400 : vector<16xi32> to vector<32xbf16>
        %unpack3A_402 = tpu.unpack_subelements %bitcast3A_401, 0 {pack_format = #tpu.pack_format<interleaved>} : vector<32xbf16> -> vector<16xf32>
        %unpack3A_403 = tpu.unpack_subelements %bitcast3A_401, 1 {pack_format = #tpu.pack_format<interleaved>} : vector<32xbf16> -> vector<16xf32>
        %add3A_404 = arith.addf %add3A_367, %unpack3A_402 : vector<16xf32>
        %add3A_405 = arith.addf %add3A_368, %unpack3A_403 : vector<16xf32>
        %get3A_406 = arith.index_cast %add3A_389 : i32 to index
        %get3A_407 = arith.constant 32 : index
        %get3A_408 = tpu.vector_load %arg9[%get3A_406, %get3A_407] {strides = array<i32>} : memref<192x64xi32, #tpu.memory_space<vmem>>, vector<16xi32>,
        %bitcast3A_409 = vector.bitcast %get3A_408 : vector<16xi32> to vector<32xbf16>
        %unpack3A_410 = tpu.unpack_subelements %bitcast3A_409, 0 {pack_format = #tpu.pack_format<interleaved>} : vector<32xbf16> -> vector<16xf32>
        %unpack3A_411 = tpu.unpack_subelements %bitcast3A_409, 1 {pack_format = #tpu.pack_format<interleaved>} : vector<32xbf16> -> vector<16xf32>
        %add3A_412 = arith.addf %add3A_375, %unpack3A_410 : vector<16xf32>
        %add3A_413 = arith.addf %add3A_376, %unpack3A_411 : vector<16xf32>
        %get3A_414 = arith.index_cast %add3A_389 : i32 to index
        %get3A_415 = arith.constant 48 : index
        %get3A_416 = tpu.vector_load %arg9[%get3A_414, %get3A_415] {strides = array<i32>} : memref<192x64xi32, #tpu.memory_space<vmem>>, vector<16xi32>,
        %bitcast3A_417 = vector.bitcast %get3A_416 : vector<16xi32> to vector<32xbf16>
        %unpack3A_418 = tpu.unpack_subelements %bitcast3A_417, 0 {pack_format = #tpu.pack_format<interleaved>} : vector<32xbf16> -> vector<16xf32>
        %unpack3A_419 = tpu.unpack_subelements %bitcast3A_417, 1 {pack_format = #tpu.pack_format<interleaved>} : vector<32xbf16> -> vector<16xf32>
        %add3A_420 = arith.addf %add3A_383, %unpack3A_418 : vector<16xf32>
        %add3A_421 = arith.addf %add3A_384, %unpack3A_419 : vector<16xf32>
        scf.yield %add3A_396, %add3A_397, %add3A_404, %add3A_405, %add3A_412, %add3A_413, %add3A_420, %add3A_421 : vector<16xf32>, vector<16xf32>, vector<16xf32>, vector<16xf32>, vector<16xf32>, vector<16xf32>, vector<16xf32>, vector<16xf32>
      }
      %scan3A_238 = arith.constant 4 : i32
      %mul3A_239 = arith.constant 32 : i32
      %mul3A_240 = arith.muli %sub3A_215, %mul3A_239 : i32
      %add3A_241 = arith.constant 12 : i32
      %add3A_242 = arith.addi %mul3A_240, %add3A_241 : i32
      %add3A_243 = arith.addi %add3A_242, %select_n3A : i32
      %swap3A = arith.index_cast %add3A_243 : i32 to index
      %swap3A_244 = arith.constant 0 : index
      %swap3A_245 = tpu.vector_load %arg13[%swap3A, %swap3A_244] {strides = array<i32>} : memref<96x128xf32, #tpu.memory_space<vmem>>, vector<16xf32>,
      tpu.vector_store %arg13[%swap3A, %swap3A_244], %scan3A_237#0 {strides = array<i32>} : memref<96x128xf32, #tpu.memory_space<vmem>>, vector<16xf32>,
      %swap3A_246 = arith.index_cast %add3A_243 : i32 to index
      %swap3A_247 = arith.constant 16 : index
      %swap3A_248 = tpu.vector_load %arg13[%swap3A_246, %swap3A_247] {strides = array<i32>} : memref<96x128xf32, #tpu.memory_space<vmem>>, vector<16xf32>,
      tpu.vector_store %arg13[%swap3A_246, %swap3A_247], %scan3A_237#1 {strides = array<i32>} : memref<96x128xf32, #tpu.memory_space<vmem>>, vector<16xf32>,
      %swap3A_249 = arith.index_cast %add3A_243 : i32 to index
      %swap3A_250 = arith.constant 32 : index
      %swap3A_251 = tpu.vector_load %arg13[%swap3A_249, %swap3A_250] {strides = array<i32>} : memref<96x128xf32, #tpu.memory_space<vmem>>, vector<16xf32>,
      tpu.vector_store %arg13[%swap3A_249, %swap3A_250], %scan3A_237#2 {strides = array<i32>} : memref<96x128xf32, #tpu.memory_space<vmem>>, vector<16xf32>,
      %swap3A_252 = arith.index_cast %add3A_243 : i32 to index
      %swap3A_253 = arith.constant 48 : index
      %swap3A_254 = tpu.vector_load %arg13[%swap3A_252, %swap3A_253] {strides = array<i32>} : memref<96x128xf32, #tpu.memory_space<vmem>>, vector<16xf32>,
      tpu.vector_store %arg13[%swap3A_252, %swap3A_253], %scan3A_237#3 {strides = array<i32>} : memref<96x128xf32, #tpu.memory_space<vmem>>, vector<16xf32>,
      %swap3A_255 = arith.index_cast %add3A_243 : i32 to index
      %swap3A_256 = arith.constant 64 : index
      %swap3A_257 = tpu.vector_load %arg13[%swap3A_255, %swap3A_256] {strides = array<i32>} : memref<96x128xf32, #tpu.memory_space<vmem>>, vector<16xf32>,
      tpu.vector_store %arg13[%swap3A_255, %swap3A_256], %scan3A_237#4 {strides = array<i32>} : memref<96x128xf32, #tpu.memory_space<vmem>>, vector<16xf32>,
      %swap3A_258 = arith.index_cast %add3A_243 : i32 to index
      %swap3A_259 = arith.constant 80 : index
      %swap3A_260 = tpu.vector_load %arg13[%swap3A_258, %swap3A_259] {strides = array<i32>} : memref<96x128xf32, #tpu.memory_space<vmem>>, vector<16xf32>,
      tpu.vector_store %arg13[%swap3A_258, %swap3A_259], %scan3A_237#5 {strides = array<i32>} : memref<96x128xf32, #tpu.memory_space<vmem>>, vector<16xf32>,
      %swap3A_261 = arith.index_cast %add3A_243 : i32 to index
      %swap3A_262 = arith.constant 96 : index
      %swap3A_263 = tpu.vector_load %arg13[%swap3A_261, %swap3A_262] {strides = array<i32>} : memref<96x128xf32, #tpu.memory_space<vmem>>, vector<16xf32>,
      tpu.vector_store %arg13[%swap3A_261, %swap3A_262], %scan3A_237#6 {strides = array<i32>} : memref<96x128xf32, #tpu.memory_space<vmem>>, vector<16xf32>,
      %swap3A_264 = arith.index_cast %add3A_243 : i32 to index
      %swap3A_265 = arith.constant 112 : index
      %swap3A_266 = tpu.vector_load %arg13[%swap3A_264, %swap3A_265] {strides = array<i32>} : memref<96x128xf32, #tpu.memory_space<vmem>>, vector<16xf32>,
      tpu.vector_store %arg13[%swap3A_264, %swap3A_265], %scan3A_237#7 {strides = array<i32>} : memref<96x128xf32, #tpu.memory_space<vmem>>, vector<16xf32>,
      %scan3A_267 = arith.constant 0 : i32
      scf.yield %scan3A_267 : i32
    }
    %scan3A_94 = arith.constant 12 : i32
    %dma_start3A_95 = arith.constant 960 : i32
    %dma_start3A_96 = tpu.memref_slice %arg7[%dma_start3A_95] : memref<1536xi32, #tpu.memory_space<vmem>> -> memref<192xi32, #tpu.memory_space<vmem>>
    %dma_start3A_97 = arith.constant 0 : i32
    %dma_start3A_98 = arith.constant 0 : i32
    %dma_start3A_99 = tpu.memref_slice %arg2[%dma_start3A_97, %dma_start3A_98] : memref<1024x64xi32, #tpu.memory_space<hbm>> -> memref<1024x64xi32, #tpu.memory_space<hbm>>
    tpu.enqueue_indirect_dma source(%dma_start3A_99 : memref<1024x64xi32, #tpu.memory_space<hbm>>) target(%arg9 : memref<192x64xi32, #tpu.memory_space<vmem>>) offsets(%dma_start3A_96 : memref<192xi32, #tpu.memory_space<vmem>>) semaphore(%arg15 : memref<!tpu.dma_semaphore, #tpu.memory_space<semaphore_mem>>)
    %dma_wait3A_100 = arith.constant 768 : i32
    %dma_wait3A_101 = tpu.memref_slice %arg7[%dma_wait3A_100] : memref<1536xi32, #tpu.memory_space<vmem>> -> memref<192xi32, #tpu.memory_space<vmem>>
    %dma_wait3A_102 = arith.constant 0 : i32
    %dma_wait3A_103 = arith.constant 0 : i32
    %dma_wait3A_104 = tpu.memref_slice %arg2[%dma_wait3A_102, %dma_wait3A_103] : memref<1024x64xi32, #tpu.memory_space<hbm>> -> memref<1024x64xi32, #tpu.memory_space<hbm>>
    tpu.wait_indirect_dma semaphore(%arg14 : memref<!tpu.dma_semaphore, #tpu.memory_space<semaphore_mem>>) src(%dma_wait3A_104 : memref<1024x64xi32, #tpu.memory_space<hbm>>) dst(%arg8 : memref<192x64xi32, #tpu.memory_space<vmem>>)
    %scan3A_105 = arith.constant 0 : i32
    %scan3A_106 = arith.constant 0 : i32
    %scan3A_107 = arith.constant 12 : i32
    %scan3A_108 = arith.addi %scan3A_106, %scan3A_107 : i32
    %scan3A_109 = arith.constant 1 : i32
    %scan3A_110 = scf.for %scan3A_195 = %scan3A_106 to %scan3A_108 step %scan3A_109 iter_args(%scan3A_196 = %scan3A_105) -> (i32)  : i32 {
      %jit3A = arith.constant 3 : i32
      %div3A = arith.divsi %scan3A_195, %jit3A : i32
      %sign3A = arith.constant 0 : i32
      %sign3A_197 = arith.cmpi sgt, %scan3A_195, %sign3A : i32
      %sign3A_198 = arith.extui %sign3A_197 : i1 to i32
      %sign3A_199 = arith.constant 0 : i32
      %sign3A_200 = arith.cmpi slt, %scan3A_195, %sign3A_199 : i32
      %sign3A_201 = arith.extui %sign3A_200 : i1 to i32
      %sign3A_202 = arith.subi %sign3A_198, %sign3A_201 : i32
      %sign3A_203 = arith.constant 0 : i32
      %sign3A_204 = arith.cmpi sgt, %jit3A, %sign3A_203 : i32
      %sign3A_205 = arith.extui %sign3A_204 : i1 to i32
      %sign3A_206 = arith.constant 0 : i32
      %sign3A_207 = arith.cmpi slt, %jit3A, %sign3A_206 : i32
      %sign3A_208 = arith.extui %sign3A_207 : i1 to i32
      %sign3A_209 = arith.subi %sign3A_205, %sign3A_208 : i32
      %ne3A = arith.cmpi ne, %sign3A_202, %sign3A_209 : i32
      %rem3A = arith.remsi %scan3A_195, %jit3A : i32
      %ne3A_210 = arith.constant 0 : i32
      %ne3A_211 = arith.cmpi ne, %rem3A, %ne3A_210 : i32
      %and3A = arith.andi %ne3A, %ne3A_211 : i1
      %sub3A = arith.constant 1 : i32
      %sub3A_212 = arith.subi %div3A, %sub3A : i32
      %select_n3A = arith.select %and3A, %sub3A_212, %div3A : i32
      %mul3A_213 = arith.constant 3 : i32
      %mul3A_214 = arith.muli %select_n3A, %mul3A_213 : i32
      %sub3A_215 = arith.subi %scan3A_195, %mul3A_214 : i32
      %mul3A_216 = arith.constant 16 : i32
      %mul3A_217 = arith.muli %scan3A_195, %mul3A_216 : i32
      %broadcast_in_dim3A = arith.constant 0.000000e+00 : f32
      %broadcast_in_dim3A_218 = vector.broadcast %broadcast_in_dim3A : f32 to vector<16xf32>
      %broadcast_in_dim3A_219 = arith.constant 0.000000e+00 : f32
      %broadcast_in_dim3A_220 = vector.broadcast %broadcast_in_dim3A_219 : f32 to vector<16xf32>
      %broadcast_in_dim3A_221 = arith.constant 0.000000e+00 : f32
      %broadcast_in_dim3A_222 = vector.broadcast %broadcast_in_dim3A_221 : f32 to vector<16xf32>
      %broadcast_in_dim3A_223 = arith.constant 0.000000e+00 : f32
      %broadcast_in_dim3A_224 = vector.broadcast %broadcast_in_dim3A_223 : f32 to vector<16xf32>
      %broadcast_in_dim3A_225 = arith.constant 0.000000e+00 : f32
      %broadcast_in_dim3A_226 = vector.broadcast %broadcast_in_dim3A_225 : f32 to vector<16xf32>
      %broadcast_in_dim3A_227 = arith.constant 0.000000e+00 : f32
      %broadcast_in_dim3A_228 = vector.broadcast %broadcast_in_dim3A_227 : f32 to vector<16xf32>
      %broadcast_in_dim3A_229 = arith.constant 0.000000e+00 : f32
      %broadcast_in_dim3A_230 = vector.broadcast %broadcast_in_dim3A_229 : f32 to vector<16xf32>
      %broadcast_in_dim3A_231 = arith.constant 0.000000e+00 : f32
      %broadcast_in_dim3A_232 = vector.broadcast %broadcast_in_dim3A_231 : f32 to vector<16xf32>
      %scan3A_233 = arith.constant 0 : i32
      %scan3A_234 = arith.constant 4 : i32
      %scan3A_235 = arith.addi %scan3A_233, %scan3A_234 : i32
      %scan3A_236 = arith.constant 1 : i32
      %scan3A_237:8 = scf.for %scan3A_268 = %scan3A_233 to %scan3A_235 step %scan3A_236 iter_args(%scan3A_269 = %broadcast_in_dim3A_218, %scan3A_270 = %broadcast_in_dim3A_220, %scan3A_271 = %broadcast_in_dim3A_222, %scan3A_272 = %broadcast_in_dim3A_224, %scan3A_273 = %broadcast_in_dim3A_226, %scan3A_274 = %broadcast_in_dim3A_228, %scan3A_275 = %broadcast_in_dim3A_230, %scan3A_276 = %broadcast_in_dim3A_232) -> (vector<16xf32>, vector<16xf32>, vector<16xf32>, vector<16xf32>, vector<16xf32>, vector<16xf32>, vector<16xf32>, vector<16xf32>)  : i32 {
        %mul3A_277 = arith.constant 4 : i32
        %mul3A_278 = arith.muli %scan3A_268, %mul3A_277 : i32
        %add3A_279 = arith.addi %mul3A_217, %mul3A_278 : i32
        %add3A_280 = arith.constant 0 : i32
        %add3A_281 = arith.addi %add3A_279, %add3A_280 : i32
        %get3A = arith.index_cast %add3A_281 : i32 to index
        %get3A_282 = arith.constant 0 : index
        %get3A_283 = tpu.vector_load %arg8[%get3A, %get3A_282] {strides = array<i32>} : memref<192x64xi32, #tpu.memory_space<vmem>>, vector<16xi32>,
        %bitcast3A = vector.bitcast %get3A_283 : vector<16xi32> to vector<32xbf16>
        %unpack3A = tpu.unpack_subelements %bitcast3A, 0 {pack_format = #tpu.pack_format<interleaved>} : vector<32xbf16> -> vector<16xf32>
        %unpack3A_284 = tpu.unpack_subelements %bitcast3A, 1 {pack_format = #tpu.pack_format<interleaved>} : vector<32xbf16> -> vector<16xf32>
        %add3A_285 = arith.addf %scan3A_269, %unpack3A : vector<16xf32>
        %add3A_286 = arith.addf %scan3A_270, %unpack3A_284 : vector<16xf32>
        %get3A_287 = arith.index_cast %add3A_281 : i32 to index
        %get3A_288 = arith.constant 16 : index
        %get3A_289 = tpu.vector_load %arg8[%get3A_287, %get3A_288] {strides = array<i32>} : memref<192x64xi32, #tpu.memory_space<vmem>>, vector<16xi32>,
        %bitcast3A_290 = vector.bitcast %get3A_289 : vector<16xi32> to vector<32xbf16>
        %unpack3A_291 = tpu.unpack_subelements %bitcast3A_290, 0 {pack_format = #tpu.pack_format<interleaved>} : vector<32xbf16> -> vector<16xf32>
        %unpack3A_292 = tpu.unpack_subelements %bitcast3A_290, 1 {pack_format = #tpu.pack_format<interleaved>} : vector<32xbf16> -> vector<16xf32>
        %add3A_293 = arith.addf %scan3A_271, %unpack3A_291 : vector<16xf32>
        %add3A_294 = arith.addf %scan3A_272, %unpack3A_292 : vector<16xf32>
        %get3A_295 = arith.index_cast %add3A_281 : i32 to index
        %get3A_296 = arith.constant 32 : index
        %get3A_297 = tpu.vector_load %arg8[%get3A_295, %get3A_296] {strides = array<i32>} : memref<192x64xi32, #tpu.memory_space<vmem>>, vector<16xi32>,
        %bitcast3A_298 = vector.bitcast %get3A_297 : vector<16xi32> to vector<32xbf16>
        %unpack3A_299 = tpu.unpack_subelements %bitcast3A_298, 0 {pack_format = #tpu.pack_format<interleaved>} : vector<32xbf16> -> vector<16xf32>
        %unpack3A_300 = tpu.unpack_subelements %bitcast3A_298, 1 {pack_format = #tpu.pack_format<interleaved>} : vector<32xbf16> -> vector<16xf32>
        %add3A_301 = arith.addf %scan3A_273, %unpack3A_299 : vector<16xf32>
        %add3A_302 = arith.addf %scan3A_274, %unpack3A_300 : vector<16xf32>
        %get3A_303 = arith.index_cast %add3A_281 : i32 to index
        %get3A_304 = arith.constant 48 : index
        %get3A_305 = tpu.vector_load %arg8[%get3A_303, %get3A_304] {strides = array<i32>} : memref<192x64xi32, #tpu.memory_space<vmem>>, vector<16xi32>,
        %bitcast3A_306 = vector.bitcast %get3A_305 : vector<16xi32> to vector<32xbf16>
        %unpack3A_307 = tpu.unpack_subelements %bitcast3A_306, 0 {pack_format = #tpu.pack_format<interleaved>} : vector<32xbf16> -> vector<16xf32>
        %unpack3A_308 = tpu.unpack_subelements %bitcast3A_306, 1 {pack_format = #tpu.pack_format<interleaved>} : vector<32xbf16> -> vector<16xf32>
        %add3A_309 = arith.addf %scan3A_275, %unpack3A_307 : vector<16xf32>
        %add3A_310 = arith.addf %scan3A_276, %unpack3A_308 : vector<16xf32>
        %mul3A_311 = arith.constant 4 : i32
        %mul3A_312 = arith.muli %scan3A_268, %mul3A_311 : i32
        %add3A_313 = arith.addi %mul3A_217, %mul3A_312 : i32
        %add3A_314 = arith.constant 1 : i32
        %add3A_315 = arith.addi %add3A_313, %add3A_314 : i32
        %get3A_316 = arith.index_cast %add3A_315 : i32 to index
        %get3A_317 = arith.constant 0 : index
        %get3A_318 = tpu.vector_load %arg8[%get3A_316, %get3A_317] {strides = array<i32>} : memref<192x64xi32, #tpu.memory_space<vmem>>, vector<16xi32>,
        %bitcast3A_319 = vector.bitcast %get3A_318 : vector<16xi32> to vector<32xbf16>
        %unpack3A_320 = tpu.unpack_subelements %bitcast3A_319, 0 {pack_format = #tpu.pack_format<interleaved>} : vector<32xbf16> -> vector<16xf32>
        %unpack3A_321 = tpu.unpack_subelements %bitcast3A_319, 1 {pack_format = #tpu.pack_format<interleaved>} : vector<32xbf16> -> vector<16xf32>
        %add3A_322 = arith.addf %add3A_285, %unpack3A_320 : vector<16xf32>
        %add3A_323 = arith.addf %add3A_286, %unpack3A_321 : vector<16xf32>
        %get3A_324 = arith.index_cast %add3A_315 : i32 to index
        %get3A_325 = arith.constant 16 : index
        %get3A_326 = tpu.vector_load %arg8[%get3A_324, %get3A_325] {strides = array<i32>} : memref<192x64xi32, #tpu.memory_space<vmem>>, vector<16xi32>,
        %bitcast3A_327 = vector.bitcast %get3A_326 : vector<16xi32> to vector<32xbf16>
        %unpack3A_328 = tpu.unpack_subelements %bitcast3A_327, 0 {pack_format = #tpu.pack_format<interleaved>} : vector<32xbf16> -> vector<16xf32>
        %unpack3A_329 = tpu.unpack_subelements %bitcast3A_327, 1 {pack_format = #tpu.pack_format<interleaved>} : vector<32xbf16> -> vector<16xf32>
        %add3A_330 = arith.addf %add3A_293, %unpack3A_328 : vector<16xf32>
        %add3A_331 = arith.addf %add3A_294, %unpack3A_329 : vector<16xf32>
        %get3A_332 = arith.index_cast %add3A_315 : i32 to index
        %get3A_333 = arith.constant 32 : index
        %get3A_334 = tpu.vector_load %arg8[%get3A_332, %get3A_333] {strides = array<i32>} : memref<192x64xi32, #tpu.memory_space<vmem>>, vector<16xi32>,
        %bitcast3A_335 = vector.bitcast %get3A_334 : vector<16xi32> to vector<32xbf16>
        %unpack3A_336 = tpu.unpack_subelements %bitcast3A_335, 0 {pack_format = #tpu.pack_format<interleaved>} : vector<32xbf16> -> vector<16xf32>
        %unpack3A_337 = tpu.unpack_subelements %bitcast3A_335, 1 {pack_format = #tpu.pack_format<interleaved>} : vector<32xbf16> -> vector<16xf32>
        %add3A_338 = arith.addf %add3A_301, %unpack3A_336 : vector<16xf32>
        %add3A_339 = arith.addf %add3A_302, %unpack3A_337 : vector<16xf32>
        %get3A_340 = arith.index_cast %add3A_315 : i32 to index
        %get3A_341 = arith.constant 48 : index
        %get3A_342 = tpu.vector_load %arg8[%get3A_340, %get3A_341] {strides = array<i32>} : memref<192x64xi32, #tpu.memory_space<vmem>>, vector<16xi32>,
        %bitcast3A_343 = vector.bitcast %get3A_342 : vector<16xi32> to vector<32xbf16>
        %unpack3A_344 = tpu.unpack_subelements %bitcast3A_343, 0 {pack_format = #tpu.pack_format<interleaved>} : vector<32xbf16> -> vector<16xf32>
        %unpack3A_345 = tpu.unpack_subelements %bitcast3A_343, 1 {pack_format = #tpu.pack_format<interleaved>} : vector<32xbf16> -> vector<16xf32>
        %add3A_346 = arith.addf %add3A_309, %unpack3A_344 : vector<16xf32>
        %add3A_347 = arith.addf %add3A_310, %unpack3A_345 : vector<16xf32>
        %mul3A_348 = arith.constant 4 : i32
        %mul3A_349 = arith.muli %scan3A_268, %mul3A_348 : i32
        %add3A_350 = arith.addi %mul3A_217, %mul3A_349 : i32
        %add3A_351 = arith.constant 2 : i32
        %add3A_352 = arith.addi %add3A_350, %add3A_351 : i32
        %get3A_353 = arith.index_cast %add3A_352 : i32 to index
        %get3A_354 = arith.constant 0 : index
        %get3A_355 = tpu.vector_load %arg8[%get3A_353, %get3A_354] {strides = array<i32>} : memref<192x64xi32, #tpu.memory_space<vmem>>, vector<16xi32>,
        %bitcast3A_356 = vector.bitcast %get3A_355 : vector<16xi32> to vector<32xbf16>
        %unpack3A_357 = tpu.unpack_subelements %bitcast3A_356, 0 {pack_format = #tpu.pack_format<interleaved>} : vector<32xbf16> -> vector<16xf32>
        %unpack3A_358 = tpu.unpack_subelements %bitcast3A_356, 1 {pack_format = #tpu.pack_format<interleaved>} : vector<32xbf16> -> vector<16xf32>
        %add3A_359 = arith.addf %add3A_322, %unpack3A_357 : vector<16xf32>
        %add3A_360 = arith.addf %add3A_323, %unpack3A_358 : vector<16xf32>
        %get3A_361 = arith.index_cast %add3A_352 : i32 to index
        %get3A_362 = arith.constant 16 : index
        %get3A_363 = tpu.vector_load %arg8[%get3A_361, %get3A_362] {strides = array<i32>} : memref<192x64xi32, #tpu.memory_space<vmem>>, vector<16xi32>,
        %bitcast3A_364 = vector.bitcast %get3A_363 : vector<16xi32> to vector<32xbf16>
        %unpack3A_365 = tpu.unpack_subelements %bitcast3A_364, 0 {pack_format = #tpu.pack_format<interleaved>} : vector<32xbf16> -> vector<16xf32>
        %unpack3A_366 = tpu.unpack_subelements %bitcast3A_364, 1 {pack_format = #tpu.pack_format<interleaved>} : vector<32xbf16> -> vector<16xf32>
        %add3A_367 = arith.addf %add3A_330, %unpack3A_365 : vector<16xf32>
        %add3A_368 = arith.addf %add3A_331, %unpack3A_366 : vector<16xf32>
        %get3A_369 = arith.index_cast %add3A_352 : i32 to index
        %get3A_370 = arith.constant 32 : index
        %get3A_371 = tpu.vector_load %arg8[%get3A_369, %get3A_370] {strides = array<i32>} : memref<192x64xi32, #tpu.memory_space<vmem>>, vector<16xi32>,
        %bitcast3A_372 = vector.bitcast %get3A_371 : vector<16xi32> to vector<32xbf16>
        %unpack3A_373 = tpu.unpack_subelements %bitcast3A_372, 0 {pack_format = #tpu.pack_format<interleaved>} : vector<32xbf16> -> vector<16xf32>
        %unpack3A_374 = tpu.unpack_subelements %bitcast3A_372, 1 {pack_format = #tpu.pack_format<interleaved>} : vector<32xbf16> -> vector<16xf32>
        %add3A_375 = arith.addf %add3A_338, %unpack3A_373 : vector<16xf32>
        %add3A_376 = arith.addf %add3A_339, %unpack3A_374 : vector<16xf32>
        %get3A_377 = arith.index_cast %add3A_352 : i32 to index
        %get3A_378 = arith.constant 48 : index
        %get3A_379 = tpu.vector_load %arg8[%get3A_377, %get3A_378] {strides = array<i32>} : memref<192x64xi32, #tpu.memory_space<vmem>>, vector<16xi32>,
        %bitcast3A_380 = vector.bitcast %get3A_379 : vector<16xi32> to vector<32xbf16>
        %unpack3A_381 = tpu.unpack_subelements %bitcast3A_380, 0 {pack_format = #tpu.pack_format<interleaved>} : vector<32xbf16> -> vector<16xf32>
        %unpack3A_382 = tpu.unpack_subelements %bitcast3A_380, 1 {pack_format = #tpu.pack_format<interleaved>} : vector<32xbf16> -> vector<16xf32>
        %add3A_383 = arith.addf %add3A_346, %unpack3A_381 : vector<16xf32>
        %add3A_384 = arith.addf %add3A_347, %unpack3A_382 : vector<16xf32>
        %mul3A_385 = arith.constant 4 : i32
        %mul3A_386 = arith.muli %scan3A_268, %mul3A_385 : i32
        %add3A_387 = arith.addi %mul3A_217, %mul3A_386 : i32
        %add3A_388 = arith.constant 3 : i32
        %add3A_389 = arith.addi %add3A_387, %add3A_388 : i32
        %get3A_390 = arith.index_cast %add3A_389 : i32 to index
        %get3A_391 = arith.constant 0 : index
        %get3A_392 = tpu.vector_load %arg8[%get3A_390, %get3A_391] {strides = array<i32>} : memref<192x64xi32, #tpu.memory_space<vmem>>, vector<16xi32>,
        %bitcast3A_393 = vector.bitcast %get3A_392 : vector<16xi32> to vector<32xbf16>
        %unpack3A_394 = tpu.unpack_subelements %bitcast3A_393, 0 {pack_format = #tpu.pack_format<interleaved>} : vector<32xbf16> -> vector<16xf32>
        %unpack3A_395 = tpu.unpack_subelements %bitcast3A_393, 1 {pack_format = #tpu.pack_format<interleaved>} : vector<32xbf16> -> vector<16xf32>
        %add3A_396 = arith.addf %add3A_359, %unpack3A_394 : vector<16xf32>
        %add3A_397 = arith.addf %add3A_360, %unpack3A_395 : vector<16xf32>
        %get3A_398 = arith.index_cast %add3A_389 : i32 to index
        %get3A_399 = arith.constant 16 : index
        %get3A_400 = tpu.vector_load %arg8[%get3A_398, %get3A_399] {strides = array<i32>} : memref<192x64xi32, #tpu.memory_space<vmem>>, vector<16xi32>,
        %bitcast3A_401 = vector.bitcast %get3A_400 : vector<16xi32> to vector<32xbf16>
        %unpack3A_402 = tpu.unpack_subelements %bitcast3A_401, 0 {pack_format = #tpu.pack_format<interleaved>} : vector<32xbf16> -> vector<16xf32>
        %unpack3A_403 = tpu.unpack_subelements %bitcast3A_401, 1 {pack_format = #tpu.pack_format<interleaved>} : vector<32xbf16> -> vector<16xf32>
        %add3A_404 = arith.addf %add3A_367, %unpack3A_402 : vector<16xf32>
        %add3A_405 = arith.addf %add3A_368, %unpack3A_403 : vector<16xf32>
        %get3A_406 = arith.index_cast %add3A_389 : i32 to index
        %get3A_407 = arith.constant 32 : index
        %get3A_408 = tpu.vector_load %arg8[%get3A_406, %get3A_407] {strides = array<i32>} : memref<192x64xi32, #tpu.memory_space<vmem>>, vector<16xi32>,
        %bitcast3A_409 = vector.bitcast %get3A_408 : vector<16xi32> to vector<32xbf16>
        %unpack3A_410 = tpu.unpack_subelements %bitcast3A_409, 0 {pack_format = #tpu.pack_format<interleaved>} : vector<32xbf16> -> vector<16xf32>
        %unpack3A_411 = tpu.unpack_subelements %bitcast3A_409, 1 {pack_format = #tpu.pack_format<interleaved>} : vector<32xbf16> -> vector<16xf32>
        %add3A_412 = arith.addf %add3A_375, %unpack3A_410 : vector<16xf32>
        %add3A_413 = arith.addf %add3A_376, %unpack3A_411 : vector<16xf32>
        %get3A_414 = arith.index_cast %add3A_389 : i32 to index
        %get3A_415 = arith.constant 48 : index
        %get3A_416 = tpu.vector_load %arg8[%get3A_414, %get3A_415] {strides = array<i32>} : memref<192x64xi32, #tpu.memory_space<vmem>>, vector<16xi32>,
        %bitcast3A_417 = vector.bitcast %get3A_416 : vector<16xi32> to vector<32xbf16>
        %unpack3A_418 = tpu.unpack_subelements %bitcast3A_417, 0 {pack_format = #tpu.pack_format<interleaved>} : vector<32xbf16> -> vector<16xf32>
        %unpack3A_419 = tpu.unpack_subelements %bitcast3A_417, 1 {pack_format = #tpu.pack_format<interleaved>} : vector<32xbf16> -> vector<16xf32>
        %add3A_420 = arith.addf %add3A_383, %unpack3A_418 : vector<16xf32>
        %add3A_421 = arith.addf %add3A_384, %unpack3A_419 : vector<16xf32>
        scf.yield %add3A_396, %add3A_397, %add3A_404, %add3A_405, %add3A_412, %add3A_413, %add3A_420, %add3A_421 : vector<16xf32>, vector<16xf32>, vector<16xf32>, vector<16xf32>, vector<16xf32>, vector<16xf32>, vector<16xf32>, vector<16xf32>
      }
      %scan3A_238 = arith.constant 4 : i32
      %mul3A_239 = arith.constant 32 : i32
      %mul3A_240 = arith.muli %sub3A_215, %mul3A_239 : i32
      %add3A_241 = arith.constant 16 : i32
      %add3A_242 = arith.addi %mul3A_240, %add3A_241 : i32
      %add3A_243 = arith.addi %add3A_242, %select_n3A : i32
      %swap3A = arith.index_cast %add3A_243 : i32 to index
      %swap3A_244 = arith.constant 0 : index
      %swap3A_245 = tpu.vector_load %arg13[%swap3A, %swap3A_244] {strides = array<i32>} : memref<96x128xf32, #tpu.memory_space<vmem>>, vector<16xf32>,
      tpu.vector_store %arg13[%swap3A, %swap3A_244], %scan3A_237#0 {strides = array<i32>} : memref<96x128xf32, #tpu.memory_space<vmem>>, vector<16xf32>,
      %swap3A_246 = arith.index_cast %add3A_243 : i32 to index
      %swap3A_247 = arith.constant 16 : index
      %swap3A_248 = tpu.vector_load %arg13[%swap3A_246, %swap3A_247] {strides = array<i32>} : memref<96x128xf32, #tpu.memory_space<vmem>>, vector<16xf32>,
      tpu.vector_store %arg13[%swap3A_246, %swap3A_247], %scan3A_237#1 {strides = array<i32>} : memref<96x128xf32, #tpu.memory_space<vmem>>, vector<16xf32>,
      %swap3A_249 = arith.index_cast %add3A_243 : i32 to index
      %swap3A_250 = arith.constant 32 : index
      %swap3A_251 = tpu.vector_load %arg13[%swap3A_249, %swap3A_250] {strides = array<i32>} : memref<96x128xf32, #tpu.memory_space<vmem>>, vector<16xf32>,
      tpu.vector_store %arg13[%swap3A_249, %swap3A_250], %scan3A_237#2 {strides = array<i32>} : memref<96x128xf32, #tpu.memory_space<vmem>>, vector<16xf32>,
      %swap3A_252 = arith.index_cast %add3A_243 : i32 to index
      %swap3A_253 = arith.constant 48 : index
      %swap3A_254 = tpu.vector_load %arg13[%swap3A_252, %swap3A_253] {strides = array<i32>} : memref<96x128xf32, #tpu.memory_space<vmem>>, vector<16xf32>,
      tpu.vector_store %arg13[%swap3A_252, %swap3A_253], %scan3A_237#3 {strides = array<i32>} : memref<96x128xf32, #tpu.memory_space<vmem>>, vector<16xf32>,
      %swap3A_255 = arith.index_cast %add3A_243 : i32 to index
      %swap3A_256 = arith.constant 64 : index
      %swap3A_257 = tpu.vector_load %arg13[%swap3A_255, %swap3A_256] {strides = array<i32>} : memref<96x128xf32, #tpu.memory_space<vmem>>, vector<16xf32>,
      tpu.vector_store %arg13[%swap3A_255, %swap3A_256], %scan3A_237#4 {strides = array<i32>} : memref<96x128xf32, #tpu.memory_space<vmem>>, vector<16xf32>,
      %swap3A_258 = arith.index_cast %add3A_243 : i32 to index
      %swap3A_259 = arith.constant 80 : index
      %swap3A_260 = tpu.vector_load %arg13[%swap3A_258, %swap3A_259] {strides = array<i32>} : memref<96x128xf32, #tpu.memory_space<vmem>>, vector<16xf32>,
      tpu.vector_store %arg13[%swap3A_258, %swap3A_259], %scan3A_237#5 {strides = array<i32>} : memref<96x128xf32, #tpu.memory_space<vmem>>, vector<16xf32>,
      %swap3A_261 = arith.index_cast %add3A_243 : i32 to index
      %swap3A_262 = arith.constant 96 : index
      %swap3A_263 = tpu.vector_load %arg13[%swap3A_261, %swap3A_262] {strides = array<i32>} : memref<96x128xf32, #tpu.memory_space<vmem>>, vector<16xf32>,
      tpu.vector_store %arg13[%swap3A_261, %swap3A_262], %scan3A_237#6 {strides = array<i32>} : memref<96x128xf32, #tpu.memory_space<vmem>>, vector<16xf32>,
      %swap3A_264 = arith.index_cast %add3A_243 : i32 to index
      %swap3A_265 = arith.constant 112 : index
      %swap3A_266 = tpu.vector_load %arg13[%swap3A_264, %swap3A_265] {strides = array<i32>} : memref<96x128xf32, #tpu.memory_space<vmem>>, vector<16xf32>,
      tpu.vector_store %arg13[%swap3A_264, %swap3A_265], %scan3A_237#7 {strides = array<i32>} : memref<96x128xf32, #tpu.memory_space<vmem>>, vector<16xf32>,
      %scan3A_267 = arith.constant 0 : i32
      scf.yield %scan3A_267 : i32
    }
    %scan3A_111 = arith.constant 12 : i32
    %dma_start3A_112 = arith.constant 1152 : i32
    %dma_start3A_113 = tpu.memref_slice %arg7[%dma_start3A_112] : memref<1536xi32, #tpu.memory_space<vmem>> -> memref<192xi32, #tpu.memory_space<vmem>>
    %dma_start3A_114 = arith.constant 0 : i32
    %dma_start3A_115 = arith.constant 0 : i32
    %dma_start3A_116 = tpu.memref_slice %arg2[%dma_start3A_114, %dma_start3A_115] : memref<1024x64xi32, #tpu.memory_space<hbm>> -> memref<1024x64xi32, #tpu.memory_space<hbm>>
    tpu.enqueue_indirect_dma source(%dma_start3A_116 : memref<1024x64xi32, #tpu.memory_space<hbm>>) target(%arg8 : memref<192x64xi32, #tpu.memory_space<vmem>>) offsets(%dma_start3A_113 : memref<192xi32, #tpu.memory_space<vmem>>) semaphore(%arg14 : memref<!tpu.dma_semaphore, #tpu.memory_space<semaphore_mem>>)
    %dma_wait3A_117 = arith.constant 960 : i32
    %dma_wait3A_118 = tpu.memref_slice %arg7[%dma_wait3A_117] : memref<1536xi32, #tpu.memory_space<vmem>> -> memref<192xi32, #tpu.memory_space<vmem>>
    %dma_wait3A_119 = arith.constant 0 : i32
    %dma_wait3A_120 = arith.constant 0 : i32
    %dma_wait3A_121 = tpu.memref_slice %arg2[%dma_wait3A_119, %dma_wait3A_120] : memref<1024x64xi32, #tpu.memory_space<hbm>> -> memref<1024x64xi32, #tpu.memory_space<hbm>>
    tpu.wait_indirect_dma semaphore(%arg15 : memref<!tpu.dma_semaphore, #tpu.memory_space<semaphore_mem>>) src(%dma_wait3A_121 : memref<1024x64xi32, #tpu.memory_space<hbm>>) dst(%arg9 : memref<192x64xi32, #tpu.memory_space<vmem>>)
    %scan3A_122 = arith.constant 0 : i32
    %scan3A_123 = arith.constant 0 : i32
    %scan3A_124 = arith.constant 12 : i32
    %scan3A_125 = arith.addi %scan3A_123, %scan3A_124 : i32
    %scan3A_126 = arith.constant 1 : i32
    %scan3A_127 = scf.for %scan3A_195 = %scan3A_123 to %scan3A_125 step %scan3A_126 iter_args(%scan3A_196 = %scan3A_122) -> (i32)  : i32 {
      %jit3A = arith.constant 3 : i32
      %div3A = arith.divsi %scan3A_195, %jit3A : i32
      %sign3A = arith.constant 0 : i32
      %sign3A_197 = arith.cmpi sgt, %scan3A_195, %sign3A : i32
      %sign3A_198 = arith.extui %sign3A_197 : i1 to i32
      %sign3A_199 = arith.constant 0 : i32
      %sign3A_200 = arith.cmpi slt, %scan3A_195, %sign3A_199 : i32
      %sign3A_201 = arith.extui %sign3A_200 : i1 to i32
      %sign3A_202 = arith.subi %sign3A_198, %sign3A_201 : i32
      %sign3A_203 = arith.constant 0 : i32
      %sign3A_204 = arith.cmpi sgt, %jit3A, %sign3A_203 : i32
      %sign3A_205 = arith.extui %sign3A_204 : i1 to i32
      %sign3A_206 = arith.constant 0 : i32
      %sign3A_207 = arith.cmpi slt, %jit3A, %sign3A_206 : i32
      %sign3A_208 = arith.extui %sign3A_207 : i1 to i32
      %sign3A_209 = arith.subi %sign3A_205, %sign3A_208 : i32
      %ne3A = arith.cmpi ne, %sign3A_202, %sign3A_209 : i32
      %rem3A = arith.remsi %scan3A_195, %jit3A : i32
      %ne3A_210 = arith.constant 0 : i32
      %ne3A_211 = arith.cmpi ne, %rem3A, %ne3A_210 : i32
      %and3A = arith.andi %ne3A, %ne3A_211 : i1
      %sub3A = arith.constant 1 : i32
      %sub3A_212 = arith.subi %div3A, %sub3A : i32
      %select_n3A = arith.select %and3A, %sub3A_212, %div3A : i32
      %mul3A_213 = arith.constant 3 : i32
      %mul3A_214 = arith.muli %select_n3A, %mul3A_213 : i32
      %sub3A_215 = arith.subi %scan3A_195, %mul3A_214 : i32
      %mul3A_216 = arith.constant 16 : i32
      %mul3A_217 = arith.muli %scan3A_195, %mul3A_216 : i32
      %broadcast_in_dim3A = arith.constant 0.000000e+00 : f32
      %broadcast_in_dim3A_218 = vector.broadcast %broadcast_in_dim3A : f32 to vector<16xf32>
      %broadcast_in_dim3A_219 = arith.constant 0.000000e+00 : f32
      %broadcast_in_dim3A_220 = vector.broadcast %broadcast_in_dim3A_219 : f32 to vector<16xf32>
      %broadcast_in_dim3A_221 = arith.constant 0.000000e+00 : f32
      %broadcast_in_dim3A_222 = vector.broadcast %broadcast_in_dim3A_221 : f32 to vector<16xf32>
      %broadcast_in_dim3A_223 = arith.constant 0.000000e+00 : f32
      %broadcast_in_dim3A_224 = vector.broadcast %broadcast_in_dim3A_223 : f32 to vector<16xf32>
      %broadcast_in_dim3A_225 = arith.constant 0.000000e+00 : f32
      %broadcast_in_dim3A_226 = vector.broadcast %broadcast_in_dim3A_225 : f32 to vector<16xf32>
      %broadcast_in_dim3A_227 = arith.constant 0.000000e+00 : f32
      %broadcast_in_dim3A_228 = vector.broadcast %broadcast_in_dim3A_227 : f32 to vector<16xf32>
      %broadcast_in_dim3A_229 = arith.constant 0.000000e+00 : f32
      %broadcast_in_dim3A_230 = vector.broadcast %broadcast_in_dim3A_229 : f32 to vector<16xf32>
      %broadcast_in_dim3A_231 = arith.constant 0.000000e+00 : f32
      %broadcast_in_dim3A_232 = vector.broadcast %broadcast_in_dim3A_231 : f32 to vector<16xf32>
      %scan3A_233 = arith.constant 0 : i32
      %scan3A_234 = arith.constant 4 : i32
      %scan3A_235 = arith.addi %scan3A_233, %scan3A_234 : i32
      %scan3A_236 = arith.constant 1 : i32
      %scan3A_237:8 = scf.for %scan3A_268 = %scan3A_233 to %scan3A_235 step %scan3A_236 iter_args(%scan3A_269 = %broadcast_in_dim3A_218, %scan3A_270 = %broadcast_in_dim3A_220, %scan3A_271 = %broadcast_in_dim3A_222, %scan3A_272 = %broadcast_in_dim3A_224, %scan3A_273 = %broadcast_in_dim3A_226, %scan3A_274 = %broadcast_in_dim3A_228, %scan3A_275 = %broadcast_in_dim3A_230, %scan3A_276 = %broadcast_in_dim3A_232) -> (vector<16xf32>, vector<16xf32>, vector<16xf32>, vector<16xf32>, vector<16xf32>, vector<16xf32>, vector<16xf32>, vector<16xf32>)  : i32 {
        %mul3A_277 = arith.constant 4 : i32
        %mul3A_278 = arith.muli %scan3A_268, %mul3A_277 : i32
        %add3A_279 = arith.addi %mul3A_217, %mul3A_278 : i32
        %add3A_280 = arith.constant 0 : i32
        %add3A_281 = arith.addi %add3A_279, %add3A_280 : i32
        %get3A = arith.index_cast %add3A_281 : i32 to index
        %get3A_282 = arith.constant 0 : index
        %get3A_283 = tpu.vector_load %arg9[%get3A, %get3A_282] {strides = array<i32>} : memref<192x64xi32, #tpu.memory_space<vmem>>, vector<16xi32>,
        %bitcast3A = vector.bitcast %get3A_283 : vector<16xi32> to vector<32xbf16>
        %unpack3A = tpu.unpack_subelements %bitcast3A, 0 {pack_format = #tpu.pack_format<interleaved>} : vector<32xbf16> -> vector<16xf32>
        %unpack3A_284 = tpu.unpack_subelements %bitcast3A, 1 {pack_format = #tpu.pack_format<interleaved>} : vector<32xbf16> -> vector<16xf32>
        %add3A_285 = arith.addf %scan3A_269, %unpack3A : vector<16xf32>
        %add3A_286 = arith.addf %scan3A_270, %unpack3A_284 : vector<16xf32>
        %get3A_287 = arith.index_cast %add3A_281 : i32 to index
        %get3A_288 = arith.constant 16 : index
        %get3A_289 = tpu.vector_load %arg9[%get3A_287, %get3A_288] {strides = array<i32>} : memref<192x64xi32, #tpu.memory_space<vmem>>, vector<16xi32>,
        %bitcast3A_290 = vector.bitcast %get3A_289 : vector<16xi32> to vector<32xbf16>
        %unpack3A_291 = tpu.unpack_subelements %bitcast3A_290, 0 {pack_format = #tpu.pack_format<interleaved>} : vector<32xbf16> -> vector<16xf32>
        %unpack3A_292 = tpu.unpack_subelements %bitcast3A_290, 1 {pack_format = #tpu.pack_format<interleaved>} : vector<32xbf16> -> vector<16xf32>
        %add3A_293 = arith.addf %scan3A_271, %unpack3A_291 : vector<16xf32>
        %add3A_294 = arith.addf %scan3A_272, %unpack3A_292 : vector<16xf32>
        %get3A_295 = arith.index_cast %add3A_281 : i32 to index
        %get3A_296 = arith.constant 32 : index
        %get3A_297 = tpu.vector_load %arg9[%get3A_295, %get3A_296] {strides = array<i32>} : memref<192x64xi32, #tpu.memory_space<vmem>>, vector<16xi32>,
        %bitcast3A_298 = vector.bitcast %get3A_297 : vector<16xi32> to vector<32xbf16>
        %unpack3A_299 = tpu.unpack_subelements %bitcast3A_298, 0 {pack_format = #tpu.pack_format<interleaved>} : vector<32xbf16> -> vector<16xf32>
        %unpack3A_300 = tpu.unpack_subelements %bitcast3A_298, 1 {pack_format = #tpu.pack_format<interleaved>} : vector<32xbf16> -> vector<16xf32>
        %add3A_301 = arith.addf %scan3A_273, %unpack3A_299 : vector<16xf32>
        %add3A_302 = arith.addf %scan3A_274, %unpack3A_300 : vector<16xf32>
        %get3A_303 = arith.index_cast %add3A_281 : i32 to index
        %get3A_304 = arith.constant 48 : index
        %get3A_305 = tpu.vector_load %arg9[%get3A_303, %get3A_304] {strides = array<i32>} : memref<192x64xi32, #tpu.memory_space<vmem>>, vector<16xi32>,
        %bitcast3A_306 = vector.bitcast %get3A_305 : vector<16xi32> to vector<32xbf16>
        %unpack3A_307 = tpu.unpack_subelements %bitcast3A_306, 0 {pack_format = #tpu.pack_format<interleaved>} : vector<32xbf16> -> vector<16xf32>
        %unpack3A_308 = tpu.unpack_subelements %bitcast3A_306, 1 {pack_format = #tpu.pack_format<interleaved>} : vector<32xbf16> -> vector<16xf32>
        %add3A_309 = arith.addf %scan3A_275, %unpack3A_307 : vector<16xf32>
        %add3A_310 = arith.addf %scan3A_276, %unpack3A_308 : vector<16xf32>
        %mul3A_311 = arith.constant 4 : i32
        %mul3A_312 = arith.muli %scan3A_268, %mul3A_311 : i32
        %add3A_313 = arith.addi %mul3A_217, %mul3A_312 : i32
        %add3A_314 = arith.constant 1 : i32
        %add3A_315 = arith.addi %add3A_313, %add3A_314 : i32
        %get3A_316 = arith.index_cast %add3A_315 : i32 to index
        %get3A_317 = arith.constant 0 : index
        %get3A_318 = tpu.vector_load %arg9[%get3A_316, %get3A_317] {strides = array<i32>} : memref<192x64xi32, #tpu.memory_space<vmem>>, vector<16xi32>,
        %bitcast3A_319 = vector.bitcast %get3A_318 : vector<16xi32> to vector<32xbf16>
        %unpack3A_320 = tpu.unpack_subelements %bitcast3A_319, 0 {pack_format = #tpu.pack_format<interleaved>} : vector<32xbf16> -> vector<16xf32>
        %unpack3A_321 = tpu.unpack_subelements %bitcast3A_319, 1 {pack_format = #tpu.pack_format<interleaved>} : vector<32xbf16> -> vector<16xf32>
        %add3A_322 = arith.addf %add3A_285, %unpack3A_320 : vector<16xf32>
        %add3A_323 = arith.addf %add3A_286, %unpack3A_321 : vector<16xf32>
        %get3A_324 = arith.index_cast %add3A_315 : i32 to index
        %get3A_325 = arith.constant 16 : index
        %get3A_326 = tpu.vector_load %arg9[%get3A_324, %get3A_325] {strides = array<i32>} : memref<192x64xi32, #tpu.memory_space<vmem>>, vector<16xi32>,
        %bitcast3A_327 = vector.bitcast %get3A_326 : vector<16xi32> to vector<32xbf16>
        %unpack3A_328 = tpu.unpack_subelements %bitcast3A_327, 0 {pack_format = #tpu.pack_format<interleaved>} : vector<32xbf16> -> vector<16xf32>
        %unpack3A_329 = tpu.unpack_subelements %bitcast3A_327, 1 {pack_format = #tpu.pack_format<interleaved>} : vector<32xbf16> -> vector<16xf32>
        %add3A_330 = arith.addf %add3A_293, %unpack3A_328 : vector<16xf32>
        %add3A_331 = arith.addf %add3A_294, %unpack3A_329 : vector<16xf32>
        %get3A_332 = arith.index_cast %add3A_315 : i32 to index
        %get3A_333 = arith.constant 32 : index
        %get3A_334 = tpu.vector_load %arg9[%get3A_332, %get3A_333] {strides = array<i32>} : memref<192x64xi32, #tpu.memory_space<vmem>>, vector<16xi32>,
        %bitcast3A_335 = vector.bitcast %get3A_334 : vector<16xi32> to vector<32xbf16>
        %unpack3A_336 = tpu.unpack_subelements %bitcast3A_335, 0 {pack_format = #tpu.pack_format<interleaved>} : vector<32xbf16> -> vector<16xf32>
        %unpack3A_337 = tpu.unpack_subelements %bitcast3A_335, 1 {pack_format = #tpu.pack_format<interleaved>} : vector<32xbf16> -> vector<16xf32>
        %add3A_338 = arith.addf %add3A_301, %unpack3A_336 : vector<16xf32>
        %add3A_339 = arith.addf %add3A_302, %unpack3A_337 : vector<16xf32>
        %get3A_340 = arith.index_cast %add3A_315 : i32 to index
        %get3A_341 = arith.constant 48 : index
        %get3A_342 = tpu.vector_load %arg9[%get3A_340, %get3A_341] {strides = array<i32>} : memref<192x64xi32, #tpu.memory_space<vmem>>, vector<16xi32>,
        %bitcast3A_343 = vector.bitcast %get3A_342 : vector<16xi32> to vector<32xbf16>
        %unpack3A_344 = tpu.unpack_subelements %bitcast3A_343, 0 {pack_format = #tpu.pack_format<interleaved>} : vector<32xbf16> -> vector<16xf32>
        %unpack3A_345 = tpu.unpack_subelements %bitcast3A_343, 1 {pack_format = #tpu.pack_format<interleaved>} : vector<32xbf16> -> vector<16xf32>
        %add3A_346 = arith.addf %add3A_309, %unpack3A_344 : vector<16xf32>
        %add3A_347 = arith.addf %add3A_310, %unpack3A_345 : vector<16xf32>
        %mul3A_348 = arith.constant 4 : i32
        %mul3A_349 = arith.muli %scan3A_268, %mul3A_348 : i32
        %add3A_350 = arith.addi %mul3A_217, %mul3A_349 : i32
        %add3A_351 = arith.constant 2 : i32
        %add3A_352 = arith.addi %add3A_350, %add3A_351 : i32
        %get3A_353 = arith.index_cast %add3A_352 : i32 to index
        %get3A_354 = arith.constant 0 : index
        %get3A_355 = tpu.vector_load %arg9[%get3A_353, %get3A_354] {strides = array<i32>} : memref<192x64xi32, #tpu.memory_space<vmem>>, vector<16xi32>,
        %bitcast3A_356 = vector.bitcast %get3A_355 : vector<16xi32> to vector<32xbf16>
        %unpack3A_357 = tpu.unpack_subelements %bitcast3A_356, 0 {pack_format = #tpu.pack_format<interleaved>} : vector<32xbf16> -> vector<16xf32>
        %unpack3A_358 = tpu.unpack_subelements %bitcast3A_356, 1 {pack_format = #tpu.pack_format<interleaved>} : vector<32xbf16> -> vector<16xf32>
        %add3A_359 = arith.addf %add3A_322, %unpack3A_357 : vector<16xf32>
        %add3A_360 = arith.addf %add3A_323, %unpack3A_358 : vector<16xf32>
        %get3A_361 = arith.index_cast %add3A_352 : i32 to index
        %get3A_362 = arith.constant 16 : index
        %get3A_363 = tpu.vector_load %arg9[%get3A_361, %get3A_362] {strides = array<i32>} : memref<192x64xi32, #tpu.memory_space<vmem>>, vector<16xi32>,
        %bitcast3A_364 = vector.bitcast %get3A_363 : vector<16xi32> to vector<32xbf16>
        %unpack3A_365 = tpu.unpack_subelements %bitcast3A_364, 0 {pack_format = #tpu.pack_format<interleaved>} : vector<32xbf16> -> vector<16xf32>
        %unpack3A_366 = tpu.unpack_subelements %bitcast3A_364, 1 {pack_format = #tpu.pack_format<interleaved>} : vector<32xbf16> -> vector<16xf32>
        %add3A_367 = arith.addf %add3A_330, %unpack3A_365 : vector<16xf32>
        %add3A_368 = arith.addf %add3A_331, %unpack3A_366 : vector<16xf32>
        %get3A_369 = arith.index_cast %add3A_352 : i32 to index
        %get3A_370 = arith.constant 32 : index
        %get3A_371 = tpu.vector_load %arg9[%get3A_369, %get3A_370] {strides = array<i32>} : memref<192x64xi32, #tpu.memory_space<vmem>>, vector<16xi32>,
        %bitcast3A_372 = vector.bitcast %get3A_371 : vector<16xi32> to vector<32xbf16>
        %unpack3A_373 = tpu.unpack_subelements %bitcast3A_372, 0 {pack_format = #tpu.pack_format<interleaved>} : vector<32xbf16> -> vector<16xf32>
        %unpack3A_374 = tpu.unpack_subelements %bitcast3A_372, 1 {pack_format = #tpu.pack_format<interleaved>} : vector<32xbf16> -> vector<16xf32>
        %add3A_375 = arith.addf %add3A_338, %unpack3A_373 : vector<16xf32>
        %add3A_376 = arith.addf %add3A_339, %unpack3A_374 : vector<16xf32>
        %get3A_377 = arith.index_cast %add3A_352 : i32 to index
        %get3A_378 = arith.constant 48 : index
        %get3A_379 = tpu.vector_load %arg9[%get3A_377, %get3A_378] {strides = array<i32>} : memref<192x64xi32, #tpu.memory_space<vmem>>, vector<16xi32>,
        %bitcast3A_380 = vector.bitcast %get3A_379 : vector<16xi32> to vector<32xbf16>
        %unpack3A_381 = tpu.unpack_subelements %bitcast3A_380, 0 {pack_format = #tpu.pack_format<interleaved>} : vector<32xbf16> -> vector<16xf32>
        %unpack3A_382 = tpu.unpack_subelements %bitcast3A_380, 1 {pack_format = #tpu.pack_format<interleaved>} : vector<32xbf16> -> vector<16xf32>
        %add3A_383 = arith.addf %add3A_346, %unpack3A_381 : vector<16xf32>
        %add3A_384 = arith.addf %add3A_347, %unpack3A_382 : vector<16xf32>
        %mul3A_385 = arith.constant 4 : i32
        %mul3A_386 = arith.muli %scan3A_268, %mul3A_385 : i32
        %add3A_387 = arith.addi %mul3A_217, %mul3A_386 : i32
        %add3A_388 = arith.constant 3 : i32
        %add3A_389 = arith.addi %add3A_387, %add3A_388 : i32
        %get3A_390 = arith.index_cast %add3A_389 : i32 to index
        %get3A_391 = arith.constant 0 : index
        %get3A_392 = tpu.vector_load %arg9[%get3A_390, %get3A_391] {strides = array<i32>} : memref<192x64xi32, #tpu.memory_space<vmem>>, vector<16xi32>,
        %bitcast3A_393 = vector.bitcast %get3A_392 : vector<16xi32> to vector<32xbf16>
        %unpack3A_394 = tpu.unpack_subelements %bitcast3A_393, 0 {pack_format = #tpu.pack_format<interleaved>} : vector<32xbf16> -> vector<16xf32>
        %unpack3A_395 = tpu.unpack_subelements %bitcast3A_393, 1 {pack_format = #tpu.pack_format<interleaved>} : vector<32xbf16> -> vector<16xf32>
        %add3A_396 = arith.addf %add3A_359, %unpack3A_394 : vector<16xf32>
        %add3A_397 = arith.addf %add3A_360, %unpack3A_395 : vector<16xf32>
        %get3A_398 = arith.index_cast %add3A_389 : i32 to index
        %get3A_399 = arith.constant 16 : index
        %get3A_400 = tpu.vector_load %arg9[%get3A_398, %get3A_399] {strides = array<i32>} : memref<192x64xi32, #tpu.memory_space<vmem>>, vector<16xi32>,
        %bitcast3A_401 = vector.bitcast %get3A_400 : vector<16xi32> to vector<32xbf16>
        %unpack3A_402 = tpu.unpack_subelements %bitcast3A_401, 0 {pack_format = #tpu.pack_format<interleaved>} : vector<32xbf16> -> vector<16xf32>
        %unpack3A_403 = tpu.unpack_subelements %bitcast3A_401, 1 {pack_format = #tpu.pack_format<interleaved>} : vector<32xbf16> -> vector<16xf32>
        %add3A_404 = arith.addf %add3A_367, %unpack3A_402 : vector<16xf32>
        %add3A_405 = arith.addf %add3A_368, %unpack3A_403 : vector<16xf32>
        %get3A_406 = arith.index_cast %add3A_389 : i32 to index
        %get3A_407 = arith.constant 32 : index
        %get3A_408 = tpu.vector_load %arg9[%get3A_406, %get3A_407] {strides = array<i32>} : memref<192x64xi32, #tpu.memory_space<vmem>>, vector<16xi32>,
        %bitcast3A_409 = vector.bitcast %get3A_408 : vector<16xi32> to vector<32xbf16>
        %unpack3A_410 = tpu.unpack_subelements %bitcast3A_409, 0 {pack_format = #tpu.pack_format<interleaved>} : vector<32xbf16> -> vector<16xf32>
        %unpack3A_411 = tpu.unpack_subelements %bitcast3A_409, 1 {pack_format = #tpu.pack_format<interleaved>} : vector<32xbf16> -> vector<16xf32>
        %add3A_412 = arith.addf %add3A_375, %unpack3A_410 : vector<16xf32>
        %add3A_413 = arith.addf %add3A_376, %unpack3A_411 : vector<16xf32>
        %get3A_414 = arith.index_cast %add3A_389 : i32 to index
        %get3A_415 = arith.constant 48 : index
        %get3A_416 = tpu.vector_load %arg9[%get3A_414, %get3A_415] {strides = array<i32>} : memref<192x64xi32, #tpu.memory_space<vmem>>, vector<16xi32>,
        %bitcast3A_417 = vector.bitcast %get3A_416 : vector<16xi32> to vector<32xbf16>
        %unpack3A_418 = tpu.unpack_subelements %bitcast3A_417, 0 {pack_format = #tpu.pack_format<interleaved>} : vector<32xbf16> -> vector<16xf32>
        %unpack3A_419 = tpu.unpack_subelements %bitcast3A_417, 1 {pack_format = #tpu.pack_format<interleaved>} : vector<32xbf16> -> vector<16xf32>
        %add3A_420 = arith.addf %add3A_383, %unpack3A_418 : vector<16xf32>
        %add3A_421 = arith.addf %add3A_384, %unpack3A_419 : vector<16xf32>
        scf.yield %add3A_396, %add3A_397, %add3A_404, %add3A_405, %add3A_412, %add3A_413, %add3A_420, %add3A_421 : vector<16xf32>, vector<16xf32>, vector<16xf32>, vector<16xf32>, vector<16xf32>, vector<16xf32>, vector<16xf32>, vector<16xf32>
      }
      %scan3A_238 = arith.constant 4 : i32
      %mul3A_239 = arith.constant 32 : i32
      %mul3A_240 = arith.muli %sub3A_215, %mul3A_239 : i32
      %add3A_241 = arith.constant 20 : i32
      %add3A_242 = arith.addi %mul3A_240, %add3A_241 : i32
      %add3A_243 = arith.addi %add3A_242, %select_n3A : i32
      %swap3A = arith.index_cast %add3A_243 : i32 to index
      %swap3A_244 = arith.constant 0 : index
      %swap3A_245 = tpu.vector_load %arg13[%swap3A, %swap3A_244] {strides = array<i32>} : memref<96x128xf32, #tpu.memory_space<vmem>>, vector<16xf32>,
      tpu.vector_store %arg13[%swap3A, %swap3A_244], %scan3A_237#0 {strides = array<i32>} : memref<96x128xf32, #tpu.memory_space<vmem>>, vector<16xf32>,
      %swap3A_246 = arith.index_cast %add3A_243 : i32 to index
      %swap3A_247 = arith.constant 16 : index
      %swap3A_248 = tpu.vector_load %arg13[%swap3A_246, %swap3A_247] {strides = array<i32>} : memref<96x128xf32, #tpu.memory_space<vmem>>, vector<16xf32>,
      tpu.vector_store %arg13[%swap3A_246, %swap3A_247], %scan3A_237#1 {strides = array<i32>} : memref<96x128xf32, #tpu.memory_space<vmem>>, vector<16xf32>,
      %swap3A_249 = arith.index_cast %add3A_243 : i32 to index
      %swap3A_250 = arith.constant 32 : index
      %swap3A_251 = tpu.vector_load %arg13[%swap3A_249, %swap3A_250] {strides = array<i32>} : memref<96x128xf32, #tpu.memory_space<vmem>>, vector<16xf32>,
      tpu.vector_store %arg13[%swap3A_249, %swap3A_250], %scan3A_237#2 {strides = array<i32>} : memref<96x128xf32, #tpu.memory_space<vmem>>, vector<16xf32>,
      %swap3A_252 = arith.index_cast %add3A_243 : i32 to index
      %swap3A_253 = arith.constant 48 : index
      %swap3A_254 = tpu.vector_load %arg13[%swap3A_252, %swap3A_253] {strides = array<i32>} : memref<96x128xf32, #tpu.memory_space<vmem>>, vector<16xf32>,
      tpu.vector_store %arg13[%swap3A_252, %swap3A_253], %scan3A_237#3 {strides = array<i32>} : memref<96x128xf32, #tpu.memory_space<vmem>>, vector<16xf32>,
      %swap3A_255 = arith.index_cast %add3A_243 : i32 to index
      %swap3A_256 = arith.constant 64 : index
      %swap3A_257 = tpu.vector_load %arg13[%swap3A_255, %swap3A_256] {strides = array<i32>} : memref<96x128xf32, #tpu.memory_space<vmem>>, vector<16xf32>,
      tpu.vector_store %arg13[%swap3A_255, %swap3A_256], %scan3A_237#4 {strides = array<i32>} : memref<96x128xf32, #tpu.memory_space<vmem>>, vector<16xf32>,
      %swap3A_258 = arith.index_cast %add3A_243 : i32 to index
      %swap3A_259 = arith.constant 80 : index
      %swap3A_260 = tpu.vector_load %arg13[%swap3A_258, %swap3A_259] {strides = array<i32>} : memref<96x128xf32, #tpu.memory_space<vmem>>, vector<16xf32>,
      tpu.vector_store %arg13[%swap3A_258, %swap3A_259], %scan3A_237#5 {strides = array<i32>} : memref<96x128xf32, #tpu.memory_space<vmem>>, vector<16xf32>,
      %swap3A_261 = arith.index_cast %add3A_243 : i32 to index
      %swap3A_262 = arith.constant 96 : index
      %swap3A_263 = tpu.vector_load %arg13[%swap3A_261, %swap3A_262] {strides = array<i32>} : memref<96x128xf32, #tpu.memory_space<vmem>>, vector<16xf32>,
      tpu.vector_store %arg13[%swap3A_261, %swap3A_262], %scan3A_237#6 {strides = array<i32>} : memref<96x128xf32, #tpu.memory_space<vmem>>, vector<16xf32>,
      %swap3A_264 = arith.index_cast %add3A_243 : i32 to index
      %swap3A_265 = arith.constant 112 : index
      %swap3A_266 = tpu.vector_load %arg13[%swap3A_264, %swap3A_265] {strides = array<i32>} : memref<96x128xf32, #tpu.memory_space<vmem>>, vector<16xf32>,
      tpu.vector_store %arg13[%swap3A_264, %swap3A_265], %scan3A_237#7 {strides = array<i32>} : memref<96x128xf32, #tpu.memory_space<vmem>>, vector<16xf32>,
      %scan3A_267 = arith.constant 0 : i32
      scf.yield %scan3A_267 : i32
    }
    %scan3A_128 = arith.constant 12 : i32
    %dma_start3A_129 = arith.constant 1344 : i32
    %dma_start3A_130 = tpu.memref_slice %arg7[%dma_start3A_129] : memref<1536xi32, #tpu.memory_space<vmem>> -> memref<192xi32, #tpu.memory_space<vmem>>
    %dma_start3A_131 = arith.constant 0 : i32
    %dma_start3A_132 = arith.constant 0 : i32
    %dma_start3A_133 = tpu.memref_slice %arg2[%dma_start3A_131, %dma_start3A_132] : memref<1024x64xi32, #tpu.memory_space<hbm>> -> memref<1024x64xi32, #tpu.memory_space<hbm>>
    tpu.enqueue_indirect_dma source(%dma_start3A_133 : memref<1024x64xi32, #tpu.memory_space<hbm>>) target(%arg9 : memref<192x64xi32, #tpu.memory_space<vmem>>) offsets(%dma_start3A_130 : memref<192xi32, #tpu.memory_space<vmem>>) semaphore(%arg15 : memref<!tpu.dma_semaphore, #tpu.memory_space<semaphore_mem>>)
    %dma_wait3A_134 = arith.constant 1152 : i32
    %dma_wait3A_135 = tpu.memref_slice %arg7[%dma_wait3A_134] : memref<1536xi32, #tpu.memory_space<vmem>> -> memref<192xi32, #tpu.memory_space<vmem>>
    %dma_wait3A_136 = arith.constant 0 : i32
    %dma_wait3A_137 = arith.constant 0 : i32
    %dma_wait3A_138 = tpu.memref_slice %arg2[%dma_wait3A_136, %dma_wait3A_137] : memref<1024x64xi32, #tpu.memory_space<hbm>> -> memref<1024x64xi32, #tpu.memory_space<hbm>>
    tpu.wait_indirect_dma semaphore(%arg14 : memref<!tpu.dma_semaphore, #tpu.memory_space<semaphore_mem>>) src(%dma_wait3A_138 : memref<1024x64xi32, #tpu.memory_space<hbm>>) dst(%arg8 : memref<192x64xi32, #tpu.memory_space<vmem>>)
    %scan3A_139 = arith.constant 0 : i32
    %scan3A_140 = arith.constant 0 : i32
    %scan3A_141 = arith.constant 12 : i32
    %scan3A_142 = arith.addi %scan3A_140, %scan3A_141 : i32
    %scan3A_143 = arith.constant 1 : i32
    %scan3A_144 = scf.for %scan3A_195 = %scan3A_140 to %scan3A_142 step %scan3A_143 iter_args(%scan3A_196 = %scan3A_139) -> (i32)  : i32 {
      %jit3A = arith.constant 3 : i32
      %div3A = arith.divsi %scan3A_195, %jit3A : i32
      %sign3A = arith.constant 0 : i32
      %sign3A_197 = arith.cmpi sgt, %scan3A_195, %sign3A : i32
      %sign3A_198 = arith.extui %sign3A_197 : i1 to i32
      %sign3A_199 = arith.constant 0 : i32
      %sign3A_200 = arith.cmpi slt, %scan3A_195, %sign3A_199 : i32
      %sign3A_201 = arith.extui %sign3A_200 : i1 to i32
      %sign3A_202 = arith.subi %sign3A_198, %sign3A_201 : i32
      %sign3A_203 = arith.constant 0 : i32
      %sign3A_204 = arith.cmpi sgt, %jit3A, %sign3A_203 : i32
      %sign3A_205 = arith.extui %sign3A_204 : i1 to i32
      %sign3A_206 = arith.constant 0 : i32
      %sign3A_207 = arith.cmpi slt, %jit3A, %sign3A_206 : i32
      %sign3A_208 = arith.extui %sign3A_207 : i1 to i32
      %sign3A_209 = arith.subi %sign3A_205, %sign3A_208 : i32
      %ne3A = arith.cmpi ne, %sign3A_202, %sign3A_209 : i32
      %rem3A = arith.remsi %scan3A_195, %jit3A : i32
      %ne3A_210 = arith.constant 0 : i32
      %ne3A_211 = arith.cmpi ne, %rem3A, %ne3A_210 : i32
      %and3A = arith.andi %ne3A, %ne3A_211 : i1
      %sub3A = arith.constant 1 : i32
      %sub3A_212 = arith.subi %div3A, %sub3A : i32
      %select_n3A = arith.select %and3A, %sub3A_212, %div3A : i32
      %mul3A_213 = arith.constant 3 : i32
      %mul3A_214 = arith.muli %select_n3A, %mul3A_213 : i32
      %sub3A_215 = arith.subi %scan3A_195, %mul3A_214 : i32
      %mul3A_216 = arith.constant 16 : i32
      %mul3A_217 = arith.muli %scan3A_195, %mul3A_216 : i32
      %broadcast_in_dim3A = arith.constant 0.000000e+00 : f32
      %broadcast_in_dim3A_218 = vector.broadcast %broadcast_in_dim3A : f32 to vector<16xf32>
      %broadcast_in_dim3A_219 = arith.constant 0.000000e+00 : f32
      %broadcast_in_dim3A_220 = vector.broadcast %broadcast_in_dim3A_219 : f32 to vector<16xf32>
      %broadcast_in_dim3A_221 = arith.constant 0.000000e+00 : f32
      %broadcast_in_dim3A_222 = vector.broadcast %broadcast_in_dim3A_221 : f32 to vector<16xf32>
      %broadcast_in_dim3A_223 = arith.constant 0.000000e+00 : f32
      %broadcast_in_dim3A_224 = vector.broadcast %broadcast_in_dim3A_223 : f32 to vector<16xf32>
      %broadcast_in_dim3A_225 = arith.constant 0.000000e+00 : f32
      %broadcast_in_dim3A_226 = vector.broadcast %broadcast_in_dim3A_225 : f32 to vector<16xf32>
      %broadcast_in_dim3A_227 = arith.constant 0.000000e+00 : f32
      %broadcast_in_dim3A_228 = vector.broadcast %broadcast_in_dim3A_227 : f32 to vector<16xf32>
      %broadcast_in_dim3A_229 = arith.constant 0.000000e+00 : f32
      %broadcast_in_dim3A_230 = vector.broadcast %broadcast_in_dim3A_229 : f32 to vector<16xf32>
      %broadcast_in_dim3A_231 = arith.constant 0.000000e+00 : f32
      %broadcast_in_dim3A_232 = vector.broadcast %broadcast_in_dim3A_231 : f32 to vector<16xf32>
      %scan3A_233 = arith.constant 0 : i32
      %scan3A_234 = arith.constant 4 : i32
      %scan3A_235 = arith.addi %scan3A_233, %scan3A_234 : i32
      %scan3A_236 = arith.constant 1 : i32
      %scan3A_237:8 = scf.for %scan3A_268 = %scan3A_233 to %scan3A_235 step %scan3A_236 iter_args(%scan3A_269 = %broadcast_in_dim3A_218, %scan3A_270 = %broadcast_in_dim3A_220, %scan3A_271 = %broadcast_in_dim3A_222, %scan3A_272 = %broadcast_in_dim3A_224, %scan3A_273 = %broadcast_in_dim3A_226, %scan3A_274 = %broadcast_in_dim3A_228, %scan3A_275 = %broadcast_in_dim3A_230, %scan3A_276 = %broadcast_in_dim3A_232) -> (vector<16xf32>, vector<16xf32>, vector<16xf32>, vector<16xf32>, vector<16xf32>, vector<16xf32>, vector<16xf32>, vector<16xf32>)  : i32 {
        %mul3A_277 = arith.constant 4 : i32
        %mul3A_278 = arith.muli %scan3A_268, %mul3A_277 : i32
        %add3A_279 = arith.addi %mul3A_217, %mul3A_278 : i32
        %add3A_280 = arith.constant 0 : i32
        %add3A_281 = arith.addi %add3A_279, %add3A_280 : i32
        %get3A = arith.index_cast %add3A_281 : i32 to index
        %get3A_282 = arith.constant 0 : index
        %get3A_283 = tpu.vector_load %arg8[%get3A, %get3A_282] {strides = array<i32>} : memref<192x64xi32, #tpu.memory_space<vmem>>, vector<16xi32>,
        %bitcast3A = vector.bitcast %get3A_283 : vector<16xi32> to vector<32xbf16>
        %unpack3A = tpu.unpack_subelements %bitcast3A, 0 {pack_format = #tpu.pack_format<interleaved>} : vector<32xbf16> -> vector<16xf32>
        %unpack3A_284 = tpu.unpack_subelements %bitcast3A, 1 {pack_format = #tpu.pack_format<interleaved>} : vector<32xbf16> -> vector<16xf32>
        %add3A_285 = arith.addf %scan3A_269, %unpack3A : vector<16xf32>
        %add3A_286 = arith.addf %scan3A_270, %unpack3A_284 : vector<16xf32>
        %get3A_287 = arith.index_cast %add3A_281 : i32 to index
        %get3A_288 = arith.constant 16 : index
        %get3A_289 = tpu.vector_load %arg8[%get3A_287, %get3A_288] {strides = array<i32>} : memref<192x64xi32, #tpu.memory_space<vmem>>, vector<16xi32>,
        %bitcast3A_290 = vector.bitcast %get3A_289 : vector<16xi32> to vector<32xbf16>
        %unpack3A_291 = tpu.unpack_subelements %bitcast3A_290, 0 {pack_format = #tpu.pack_format<interleaved>} : vector<32xbf16> -> vector<16xf32>
        %unpack3A_292 = tpu.unpack_subelements %bitcast3A_290, 1 {pack_format = #tpu.pack_format<interleaved>} : vector<32xbf16> -> vector<16xf32>
        %add3A_293 = arith.addf %scan3A_271, %unpack3A_291 : vector<16xf32>
        %add3A_294 = arith.addf %scan3A_272, %unpack3A_292 : vector<16xf32>
        %get3A_295 = arith.index_cast %add3A_281 : i32 to index
        %get3A_296 = arith.constant 32 : index
        %get3A_297 = tpu.vector_load %arg8[%get3A_295, %get3A_296] {strides = array<i32>} : memref<192x64xi32, #tpu.memory_space<vmem>>, vector<16xi32>,
        %bitcast3A_298 = vector.bitcast %get3A_297 : vector<16xi32> to vector<32xbf16>
        %unpack3A_299 = tpu.unpack_subelements %bitcast3A_298, 0 {pack_format = #tpu.pack_format<interleaved>} : vector<32xbf16> -> vector<16xf32>
        %unpack3A_300 = tpu.unpack_subelements %bitcast3A_298, 1 {pack_format = #tpu.pack_format<interleaved>} : vector<32xbf16> -> vector<16xf32>
        %add3A_301 = arith.addf %scan3A_273, %unpack3A_299 : vector<16xf32>
        %add3A_302 = arith.addf %scan3A_274, %unpack3A_300 : vector<16xf32>
        %get3A_303 = arith.index_cast %add3A_281 : i32 to index
        %get3A_304 = arith.constant 48 : index
        %get3A_305 = tpu.vector_load %arg8[%get3A_303, %get3A_304] {strides = array<i32>} : memref<192x64xi32, #tpu.memory_space<vmem>>, vector<16xi32>,
        %bitcast3A_306 = vector.bitcast %get3A_305 : vector<16xi32> to vector<32xbf16>
        %unpack3A_307 = tpu.unpack_subelements %bitcast3A_306, 0 {pack_format = #tpu.pack_format<interleaved>} : vector<32xbf16> -> vector<16xf32>
        %unpack3A_308 = tpu.unpack_subelements %bitcast3A_306, 1 {pack_format = #tpu.pack_format<interleaved>} : vector<32xbf16> -> vector<16xf32>
        %add3A_309 = arith.addf %scan3A_275, %unpack3A_307 : vector<16xf32>
        %add3A_310 = arith.addf %scan3A_276, %unpack3A_308 : vector<16xf32>
        %mul3A_311 = arith.constant 4 : i32
        %mul3A_312 = arith.muli %scan3A_268, %mul3A_311 : i32
        %add3A_313 = arith.addi %mul3A_217, %mul3A_312 : i32
        %add3A_314 = arith.constant 1 : i32
        %add3A_315 = arith.addi %add3A_313, %add3A_314 : i32
        %get3A_316 = arith.index_cast %add3A_315 : i32 to index
        %get3A_317 = arith.constant 0 : index
        %get3A_318 = tpu.vector_load %arg8[%get3A_316, %get3A_317] {strides = array<i32>} : memref<192x64xi32, #tpu.memory_space<vmem>>, vector<16xi32>,
        %bitcast3A_319 = vector.bitcast %get3A_318 : vector<16xi32> to vector<32xbf16>
        %unpack3A_320 = tpu.unpack_subelements %bitcast3A_319, 0 {pack_format = #tpu.pack_format<interleaved>} : vector<32xbf16> -> vector<16xf32>
        %unpack3A_321 = tpu.unpack_subelements %bitcast3A_319, 1 {pack_format = #tpu.pack_format<interleaved>} : vector<32xbf16> -> vector<16xf32>
        %add3A_322 = arith.addf %add3A_285, %unpack3A_320 : vector<16xf32>
        %add3A_323 = arith.addf %add3A_286, %unpack3A_321 : vector<16xf32>
        %get3A_324 = arith.index_cast %add3A_315 : i32 to index
        %get3A_325 = arith.constant 16 : index
        %get3A_326 = tpu.vector_load %arg8[%get3A_324, %get3A_325] {strides = array<i32>} : memref<192x64xi32, #tpu.memory_space<vmem>>, vector<16xi32>,
        %bitcast3A_327 = vector.bitcast %get3A_326 : vector<16xi32> to vector<32xbf16>
        %unpack3A_328 = tpu.unpack_subelements %bitcast3A_327, 0 {pack_format = #tpu.pack_format<interleaved>} : vector<32xbf16> -> vector<16xf32>
        %unpack3A_329 = tpu.unpack_subelements %bitcast3A_327, 1 {pack_format = #tpu.pack_format<interleaved>} : vector<32xbf16> -> vector<16xf32>
        %add3A_330 = arith.addf %add3A_293, %unpack3A_328 : vector<16xf32>
        %add3A_331 = arith.addf %add3A_294, %unpack3A_329 : vector<16xf32>
        %get3A_332 = arith.index_cast %add3A_315 : i32 to index
        %get3A_333 = arith.constant 32 : index
        %get3A_334 = tpu.vector_load %arg8[%get3A_332, %get3A_333] {strides = array<i32>} : memref<192x64xi32, #tpu.memory_space<vmem>>, vector<16xi32>,
        %bitcast3A_335 = vector.bitcast %get3A_334 : vector<16xi32> to vector<32xbf16>
        %unpack3A_336 = tpu.unpack_subelements %bitcast3A_335, 0 {pack_format = #tpu.pack_format<interleaved>} : vector<32xbf16> -> vector<16xf32>
        %unpack3A_337 = tpu.unpack_subelements %bitcast3A_335, 1 {pack_format = #tpu.pack_format<interleaved>} : vector<32xbf16> -> vector<16xf32>
        %add3A_338 = arith.addf %add3A_301, %unpack3A_336 : vector<16xf32>
        %add3A_339 = arith.addf %add3A_302, %unpack3A_337 : vector<16xf32>
        %get3A_340 = arith.index_cast %add3A_315 : i32 to index
        %get3A_341 = arith.constant 48 : index
        %get3A_342 = tpu.vector_load %arg8[%get3A_340, %get3A_341] {strides = array<i32>} : memref<192x64xi32, #tpu.memory_space<vmem>>, vector<16xi32>,
        %bitcast3A_343 = vector.bitcast %get3A_342 : vector<16xi32> to vector<32xbf16>
        %unpack3A_344 = tpu.unpack_subelements %bitcast3A_343, 0 {pack_format = #tpu.pack_format<interleaved>} : vector<32xbf16> -> vector<16xf32>
        %unpack3A_345 = tpu.unpack_subelements %bitcast3A_343, 1 {pack_format = #tpu.pack_format<interleaved>} : vector<32xbf16> -> vector<16xf32>
        %add3A_346 = arith.addf %add3A_309, %unpack3A_344 : vector<16xf32>
        %add3A_347 = arith.addf %add3A_310, %unpack3A_345 : vector<16xf32>
        %mul3A_348 = arith.constant 4 : i32
        %mul3A_349 = arith.muli %scan3A_268, %mul3A_348 : i32
        %add3A_350 = arith.addi %mul3A_217, %mul3A_349 : i32
        %add3A_351 = arith.constant 2 : i32
        %add3A_352 = arith.addi %add3A_350, %add3A_351 : i32
        %get3A_353 = arith.index_cast %add3A_352 : i32 to index
        %get3A_354 = arith.constant 0 : index
        %get3A_355 = tpu.vector_load %arg8[%get3A_353, %get3A_354] {strides = array<i32>} : memref<192x64xi32, #tpu.memory_space<vmem>>, vector<16xi32>,
        %bitcast3A_356 = vector.bitcast %get3A_355 : vector<16xi32> to vector<32xbf16>
        %unpack3A_357 = tpu.unpack_subelements %bitcast3A_356, 0 {pack_format = #tpu.pack_format<interleaved>} : vector<32xbf16> -> vector<16xf32>
        %unpack3A_358 = tpu.unpack_subelements %bitcast3A_356, 1 {pack_format = #tpu.pack_format<interleaved>} : vector<32xbf16> -> vector<16xf32>
        %add3A_359 = arith.addf %add3A_322, %unpack3A_357 : vector<16xf32>
        %add3A_360 = arith.addf %add3A_323, %unpack3A_358 : vector<16xf32>
        %get3A_361 = arith.index_cast %add3A_352 : i32 to index
        %get3A_362 = arith.constant 16 : index
        %get3A_363 = tpu.vector_load %arg8[%get3A_361, %get3A_362] {strides = array<i32>} : memref<192x64xi32, #tpu.memory_space<vmem>>, vector<16xi32>,
        %bitcast3A_364 = vector.bitcast %get3A_363 : vector<16xi32> to vector<32xbf16>
        %unpack3A_365 = tpu.unpack_subelements %bitcast3A_364, 0 {pack_format = #tpu.pack_format<interleaved>} : vector<32xbf16> -> vector<16xf32>
        %unpack3A_366 = tpu.unpack_subelements %bitcast3A_364, 1 {pack_format = #tpu.pack_format<interleaved>} : vector<32xbf16> -> vector<16xf32>
        %add3A_367 = arith.addf %add3A_330, %unpack3A_365 : vector<16xf32>
        %add3A_368 = arith.addf %add3A_331, %unpack3A_366 : vector<16xf32>
        %get3A_369 = arith.index_cast %add3A_352 : i32 to index
        %get3A_370 = arith.constant 32 : index
        %get3A_371 = tpu.vector_load %arg8[%get3A_369, %get3A_370] {strides = array<i32>} : memref<192x64xi32, #tpu.memory_space<vmem>>, vector<16xi32>,
        %bitcast3A_372 = vector.bitcast %get3A_371 : vector<16xi32> to vector<32xbf16>
        %unpack3A_373 = tpu.unpack_subelements %bitcast3A_372, 0 {pack_format = #tpu.pack_format<interleaved>} : vector<32xbf16> -> vector<16xf32>
        %unpack3A_374 = tpu.unpack_subelements %bitcast3A_372, 1 {pack_format = #tpu.pack_format<interleaved>} : vector<32xbf16> -> vector<16xf32>
        %add3A_375 = arith.addf %add3A_338, %unpack3A_373 : vector<16xf32>
        %add3A_376 = arith.addf %add3A_339, %unpack3A_374 : vector<16xf32>
        %get3A_377 = arith.index_cast %add3A_352 : i32 to index
        %get3A_378 = arith.constant 48 : index
        %get3A_379 = tpu.vector_load %arg8[%get3A_377, %get3A_378] {strides = array<i32>} : memref<192x64xi32, #tpu.memory_space<vmem>>, vector<16xi32>,
        %bitcast3A_380 = vector.bitcast %get3A_379 : vector<16xi32> to vector<32xbf16>
        %unpack3A_381 = tpu.unpack_subelements %bitcast3A_380, 0 {pack_format = #tpu.pack_format<interleaved>} : vector<32xbf16> -> vector<16xf32>
        %unpack3A_382 = tpu.unpack_subelements %bitcast3A_380, 1 {pack_format = #tpu.pack_format<interleaved>} : vector<32xbf16> -> vector<16xf32>
        %add3A_383 = arith.addf %add3A_346, %unpack3A_381 : vector<16xf32>
        %add3A_384 = arith.addf %add3A_347, %unpack3A_382 : vector<16xf32>
        %mul3A_385 = arith.constant 4 : i32
        %mul3A_386 = arith.muli %scan3A_268, %mul3A_385 : i32
        %add3A_387 = arith.addi %mul3A_217, %mul3A_386 : i32
        %add3A_388 = arith.constant 3 : i32
        %add3A_389 = arith.addi %add3A_387, %add3A_388 : i32
        %get3A_390 = arith.index_cast %add3A_389 : i32 to index
        %get3A_391 = arith.constant 0 : index
        %get3A_392 = tpu.vector_load %arg8[%get3A_390, %get3A_391] {strides = array<i32>} : memref<192x64xi32, #tpu.memory_space<vmem>>, vector<16xi32>,
        %bitcast3A_393 = vector.bitcast %get3A_392 : vector<16xi32> to vector<32xbf16>
        %unpack3A_394 = tpu.unpack_subelements %bitcast3A_393, 0 {pack_format = #tpu.pack_format<interleaved>} : vector<32xbf16> -> vector<16xf32>
        %unpack3A_395 = tpu.unpack_subelements %bitcast3A_393, 1 {pack_format = #tpu.pack_format<interleaved>} : vector<32xbf16> -> vector<16xf32>
        %add3A_396 = arith.addf %add3A_359, %unpack3A_394 : vector<16xf32>
        %add3A_397 = arith.addf %add3A_360, %unpack3A_395 : vector<16xf32>
        %get3A_398 = arith.index_cast %add3A_389 : i32 to index
        %get3A_399 = arith.constant 16 : index
        %get3A_400 = tpu.vector_load %arg8[%get3A_398, %get3A_399] {strides = array<i32>} : memref<192x64xi32, #tpu.memory_space<vmem>>, vector<16xi32>,
        %bitcast3A_401 = vector.bitcast %get3A_400 : vector<16xi32> to vector<32xbf16>
        %unpack3A_402 = tpu.unpack_subelements %bitcast3A_401, 0 {pack_format = #tpu.pack_format<interleaved>} : vector<32xbf16> -> vector<16xf32>
        %unpack3A_403 = tpu.unpack_subelements %bitcast3A_401, 1 {pack_format = #tpu.pack_format<interleaved>} : vector<32xbf16> -> vector<16xf32>
        %add3A_404 = arith.addf %add3A_367, %unpack3A_402 : vector<16xf32>
        %add3A_405 = arith.addf %add3A_368, %unpack3A_403 : vector<16xf32>
        %get3A_406 = arith.index_cast %add3A_389 : i32 to index
        %get3A_407 = arith.constant 32 : index
        %get3A_408 = tpu.vector_load %arg8[%get3A_406, %get3A_407] {strides = array<i32>} : memref<192x64xi32, #tpu.memory_space<vmem>>, vector<16xi32>,
        %bitcast3A_409 = vector.bitcast %get3A_408 : vector<16xi32> to vector<32xbf16>
        %unpack3A_410 = tpu.unpack_subelements %bitcast3A_409, 0 {pack_format = #tpu.pack_format<interleaved>} : vector<32xbf16> -> vector<16xf32>
        %unpack3A_411 = tpu.unpack_subelements %bitcast3A_409, 1 {pack_format = #tpu.pack_format<interleaved>} : vector<32xbf16> -> vector<16xf32>
        %add3A_412 = arith.addf %add3A_375, %unpack3A_410 : vector<16xf32>
        %add3A_413 = arith.addf %add3A_376, %unpack3A_411 : vector<16xf32>
        %get3A_414 = arith.index_cast %add3A_389 : i32 to index
        %get3A_415 = arith.constant 48 : index
        %get3A_416 = tpu.vector_load %arg8[%get3A_414, %get3A_415] {strides = array<i32>} : memref<192x64xi32, #tpu.memory_space<vmem>>, vector<16xi32>,
        %bitcast3A_417 = vector.bitcast %get3A_416 : vector<16xi32> to vector<32xbf16>
        %unpack3A_418 = tpu.unpack_subelements %bitcast3A_417, 0 {pack_format = #tpu.pack_format<interleaved>} : vector<32xbf16> -> vector<16xf32>
        %unpack3A_419 = tpu.unpack_subelements %bitcast3A_417, 1 {pack_format = #tpu.pack_format<interleaved>} : vector<32xbf16> -> vector<16xf32>
        %add3A_420 = arith.addf %add3A_383, %unpack3A_418 : vector<16xf32>
        %add3A_421 = arith.addf %add3A_384, %unpack3A_419 : vector<16xf32>
        scf.yield %add3A_396, %add3A_397, %add3A_404, %add3A_405, %add3A_412, %add3A_413, %add3A_420, %add3A_421 : vector<16xf32>, vector<16xf32>, vector<16xf32>, vector<16xf32>, vector<16xf32>, vector<16xf32>, vector<16xf32>, vector<16xf32>
      }
      %scan3A_238 = arith.constant 4 : i32
      %mul3A_239 = arith.constant 32 : i32
      %mul3A_240 = arith.muli %sub3A_215, %mul3A_239 : i32
      %add3A_241 = arith.constant 24 : i32
      %add3A_242 = arith.addi %mul3A_240, %add3A_241 : i32
      %add3A_243 = arith.addi %add3A_242, %select_n3A : i32
      %swap3A = arith.index_cast %add3A_243 : i32 to index
      %swap3A_244 = arith.constant 0 : index
      %swap3A_245 = tpu.vector_load %arg13[%swap3A, %swap3A_244] {strides = array<i32>} : memref<96x128xf32, #tpu.memory_space<vmem>>, vector<16xf32>,
      tpu.vector_store %arg13[%swap3A, %swap3A_244], %scan3A_237#0 {strides = array<i32>} : memref<96x128xf32, #tpu.memory_space<vmem>>, vector<16xf32>,
      %swap3A_246 = arith.index_cast %add3A_243 : i32 to index
      %swap3A_247 = arith.constant 16 : index
      %swap3A_248 = tpu.vector_load %arg13[%swap3A_246, %swap3A_247] {strides = array<i32>} : memref<96x128xf32, #tpu.memory_space<vmem>>, vector<16xf32>,
      tpu.vector_store %arg13[%swap3A_246, %swap3A_247], %scan3A_237#1 {strides = array<i32>} : memref<96x128xf32, #tpu.memory_space<vmem>>, vector<16xf32>,
      %swap3A_249 = arith.index_cast %add3A_243 : i32 to index
      %swap3A_250 = arith.constant 32 : index
      %swap3A_251 = tpu.vector_load %arg13[%swap3A_249, %swap3A_250] {strides = array<i32>} : memref<96x128xf32, #tpu.memory_space<vmem>>, vector<16xf32>,
      tpu.vector_store %arg13[%swap3A_249, %swap3A_250], %scan3A_237#2 {strides = array<i32>} : memref<96x128xf32, #tpu.memory_space<vmem>>, vector<16xf32>,
      %swap3A_252 = arith.index_cast %add3A_243 : i32 to index
      %swap3A_253 = arith.constant 48 : index
      %swap3A_254 = tpu.vector_load %arg13[%swap3A_252, %swap3A_253] {strides = array<i32>} : memref<96x128xf32, #tpu.memory_space<vmem>>, vector<16xf32>,
      tpu.vector_store %arg13[%swap3A_252, %swap3A_253], %scan3A_237#3 {strides = array<i32>} : memref<96x128xf32, #tpu.memory_space<vmem>>, vector<16xf32>,
      %swap3A_255 = arith.index_cast %add3A_243 : i32 to index
      %swap3A_256 = arith.constant 64 : index
      %swap3A_257 = tpu.vector_load %arg13[%swap3A_255, %swap3A_256] {strides = array<i32>} : memref<96x128xf32, #tpu.memory_space<vmem>>, vector<16xf32>,
      tpu.vector_store %arg13[%swap3A_255, %swap3A_256], %scan3A_237#4 {strides = array<i32>} : memref<96x128xf32, #tpu.memory_space<vmem>>, vector<16xf32>,
      %swap3A_258 = arith.index_cast %add3A_243 : i32 to index
      %swap3A_259 = arith.constant 80 : index
      %swap3A_260 = tpu.vector_load %arg13[%swap3A_258, %swap3A_259] {strides = array<i32>} : memref<96x128xf32, #tpu.memory_space<vmem>>, vector<16xf32>,
      tpu.vector_store %arg13[%swap3A_258, %swap3A_259], %scan3A_237#5 {strides = array<i32>} : memref<96x128xf32, #tpu.memory_space<vmem>>, vector<16xf32>,
      %swap3A_261 = arith.index_cast %add3A_243 : i32 to index
      %swap3A_262 = arith.constant 96 : index
      %swap3A_263 = tpu.vector_load %arg13[%swap3A_261, %swap3A_262] {strides = array<i32>} : memref<96x128xf32, #tpu.memory_space<vmem>>, vector<16xf32>,
      tpu.vector_store %arg13[%swap3A_261, %swap3A_262], %scan3A_237#6 {strides = array<i32>} : memref<96x128xf32, #tpu.memory_space<vmem>>, vector<16xf32>,
      %swap3A_264 = arith.index_cast %add3A_243 : i32 to index
      %swap3A_265 = arith.constant 112 : index
      %swap3A_266 = tpu.vector_load %arg13[%swap3A_264, %swap3A_265] {strides = array<i32>} : memref<96x128xf32, #tpu.memory_space<vmem>>, vector<16xf32>,
      tpu.vector_store %arg13[%swap3A_264, %swap3A_265], %scan3A_237#7 {strides = array<i32>} : memref<96x128xf32, #tpu.memory_space<vmem>>, vector<16xf32>,
      %scan3A_267 = arith.constant 0 : i32
      scf.yield %scan3A_267 : i32
    }
    %scan3A_145 = arith.constant 12 : i32
    %dma_wait3A_146 = arith.constant 1344 : i32
    %dma_wait3A_147 = tpu.memref_slice %arg7[%dma_wait3A_146] : memref<1536xi32, #tpu.memory_space<vmem>> -> memref<192xi32, #tpu.memory_space<vmem>>
    %dma_wait3A_148 = arith.constant 0 : i32
    %dma_wait3A_149 = arith.constant 0 : i32
    %dma_wait3A_150 = tpu.memref_slice %arg2[%dma_wait3A_148, %dma_wait3A_149] : memref<1024x64xi32, #tpu.memory_space<hbm>> -> memref<1024x64xi32, #tpu.memory_space<hbm>>
    tpu.wait_indirect_dma semaphore(%arg15 : memref<!tpu.dma_semaphore, #tpu.memory_space<semaphore_mem>>) src(%dma_wait3A_150 : memref<1024x64xi32, #tpu.memory_space<hbm>>) dst(%arg9 : memref<192x64xi32, #tpu.memory_space<vmem>>)
    %scan3A_151 = arith.constant 0 : i32
    %scan3A_152 = arith.constant 0 : i32
    %scan3A_153 = arith.constant 12 : i32
    %scan3A_154 = arith.addi %scan3A_152, %scan3A_153 : i32
    %scan3A_155 = arith.constant 1 : i32
    %scan3A_156 = scf.for %scan3A_195 = %scan3A_152 to %scan3A_154 step %scan3A_155 iter_args(%scan3A_196 = %scan3A_151) -> (i32)  : i32 {
      %jit3A = arith.constant 3 : i32
      %div3A = arith.divsi %scan3A_195, %jit3A : i32
      %sign3A = arith.constant 0 : i32
      %sign3A_197 = arith.cmpi sgt, %scan3A_195, %sign3A : i32
      %sign3A_198 = arith.extui %sign3A_197 : i1 to i32
      %sign3A_199 = arith.constant 0 : i32
      %sign3A_200 = arith.cmpi slt, %scan3A_195, %sign3A_199 : i32
      %sign3A_201 = arith.extui %sign3A_200 : i1 to i32
      %sign3A_202 = arith.subi %sign3A_198, %sign3A_201 : i32
      %sign3A_203 = arith.constant 0 : i32
      %sign3A_204 = arith.cmpi sgt, %jit3A, %sign3A_203 : i32
      %sign3A_205 = arith.extui %sign3A_204 : i1 to i32
      %sign3A_206 = arith.constant 0 : i32
      %sign3A_207 = arith.cmpi slt, %jit3A, %sign3A_206 : i32
      %sign3A_208 = arith.extui %sign3A_207 : i1 to i32
      %sign3A_209 = arith.subi %sign3A_205, %sign3A_208 : i32
      %ne3A = arith.cmpi ne, %sign3A_202, %sign3A_209 : i32
      %rem3A = arith.remsi %scan3A_195, %jit3A : i32
      %ne3A_210 = arith.constant 0 : i32
      %ne3A_211 = arith.cmpi ne, %rem3A, %ne3A_210 : i32
      %and3A = arith.andi %ne3A, %ne3A_211 : i1
      %sub3A = arith.constant 1 : i32
      %sub3A_212 = arith.subi %div3A, %sub3A : i32
      %select_n3A = arith.select %and3A, %sub3A_212, %div3A : i32
      %mul3A_213 = arith.constant 3 : i32
      %mul3A_214 = arith.muli %select_n3A, %mul3A_213 : i32
      %sub3A_215 = arith.subi %scan3A_195, %mul3A_214 : i32
      %mul3A_216 = arith.constant 16 : i32
      %mul3A_217 = arith.muli %scan3A_195, %mul3A_216 : i32
      %broadcast_in_dim3A = arith.constant 0.000000e+00 : f32
      %broadcast_in_dim3A_218 = vector.broadcast %broadcast_in_dim3A : f32 to vector<16xf32>
      %broadcast_in_dim3A_219 = arith.constant 0.000000e+00 : f32
      %broadcast_in_dim3A_220 = vector.broadcast %broadcast_in_dim3A_219 : f32 to vector<16xf32>
      %broadcast_in_dim3A_221 = arith.constant 0.000000e+00 : f32
      %broadcast_in_dim3A_222 = vector.broadcast %broadcast_in_dim3A_221 : f32 to vector<16xf32>
      %broadcast_in_dim3A_223 = arith.constant 0.000000e+00 : f32
      %broadcast_in_dim3A_224 = vector.broadcast %broadcast_in_dim3A_223 : f32 to vector<16xf32>
      %broadcast_in_dim3A_225 = arith.constant 0.000000e+00 : f32
      %broadcast_in_dim3A_226 = vector.broadcast %broadcast_in_dim3A_225 : f32 to vector<16xf32>
      %broadcast_in_dim3A_227 = arith.constant 0.000000e+00 : f32
      %broadcast_in_dim3A_228 = vector.broadcast %broadcast_in_dim3A_227 : f32 to vector<16xf32>
      %broadcast_in_dim3A_229 = arith.constant 0.000000e+00 : f32
      %broadcast_in_dim3A_230 = vector.broadcast %broadcast_in_dim3A_229 : f32 to vector<16xf32>
      %broadcast_in_dim3A_231 = arith.constant 0.000000e+00 : f32
      %broadcast_in_dim3A_232 = vector.broadcast %broadcast_in_dim3A_231 : f32 to vector<16xf32>
      %scan3A_233 = arith.constant 0 : i32
      %scan3A_234 = arith.constant 4 : i32
      %scan3A_235 = arith.addi %scan3A_233, %scan3A_234 : i32
      %scan3A_236 = arith.constant 1 : i32
      %scan3A_237:8 = scf.for %scan3A_268 = %scan3A_233 to %scan3A_235 step %scan3A_236 iter_args(%scan3A_269 = %broadcast_in_dim3A_218, %scan3A_270 = %broadcast_in_dim3A_220, %scan3A_271 = %broadcast_in_dim3A_222, %scan3A_272 = %broadcast_in_dim3A_224, %scan3A_273 = %broadcast_in_dim3A_226, %scan3A_274 = %broadcast_in_dim3A_228, %scan3A_275 = %broadcast_in_dim3A_230, %scan3A_276 = %broadcast_in_dim3A_232) -> (vector<16xf32>, vector<16xf32>, vector<16xf32>, vector<16xf32>, vector<16xf32>, vector<16xf32>, vector<16xf32>, vector<16xf32>)  : i32 {
        %mul3A_277 = arith.constant 4 : i32
        %mul3A_278 = arith.muli %scan3A_268, %mul3A_277 : i32
        %add3A_279 = arith.addi %mul3A_217, %mul3A_278 : i32
        %add3A_280 = arith.constant 0 : i32
        %add3A_281 = arith.addi %add3A_279, %add3A_280 : i32
        %get3A = arith.index_cast %add3A_281 : i32 to index
        %get3A_282 = arith.constant 0 : index
        %get3A_283 = tpu.vector_load %arg9[%get3A, %get3A_282] {strides = array<i32>} : memref<192x64xi32, #tpu.memory_space<vmem>>, vector<16xi32>,
        %bitcast3A = vector.bitcast %get3A_283 : vector<16xi32> to vector<32xbf16>
        %unpack3A = tpu.unpack_subelements %bitcast3A, 0 {pack_format = #tpu.pack_format<interleaved>} : vector<32xbf16> -> vector<16xf32>
        %unpack3A_284 = tpu.unpack_subelements %bitcast3A, 1 {pack_format = #tpu.pack_format<interleaved>} : vector<32xbf16> -> vector<16xf32>
        %add3A_285 = arith.addf %scan3A_269, %unpack3A : vector<16xf32>
        %add3A_286 = arith.addf %scan3A_270, %unpack3A_284 : vector<16xf32>
        %get3A_287 = arith.index_cast %add3A_281 : i32 to index
        %get3A_288 = arith.constant 16 : index
        %get3A_289 = tpu.vector_load %arg9[%get3A_287, %get3A_288] {strides = array<i32>} : memref<192x64xi32, #tpu.memory_space<vmem>>, vector<16xi32>,
        %bitcast3A_290 = vector.bitcast %get3A_289 : vector<16xi32> to vector<32xbf16>
        %unpack3A_291 = tpu.unpack_subelements %bitcast3A_290, 0 {pack_format = #tpu.pack_format<interleaved>} : vector<32xbf16> -> vector<16xf32>
        %unpack3A_292 = tpu.unpack_subelements %bitcast3A_290, 1 {pack_format = #tpu.pack_format<interleaved>} : vector<32xbf16> -> vector<16xf32>
        %add3A_293 = arith.addf %scan3A_271, %unpack3A_291 : vector<16xf32>
        %add3A_294 = arith.addf %scan3A_272, %unpack3A_292 : vector<16xf32>
        %get3A_295 = arith.index_cast %add3A_281 : i32 to index
        %get3A_296 = arith.constant 32 : index
        %get3A_297 = tpu.vector_load %arg9[%get3A_295, %get3A_296] {strides = array<i32>} : memref<192x64xi32, #tpu.memory_space<vmem>>, vector<16xi32>,
        %bitcast3A_298 = vector.bitcast %get3A_297 : vector<16xi32> to vector<32xbf16>
        %unpack3A_299 = tpu.unpack_subelements %bitcast3A_298, 0 {pack_format = #tpu.pack_format<interleaved>} : vector<32xbf16> -> vector<16xf32>
        %unpack3A_300 = tpu.unpack_subelements %bitcast3A_298, 1 {pack_format = #tpu.pack_format<interleaved>} : vector<32xbf16> -> vector<16xf32>
        %add3A_301 = arith.addf %scan3A_273, %unpack3A_299 : vector<16xf32>
        %add3A_302 = arith.addf %scan3A_274, %unpack3A_300 : vector<16xf32>
        %get3A_303 = arith.index_cast %add3A_281 : i32 to index
        %get3A_304 = arith.constant 48 : index
        %get3A_305 = tpu.vector_load %arg9[%get3A_303, %get3A_304] {strides = array<i32>} : memref<192x64xi32, #tpu.memory_space<vmem>>, vector<16xi32>,
        %bitcast3A_306 = vector.bitcast %get3A_305 : vector<16xi32> to vector<32xbf16>
        %unpack3A_307 = tpu.unpack_subelements %bitcast3A_306, 0 {pack_format = #tpu.pack_format<interleaved>} : vector<32xbf16> -> vector<16xf32>
        %unpack3A_308 = tpu.unpack_subelements %bitcast3A_306, 1 {pack_format = #tpu.pack_format<interleaved>} : vector<32xbf16> -> vector<16xf32>
        %add3A_309 = arith.addf %scan3A_275, %unpack3A_307 : vector<16xf32>
        %add3A_310 = arith.addf %scan3A_276, %unpack3A_308 : vector<16xf32>
        %mul3A_311 = arith.constant 4 : i32
        %mul3A_312 = arith.muli %scan3A_268, %mul3A_311 : i32
        %add3A_313 = arith.addi %mul3A_217, %mul3A_312 : i32
        %add3A_314 = arith.constant 1 : i32
        %add3A_315 = arith.addi %add3A_313, %add3A_314 : i32
        %get3A_316 = arith.index_cast %add3A_315 : i32 to index
        %get3A_317 = arith.constant 0 : index
        %get3A_318 = tpu.vector_load %arg9[%get3A_316, %get3A_317] {strides = array<i32>} : memref<192x64xi32, #tpu.memory_space<vmem>>, vector<16xi32>,
        %bitcast3A_319 = vector.bitcast %get3A_318 : vector<16xi32> to vector<32xbf16>
        %unpack3A_320 = tpu.unpack_subelements %bitcast3A_319, 0 {pack_format = #tpu.pack_format<interleaved>} : vector<32xbf16> -> vector<16xf32>
        %unpack3A_321 = tpu.unpack_subelements %bitcast3A_319, 1 {pack_format = #tpu.pack_format<interleaved>} : vector<32xbf16> -> vector<16xf32>
        %add3A_322 = arith.addf %add3A_285, %unpack3A_320 : vector<16xf32>
        %add3A_323 = arith.addf %add3A_286, %unpack3A_321 : vector<16xf32>
        %get3A_324 = arith.index_cast %add3A_315 : i32 to index
        %get3A_325 = arith.constant 16 : index
        %get3A_326 = tpu.vector_load %arg9[%get3A_324, %get3A_325] {strides = array<i32>} : memref<192x64xi32, #tpu.memory_space<vmem>>, vector<16xi32>,
        %bitcast3A_327 = vector.bitcast %get3A_326 : vector<16xi32> to vector<32xbf16>
        %unpack3A_328 = tpu.unpack_subelements %bitcast3A_327, 0 {pack_format = #tpu.pack_format<interleaved>} : vector<32xbf16> -> vector<16xf32>
        %unpack3A_329 = tpu.unpack_subelements %bitcast3A_327, 1 {pack_format = #tpu.pack_format<interleaved>} : vector<32xbf16> -> vector<16xf32>
        %add3A_330 = arith.addf %add3A_293, %unpack3A_328 : vector<16xf32>
        %add3A_331 = arith.addf %add3A_294, %unpack3A_329 : vector<16xf32>
        %get3A_332 = arith.index_cast %add3A_315 : i32 to index
        %get3A_333 = arith.constant 32 : index
        %get3A_334 = tpu.vector_load %arg9[%get3A_332, %get3A_333] {strides = array<i32>} : memref<192x64xi32, #tpu.memory_space<vmem>>, vector<16xi32>,
        %bitcast3A_335 = vector.bitcast %get3A_334 : vector<16xi32> to vector<32xbf16>
        %unpack3A_336 = tpu.unpack_subelements %bitcast3A_335, 0 {pack_format = #tpu.pack_format<interleaved>} : vector<32xbf16> -> vector<16xf32>
        %unpack3A_337 = tpu.unpack_subelements %bitcast3A_335, 1 {pack_format = #tpu.pack_format<interleaved>} : vector<32xbf16> -> vector<16xf32>
        %add3A_338 = arith.addf %add3A_301, %unpack3A_336 : vector<16xf32>
        %add3A_339 = arith.addf %add3A_302, %unpack3A_337 : vector<16xf32>
        %get3A_340 = arith.index_cast %add3A_315 : i32 to index
        %get3A_341 = arith.constant 48 : index
        %get3A_342 = tpu.vector_load %arg9[%get3A_340, %get3A_341] {strides = array<i32>} : memref<192x64xi32, #tpu.memory_space<vmem>>, vector<16xi32>,
        %bitcast3A_343 = vector.bitcast %get3A_342 : vector<16xi32> to vector<32xbf16>
        %unpack3A_344 = tpu.unpack_subelements %bitcast3A_343, 0 {pack_format = #tpu.pack_format<interleaved>} : vector<32xbf16> -> vector<16xf32>
        %unpack3A_345 = tpu.unpack_subelements %bitcast3A_343, 1 {pack_format = #tpu.pack_format<interleaved>} : vector<32xbf16> -> vector<16xf32>
        %add3A_346 = arith.addf %add3A_309, %unpack3A_344 : vector<16xf32>
        %add3A_347 = arith.addf %add3A_310, %unpack3A_345 : vector<16xf32>
        %mul3A_348 = arith.constant 4 : i32
        %mul3A_349 = arith.muli %scan3A_268, %mul3A_348 : i32
        %add3A_350 = arith.addi %mul3A_217, %mul3A_349 : i32
        %add3A_351 = arith.constant 2 : i32
        %add3A_352 = arith.addi %add3A_350, %add3A_351 : i32
        %get3A_353 = arith.index_cast %add3A_352 : i32 to index
        %get3A_354 = arith.constant 0 : index
        %get3A_355 = tpu.vector_load %arg9[%get3A_353, %get3A_354] {strides = array<i32>} : memref<192x64xi32, #tpu.memory_space<vmem>>, vector<16xi32>,
        %bitcast3A_356 = vector.bitcast %get3A_355 : vector<16xi32> to vector<32xbf16>
        %unpack3A_357 = tpu.unpack_subelements %bitcast3A_356, 0 {pack_format = #tpu.pack_format<interleaved>} : vector<32xbf16> -> vector<16xf32>
        %unpack3A_358 = tpu.unpack_subelements %bitcast3A_356, 1 {pack_format = #tpu.pack_format<interleaved>} : vector<32xbf16> -> vector<16xf32>
        %add3A_359 = arith.addf %add3A_322, %unpack3A_357 : vector<16xf32>
        %add3A_360 = arith.addf %add3A_323, %unpack3A_358 : vector<16xf32>
        %get3A_361 = arith.index_cast %add3A_352 : i32 to index
        %get3A_362 = arith.constant 16 : index
        %get3A_363 = tpu.vector_load %arg9[%get3A_361, %get3A_362] {strides = array<i32>} : memref<192x64xi32, #tpu.memory_space<vmem>>, vector<16xi32>,
        %bitcast3A_364 = vector.bitcast %get3A_363 : vector<16xi32> to vector<32xbf16>
        %unpack3A_365 = tpu.unpack_subelements %bitcast3A_364, 0 {pack_format = #tpu.pack_format<interleaved>} : vector<32xbf16> -> vector<16xf32>
        %unpack3A_366 = tpu.unpack_subelements %bitcast3A_364, 1 {pack_format = #tpu.pack_format<interleaved>} : vector<32xbf16> -> vector<16xf32>
        %add3A_367 = arith.addf %add3A_330, %unpack3A_365 : vector<16xf32>
        %add3A_368 = arith.addf %add3A_331, %unpack3A_366 : vector<16xf32>
        %get3A_369 = arith.index_cast %add3A_352 : i32 to index
        %get3A_370 = arith.constant 32 : index
        %get3A_371 = tpu.vector_load %arg9[%get3A_369, %get3A_370] {strides = array<i32>} : memref<192x64xi32, #tpu.memory_space<vmem>>, vector<16xi32>,
        %bitcast3A_372 = vector.bitcast %get3A_371 : vector<16xi32> to vector<32xbf16>
        %unpack3A_373 = tpu.unpack_subelements %bitcast3A_372, 0 {pack_format = #tpu.pack_format<interleaved>} : vector<32xbf16> -> vector<16xf32>
        %unpack3A_374 = tpu.unpack_subelements %bitcast3A_372, 1 {pack_format = #tpu.pack_format<interleaved>} : vector<32xbf16> -> vector<16xf32>
        %add3A_375 = arith.addf %add3A_338, %unpack3A_373 : vector<16xf32>
        %add3A_376 = arith.addf %add3A_339, %unpack3A_374 : vector<16xf32>
        %get3A_377 = arith.index_cast %add3A_352 : i32 to index
        %get3A_378 = arith.constant 48 : index
        %get3A_379 = tpu.vector_load %arg9[%get3A_377, %get3A_378] {strides = array<i32>} : memref<192x64xi32, #tpu.memory_space<vmem>>, vector<16xi32>,
        %bitcast3A_380 = vector.bitcast %get3A_379 : vector<16xi32> to vector<32xbf16>
        %unpack3A_381 = tpu.unpack_subelements %bitcast3A_380, 0 {pack_format = #tpu.pack_format<interleaved>} : vector<32xbf16> -> vector<16xf32>
        %unpack3A_382 = tpu.unpack_subelements %bitcast3A_380, 1 {pack_format = #tpu.pack_format<interleaved>} : vector<32xbf16> -> vector<16xf32>
        %add3A_383 = arith.addf %add3A_346, %unpack3A_381 : vector<16xf32>
        %add3A_384 = arith.addf %add3A_347, %unpack3A_382 : vector<16xf32>
        %mul3A_385 = arith.constant 4 : i32
        %mul3A_386 = arith.muli %scan3A_268, %mul3A_385 : i32
        %add3A_387 = arith.addi %mul3A_217, %mul3A_386 : i32
        %add3A_388 = arith.constant 3 : i32
        %add3A_389 = arith.addi %add3A_387, %add3A_388 : i32
        %get3A_390 = arith.index_cast %add3A_389 : i32 to index
        %get3A_391 = arith.constant 0 : index
        %get3A_392 = tpu.vector_load %arg9[%get3A_390, %get3A_391] {strides = array<i32>} : memref<192x64xi32, #tpu.memory_space<vmem>>, vector<16xi32>,
        %bitcast3A_393 = vector.bitcast %get3A_392 : vector<16xi32> to vector<32xbf16>
        %unpack3A_394 = tpu.unpack_subelements %bitcast3A_393, 0 {pack_format = #tpu.pack_format<interleaved>} : vector<32xbf16> -> vector<16xf32>
        %unpack3A_395 = tpu.unpack_subelements %bitcast3A_393, 1 {pack_format = #tpu.pack_format<interleaved>} : vector<32xbf16> -> vector<16xf32>
        %add3A_396 = arith.addf %add3A_359, %unpack3A_394 : vector<16xf32>
        %add3A_397 = arith.addf %add3A_360, %unpack3A_395 : vector<16xf32>
        %get3A_398 = arith.index_cast %add3A_389 : i32 to index
        %get3A_399 = arith.constant 16 : index
        %get3A_400 = tpu.vector_load %arg9[%get3A_398, %get3A_399] {strides = array<i32>} : memref<192x64xi32, #tpu.memory_space<vmem>>, vector<16xi32>,
        %bitcast3A_401 = vector.bitcast %get3A_400 : vector<16xi32> to vector<32xbf16>
        %unpack3A_402 = tpu.unpack_subelements %bitcast3A_401, 0 {pack_format = #tpu.pack_format<interleaved>} : vector<32xbf16> -> vector<16xf32>
        %unpack3A_403 = tpu.unpack_subelements %bitcast3A_401, 1 {pack_format = #tpu.pack_format<interleaved>} : vector<32xbf16> -> vector<16xf32>
        %add3A_404 = arith.addf %add3A_367, %unpack3A_402 : vector<16xf32>
        %add3A_405 = arith.addf %add3A_368, %unpack3A_403 : vector<16xf32>
        %get3A_406 = arith.index_cast %add3A_389 : i32 to index
        %get3A_407 = arith.constant 32 : index
        %get3A_408 = tpu.vector_load %arg9[%get3A_406, %get3A_407] {strides = array<i32>} : memref<192x64xi32, #tpu.memory_space<vmem>>, vector<16xi32>,
        %bitcast3A_409 = vector.bitcast %get3A_408 : vector<16xi32> to vector<32xbf16>
        %unpack3A_410 = tpu.unpack_subelements %bitcast3A_409, 0 {pack_format = #tpu.pack_format<interleaved>} : vector<32xbf16> -> vector<16xf32>
        %unpack3A_411 = tpu.unpack_subelements %bitcast3A_409, 1 {pack_format = #tpu.pack_format<interleaved>} : vector<32xbf16> -> vector<16xf32>
        %add3A_412 = arith.addf %add3A_375, %unpack3A_410 : vector<16xf32>
        %add3A_413 = arith.addf %add3A_376, %unpack3A_411 : vector<16xf32>
        %get3A_414 = arith.index_cast %add3A_389 : i32 to index
        %get3A_415 = arith.constant 48 : index
        %get3A_416 = tpu.vector_load %arg9[%get3A_414, %get3A_415] {strides = array<i32>} : memref<192x64xi32, #tpu.memory_space<vmem>>, vector<16xi32>,
        %bitcast3A_417 = vector.bitcast %get3A_416 : vector<16xi32> to vector<32xbf16>
        %unpack3A_418 = tpu.unpack_subelements %bitcast3A_417, 0 {pack_format = #tpu.pack_format<interleaved>} : vector<32xbf16> -> vector<16xf32>
        %unpack3A_419 = tpu.unpack_subelements %bitcast3A_417, 1 {pack_format = #tpu.pack_format<interleaved>} : vector<32xbf16> -> vector<16xf32>
        %add3A_420 = arith.addf %add3A_383, %unpack3A_418 : vector<16xf32>
        %add3A_421 = arith.addf %add3A_384, %unpack3A_419 : vector<16xf32>
        scf.yield %add3A_396, %add3A_397, %add3A_404, %add3A_405, %add3A_412, %add3A_413, %add3A_420, %add3A_421 : vector<16xf32>, vector<16xf32>, vector<16xf32>, vector<16xf32>, vector<16xf32>, vector<16xf32>, vector<16xf32>, vector<16xf32>
      }
      %scan3A_238 = arith.constant 4 : i32
      %mul3A_239 = arith.constant 32 : i32
      %mul3A_240 = arith.muli %sub3A_215, %mul3A_239 : i32
      %add3A_241 = arith.constant 28 : i32
      %add3A_242 = arith.addi %mul3A_240, %add3A_241 : i32
      %add3A_243 = arith.addi %add3A_242, %select_n3A : i32
      %swap3A = arith.index_cast %add3A_243 : i32 to index
      %swap3A_244 = arith.constant 0 : index
      %swap3A_245 = tpu.vector_load %arg13[%swap3A, %swap3A_244] {strides = array<i32>} : memref<96x128xf32, #tpu.memory_space<vmem>>, vector<16xf32>,
      tpu.vector_store %arg13[%swap3A, %swap3A_244], %scan3A_237#0 {strides = array<i32>} : memref<96x128xf32, #tpu.memory_space<vmem>>, vector<16xf32>,
      %swap3A_246 = arith.index_cast %add3A_243 : i32 to index
      %swap3A_247 = arith.constant 16 : index
      %swap3A_248 = tpu.vector_load %arg13[%swap3A_246, %swap3A_247] {strides = array<i32>} : memref<96x128xf32, #tpu.memory_space<vmem>>, vector<16xf32>,
      tpu.vector_store %arg13[%swap3A_246, %swap3A_247], %scan3A_237#1 {strides = array<i32>} : memref<96x128xf32, #tpu.memory_space<vmem>>, vector<16xf32>,
      %swap3A_249 = arith.index_cast %add3A_243 : i32 to index
      %swap3A_250 = arith.constant 32 : index
      %swap3A_251 = tpu.vector_load %arg13[%swap3A_249, %swap3A_250] {strides = array<i32>} : memref<96x128xf32, #tpu.memory_space<vmem>>, vector<16xf32>,
      tpu.vector_store %arg13[%swap3A_249, %swap3A_250], %scan3A_237#2 {strides = array<i32>} : memref<96x128xf32, #tpu.memory_space<vmem>>, vector<16xf32>,
      %swap3A_252 = arith.index_cast %add3A_243 : i32 to index
      %swap3A_253 = arith.constant 48 : index
      %swap3A_254 = tpu.vector_load %arg13[%swap3A_252, %swap3A_253] {strides = array<i32>} : memref<96x128xf32, #tpu.memory_space<vmem>>, vector<16xf32>,
      tpu.vector_store %arg13[%swap3A_252, %swap3A_253], %scan3A_237#3 {strides = array<i32>} : memref<96x128xf32, #tpu.memory_space<vmem>>, vector<16xf32>,
      %swap3A_255 = arith.index_cast %add3A_243 : i32 to index
      %swap3A_256 = arith.constant 64 : index
      %swap3A_257 = tpu.vector_load %arg13[%swap3A_255, %swap3A_256] {strides = array<i32>} : memref<96x128xf32, #tpu.memory_space<vmem>>, vector<16xf32>,
      tpu.vector_store %arg13[%swap3A_255, %swap3A_256], %scan3A_237#4 {strides = array<i32>} : memref<96x128xf32, #tpu.memory_space<vmem>>, vector<16xf32>,
      %swap3A_258 = arith.index_cast %add3A_243 : i32 to index
      %swap3A_259 = arith.constant 80 : index
      %swap3A_260 = tpu.vector_load %arg13[%swap3A_258, %swap3A_259] {strides = array<i32>} : memref<96x128xf32, #tpu.memory_space<vmem>>, vector<16xf32>,
      tpu.vector_store %arg13[%swap3A_258, %swap3A_259], %scan3A_237#5 {strides = array<i32>} : memref<96x128xf32, #tpu.memory_space<vmem>>, vector<16xf32>,
      %swap3A_261 = arith.index_cast %add3A_243 : i32 to index
      %swap3A_262 = arith.constant 96 : index
      %swap3A_263 = tpu.vector_load %arg13[%swap3A_261, %swap3A_262] {strides = array<i32>} : memref<96x128xf32, #tpu.memory_space<vmem>>, vector<16xf32>,
      tpu.vector_store %arg13[%swap3A_261, %swap3A_262], %scan3A_237#6 {strides = array<i32>} : memref<96x128xf32, #tpu.memory_space<vmem>>, vector<16xf32>,
      %swap3A_264 = arith.index_cast %add3A_243 : i32 to index
      %swap3A_265 = arith.constant 112 : index
      %swap3A_266 = tpu.vector_load %arg13[%swap3A_264, %swap3A_265] {strides = array<i32>} : memref<96x128xf32, #tpu.memory_space<vmem>>, vector<16xf32>,
      tpu.vector_store %arg13[%swap3A_264, %swap3A_265], %scan3A_237#7 {strides = array<i32>} : memref<96x128xf32, #tpu.memory_space<vmem>>, vector<16xf32>,
      %scan3A_267 = arith.constant 0 : i32
      scf.yield %scan3A_267 : i32
    }
    %scan3A_157 = arith.constant 12 : i32
    %mul3A_158 = arith.constant 32 : i32
    %mul3A_159 = arith.muli %add3A, %mul3A_158 : i32
    %add3A_160 = arith.constant 0 : i32
    %add3A_161 = arith.addi %add3A_160, %mul3A_159 : i32
    "tpu.region"() ({
      %run_scoped3A = tpu.sem_alloc : memref<!tpu.dma_semaphore, #tpu.memory_space<semaphore_mem>>
      %dma_start3A_195 = arith.constant 0 : i32
      %dma_start3A_196 = arith.constant 0 : i32
      %dma_start3A_197 = tpu.memref_slice %arg13[%dma_start3A_195, %dma_start3A_196] : memref<96x128xf32, #tpu.memory_space<vmem>> -> memref<32x128xf32, #tpu.memory_space<vmem>>
      %dma_start3A_198 = arith.constant 0 : i32
      %dma_start3A_199 = tpu.memref_slice %arg5[%add3A_161, %dma_start3A_198] : memref<3072x128xf32, #tpu.memory_space<hbm>> -> memref<32x128xf32, #tpu.memory_space<hbm>>
      %dma_start3A_200 = arith.constant 0 : i32
      %dma_start3A_201 = tpu.memref_slice %arg5[%add3A_161, %dma_start3A_200] : memref<3072x128xf32, #tpu.memory_space<hbm>> -> memref<32x128xf32, #tpu.memory_space<hbm>>
      %dma_start3A_202 = arith.constant 0 : i32
      %dma_start3A_203 = arith.constant 0 : i32
      %dma_start3A_204 = tpu.memref_slice %arg13[%dma_start3A_202, %dma_start3A_203] : memref<96x128xf32, #tpu.memory_space<vmem>> -> memref<32x128xf32, #tpu.memory_space<vmem>>
      tpu.enqueue_dma source(%dma_start3A_204 : memref<32x128xf32, #tpu.memory_space<vmem>>) target(%dma_start3A_201 : memref<32x128xf32, #tpu.memory_space<hbm>>) target_semaphore(%run_scoped3A : memref<!tpu.dma_semaphore, #tpu.memory_space<semaphore_mem>>)
      %dma_wait3A_205 = arith.constant 0 : i32
      %dma_wait3A_206 = arith.constant 0 : i32
      %dma_wait3A_207 = tpu.memref_slice %arg13[%dma_wait3A_205, %dma_wait3A_206] : memref<96x128xf32, #tpu.memory_space<vmem>> -> memref<32x128xf32, #tpu.memory_space<vmem>>
      %dma_wait3A_208 = arith.constant 0 : i32
      %dma_wait3A_209 = tpu.memref_slice %arg5[%add3A_161, %dma_wait3A_208] : memref<3072x128xf32, #tpu.memory_space<hbm>> -> memref<32x128xf32, #tpu.memory_space<hbm>>
      %dma_wait3A_210 = arith.constant 0 : i32
      %dma_wait3A_211 = tpu.memref_slice %arg5[%add3A_161, %dma_wait3A_210] : memref<3072x128xf32, #tpu.memory_space<hbm>> -> memref<32x128xf32, #tpu.memory_space<hbm>>
      %dma_wait3A_212 = arith.constant 0 : i32
      %dma_wait3A_213 = arith.constant 0 : i32
      %dma_wait3A_214 = tpu.memref_slice %arg13[%dma_wait3A_212, %dma_wait3A_213] : memref<96x128xf32, #tpu.memory_space<vmem>> -> memref<32x128xf32, #tpu.memory_space<vmem>>
      tpu.wait_dma2 semaphore(%run_scoped3A : memref<!tpu.dma_semaphore, #tpu.memory_space<semaphore_mem>>) src(%dma_wait3A_214 : memref<32x128xf32, #tpu.memory_space<vmem>>) dst(%dma_wait3A_211 : memref<32x128xf32, #tpu.memory_space<hbm>>)
      tpu.yield
    }) : () -> ()
    %mul3A_162 = arith.constant 32 : i32
    %mul3A_163 = arith.muli %add3A, %mul3A_162 : i32
    %add3A_164 = arith.constant 1024 : i32
    %add3A_165 = arith.addi %add3A_164, %mul3A_163 : i32
    "tpu.region"() ({
      %run_scoped3A = tpu.sem_alloc : memref<!tpu.dma_semaphore, #tpu.memory_space<semaphore_mem>>
      %dma_start3A_195 = arith.constant 32 : i32
      %dma_start3A_196 = arith.constant 0 : i32
      %dma_start3A_197 = tpu.memref_slice %arg13[%dma_start3A_195, %dma_start3A_196] : memref<96x128xf32, #tpu.memory_space<vmem>> -> memref<32x128xf32, #tpu.memory_space<vmem>>
      %dma_start3A_198 = arith.constant 0 : i32
      %dma_start3A_199 = tpu.memref_slice %arg5[%add3A_165, %dma_start3A_198] : memref<3072x128xf32, #tpu.memory_space<hbm>> -> memref<32x128xf32, #tpu.memory_space<hbm>>
      %dma_start3A_200 = arith.constant 0 : i32
      %dma_start3A_201 = tpu.memref_slice %arg5[%add3A_165, %dma_start3A_200] : memref<3072x128xf32, #tpu.memory_space<hbm>> -> memref<32x128xf32, #tpu.memory_space<hbm>>
      %dma_start3A_202 = arith.constant 32 : i32
      %dma_start3A_203 = arith.constant 0 : i32
      %dma_start3A_204 = tpu.memref_slice %arg13[%dma_start3A_202, %dma_start3A_203] : memref<96x128xf32, #tpu.memory_space<vmem>> -> memref<32x128xf32, #tpu.memory_space<vmem>>
      tpu.enqueue_dma source(%dma_start3A_204 : memref<32x128xf32, #tpu.memory_space<vmem>>) target(%dma_start3A_201 : memref<32x128xf32, #tpu.memory_space<hbm>>) target_semaphore(%run_scoped3A : memref<!tpu.dma_semaphore, #tpu.memory_space<semaphore_mem>>)
      %dma_wait3A_205 = arith.constant 32 : i32
      %dma_wait3A_206 = arith.constant 0 : i32
      %dma_wait3A_207 = tpu.memref_slice %arg13[%dma_wait3A_205, %dma_wait3A_206] : memref<96x128xf32, #tpu.memory_space<vmem>> -> memref<32x128xf32, #tpu.memory_space<vmem>>
      %dma_wait3A_208 = arith.constant 0 : i32
      %dma_wait3A_209 = tpu.memref_slice %arg5[%add3A_165, %dma_wait3A_208] : memref<3072x128xf32, #tpu.memory_space<hbm>> -> memref<32x128xf32, #tpu.memory_space<hbm>>
      %dma_wait3A_210 = arith.constant 0 : i32
      %dma_wait3A_211 = tpu.memref_slice %arg5[%add3A_165, %dma_wait3A_210] : memref<3072x128xf32, #tpu.memory_space<hbm>> -> memref<32x128xf32, #tpu.memory_space<hbm>>
      %dma_wait3A_212 = arith.constant 32 : i32
      %dma_wait3A_213 = arith.constant 0 : i32
      %dma_wait3A_214 = tpu.memref_slice %arg13[%dma_wait3A_212, %dma_wait3A_213] : memref<96x128xf32, #tpu.memory_space<vmem>> -> memref<32x128xf32, #tpu.memory_space<vmem>>
      tpu.wait_dma2 semaphore(%run_scoped3A : memref<!tpu.dma_semaphore, #tpu.memory_space<semaphore_mem>>) src(%dma_wait3A_214 : memref<32x128xf32, #tpu.memory_space<vmem>>) dst(%dma_wait3A_211 : memref<32x128xf32, #tpu.memory_space<hbm>>)
      tpu.yield
    }) : () -> ()
    %mul3A_166 = arith.constant 32 : i32
    %mul3A_167 = arith.muli %add3A, %mul3A_166 : i32
    %add3A_168 = arith.constant 2048 : i32
    %add3A_169 = arith.addi %add3A_168, %mul3A_167 : i32
    "tpu.region"() ({
      %run_scoped3A = tpu.sem_alloc : memref<!tpu.dma_semaphore, #tpu.memory_space<semaphore_mem>>
      %dma_start3A_195 = arith.constant 64 : i32
      %dma_start3A_196 = arith.constant 0 : i32
      %dma_start3A_197 = tpu.memref_slice %arg13[%dma_start3A_195, %dma_start3A_196] : memref<96x128xf32, #tpu.memory_space<vmem>> -> memref<32x128xf32, #tpu.memory_space<vmem>>
      %dma_start3A_198 = arith.constant 0 : i32
      %dma_start3A_199 = tpu.memref_slice %arg5[%add3A_169, %dma_start3A_198] : memref<3072x128xf32, #tpu.memory_space<hbm>> -> memref<32x128xf32, #tpu.memory_space<hbm>>
      %dma_start3A_200 = arith.constant 0 : i32
      %dma_start3A_201 = tpu.memref_slice %arg5[%add3A_169, %dma_start3A_200] : memref<3072x128xf32, #tpu.memory_space<hbm>> -> memref<32x128xf32, #tpu.memory_space<hbm>>
      %dma_start3A_202 = arith.constant 64 : i32
      %dma_start3A_203 = arith.constant 0 : i32
      %dma_start3A_204 = tpu.memref_slice %arg13[%dma_start3A_202, %dma_start3A_203] : memref<96x128xf32, #tpu.memory_space<vmem>> -> memref<32x128xf32, #tpu.memory_space<vmem>>
      tpu.enqueue_dma source(%dma_start3A_204 : memref<32x128xf32, #tpu.memory_space<vmem>>) target(%dma_start3A_201 : memref<32x128xf32, #tpu.memory_space<hbm>>) target_semaphore(%run_scoped3A : memref<!tpu.dma_semaphore, #tpu.memory_space<semaphore_mem>>)
      %dma_wait3A_205 = arith.constant 64 : i32
      %dma_wait3A_206 = arith.constant 0 : i32
      %dma_wait3A_207 = tpu.memref_slice %arg13[%dma_wait3A_205, %dma_wait3A_206] : memref<96x128xf32, #tpu.memory_space<vmem>> -> memref<32x128xf32, #tpu.memory_space<vmem>>
      %dma_wait3A_208 = arith.constant 0 : i32
      %dma_wait3A_209 = tpu.memref_slice %arg5[%add3A_169, %dma_wait3A_208] : memref<3072x128xf32, #tpu.memory_space<hbm>> -> memref<32x128xf32, #tpu.memory_space<hbm>>
      %dma_wait3A_210 = arith.constant 0 : i32
      %dma_wait3A_211 = tpu.memref_slice %arg5[%add3A_169, %dma_wait3A_210] : memref<3072x128xf32, #tpu.memory_space<hbm>> -> memref<32x128xf32, #tpu.memory_space<hbm>>
      %dma_wait3A_212 = arith.constant 64 : i32
      %dma_wait3A_213 = arith.constant 0 : i32
      %dma_wait3A_214 = tpu.memref_slice %arg13[%dma_wait3A_212, %dma_wait3A_213] : memref<96x128xf32, #tpu.memory_space<vmem>> -> memref<32x128xf32, #tpu.memory_space<vmem>>
      tpu.wait_dma2 semaphore(%run_scoped3A : memref<!tpu.dma_semaphore, #tpu.memory_space<semaphore_mem>>) src(%dma_wait3A_214 : memref<32x128xf32, #tpu.memory_space<vmem>>) dst(%dma_wait3A_211 : memref<32x128xf32, #tpu.memory_space<hbm>>)
      tpu.yield
    }) : () -> ()
    %dma_wait3A_170 = arith.constant 0 : i32
    %dma_wait3A_171 = arith.constant 0 : i32
    %dma_wait3A_172 = tpu.memref_slice %arg11[%dma_wait3A_170, %dma_wait3A_171] : memref<256x64xi32, #tpu.memory_space<vmem>> -> memref<128x64xi32, #tpu.memory_space<vmem>>
    %dma_wait3A_173 = arith.constant 0 : i32
    %dma_wait3A_174 = tpu.memref_slice %arg10[%dma_wait3A_173] : memref<256xi32, #tpu.memory_space<vmem>> -> memref<128xi32, #tpu.memory_space<vmem>>
    %dma_wait3A_175 = arith.constant 0 : i32
    %dma_wait3A_176 = arith.constant 0 : i32
    %dma_wait3A_177 = tpu.memref_slice %arg2[%dma_wait3A_175, %dma_wait3A_176] : memref<1024x64xi32, #tpu.memory_space<hbm>> -> memref<1024x64xi32, #tpu.memory_space<hbm>>
    tpu.wait_indirect_dma semaphore(%arg16 : memref<!tpu.dma_semaphore, #tpu.memory_space<semaphore_mem>>) src(%dma_wait3A_177 : memref<1024x64xi32, #tpu.memory_space<hbm>>) dst(%dma_wait3A_172 : memref<128x64xi32, #tpu.memory_space<vmem>>)
    %dma_wait3A_178 = arith.constant 128 : i32
    %dma_wait3A_179 = arith.constant 0 : i32
    %dma_wait3A_180 = tpu.memref_slice %arg11[%dma_wait3A_178, %dma_wait3A_179] : memref<256x64xi32, #tpu.memory_space<vmem>> -> memref<128x64xi32, #tpu.memory_space<vmem>>
    %dma_wait3A_181 = arith.constant 128 : i32
    %dma_wait3A_182 = tpu.memref_slice %arg10[%dma_wait3A_181] : memref<256xi32, #tpu.memory_space<vmem>> -> memref<128xi32, #tpu.memory_space<vmem>>
    %dma_wait3A_183 = arith.constant 0 : i32
    %dma_wait3A_184 = arith.constant 0 : i32
    %dma_wait3A_185 = tpu.memref_slice %arg2[%dma_wait3A_183, %dma_wait3A_184] : memref<1024x64xi32, #tpu.memory_space<hbm>> -> memref<1024x64xi32, #tpu.memory_space<hbm>>
    tpu.wait_indirect_dma semaphore(%arg17 : memref<!tpu.dma_semaphore, #tpu.memory_space<semaphore_mem>>) src(%dma_wait3A_185 : memref<1024x64xi32, #tpu.memory_space<hbm>>) dst(%dma_wait3A_180 : memref<128x64xi32, #tpu.memory_space<vmem>>)
    %scan3A_186 = arith.constant 0 : i32
    %scan3A_187 = arith.constant 0 : i32
    %scan3A_188 = arith.constant 128 : i32
    %scan3A_189 = arith.addi %scan3A_187, %scan3A_188 : i32
    %scan3A_190 = arith.constant 1 : i32
    %scan3A_191 = scf.for %scan3A_195 = %scan3A_187 to %scan3A_189 step %scan3A_190 iter_args(%scan3A_196 = %scan3A_186) -> (i32)  : i32 {
      %mul3A_197 = arith.constant 2 : i32
      %mul3A_198 = arith.muli %mul3A_197, %scan3A_195 : i32
      %get3A = arith.index_cast %mul3A_198 : i32 to index
      %get3A_199 = arith.constant 0 : index
      %get3A_200 = tpu.vector_load %arg11[%get3A, %get3A_199] {strides = array<i32>} : memref<256x64xi32, #tpu.memory_space<vmem>>, vector<16xi32>,
      %mul3A_201 = arith.constant 2 : i32
      %mul3A_202 = arith.muli %mul3A_201, %scan3A_195 : i32
      %add3A_203 = arith.constant 1 : i32
      %add3A_204 = arith.addi %mul3A_202, %add3A_203 : i32
      %get3A_205 = arith.index_cast %add3A_204 : i32 to index
      %get3A_206 = arith.constant 0 : index
      %get3A_207 = tpu.vector_load %arg11[%get3A_205, %get3A_206] {strides = array<i32>} : memref<256x64xi32, #tpu.memory_space<vmem>>, vector<16xi32>,
      %bitcast3A = vector.bitcast %get3A_200 : vector<16xi32> to vector<32xbf16>
      %unpack3A = tpu.unpack_subelements %bitcast3A, 0 {pack_format = #tpu.pack_format<interleaved>} : vector<32xbf16> -> vector<16xf32>
      %unpack3A_208 = tpu.unpack_subelements %bitcast3A, 1 {pack_format = #tpu.pack_format<interleaved>} : vector<32xbf16> -> vector<16xf32>
      %bitcast3A_209 = vector.bitcast %get3A_207 : vector<16xi32> to vector<32xbf16>
      %unpack3A_210 = tpu.unpack_subelements %bitcast3A_209, 0 {pack_format = #tpu.pack_format<interleaved>} : vector<32xbf16> -> vector<16xf32>
      %unpack3A_211 = tpu.unpack_subelements %bitcast3A_209, 1 {pack_format = #tpu.pack_format<interleaved>} : vector<32xbf16> -> vector<16xf32>
      %sub3A = arith.subf %unpack3A, %unpack3A_210 : vector<16xf32>
      %swap3A = arith.index_cast %scan3A_195 : i32 to index
      %swap3A_212 = arith.constant 0 : index
      %swap3A_213 = tpu.vector_load %arg12[%swap3A, %swap3A_212] {strides = array<i32>} : memref<128x128xf32, #tpu.memory_space<vmem>>, vector<16xf32>,
      tpu.vector_store %arg12[%swap3A, %swap3A_212], %sub3A {strides = array<i32>} : memref<128x128xf32, #tpu.memory_space<vmem>>, vector<16xf32>,
      %sub3A_214 = arith.subf %unpack3A_208, %unpack3A_211 : vector<16xf32>
      %swap3A_215 = arith.index_cast %scan3A_195 : i32 to index
      %swap3A_216 = arith.constant 16 : index
      %swap3A_217 = tpu.vector_load %arg12[%swap3A_215, %swap3A_216] {strides = array<i32>} : memref<128x128xf32, #tpu.memory_space<vmem>>, vector<16xf32>,
      tpu.vector_store %arg12[%swap3A_215, %swap3A_216], %sub3A_214 {strides = array<i32>} : memref<128x128xf32, #tpu.memory_space<vmem>>, vector<16xf32>,
      %mul3A_218 = arith.constant 2 : i32
      %mul3A_219 = arith.muli %mul3A_218, %scan3A_195 : i32
      %get3A_220 = arith.index_cast %mul3A_219 : i32 to index
      %get3A_221 = arith.constant 16 : index
      %get3A_222 = tpu.vector_load %arg11[%get3A_220, %get3A_221] {strides = array<i32>} : memref<256x64xi32, #tpu.memory_space<vmem>>, vector<16xi32>,
      %mul3A_223 = arith.constant 2 : i32
      %mul3A_224 = arith.muli %mul3A_223, %scan3A_195 : i32
      %add3A_225 = arith.constant 1 : i32
      %add3A_226 = arith.addi %mul3A_224, %add3A_225 : i32
      %get3A_227 = arith.index_cast %add3A_226 : i32 to index
      %get3A_228 = arith.constant 16 : index
      %get3A_229 = tpu.vector_load %arg11[%get3A_227, %get3A_228] {strides = array<i32>} : memref<256x64xi32, #tpu.memory_space<vmem>>, vector<16xi32>,
      %bitcast3A_230 = vector.bitcast %get3A_222 : vector<16xi32> to vector<32xbf16>
      %unpack3A_231 = tpu.unpack_subelements %bitcast3A_230, 0 {pack_format = #tpu.pack_format<interleaved>} : vector<32xbf16> -> vector<16xf32>
      %unpack3A_232 = tpu.unpack_subelements %bitcast3A_230, 1 {pack_format = #tpu.pack_format<interleaved>} : vector<32xbf16> -> vector<16xf32>
      %bitcast3A_233 = vector.bitcast %get3A_229 : vector<16xi32> to vector<32xbf16>
      %unpack3A_234 = tpu.unpack_subelements %bitcast3A_233, 0 {pack_format = #tpu.pack_format<interleaved>} : vector<32xbf16> -> vector<16xf32>
      %unpack3A_235 = tpu.unpack_subelements %bitcast3A_233, 1 {pack_format = #tpu.pack_format<interleaved>} : vector<32xbf16> -> vector<16xf32>
      %sub3A_236 = arith.subf %unpack3A_231, %unpack3A_234 : vector<16xf32>
      %swap3A_237 = arith.index_cast %scan3A_195 : i32 to index
      %swap3A_238 = arith.constant 32 : index
      %swap3A_239 = tpu.vector_load %arg12[%swap3A_237, %swap3A_238] {strides = array<i32>} : memref<128x128xf32, #tpu.memory_space<vmem>>, vector<16xf32>,
      tpu.vector_store %arg12[%swap3A_237, %swap3A_238], %sub3A_236 {strides = array<i32>} : memref<128x128xf32, #tpu.memory_space<vmem>>, vector<16xf32>,
      %sub3A_240 = arith.subf %unpack3A_232, %unpack3A_235 : vector<16xf32>
      %swap3A_241 = arith.index_cast %scan3A_195 : i32 to index
      %swap3A_242 = arith.constant 48 : index
      %swap3A_243 = tpu.vector_load %arg12[%swap3A_241, %swap3A_242] {strides = array<i32>} : memref<128x128xf32, #tpu.memory_space<vmem>>, vector<16xf32>,
      tpu.vector_store %arg12[%swap3A_241, %swap3A_242], %sub3A_240 {strides = array<i32>} : memref<128x128xf32, #tpu.memory_space<vmem>>, vector<16xf32>,
      %mul3A_244 = arith.constant 2 : i32
      %mul3A_245 = arith.muli %mul3A_244, %scan3A_195 : i32
      %get3A_246 = arith.index_cast %mul3A_245 : i32 to index
      %get3A_247 = arith.constant 32 : index
      %get3A_248 = tpu.vector_load %arg11[%get3A_246, %get3A_247] {strides = array<i32>} : memref<256x64xi32, #tpu.memory_space<vmem>>, vector<16xi32>,
      %mul3A_249 = arith.constant 2 : i32
      %mul3A_250 = arith.muli %mul3A_249, %scan3A_195 : i32
      %add3A_251 = arith.constant 1 : i32
      %add3A_252 = arith.addi %mul3A_250, %add3A_251 : i32
      %get3A_253 = arith.index_cast %add3A_252 : i32 to index
      %get3A_254 = arith.constant 32 : index
      %get3A_255 = tpu.vector_load %arg11[%get3A_253, %get3A_254] {strides = array<i32>} : memref<256x64xi32, #tpu.memory_space<vmem>>, vector<16xi32>,
      %bitcast3A_256 = vector.bitcast %get3A_248 : vector<16xi32> to vector<32xbf16>
      %unpack3A_257 = tpu.unpack_subelements %bitcast3A_256, 0 {pack_format = #tpu.pack_format<interleaved>} : vector<32xbf16> -> vector<16xf32>
      %unpack3A_258 = tpu.unpack_subelements %bitcast3A_256, 1 {pack_format = #tpu.pack_format<interleaved>} : vector<32xbf16> -> vector<16xf32>
      %bitcast3A_259 = vector.bitcast %get3A_255 : vector<16xi32> to vector<32xbf16>
      %unpack3A_260 = tpu.unpack_subelements %bitcast3A_259, 0 {pack_format = #tpu.pack_format<interleaved>} : vector<32xbf16> -> vector<16xf32>
      %unpack3A_261 = tpu.unpack_subelements %bitcast3A_259, 1 {pack_format = #tpu.pack_format<interleaved>} : vector<32xbf16> -> vector<16xf32>
      %sub3A_262 = arith.subf %unpack3A_257, %unpack3A_260 : vector<16xf32>
      %swap3A_263 = arith.index_cast %scan3A_195 : i32 to index
      %swap3A_264 = arith.constant 64 : index
      %swap3A_265 = tpu.vector_load %arg12[%swap3A_263, %swap3A_264] {strides = array<i32>} : memref<128x128xf32, #tpu.memory_space<vmem>>, vector<16xf32>,
      tpu.vector_store %arg12[%swap3A_263, %swap3A_264], %sub3A_262 {strides = array<i32>} : memref<128x128xf32, #tpu.memory_space<vmem>>, vector<16xf32>,
      %sub3A_266 = arith.subf %unpack3A_258, %unpack3A_261 : vector<16xf32>
      %swap3A_267 = arith.index_cast %scan3A_195 : i32 to index
      %swap3A_268 = arith.constant 80 : index
      %swap3A_269 = tpu.vector_load %arg12[%swap3A_267, %swap3A_268] {strides = array<i32>} : memref<128x128xf32, #tpu.memory_space<vmem>>, vector<16xf32>,
      tpu.vector_store %arg12[%swap3A_267, %swap3A_268], %sub3A_266 {strides = array<i32>} : memref<128x128xf32, #tpu.memory_space<vmem>>, vector<16xf32>,
      %mul3A_270 = arith.constant 2 : i32
      %mul3A_271 = arith.muli %mul3A_270, %scan3A_195 : i32
      %get3A_272 = arith.index_cast %mul3A_271 : i32 to index
      %get3A_273 = arith.constant 48 : index
      %get3A_274 = tpu.vector_load %arg11[%get3A_272, %get3A_273] {strides = array<i32>} : memref<256x64xi32, #tpu.memory_space<vmem>>, vector<16xi32>,
      %mul3A_275 = arith.constant 2 : i32
      %mul3A_276 = arith.muli %mul3A_275, %scan3A_195 : i32
      %add3A_277 = arith.constant 1 : i32
      %add3A_278 = arith.addi %mul3A_276, %add3A_277 : i32
      %get3A_279 = arith.index_cast %add3A_278 : i32 to index
      %get3A_280 = arith.constant 48 : index
      %get3A_281 = tpu.vector_load %arg11[%get3A_279, %get3A_280] {strides = array<i32>} : memref<256x64xi32, #tpu.memory_space<vmem>>, vector<16xi32>,
      %bitcast3A_282 = vector.bitcast %get3A_274 : vector<16xi32> to vector<32xbf16>
      %unpack3A_283 = tpu.unpack_subelements %bitcast3A_282, 0 {pack_format = #tpu.pack_format<interleaved>} : vector<32xbf16> -> vector<16xf32>
      %unpack3A_284 = tpu.unpack_subelements %bitcast3A_282, 1 {pack_format = #tpu.pack_format<interleaved>} : vector<32xbf16> -> vector<16xf32>
      %bitcast3A_285 = vector.bitcast %get3A_281 : vector<16xi32> to vector<32xbf16>
      %unpack3A_286 = tpu.unpack_subelements %bitcast3A_285, 0 {pack_format = #tpu.pack_format<interleaved>} : vector<32xbf16> -> vector<16xf32>
      %unpack3A_287 = tpu.unpack_subelements %bitcast3A_285, 1 {pack_format = #tpu.pack_format<interleaved>} : vector<32xbf16> -> vector<16xf32>
      %sub3A_288 = arith.subf %unpack3A_283, %unpack3A_286 : vector<16xf32>
      %swap3A_289 = arith.index_cast %scan3A_195 : i32 to index
      %swap3A_290 = arith.constant 96 : index
      %swap3A_291 = tpu.vector_load %arg12[%swap3A_289, %swap3A_290] {strides = array<i32>} : memref<128x128xf32, #tpu.memory_space<vmem>>, vector<16xf32>,
      tpu.vector_store %arg12[%swap3A_289, %swap3A_290], %sub3A_288 {strides = array<i32>} : memref<128x128xf32, #tpu.memory_space<vmem>>, vector<16xf32>,
      %sub3A_292 = arith.subf %unpack3A_284, %unpack3A_287 : vector<16xf32>
      %swap3A_293 = arith.index_cast %scan3A_195 : i32 to index
      %swap3A_294 = arith.constant 112 : index
      %swap3A_295 = tpu.vector_load %arg12[%swap3A_293, %swap3A_294] {strides = array<i32>} : memref<128x128xf32, #tpu.memory_space<vmem>>, vector<16xf32>,
      tpu.vector_store %arg12[%swap3A_293, %swap3A_294], %sub3A_292 {strides = array<i32>} : memref<128x128xf32, #tpu.memory_space<vmem>>, vector<16xf32>,
      %scan3A_296 = arith.constant 0 : i32
      scf.yield %scan3A_296 : i32
    }
    %scan3A_192 = arith.constant 128 : i32
    %mul3A_193 = arith.constant 128 : i32
    %mul3A_194 = arith.muli %add3A, %mul3A_193 : i32
    "tpu.region"() ({
      %run_scoped3A = tpu.sem_alloc : memref<!tpu.dma_semaphore, #tpu.memory_space<semaphore_mem>>
      %dma_start3A_195 = arith.constant 0 : i32
      %dma_start3A_196 = tpu.memref_slice %arg6[%mul3A_194, %dma_start3A_195] : memref<4096x128xf32, #tpu.memory_space<hbm>> -> memref<128x128xf32, #tpu.memory_space<hbm>>
      %dma_start3A_197 = arith.constant 0 : i32
      %dma_start3A_198 = tpu.memref_slice %arg6[%mul3A_194, %dma_start3A_197] : memref<4096x128xf32, #tpu.memory_space<hbm>> -> memref<128x128xf32, #tpu.memory_space<hbm>>
      tpu.enqueue_dma source(%arg12 : memref<128x128xf32, #tpu.memory_space<vmem>>) target(%dma_start3A_198 : memref<128x128xf32, #tpu.memory_space<hbm>>) target_semaphore(%run_scoped3A : memref<!tpu.dma_semaphore, #tpu.memory_space<semaphore_mem>>)
      %dma_wait3A_199 = arith.constant 0 : i32
      %dma_wait3A_200 = tpu.memref_slice %arg6[%mul3A_194, %dma_wait3A_199] : memref<4096x128xf32, #tpu.memory_space<hbm>> -> memref<128x128xf32, #tpu.memory_space<hbm>>
      %dma_wait3A_201 = arith.constant 0 : i32
      %dma_wait3A_202 = tpu.memref_slice %arg6[%mul3A_194, %dma_wait3A_201] : memref<4096x128xf32, #tpu.memory_space<hbm>> -> memref<128x128xf32, #tpu.memory_space<hbm>>
      tpu.wait_dma2 semaphore(%run_scoped3A : memref<!tpu.dma_semaphore, #tpu.memory_space<semaphore_mem>>) src(%arg12 : memref<128x128xf32, #tpu.memory_space<vmem>>) dst(%dma_wait3A_202 : memref<128x128xf32, #tpu.memory_space<hbm>>)
      tpu.yield
    }) : () -> ()
    return
  }
}

module attributes {stable_mosaic.version = 14 : i64} {
  func.func @_dense_stage(%arg0: memref<100000xf32, #tpu.memory_space<vmem>>, %arg1: memref<3072x128xf32, #tpu.memory_space<vmem>>, %arg2: memref<4096x128xf32, #tpu.memory_space<vmem>>, %arg3: memref<4096x2xi32, #tpu.memory_space<vmem>>, %arg4: memref<128x128xf32, #tpu.memory_space<vmem>>, %arg5: memref<3x128x128xf32, #tpu.memory_space<vmem>>, %arg6: memref<3x128xf32, #tpu.memory_space<vmem>>, %arg7: memref<1x1xf32, #tpu.memory_space<vmem>>, %arg8: memref<1x1xf32, #tpu.memory_space<vmem>>, %arg9: memref<1x1xf32, #tpu.memory_space<vmem>>, %arg10: memref<4096x1xf32, #tpu.memory_space<vmem>>) attributes {dimension_semantics = [], scalar_prefetch = 0 : i64, scratch_operands = 0 : i64, tpu.core_type = #tpu.core_type<tc>} {
    %get3A = arith.constant 0 : index
    %get3A_0 = arith.constant 0 : index
    %get3A_1 = vector.load %arg7[%get3A, %get3A_0] : memref<1x1xf32, #tpu.memory_space<vmem>>, vector<1x1xf32>
    %get3A_2 = vector.extract %get3A_1[0, 0] : f32 from vector<1x1xf32>
    %neg3A = arith.constant 0.000000e+00 : f32
    %neg3A_3 = arith.subf %neg3A, %get3A_2 : f32
    %get3A_4 = arith.constant 0 : index
    %get3A_5 = vector.load %arg0[%get3A_4] : memref<100000xf32, #tpu.memory_space<vmem>>, vector<100000xf32>
    %sub3A = arith.constant 2.000000e+02 : f32
    %sub3A_6 = vector.broadcast %sub3A : f32 to vector<100000xf32>
    %sub3A_7 = arith.subf %sub3A_6, %get3A_5 : vector<100000xf32>
    %mul3A = vector.broadcast %neg3A_3 : f32 to vector<100000xf32>
    %mul3A_8 = arith.mulf %mul3A, %sub3A_7 : vector<100000xf32>
    %exp3A = math.exp %mul3A_8 : vector<100000xf32>
    %reduce_sum3A = vector.shape_cast %exp3A : vector<100000xf32> to vector<1x100000xf32>
    %reduce_sum3A_9 = arith.constant dense<0.000000e+00> : vector<1xf32>
    %reduce_sum3A_10 = vector.multi_reduction <add>, %reduce_sum3A, %reduce_sum3A_9 [1] : vector<1x100000xf32> to vector<1xf32>
    %reduce_sum3A_11 = vector.shape_cast %reduce_sum3A_10 : vector<1xf32> to vector<1x1xf32>
    %reduce_sum3A_12 = vector.extract %reduce_sum3A_11[0, 0] : f32 from vector<1x1xf32>
    %broadcast_in_dim3A = arith.constant 0.000000e+00 : f32
    %broadcast_in_dim3A_13 = vector.broadcast %broadcast_in_dim3A : f32 to vector<1024x128xf32>
    %get3A_14 = arith.constant 0 : index
    %get3A_15 = arith.constant 0 : index
    %get3A_16 = vector.load %arg1[%get3A_14, %get3A_15] : memref<3072x128xf32, #tpu.memory_space<vmem>>, vector<1024x128xf32>
    %get3A_17 = arith.constant 0 : index
    %get3A_18 = arith.constant 0 : index
    %get3A_19 = arith.constant 0 : index
    %get3A_20 = vector.load %arg5[%get3A_17, %get3A_18, %get3A_19] : memref<3x128x128xf32, #tpu.memory_space<vmem>>, vector<1x128x128xf32>
    %get3A_21 = vector.shape_cast %get3A_20 : vector<1x128x128xf32> to vector<128x128xf32>
    %dot_general3A = arith.constant dense<0.000000e+00> : vector<1024x128xf32>
    %dot_general3A_22 = tpu.matmul %get3A_16, %get3A_21, %dot_general3A {dimension_numbers = #tpu.dot_dimension_numbers<[1], [0], [0], [1], [0, 0, 1, 1], [], []>, transpose_lhs_hint = false} : vector<1024x128xf32>, vector<128x128xf32>, vector<1024x128xf32> -> vector<1024x128xf32>
    %add3A = arith.addf %broadcast_in_dim3A_13, %dot_general3A_22 : vector<1024x128xf32>
    %get3A_23 = arith.constant 1024 : index
    %get3A_24 = arith.constant 0 : index
    %get3A_25 = vector.load %arg1[%get3A_23, %get3A_24] : memref<3072x128xf32, #tpu.memory_space<vmem>>, vector<1024x128xf32>
    %get3A_26 = arith.constant 1 : index
    %get3A_27 = arith.constant 0 : index
    %get3A_28 = arith.constant 0 : index
    %get3A_29 = vector.load %arg5[%get3A_26, %get3A_27, %get3A_28] : memref<3x128x128xf32, #tpu.memory_space<vmem>>, vector<1x128x128xf32>
    %get3A_30 = vector.shape_cast %get3A_29 : vector<1x128x128xf32> to vector<128x128xf32>
    %dot_general3A_31 = arith.constant dense<0.000000e+00> : vector<1024x128xf32>
    %dot_general3A_32 = tpu.matmul %get3A_25, %get3A_30, %dot_general3A_31 {dimension_numbers = #tpu.dot_dimension_numbers<[1], [0], [0], [1], [0, 0, 1, 1], [], []>, transpose_lhs_hint = false} : vector<1024x128xf32>, vector<128x128xf32>, vector<1024x128xf32> -> vector<1024x128xf32>
    %add3A_33 = arith.addf %add3A, %dot_general3A_32 : vector<1024x128xf32>
    %get3A_34 = arith.constant 2048 : index
    %get3A_35 = arith.constant 0 : index
    %get3A_36 = vector.load %arg1[%get3A_34, %get3A_35] : memref<3072x128xf32, #tpu.memory_space<vmem>>, vector<1024x128xf32>
    %get3A_37 = arith.constant 2 : index
    %get3A_38 = arith.constant 0 : index
    %get3A_39 = arith.constant 0 : index
    %get3A_40 = vector.load %arg5[%get3A_37, %get3A_38, %get3A_39] : memref<3x128x128xf32, #tpu.memory_space<vmem>>, vector<1x128x128xf32>
    %get3A_41 = vector.shape_cast %get3A_40 : vector<1x128x128xf32> to vector<128x128xf32>
    %dot_general3A_42 = arith.constant dense<0.000000e+00> : vector<1024x128xf32>
    %dot_general3A_43 = tpu.matmul %get3A_36, %get3A_41, %dot_general3A_42 {dimension_numbers = #tpu.dot_dimension_numbers<[1], [0], [0], [1], [0, 0, 1, 1], [], []>, transpose_lhs_hint = false} : vector<1024x128xf32>, vector<128x128xf32>, vector<1024x128xf32> -> vector<1024x128xf32>
    %add3A_44 = arith.addf %add3A_33, %dot_general3A_43 : vector<1024x128xf32>
    %get3A_45 = arith.constant 0 : index
    %get3A_46 = arith.constant 0 : index
    %get3A_47 = vector.load %arg6[%get3A_45, %get3A_46] : memref<3x128xf32, #tpu.memory_space<vmem>>, vector<3x128xf32>
    %reduce_sum3A_48 = arith.constant dense<0.000000e+00> : vector<128xf32>
    %reduce_sum3A_49 = vector.multi_reduction <add>, %get3A_47, %reduce_sum3A_48 [0] : vector<3x128xf32> to vector<128xf32>
    %broadcast_in_dim3A_50 = vector.shape_cast %reduce_sum3A_49 : vector<128xf32> to vector<1x128xf32>
    %div3A = arith.constant 3.000000e+00 : f32
    %div3A_51 = vector.broadcast %div3A : f32 to vector<1x128xf32>
    %div3A_52 = arith.divf %broadcast_in_dim3A_50, %div3A_51 : vector<1x128xf32>
    %mul3A_53 = arith.constant 0.020833334 : f32
    %mul3A_54 = vector.broadcast %mul3A_53 : f32 to vector<1024x128xf32>
    %mul3A_55 = arith.mulf %add3A_44, %mul3A_54 : vector<1024x128xf32>
    %add3A_56 = vector.broadcast %div3A_52 : vector<1x128xf32> to vector<1024x128xf32>
    %add3A_57 = arith.addf %mul3A_55, %add3A_56 : vector<1024x128xf32>
    %logistic3A = arith.negf %add3A_57 : vector<1024x128xf32>
    %logistic3A_58 = math.exp %logistic3A : vector<1024x128xf32>
    %logistic3A_59 = arith.constant 1.000000e+00 : f32
    %logistic3A_60 = vector.broadcast %logistic3A_59 : f32 to vector<1024x128xf32>
    %logistic3A_61 = arith.addf %logistic3A_60, %logistic3A_58 : vector<1024x128xf32>
    %logistic3A_62 = arith.divf %logistic3A_60, %logistic3A_61 : vector<1024x128xf32>
    %reduce_sum3A_63 = arith.constant dense<0.000000e+00> : vector<1024xf32>
    %reduce_sum3A_64 = vector.multi_reduction <add>, %logistic3A_62, %reduce_sum3A_63 [1] : vector<1024x128xf32> to vector<1024xf32>
    %broadcast_in_dim3A_65 = vector.shape_cast %reduce_sum3A_64 : vector<1024xf32> to vector<1024x1xf32>
    %div3A_66 = arith.constant 1.280000e+02 : f32
    %div3A_67 = vector.broadcast %div3A_66 : f32 to vector<1024x1xf32>
    %div3A_68 = arith.divf %broadcast_in_dim3A_65, %div3A_67 : vector<1024x1xf32>
    %get3A_69 = arith.constant 0 : index
    %get3A_70 = arith.constant 0 : index
    %get3A_71 = vector.load %arg2[%get3A_69, %get3A_70] : memref<4096x128xf32, #tpu.memory_space<vmem>>, vector<4096x128xf32>
    %get3A_72 = arith.constant 0 : index
    %get3A_73 = arith.constant 0 : index
    %get3A_74 = vector.load %arg4[%get3A_72, %get3A_73] : memref<128x128xf32, #tpu.memory_space<vmem>>, vector<128x128xf32>
    %dot_general3A_75 = arith.constant dense<0.000000e+00> : vector<4096x128xf32>
    %dot_general3A_76 = tpu.matmul %get3A_71, %get3A_74, %dot_general3A_75 {dimension_numbers = #tpu.dot_dimension_numbers<[1], [0], [0], [1], [0, 0, 1, 1], [], []>, transpose_lhs_hint = false} : vector<4096x128xf32>, vector<128x128xf32>, vector<4096x128xf32> -> vector<4096x128xf32>
    %mul3A_77 = arith.mulf %dot_general3A_76, %dot_general3A_76 : vector<4096x128xf32>
    %reduce_sum3A_78 = arith.constant dense<0.000000e+00> : vector<4096xf32>
    %reduce_sum3A_79 = vector.multi_reduction <add>, %mul3A_77, %reduce_sum3A_78 [1] : vector<4096x128xf32> to vector<4096xf32>
    %broadcast_in_dim3A_80 = vector.shape_cast %reduce_sum3A_79 : vector<4096xf32> to vector<4096x1xf32>
    %get3A_81 = arith.constant 0 : index
    %get3A_82 = arith.constant 0 : index
    %get3A_83 = vector.load %arg8[%get3A_81, %get3A_82] : memref<1x1xf32, #tpu.memory_space<vmem>>, vector<1x1xf32>
    %get3A_84 = vector.extract %get3A_83[0, 0] : f32 from vector<1x1xf32>
    %get3A_85 = arith.constant 0 : index
    %get3A_86 = arith.constant 0 : index
    %get3A_87 = vector.load %arg9[%get3A_85, %get3A_86] : memref<1x1xf32, #tpu.memory_space<vmem>>, vector<1x1xf32>
    %get3A_88 = vector.extract %get3A_87[0, 0] : f32 from vector<1x1xf32>
    %iota3A = tpu.iota {dimensions = array<i32: 1>} : vector<512x1024xi32>
    %get3A_89 = arith.constant 0 : index
    %get3A_90 = arith.constant 0 : index
    %get3A_91 = vector.load %arg3[%get3A_89, %get3A_90] : memref<4096x2xi32, #tpu.memory_space<vmem>>, vector<512x1xi32>
    %eq3A = vector.broadcast %get3A_91 : vector<512x1xi32> to vector<512x1024xi32>
    %eq3A_92 = arith.cmpi eq, %eq3A, %iota3A : vector<512x1024xi32>
    %convert_element_type3A = arith.extui %eq3A_92 : vector<512x1024xi1> to vector<512x1024xi32>
    %convert_element_type3A_93 = arith.sitofp %convert_element_type3A : vector<512x1024xi32> to vector<512x1024xf32>
    %get3A_94 = arith.constant 0 : index
    %get3A_95 = arith.constant 1 : index
    %get3A_96 = vector.load %arg3[%get3A_94, %get3A_95] : memref<4096x2xi32, #tpu.memory_space<vmem>>, vector<512x1xi32>
    %eq3A_97 = vector.broadcast %get3A_96 : vector<512x1xi32> to vector<512x1024xi32>
    %eq3A_98 = arith.cmpi eq, %eq3A_97, %iota3A : vector<512x1024xi32>
    %convert_element_type3A_99 = arith.extui %eq3A_98 : vector<512x1024xi1> to vector<512x1024xi32>
    %convert_element_type3A_100 = arith.sitofp %convert_element_type3A_99 : vector<512x1024xi32> to vector<512x1024xf32>
    %add3A_101 = arith.addf %convert_element_type3A_93, %convert_element_type3A_100 : vector<512x1024xf32>
    %dot_general3A_102 = arith.constant dense<0.000000e+00> : vector<512x1xf32>
    %dot_general3A_103 = tpu.matmul %add3A_101, %div3A_68, %dot_general3A_102 {dimension_numbers = #tpu.dot_dimension_numbers<[1], [0], [0], [1], [0, 0, 1, 1], [], []>, transpose_lhs_hint = false} : vector<512x1024xf32>, vector<1024x1xf32>, vector<512x1xf32> -> vector<512x1xf32>
    %mul3A_104 = arith.constant 5.000000e-01 : f32
    %mul3A_105 = vector.broadcast %mul3A_104 : f32 to vector<512x1xf32>
    %mul3A_106 = arith.mulf %mul3A_105, %dot_general3A_103 : vector<512x1xf32>
    %slice3A = vector.extract_strided_slice %broadcast_in_dim3A_80 {offsets = [0, 0], sizes = [512, 1], strides = [1, 1]} : vector<4096x1xf32> to vector<512x1xf32>
    %add3A_107 = arith.constant 9.99999996E-13 : f32
    %add3A_108 = vector.broadcast %add3A_107 : f32 to vector<512x1xf32>
    %add3A_109 = arith.addf %slice3A, %add3A_108 : vector<512x1xf32>
    %sqrt3A = math.sqrt %add3A_109 : vector<512x1xf32>
    %neg3A_110 = arith.constant 0.000000e+00 : f32
    %neg3A_111 = vector.broadcast %neg3A_110 : f32 to vector<512x1xf32>
    %neg3A_112 = arith.subf %neg3A_111, %sqrt3A : vector<512x1xf32>
    %add3A_113 = vector.broadcast %reduce_sum3A_12 : f32 to vector<512x1xf32>
    %add3A_114 = arith.addf %neg3A_112, %add3A_113 : vector<512x1xf32>
    %add3A_115 = arith.addf %add3A_114, %mul3A_106 : vector<512x1xf32>
    %exp3A_116 = math.exp %add3A_115 : vector<512x1xf32>
    %mul3A_117 = vector.broadcast %get3A_84 : f32 to vector<512x1xf32>
    %mul3A_118 = arith.mulf %mul3A_117, %exp3A_116 : vector<512x1xf32>
    %mul3A_119 = vector.broadcast %get3A_88 : f32 to vector<512x1xf32>
    %mul3A_120 = arith.mulf %mul3A_119, %add3A_115 : vector<512x1xf32>
    %add3A_121 = arith.addf %mul3A_118, %mul3A_120 : vector<512x1xf32>
    %logistic3A_122 = arith.negf %add3A_121 : vector<512x1xf32>
    %logistic3A_123 = math.exp %logistic3A_122 : vector<512x1xf32>
    %logistic3A_124 = arith.constant 1.000000e+00 : f32
    %logistic3A_125 = vector.broadcast %logistic3A_124 : f32 to vector<512x1xf32>
    %logistic3A_126 = arith.addf %logistic3A_125, %logistic3A_123 : vector<512x1xf32>
    %logistic3A_127 = arith.divf %logistic3A_125, %logistic3A_126 : vector<512x1xf32>
    %swap3A = arith.constant 0 : index
    %swap3A_128 = arith.constant 0 : index
    %swap3A_129 = vector.load %arg10[%swap3A, %swap3A_128] : memref<4096x1xf32, #tpu.memory_space<vmem>>, vector<512x1xf32>
    tpu.vector_store %arg10[%swap3A, %swap3A_128], %logistic3A_127 {strides = array<i32>} : memref<4096x1xf32, #tpu.memory_space<vmem>>, vector<512x1xf32>,
    %iota3A_130 = tpu.iota {dimensions = array<i32: 1>} : vector<512x1024xi32>
    %get3A_131 = arith.constant 512 : index
    %get3A_132 = arith.constant 0 : index
    %get3A_133 = vector.load %arg3[%get3A_131, %get3A_132] : memref<4096x2xi32, #tpu.memory_space<vmem>>, vector<512x1xi32>
    %eq3A_134 = vector.broadcast %get3A_133 : vector<512x1xi32> to vector<512x1024xi32>
    %eq3A_135 = arith.cmpi eq, %eq3A_134, %iota3A_130 : vector<512x1024xi32>
    %convert_element_type3A_136 = arith.extui %eq3A_135 : vector<512x1024xi1> to vector<512x1024xi32>
    %convert_element_type3A_137 = arith.sitofp %convert_element_type3A_136 : vector<512x1024xi32> to vector<512x1024xf32>
    %get3A_138 = arith.constant 512 : index
    %get3A_139 = arith.constant 1 : index
    %get3A_140 = vector.load %arg3[%get3A_138, %get3A_139] : memref<4096x2xi32, #tpu.memory_space<vmem>>, vector<512x1xi32>
    %eq3A_141 = vector.broadcast %get3A_140 : vector<512x1xi32> to vector<512x1024xi32>
    %eq3A_142 = arith.cmpi eq, %eq3A_141, %iota3A_130 : vector<512x1024xi32>
    %convert_element_type3A_143 = arith.extui %eq3A_142 : vector<512x1024xi1> to vector<512x1024xi32>
    %convert_element_type3A_144 = arith.sitofp %convert_element_type3A_143 : vector<512x1024xi32> to vector<512x1024xf32>
    %add3A_145 = arith.addf %convert_element_type3A_137, %convert_element_type3A_144 : vector<512x1024xf32>
    %dot_general3A_146 = arith.constant dense<0.000000e+00> : vector<512x1xf32>
    %dot_general3A_147 = tpu.matmul %add3A_145, %div3A_68, %dot_general3A_146 {dimension_numbers = #tpu.dot_dimension_numbers<[1], [0], [0], [1], [0, 0, 1, 1], [], []>, transpose_lhs_hint = false} : vector<512x1024xf32>, vector<1024x1xf32>, vector<512x1xf32> -> vector<512x1xf32>
    %mul3A_148 = arith.constant 5.000000e-01 : f32
    %mul3A_149 = vector.broadcast %mul3A_148 : f32 to vector<512x1xf32>
    %mul3A_150 = arith.mulf %mul3A_149, %dot_general3A_147 : vector<512x1xf32>
    %slice3A_151 = vector.extract_strided_slice %broadcast_in_dim3A_80 {offsets = [512, 0], sizes = [512, 1], strides = [1, 1]} : vector<4096x1xf32> to vector<512x1xf32>
    %add3A_152 = arith.constant 9.99999996E-13 : f32
    %add3A_153 = vector.broadcast %add3A_152 : f32 to vector<512x1xf32>
    %add3A_154 = arith.addf %slice3A_151, %add3A_153 : vector<512x1xf32>
    %sqrt3A_155 = math.sqrt %add3A_154 : vector<512x1xf32>
    %neg3A_156 = arith.constant 0.000000e+00 : f32
    %neg3A_157 = vector.broadcast %neg3A_156 : f32 to vector<512x1xf32>
    %neg3A_158 = arith.subf %neg3A_157, %sqrt3A_155 : vector<512x1xf32>
    %add3A_159 = vector.broadcast %reduce_sum3A_12 : f32 to vector<512x1xf32>
    %add3A_160 = arith.addf %neg3A_158, %add3A_159 : vector<512x1xf32>
    %add3A_161 = arith.addf %add3A_160, %mul3A_150 : vector<512x1xf32>
    %exp3A_162 = math.exp %add3A_161 : vector<512x1xf32>
    %mul3A_163 = vector.broadcast %get3A_84 : f32 to vector<512x1xf32>
    %mul3A_164 = arith.mulf %mul3A_163, %exp3A_162 : vector<512x1xf32>
    %mul3A_165 = vector.broadcast %get3A_88 : f32 to vector<512x1xf32>
    %mul3A_166 = arith.mulf %mul3A_165, %add3A_161 : vector<512x1xf32>
    %add3A_167 = arith.addf %mul3A_164, %mul3A_166 : vector<512x1xf32>
    %logistic3A_168 = arith.negf %add3A_167 : vector<512x1xf32>
    %logistic3A_169 = math.exp %logistic3A_168 : vector<512x1xf32>
    %logistic3A_170 = arith.constant 1.000000e+00 : f32
    %logistic3A_171 = vector.broadcast %logistic3A_170 : f32 to vector<512x1xf32>
    %logistic3A_172 = arith.addf %logistic3A_171, %logistic3A_169 : vector<512x1xf32>
    %logistic3A_173 = arith.divf %logistic3A_171, %logistic3A_172 : vector<512x1xf32>
    %swap3A_174 = arith.constant 512 : index
    %swap3A_175 = arith.constant 0 : index
    %swap3A_176 = vector.load %arg10[%swap3A_174, %swap3A_175] : memref<4096x1xf32, #tpu.memory_space<vmem>>, vector<512x1xf32>
    tpu.vector_store %arg10[%swap3A_174, %swap3A_175], %logistic3A_173 {strides = array<i32>} : memref<4096x1xf32, #tpu.memory_space<vmem>>, vector<512x1xf32>,
    %iota3A_177 = tpu.iota {dimensions = array<i32: 1>} : vector<512x1024xi32>
    %get3A_178 = arith.constant 1024 : index
    %get3A_179 = arith.constant 0 : index
    %get3A_180 = vector.load %arg3[%get3A_178, %get3A_179] : memref<4096x2xi32, #tpu.memory_space<vmem>>, vector<512x1xi32>
    %eq3A_181 = vector.broadcast %get3A_180 : vector<512x1xi32> to vector<512x1024xi32>
    %eq3A_182 = arith.cmpi eq, %eq3A_181, %iota3A_177 : vector<512x1024xi32>
    %convert_element_type3A_183 = arith.extui %eq3A_182 : vector<512x1024xi1> to vector<512x1024xi32>
    %convert_element_type3A_184 = arith.sitofp %convert_element_type3A_183 : vector<512x1024xi32> to vector<512x1024xf32>
    %get3A_185 = arith.constant 1024 : index
    %get3A_186 = arith.constant 1 : index
    %get3A_187 = vector.load %arg3[%get3A_185, %get3A_186] : memref<4096x2xi32, #tpu.memory_space<vmem>>, vector<512x1xi32>
    %eq3A_188 = vector.broadcast %get3A_187 : vector<512x1xi32> to vector<512x1024xi32>
    %eq3A_189 = arith.cmpi eq, %eq3A_188, %iota3A_177 : vector<512x1024xi32>
    %convert_element_type3A_190 = arith.extui %eq3A_189 : vector<512x1024xi1> to vector<512x1024xi32>
    %convert_element_type3A_191 = arith.sitofp %convert_element_type3A_190 : vector<512x1024xi32> to vector<512x1024xf32>
    %add3A_192 = arith.addf %convert_element_type3A_184, %convert_element_type3A_191 : vector<512x1024xf32>
    %dot_general3A_193 = arith.constant dense<0.000000e+00> : vector<512x1xf32>
    %dot_general3A_194 = tpu.matmul %add3A_192, %div3A_68, %dot_general3A_193 {dimension_numbers = #tpu.dot_dimension_numbers<[1], [0], [0], [1], [0, 0, 1, 1], [], []>, transpose_lhs_hint = false} : vector<512x1024xf32>, vector<1024x1xf32>, vector<512x1xf32> -> vector<512x1xf32>
    %mul3A_195 = arith.constant 5.000000e-01 : f32
    %mul3A_196 = vector.broadcast %mul3A_195 : f32 to vector<512x1xf32>
    %mul3A_197 = arith.mulf %mul3A_196, %dot_general3A_194 : vector<512x1xf32>
    %slice3A_198 = vector.extract_strided_slice %broadcast_in_dim3A_80 {offsets = [1024, 0], sizes = [512, 1], strides = [1, 1]} : vector<4096x1xf32> to vector<512x1xf32>
    %add3A_199 = arith.constant 9.99999996E-13 : f32
    %add3A_200 = vector.broadcast %add3A_199 : f32 to vector<512x1xf32>
    %add3A_201 = arith.addf %slice3A_198, %add3A_200 : vector<512x1xf32>
    %sqrt3A_202 = math.sqrt %add3A_201 : vector<512x1xf32>
    %neg3A_203 = arith.constant 0.000000e+00 : f32
    %neg3A_204 = vector.broadcast %neg3A_203 : f32 to vector<512x1xf32>
    %neg3A_205 = arith.subf %neg3A_204, %sqrt3A_202 : vector<512x1xf32>
    %add3A_206 = vector.broadcast %reduce_sum3A_12 : f32 to vector<512x1xf32>
    %add3A_207 = arith.addf %neg3A_205, %add3A_206 : vector<512x1xf32>
    %add3A_208 = arith.addf %add3A_207, %mul3A_197 : vector<512x1xf32>
    %exp3A_209 = math.exp %add3A_208 : vector<512x1xf32>
    %mul3A_210 = vector.broadcast %get3A_84 : f32 to vector<512x1xf32>
    %mul3A_211 = arith.mulf %mul3A_210, %exp3A_209 : vector<512x1xf32>
    %mul3A_212 = vector.broadcast %get3A_88 : f32 to vector<512x1xf32>
    %mul3A_213 = arith.mulf %mul3A_212, %add3A_208 : vector<512x1xf32>
    %add3A_214 = arith.addf %mul3A_211, %mul3A_213 : vector<512x1xf32>
    %logistic3A_215 = arith.negf %add3A_214 : vector<512x1xf32>
    %logistic3A_216 = math.exp %logistic3A_215 : vector<512x1xf32>
    %logistic3A_217 = arith.constant 1.000000e+00 : f32
    %logistic3A_218 = vector.broadcast %logistic3A_217 : f32 to vector<512x1xf32>
    %logistic3A_219 = arith.addf %logistic3A_218, %logistic3A_216 : vector<512x1xf32>
    %logistic3A_220 = arith.divf %logistic3A_218, %logistic3A_219 : vector<512x1xf32>
    %swap3A_221 = arith.constant 1024 : index
    %swap3A_222 = arith.constant 0 : index
    %swap3A_223 = vector.load %arg10[%swap3A_221, %swap3A_222] : memref<4096x1xf32, #tpu.memory_space<vmem>>, vector<512x1xf32>
    tpu.vector_store %arg10[%swap3A_221, %swap3A_222], %logistic3A_220 {strides = array<i32>} : memref<4096x1xf32, #tpu.memory_space<vmem>>, vector<512x1xf32>,
    %iota3A_224 = tpu.iota {dimensions = array<i32: 1>} : vector<512x1024xi32>
    %get3A_225 = arith.constant 1536 : index
    %get3A_226 = arith.constant 0 : index
    %get3A_227 = vector.load %arg3[%get3A_225, %get3A_226] : memref<4096x2xi32, #tpu.memory_space<vmem>>, vector<512x1xi32>
    %eq3A_228 = vector.broadcast %get3A_227 : vector<512x1xi32> to vector<512x1024xi32>
    %eq3A_229 = arith.cmpi eq, %eq3A_228, %iota3A_224 : vector<512x1024xi32>
    %convert_element_type3A_230 = arith.extui %eq3A_229 : vector<512x1024xi1> to vector<512x1024xi32>
    %convert_element_type3A_231 = arith.sitofp %convert_element_type3A_230 : vector<512x1024xi32> to vector<512x1024xf32>
    %get3A_232 = arith.constant 1536 : index
    %get3A_233 = arith.constant 1 : index
    %get3A_234 = vector.load %arg3[%get3A_232, %get3A_233] : memref<4096x2xi32, #tpu.memory_space<vmem>>, vector<512x1xi32>
    %eq3A_235 = vector.broadcast %get3A_234 : vector<512x1xi32> to vector<512x1024xi32>
    %eq3A_236 = arith.cmpi eq, %eq3A_235, %iota3A_224 : vector<512x1024xi32>
    %convert_element_type3A_237 = arith.extui %eq3A_236 : vector<512x1024xi1> to vector<512x1024xi32>
    %convert_element_type3A_238 = arith.sitofp %convert_element_type3A_237 : vector<512x1024xi32> to vector<512x1024xf32>
    %add3A_239 = arith.addf %convert_element_type3A_231, %convert_element_type3A_238 : vector<512x1024xf32>
    %dot_general3A_240 = arith.constant dense<0.000000e+00> : vector<512x1xf32>
    %dot_general3A_241 = tpu.matmul %add3A_239, %div3A_68, %dot_general3A_240 {dimension_numbers = #tpu.dot_dimension_numbers<[1], [0], [0], [1], [0, 0, 1, 1], [], []>, transpose_lhs_hint = false} : vector<512x1024xf32>, vector<1024x1xf32>, vector<512x1xf32> -> vector<512x1xf32>
    %mul3A_242 = arith.constant 5.000000e-01 : f32
    %mul3A_243 = vector.broadcast %mul3A_242 : f32 to vector<512x1xf32>
    %mul3A_244 = arith.mulf %mul3A_243, %dot_general3A_241 : vector<512x1xf32>
    %slice3A_245 = vector.extract_strided_slice %broadcast_in_dim3A_80 {offsets = [1536, 0], sizes = [512, 1], strides = [1, 1]} : vector<4096x1xf32> to vector<512x1xf32>
    %add3A_246 = arith.constant 9.99999996E-13 : f32
    %add3A_247 = vector.broadcast %add3A_246 : f32 to vector<512x1xf32>
    %add3A_248 = arith.addf %slice3A_245, %add3A_247 : vector<512x1xf32>
    %sqrt3A_249 = math.sqrt %add3A_248 : vector<512x1xf32>
    %neg3A_250 = arith.constant 0.000000e+00 : f32
    %neg3A_251 = vector.broadcast %neg3A_250 : f32 to vector<512x1xf32>
    %neg3A_252 = arith.subf %neg3A_251, %sqrt3A_249 : vector<512x1xf32>
    %add3A_253 = vector.broadcast %reduce_sum3A_12 : f32 to vector<512x1xf32>
    %add3A_254 = arith.addf %neg3A_252, %add3A_253 : vector<512x1xf32>
    %add3A_255 = arith.addf %add3A_254, %mul3A_244 : vector<512x1xf32>
    %exp3A_256 = math.exp %add3A_255 : vector<512x1xf32>
    %mul3A_257 = vector.broadcast %get3A_84 : f32 to vector<512x1xf32>
    %mul3A_258 = arith.mulf %mul3A_257, %exp3A_256 : vector<512x1xf32>
    %mul3A_259 = vector.broadcast %get3A_88 : f32 to vector<512x1xf32>
    %mul3A_260 = arith.mulf %mul3A_259, %add3A_255 : vector<512x1xf32>
    %add3A_261 = arith.addf %mul3A_258, %mul3A_260 : vector<512x1xf32>
    %logistic3A_262 = arith.negf %add3A_261 : vector<512x1xf32>
    %logistic3A_263 = math.exp %logistic3A_262 : vector<512x1xf32>
    %logistic3A_264 = arith.constant 1.000000e+00 : f32
    %logistic3A_265 = vector.broadcast %logistic3A_264 : f32 to vector<512x1xf32>
    %logistic3A_266 = arith.addf %logistic3A_265, %logistic3A_263 : vector<512x1xf32>
    %logistic3A_267 = arith.divf %logistic3A_265, %logistic3A_266 : vector<512x1xf32>
    %swap3A_268 = arith.constant 1536 : index
    %swap3A_269 = arith.constant 0 : index
    %swap3A_270 = vector.load %arg10[%swap3A_268, %swap3A_269] : memref<4096x1xf32, #tpu.memory_space<vmem>>, vector<512x1xf32>
    tpu.vector_store %arg10[%swap3A_268, %swap3A_269], %logistic3A_267 {strides = array<i32>} : memref<4096x1xf32, #tpu.memory_space<vmem>>, vector<512x1xf32>,
    %iota3A_271 = tpu.iota {dimensions = array<i32: 1>} : vector<512x1024xi32>
    %get3A_272 = arith.constant 2048 : index
    %get3A_273 = arith.constant 0 : index
    %get3A_274 = vector.load %arg3[%get3A_272, %get3A_273] : memref<4096x2xi32, #tpu.memory_space<vmem>>, vector<512x1xi32>
    %eq3A_275 = vector.broadcast %get3A_274 : vector<512x1xi32> to vector<512x1024xi32>
    %eq3A_276 = arith.cmpi eq, %eq3A_275, %iota3A_271 : vector<512x1024xi32>
    %convert_element_type3A_277 = arith.extui %eq3A_276 : vector<512x1024xi1> to vector<512x1024xi32>
    %convert_element_type3A_278 = arith.sitofp %convert_element_type3A_277 : vector<512x1024xi32> to vector<512x1024xf32>
    %get3A_279 = arith.constant 2048 : index
    %get3A_280 = arith.constant 1 : index
    %get3A_281 = vector.load %arg3[%get3A_279, %get3A_280] : memref<4096x2xi32, #tpu.memory_space<vmem>>, vector<512x1xi32>
    %eq3A_282 = vector.broadcast %get3A_281 : vector<512x1xi32> to vector<512x1024xi32>
    %eq3A_283 = arith.cmpi eq, %eq3A_282, %iota3A_271 : vector<512x1024xi32>
    %convert_element_type3A_284 = arith.extui %eq3A_283 : vector<512x1024xi1> to vector<512x1024xi32>
    %convert_element_type3A_285 = arith.sitofp %convert_element_type3A_284 : vector<512x1024xi32> to vector<512x1024xf32>
    %add3A_286 = arith.addf %convert_element_type3A_278, %convert_element_type3A_285 : vector<512x1024xf32>
    %dot_general3A_287 = arith.constant dense<0.000000e+00> : vector<512x1xf32>
    %dot_general3A_288 = tpu.matmul %add3A_286, %div3A_68, %dot_general3A_287 {dimension_numbers = #tpu.dot_dimension_numbers<[1], [0], [0], [1], [0, 0, 1, 1], [], []>, transpose_lhs_hint = false} : vector<512x1024xf32>, vector<1024x1xf32>, vector<512x1xf32> -> vector<512x1xf32>
    %mul3A_289 = arith.constant 5.000000e-01 : f32
    %mul3A_290 = vector.broadcast %mul3A_289 : f32 to vector<512x1xf32>
    %mul3A_291 = arith.mulf %mul3A_290, %dot_general3A_288 : vector<512x1xf32>
    %slice3A_292 = vector.extract_strided_slice %broadcast_in_dim3A_80 {offsets = [2048, 0], sizes = [512, 1], strides = [1, 1]} : vector<4096x1xf32> to vector<512x1xf32>
    %add3A_293 = arith.constant 9.99999996E-13 : f32
    %add3A_294 = vector.broadcast %add3A_293 : f32 to vector<512x1xf32>
    %add3A_295 = arith.addf %slice3A_292, %add3A_294 : vector<512x1xf32>
    %sqrt3A_296 = math.sqrt %add3A_295 : vector<512x1xf32>
    %neg3A_297 = arith.constant 0.000000e+00 : f32
    %neg3A_298 = vector.broadcast %neg3A_297 : f32 to vector<512x1xf32>
    %neg3A_299 = arith.subf %neg3A_298, %sqrt3A_296 : vector<512x1xf32>
    %add3A_300 = vector.broadcast %reduce_sum3A_12 : f32 to vector<512x1xf32>
    %add3A_301 = arith.addf %neg3A_299, %add3A_300 : vector<512x1xf32>
    %add3A_302 = arith.addf %add3A_301, %mul3A_291 : vector<512x1xf32>
    %exp3A_303 = math.exp %add3A_302 : vector<512x1xf32>
    %mul3A_304 = vector.broadcast %get3A_84 : f32 to vector<512x1xf32>
    %mul3A_305 = arith.mulf %mul3A_304, %exp3A_303 : vector<512x1xf32>
    %mul3A_306 = vector.broadcast %get3A_88 : f32 to vector<512x1xf32>
    %mul3A_307 = arith.mulf %mul3A_306, %add3A_302 : vector<512x1xf32>
    %add3A_308 = arith.addf %mul3A_305, %mul3A_307 : vector<512x1xf32>
    %logistic3A_309 = arith.negf %add3A_308 : vector<512x1xf32>
    %logistic3A_310 = math.exp %logistic3A_309 : vector<512x1xf32>
    %logistic3A_311 = arith.constant 1.000000e+00 : f32
    %logistic3A_312 = vector.broadcast %logistic3A_311 : f32 to vector<512x1xf32>
    %logistic3A_313 = arith.addf %logistic3A_312, %logistic3A_310 : vector<512x1xf32>
    %logistic3A_314 = arith.divf %logistic3A_312, %logistic3A_313 : vector<512x1xf32>
    %swap3A_315 = arith.constant 2048 : index
    %swap3A_316 = arith.constant 0 : index
    %swap3A_317 = vector.load %arg10[%swap3A_315, %swap3A_316] : memref<4096x1xf32, #tpu.memory_space<vmem>>, vector<512x1xf32>
    tpu.vector_store %arg10[%swap3A_315, %swap3A_316], %logistic3A_314 {strides = array<i32>} : memref<4096x1xf32, #tpu.memory_space<vmem>>, vector<512x1xf32>,
    %iota3A_318 = tpu.iota {dimensions = array<i32: 1>} : vector<512x1024xi32>
    %get3A_319 = arith.constant 2560 : index
    %get3A_320 = arith.constant 0 : index
    %get3A_321 = vector.load %arg3[%get3A_319, %get3A_320] : memref<4096x2xi32, #tpu.memory_space<vmem>>, vector<512x1xi32>
    %eq3A_322 = vector.broadcast %get3A_321 : vector<512x1xi32> to vector<512x1024xi32>
    %eq3A_323 = arith.cmpi eq, %eq3A_322, %iota3A_318 : vector<512x1024xi32>
    %convert_element_type3A_324 = arith.extui %eq3A_323 : vector<512x1024xi1> to vector<512x1024xi32>
    %convert_element_type3A_325 = arith.sitofp %convert_element_type3A_324 : vector<512x1024xi32> to vector<512x1024xf32>
    %get3A_326 = arith.constant 2560 : index
    %get3A_327 = arith.constant 1 : index
    %get3A_328 = vector.load %arg3[%get3A_326, %get3A_327] : memref<4096x2xi32, #tpu.memory_space<vmem>>, vector<512x1xi32>
    %eq3A_329 = vector.broadcast %get3A_328 : vector<512x1xi32> to vector<512x1024xi32>
    %eq3A_330 = arith.cmpi eq, %eq3A_329, %iota3A_318 : vector<512x1024xi32>
    %convert_element_type3A_331 = arith.extui %eq3A_330 : vector<512x1024xi1> to vector<512x1024xi32>
    %convert_element_type3A_332 = arith.sitofp %convert_element_type3A_331 : vector<512x1024xi32> to vector<512x1024xf32>
    %add3A_333 = arith.addf %convert_element_type3A_325, %convert_element_type3A_332 : vector<512x1024xf32>
    %dot_general3A_334 = arith.constant dense<0.000000e+00> : vector<512x1xf32>
    %dot_general3A_335 = tpu.matmul %add3A_333, %div3A_68, %dot_general3A_334 {dimension_numbers = #tpu.dot_dimension_numbers<[1], [0], [0], [1], [0, 0, 1, 1], [], []>, transpose_lhs_hint = false} : vector<512x1024xf32>, vector<1024x1xf32>, vector<512x1xf32> -> vector<512x1xf32>
    %mul3A_336 = arith.constant 5.000000e-01 : f32
    %mul3A_337 = vector.broadcast %mul3A_336 : f32 to vector<512x1xf32>
    %mul3A_338 = arith.mulf %mul3A_337, %dot_general3A_335 : vector<512x1xf32>
    %slice3A_339 = vector.extract_strided_slice %broadcast_in_dim3A_80 {offsets = [2560, 0], sizes = [512, 1], strides = [1, 1]} : vector<4096x1xf32> to vector<512x1xf32>
    %add3A_340 = arith.constant 9.99999996E-13 : f32
    %add3A_341 = vector.broadcast %add3A_340 : f32 to vector<512x1xf32>
    %add3A_342 = arith.addf %slice3A_339, %add3A_341 : vector<512x1xf32>
    %sqrt3A_343 = math.sqrt %add3A_342 : vector<512x1xf32>
    %neg3A_344 = arith.constant 0.000000e+00 : f32
    %neg3A_345 = vector.broadcast %neg3A_344 : f32 to vector<512x1xf32>
    %neg3A_346 = arith.subf %neg3A_345, %sqrt3A_343 : vector<512x1xf32>
    %add3A_347 = vector.broadcast %reduce_sum3A_12 : f32 to vector<512x1xf32>
    %add3A_348 = arith.addf %neg3A_346, %add3A_347 : vector<512x1xf32>
    %add3A_349 = arith.addf %add3A_348, %mul3A_338 : vector<512x1xf32>
    %exp3A_350 = math.exp %add3A_349 : vector<512x1xf32>
    %mul3A_351 = vector.broadcast %get3A_84 : f32 to vector<512x1xf32>
    %mul3A_352 = arith.mulf %mul3A_351, %exp3A_350 : vector<512x1xf32>
    %mul3A_353 = vector.broadcast %get3A_88 : f32 to vector<512x1xf32>
    %mul3A_354 = arith.mulf %mul3A_353, %add3A_349 : vector<512x1xf32>
    %add3A_355 = arith.addf %mul3A_352, %mul3A_354 : vector<512x1xf32>
    %logistic3A_356 = arith.negf %add3A_355 : vector<512x1xf32>
    %logistic3A_357 = math.exp %logistic3A_356 : vector<512x1xf32>
    %logistic3A_358 = arith.constant 1.000000e+00 : f32
    %logistic3A_359 = vector.broadcast %logistic3A_358 : f32 to vector<512x1xf32>
    %logistic3A_360 = arith.addf %logistic3A_359, %logistic3A_357 : vector<512x1xf32>
    %logistic3A_361 = arith.divf %logistic3A_359, %logistic3A_360 : vector<512x1xf32>
    %swap3A_362 = arith.constant 2560 : index
    %swap3A_363 = arith.constant 0 : index
    %swap3A_364 = vector.load %arg10[%swap3A_362, %swap3A_363] : memref<4096x1xf32, #tpu.memory_space<vmem>>, vector<512x1xf32>
    tpu.vector_store %arg10[%swap3A_362, %swap3A_363], %logistic3A_361 {strides = array<i32>} : memref<4096x1xf32, #tpu.memory_space<vmem>>, vector<512x1xf32>,
    %iota3A_365 = tpu.iota {dimensions = array<i32: 1>} : vector<512x1024xi32>
    %get3A_366 = arith.constant 3072 : index
    %get3A_367 = arith.constant 0 : index
    %get3A_368 = vector.load %arg3[%get3A_366, %get3A_367] : memref<4096x2xi32, #tpu.memory_space<vmem>>, vector<512x1xi32>
    %eq3A_369 = vector.broadcast %get3A_368 : vector<512x1xi32> to vector<512x1024xi32>
    %eq3A_370 = arith.cmpi eq, %eq3A_369, %iota3A_365 : vector<512x1024xi32>
    %convert_element_type3A_371 = arith.extui %eq3A_370 : vector<512x1024xi1> to vector<512x1024xi32>
    %convert_element_type3A_372 = arith.sitofp %convert_element_type3A_371 : vector<512x1024xi32> to vector<512x1024xf32>
    %get3A_373 = arith.constant 3072 : index
    %get3A_374 = arith.constant 1 : index
    %get3A_375 = vector.load %arg3[%get3A_373, %get3A_374] : memref<4096x2xi32, #tpu.memory_space<vmem>>, vector<512x1xi32>
    %eq3A_376 = vector.broadcast %get3A_375 : vector<512x1xi32> to vector<512x1024xi32>
    %eq3A_377 = arith.cmpi eq, %eq3A_376, %iota3A_365 : vector<512x1024xi32>
    %convert_element_type3A_378 = arith.extui %eq3A_377 : vector<512x1024xi1> to vector<512x1024xi32>
    %convert_element_type3A_379 = arith.sitofp %convert_element_type3A_378 : vector<512x1024xi32> to vector<512x1024xf32>
    %add3A_380 = arith.addf %convert_element_type3A_372, %convert_element_type3A_379 : vector<512x1024xf32>
    %dot_general3A_381 = arith.constant dense<0.000000e+00> : vector<512x1xf32>
    %dot_general3A_382 = tpu.matmul %add3A_380, %div3A_68, %dot_general3A_381 {dimension_numbers = #tpu.dot_dimension_numbers<[1], [0], [0], [1], [0, 0, 1, 1], [], []>, transpose_lhs_hint = false} : vector<512x1024xf32>, vector<1024x1xf32>, vector<512x1xf32> -> vector<512x1xf32>
    %mul3A_383 = arith.constant 5.000000e-01 : f32
    %mul3A_384 = vector.broadcast %mul3A_383 : f32 to vector<512x1xf32>
    %mul3A_385 = arith.mulf %mul3A_384, %dot_general3A_382 : vector<512x1xf32>
    %slice3A_386 = vector.extract_strided_slice %broadcast_in_dim3A_80 {offsets = [3072, 0], sizes = [512, 1], strides = [1, 1]} : vector<4096x1xf32> to vector<512x1xf32>
    %add3A_387 = arith.constant 9.99999996E-13 : f32
    %add3A_388 = vector.broadcast %add3A_387 : f32 to vector<512x1xf32>
    %add3A_389 = arith.addf %slice3A_386, %add3A_388 : vector<512x1xf32>
    %sqrt3A_390 = math.sqrt %add3A_389 : vector<512x1xf32>
    %neg3A_391 = arith.constant 0.000000e+00 : f32
    %neg3A_392 = vector.broadcast %neg3A_391 : f32 to vector<512x1xf32>
    %neg3A_393 = arith.subf %neg3A_392, %sqrt3A_390 : vector<512x1xf32>
    %add3A_394 = vector.broadcast %reduce_sum3A_12 : f32 to vector<512x1xf32>
    %add3A_395 = arith.addf %neg3A_393, %add3A_394 : vector<512x1xf32>
    %add3A_396 = arith.addf %add3A_395, %mul3A_385 : vector<512x1xf32>
    %exp3A_397 = math.exp %add3A_396 : vector<512x1xf32>
    %mul3A_398 = vector.broadcast %get3A_84 : f32 to vector<512x1xf32>
    %mul3A_399 = arith.mulf %mul3A_398, %exp3A_397 : vector<512x1xf32>
    %mul3A_400 = vector.broadcast %get3A_88 : f32 to vector<512x1xf32>
    %mul3A_401 = arith.mulf %mul3A_400, %add3A_396 : vector<512x1xf32>
    %add3A_402 = arith.addf %mul3A_399, %mul3A_401 : vector<512x1xf32>
    %logistic3A_403 = arith.negf %add3A_402 : vector<512x1xf32>
    %logistic3A_404 = math.exp %logistic3A_403 : vector<512x1xf32>
    %logistic3A_405 = arith.constant 1.000000e+00 : f32
    %logistic3A_406 = vector.broadcast %logistic3A_405 : f32 to vector<512x1xf32>
    %logistic3A_407 = arith.addf %logistic3A_406, %logistic3A_404 : vector<512x1xf32>
    %logistic3A_408 = arith.divf %logistic3A_406, %logistic3A_407 : vector<512x1xf32>
    %swap3A_409 = arith.constant 3072 : index
    %swap3A_410 = arith.constant 0 : index
    %swap3A_411 = vector.load %arg10[%swap3A_409, %swap3A_410] : memref<4096x1xf32, #tpu.memory_space<vmem>>, vector<512x1xf32>
    tpu.vector_store %arg10[%swap3A_409, %swap3A_410], %logistic3A_408 {strides = array<i32>} : memref<4096x1xf32, #tpu.memory_space<vmem>>, vector<512x1xf32>,
    %iota3A_412 = tpu.iota {dimensions = array<i32: 1>} : vector<512x1024xi32>
    %get3A_413 = arith.constant 3584 : index
    %get3A_414 = arith.constant 0 : index
    %get3A_415 = vector.load %arg3[%get3A_413, %get3A_414] : memref<4096x2xi32, #tpu.memory_space<vmem>>, vector<512x1xi32>
    %eq3A_416 = vector.broadcast %get3A_415 : vector<512x1xi32> to vector<512x1024xi32>
    %eq3A_417 = arith.cmpi eq, %eq3A_416, %iota3A_412 : vector<512x1024xi32>
    %convert_element_type3A_418 = arith.extui %eq3A_417 : vector<512x1024xi1> to vector<512x1024xi32>
    %convert_element_type3A_419 = arith.sitofp %convert_element_type3A_418 : vector<512x1024xi32> to vector<512x1024xf32>
    %get3A_420 = arith.constant 3584 : index
    %get3A_421 = arith.constant 1 : index
    %get3A_422 = vector.load %arg3[%get3A_420, %get3A_421] : memref<4096x2xi32, #tpu.memory_space<vmem>>, vector<512x1xi32>
    %eq3A_423 = vector.broadcast %get3A_422 : vector<512x1xi32> to vector<512x1024xi32>
    %eq3A_424 = arith.cmpi eq, %eq3A_423, %iota3A_412 : vector<512x1024xi32>
    %convert_element_type3A_425 = arith.extui %eq3A_424 : vector<512x1024xi1> to vector<512x1024xi32>
    %convert_element_type3A_426 = arith.sitofp %convert_element_type3A_425 : vector<512x1024xi32> to vector<512x1024xf32>
    %add3A_427 = arith.addf %convert_element_type3A_419, %convert_element_type3A_426 : vector<512x1024xf32>
    %dot_general3A_428 = arith.constant dense<0.000000e+00> : vector<512x1xf32>
    %dot_general3A_429 = tpu.matmul %add3A_427, %div3A_68, %dot_general3A_428 {dimension_numbers = #tpu.dot_dimension_numbers<[1], [0], [0], [1], [0, 0, 1, 1], [], []>, transpose_lhs_hint = false} : vector<512x1024xf32>, vector<1024x1xf32>, vector<512x1xf32> -> vector<512x1xf32>
    %mul3A_430 = arith.constant 5.000000e-01 : f32
    %mul3A_431 = vector.broadcast %mul3A_430 : f32 to vector<512x1xf32>
    %mul3A_432 = arith.mulf %mul3A_431, %dot_general3A_429 : vector<512x1xf32>
    %slice3A_433 = vector.extract_strided_slice %broadcast_in_dim3A_80 {offsets = [3584, 0], sizes = [512, 1], strides = [1, 1]} : vector<4096x1xf32> to vector<512x1xf32>
    %add3A_434 = arith.constant 9.99999996E-13 : f32
    %add3A_435 = vector.broadcast %add3A_434 : f32 to vector<512x1xf32>
    %add3A_436 = arith.addf %slice3A_433, %add3A_435 : vector<512x1xf32>
    %sqrt3A_437 = math.sqrt %add3A_436 : vector<512x1xf32>
    %neg3A_438 = arith.constant 0.000000e+00 : f32
    %neg3A_439 = vector.broadcast %neg3A_438 : f32 to vector<512x1xf32>
    %neg3A_440 = arith.subf %neg3A_439, %sqrt3A_437 : vector<512x1xf32>
    %add3A_441 = vector.broadcast %reduce_sum3A_12 : f32 to vector<512x1xf32>
    %add3A_442 = arith.addf %neg3A_440, %add3A_441 : vector<512x1xf32>
    %add3A_443 = arith.addf %add3A_442, %mul3A_432 : vector<512x1xf32>
    %exp3A_444 = math.exp %add3A_443 : vector<512x1xf32>
    %mul3A_445 = vector.broadcast %get3A_84 : f32 to vector<512x1xf32>
    %mul3A_446 = arith.mulf %mul3A_445, %exp3A_444 : vector<512x1xf32>
    %mul3A_447 = vector.broadcast %get3A_88 : f32 to vector<512x1xf32>
    %mul3A_448 = arith.mulf %mul3A_447, %add3A_443 : vector<512x1xf32>
    %add3A_449 = arith.addf %mul3A_446, %mul3A_448 : vector<512x1xf32>
    %logistic3A_450 = arith.negf %add3A_449 : vector<512x1xf32>
    %logistic3A_451 = math.exp %logistic3A_450 : vector<512x1xf32>
    %logistic3A_452 = arith.constant 1.000000e+00 : f32
    %logistic3A_453 = vector.broadcast %logistic3A_452 : f32 to vector<512x1xf32>
    %logistic3A_454 = arith.addf %logistic3A_453, %logistic3A_451 : vector<512x1xf32>
    %logistic3A_455 = arith.divf %logistic3A_453, %logistic3A_454 : vector<512x1xf32>
    %swap3A_456 = arith.constant 3584 : index
    %swap3A_457 = arith.constant 0 : index
    %swap3A_458 = vector.load %arg10[%swap3A_456, %swap3A_457] : memref<4096x1xf32, #tpu.memory_space<vmem>>, vector<512x1xf32>
    tpu.vector_store %arg10[%swap3A_456, %swap3A_457], %logistic3A_455 {strides = array<i32>} : memref<4096x1xf32, #tpu.memory_space<vmem>>, vector<512x1xf32>,
    return
  }
}

</mosaic_0001>

<sc_bundles>
// kernel: kernel.4.cloned.1.call-start
scs
__scs_entry_jumppad:
0x0: {  	(pc) =	sbr.rel $0x88, $3  }
0x1: {  	(tag) =	ssettag $0x0;
	lr =	simm.s32 $0x1  }
0x2: {  	[smem:$0x3F97] =	sst lr;
	_ =	strace $0xD0000000  }
0x3: {  	_ = 	snop  }
0x4: {  	_ = 	snop  }
0x5: {  	_ = 	snop  }
0x6: {  	_ = 	snop  }
0x7: {  	_ = 	snop  }
__scs_overlays_trampoline_lowered:
0x8: {  	[smem:$0x3FA6] =	sst s0  }
0x9: {  	[smem:$0x3FA7] =	sst s1  }
0xa: {  	[smem:$0x3FA8] =	sst s2  }
0xb: {  	[smem:$0x3FA9] =	sst s3  }
0xc: {  	[smem:$0x3FAA] =	sst s4  }
0xd: {  	[smem:$0x3FAB] =	sst s5  }
0xe: {  	[smem:$0x3FAC] =	sst s6  }
0xf: {  	[smem:$0x3FAD] =	sst s7  }
0x10: {  	[smem:$0x3FAE] =	sst s8  }
0x11: {  	[smem:$0x3FAF] =	sst s9;
	s0 =	simm.s32 @!p0 $0x0  }
0x12: {  	s1 =	sld [smem:$0x3F95];
	s0 =	simm.s32 @p0 $0x1  }
0x13: {  	[smem:$0x3FB0] =	sst s0;
	s0 =	simm.s32 @!p1 $0x0  }
0x14: {  	s2 =	sld [smem:$0x3F94];
	s0 =	simm.s32 @p1 $0x1  }
0x15: {  	[smem:$0x3FB1] =	sst s0;
	s0 =	simm.s32 @!p2 $0x0  }
0x16: {  	s3 =	sld [smem:$0x3FDB];
	s0 =	simm.s32 @p2 $0x1  }
0x17: {  	s4 =	simm.s32 $0x1BF5;
	[smem:$0x3FB3] =	sst s0  }
0x18: {  	s0 =	sld [smem:$0x3F96];
	_ =	swait.ge [sflag:s4], $0x0  }
0x19: {  	s7 =	sld [smem:$0x3F97]  }
0x1a: {  	s8 =	sadd.s32 $0xFFFFE003, lr  }
0x1b: {  	s9 =	sadd.s32 $0xFFFFFEF7, lr;
	s5 =	simm.s32 $0xFFFFFFFF;
	p2 =	slt.u32 s8, $0xFFFFF086  }
0x1c: {  	p1 =	slt.u32 s9, $0xF7A;
	s5 =	simm.s32 @!p2 $0x0  }
0x1d: {  	s5 =	simm.s32 @p1 $0x1;
	p0 =	seq.s32 s7, s2  }
0x1e: {  	s7 =	smul.u32 @!p0 $0xF7A, s2;
	p2 =	seq.s32 @!p0 s5, $0x0  }
0x1f: {  	s9 =	smul.u32 $0xF7A, s1;
	s8 =	simm.s32 @!p0 $0x1BF5;
	p2 =	por !p2, p0  }
0x20: {  	[sflag:s8] =	ssyncset.s32 @!p0 $0xFFFFF086;
	s6 =	sadd.s32 @!p0 s3, s7;
	s7 =	simm.s32 @!p0 $0x108  }
0x21: {  	s3 =	sadd.s32 s3, s9;
	s6 =	sadd.s32 @!p0 $0x88, s6;
	s7 =	simm.s32 @p2 $0x1082  }
0x22: {  	[simem:s7], [sflag:s8] =	dma.local @!p0 [hbm:s6], $0xF7A  }
0x23: {  	s9 =	sor.u32 $0xD0000000, s2;
	s6 =	simm.s32 $0x108;
	_ =	swait.ge @!p0 [sflag:s8], $0x0  }
0x24: {  	s3 =	sadd.s32 $0x88, s3;
	s6 =	simm.s32 @!p1 $0x1082;
	[sflag:s4] =	ssyncset.s32 $0xFFFFF086  }
0x25: {  	[simem:s6], [sflag:s4] =	dma.local [hbm:s3], $0xF7A  }
0x26: {  	[smem:$0x3F97] =	sst s1;
	(tag) =	ssettag s2;
	_ =	strace s9  }
0x27: {  	s1 =	sld [smem:$0x3FA7]  }
0x28: {  	s2 =	sld [smem:$0x3FA8]  }
0x29: {  	s4 =	sld [smem:$0x3FAA]  }
0x2a: {  	p0 =	seq.s32 s5, $0x0;
	s5 =	sld [smem:$0x3FAB]  }
0x2b: {  	s6 =	sld [smem:$0x3FAC]  }
0x2c: {  	s7 =	sld [smem:$0x3FAD]  }
0x2d: {  	s3 =	simm.s32 $0x108;
	s8 =	sld [smem:$0x3FAE]  }
0x2e: {  	s3 =	simm.s32 @!p0 $0x1082;
	s9 =	sld [smem:$0x3FAF]  }
0x2f: {  	lr =	sadd.s32 s0, s3;
	s0 =	sld [smem:$0x3FA6]  }
0x30: {  	s3 =	sld [smem:$0x3FA9]  }
0x31: {  	[smem:$0x3FB2] =	sst s10  }
0x32: {  	s10 =	sld [smem:$0x3FB0];
	_ =	sdelay $0x3  }
0x33: {  	p0 =	seq.s32 s10, $0x1;
	s10 =	sld [smem:$0x3FB2];
	_ =	sdelay $0x3  }
0x34: {  	[smem:$0x3FB2] =	sst s10  }
0x35: {  	s10 =	sld [smem:$0x3FB1];
	_ =	sdelay $0x3  }
0x36: {  	p1 =	seq.s32 s10, $0x1;
	s10 =	sld [smem:$0x3FB2];
	_ =	sdelay $0x3  }
0x37: {  	[smem:$0x3FB2] =	sst s10  }
0x38: {  	s10 =	sld [smem:$0x3FB3]  }
0x39: {  	_ = 	snop;
	(pc) =	sbr.ind lr, $3  }
0x3a: {  	_ = 	snop  }
0x3b: {  	_ = 	snop  }
0x3c: {  	p2 =	seq.s32 s10, $0x1;
	s10 =	sld [smem:$0x3FB2]  }
0x3d: {  	_ =	shalt  }
0x3e: {  	_ =	shalt  }
0x3f: {  	_ =	shalt  }
0x40: {  	_ =	shalt  }
0x41: {  	_ =	shalt  }
0x42: {  	_ =	shalt  }
0x43: {  	_ =	shalt  }
0x44: {  	_ =	shalt  }
0x45: {  	_ =	shalt  }
0x46: {  	_ =	shalt  }
0x47: {  	_ =	shalt  }
0x48: {  	_ =	shalt  }
0x49: {  	_ =	shalt  }
0x4a: {  	_ =	shalt  }
0x4b: {  	_ =	shalt  }
0x4c: {  	_ =	shalt  }
0x4d: {  	_ =	shalt  }
0x4e: {  	_ =	shalt  }
0x4f: {  	_ =	shalt  }
0x50: {  	_ =	shalt  }
0x51: {  	_ =	shalt  }
0x52: {  	_ =	shalt  }
0x53: {  	_ =	shalt  }
0x54: {  	_ =	shalt  }
0x55: {  	_ =	shalt  }
0x56: {  	_ =	shalt  }
0x57: {  	_ =	shalt  }
0x58: {  	_ =	shalt  }
0x59: {  	_ =	shalt  }
0x5a: {  	_ =	shalt  }
0x5b: {  	_ =	shalt  }
0x5c: {  	_ =	shalt  }
0x5d: {  	_ =	shalt  }
0x5e: {  	_ =	shalt  }
0x5f: {  	_ =	shalt  }
0x60: {  	_ =	shalt  }
0x61: {  	_ =	shalt  }
0x62: {  	_ =	shalt  }
0x63: {  	_ =	shalt  }
0x64: {  	_ =	shalt  }
0x65: {  	_ =	shalt  }
0x66: {  	_ =	shalt  }
0x67: {  	_ =	shalt  }
0x68: {  	_ =	shalt  }
0x69: {  	_ =	shalt  }
0x6a: {  	_ =	shalt  }
0x6b: {  	_ =	shalt  }
0x6c: {  	_ =	shalt  }
0x6d: {  	_ =	shalt  }
0x6e: {  	_ =	shalt  }
0x6f: {  	_ =	shalt  }
0x70: {  	_ =	shalt  }
0x71: {  	_ =	shalt  }
0x72: {  	_ =	shalt  }
0x73: {  	_ =	shalt  }
0x74: {  	_ =	shalt  }
0x75: {  	_ =	shalt  }
0x76: {  	_ =	shalt  }
0x77: {  	_ =	shalt  }
0x78: {  	_ =	shalt  }
0x79: {  	_ =	shalt  }
0x7a: {  	_ =	shalt  }
0x7b: {  	_ =	shalt  }
0x7c: {  	_ =	shalt  }
0x7d: {  	_ =	shalt  }
0x7e: {  	_ =	shalt  }
0x7f: {  	_ =	shalt  }
0x80: {  	_ =	shalt  }
0x81: {  	_ =	shalt  }
0x82: {  	_ =	shalt  }
0x83: {  	_ =	shalt  }
0x84: {  	_ =	shalt  }
0x85: {  	_ =	shalt  }
0x86: {  	_ =	shalt  }
0x87: {  	_ =	shalt  }
.Lfunc_end0:
.L_simem_size_0:
called_computation_lowered:
.L_overlay_start_0:
0x88: {  	s2 =	sld [smem:$0x3FD9]  }
0x89: {  	s3 =	sld [smem:$0x3FFE];
	_ =	sdelay $0x1  }
0x8a: {  	s1 =	srdreg.scid  }
0x8b: {  	s0 =	sand.u32 $0x1, s1  }
0x8c: {  	s16 =	sshll.u32 s0, $0xA;
	s2 =	sadd.s32 s3, s2  }
0x8d: {  	s2 =	sadd.s32 s2, s16  }
0x8e: {  	[smem:$0x3FBE] =	sst s2  }
0x8f: {  	_ = 	snop  }
0x90: {  	(tm) =	ssettm $0x1  }
0x91: {  	s17 =	sld [smem:$0x3FFB];
	_ =	sdelay $0x3  }
0x92: {  	_ =	strace s17  }
0x93: {  	s2 =	sld [smem:$0x3FFC];
	_ =	sdelay $0x3  }
0x94: {  	_ =	strace s2  }
0x95: {  	s2 =	sld [smem:$0x3FFD];
	_ =	sdelay $0x3  }
0x96: {  	_ =	strace s2  }
0x97: {  	_ =	strace $0x8FFFFFFF  }
0x98: {  	s18 =	sld [smem:$0x3FDB];
	_ =	sdelay $0x1  }
0x99: {  	s19 =	simm.s32 $_scs_section_size  }
0x9a: {  	s4 =	simm.s32 $_size__tile_overlayer_lowered;
	s5 =	simm.s32 $_tile_overlayer_lowered  }
0x9b: {  	s22 =	simm.s32 $0x1BFF;
	s21 =	sshll.u32 s5, $0x1;
	s2 =	sadd.s32 s19, s18  }
0x9c: {  	s6 =	simm.s32 $0x0;
	s20 =	sshll.u32 s4, $0x1;
	s4 =	sadd.s32 s21, s2  }
0x9d: {  	[timem:s6], [sflag:s22] =	dma.local [hbm:s4], s20  }
0x9e: {  	_ =	swait.ge [sflag:s22], s20  }
0x9f: {  	s3 =	ssub.s32 $0x0, s20;
	[sflag:s22] =	ssyncset.done $0x0  }
0xa0: {  	[sflag:s22] =	ssyncadd.s32 s3;
	_ =	sdelay $0x1  }
0xa1: {  	s23 =	simm.s32 $0x1B8B  }
0xa2: {  	_ =	swait.ge [sflag:s23], $0x1  }
0xa3: {  	[sflag:s23] =	ssyncset.done $0x0  }
0xa4: {  	s25 =	simm.s32 $0x1B8E;
	s24 =	sld [smem:$0x3FFE];
	[sflag:s23] =	ssyncadd.s32 $0xFFFFFFFF  }
0xa5: {  	s26 =	simm.s32 $execute0_lowered;
	[smem:$0x3FD2] =	sst s25  }
0xa6: {  	s4 =	sshll.u32 s26, $0x1;
	_ =	strace $0x80000046;
	[dreg:$0x1] =	wrdreg $0xFFFFFFFF  }
0xa7: {  	s28 =	simm.s32 $_size_execute0_lowered;
	s2 =	sadd.s32 s2, s4;
	[dreg:$0x0] =	wrdreg $0x0  }
0xa8: {  	s4 =	sshll.u32 s28, $0x1;
	[dreg:$0x2] =	wrdreg s2  }
0xa9: {  	[dreg:$0x3] =	wrdreg s4  }
0xaa: {  	[dreg:$0x4] =	wrdreg $0xC0  }
0xab: {  	_ =	task [dreg:s6], $0x5FFFF  }
0xac: {  	[dreg:$0x1] =	wrdreg $0xFFFFFFFF  }
0xad: {  	[dreg:$0x0] =	wrdreg $0x60  }
0xae: {  	[dreg:$0x2] =	wrdreg s24  }
0xaf: {  	[dreg:$0x3] =	wrdreg $0x9  }
0xb0: {  	_ =	task.clear_ibuf [dreg:s6], $0x4FFFF;
	_ =	strace $0x90000046  }
0xb1: {  	s29 =	simm.s32 $0x9;
	_ =	strace $0x80000048  }
0xb2: {  	_ =	swait.ge [sflag:s29], $0x1  }
0xb3: {  	[sflag:s29] =	ssyncadd.s32 $0xFFFFFFFF  }
0xb4: {  	_ =	strace $0x90000048  }
0xb5: {  	_ =	sfence  }
0xb6: {  	s30 =	sld [smem:$0x0];
	_ =	sdelay $0x2  }
0xb7: {  	s31 =	sshll.u32 s1, $0xD;
	s1 =	sshrl.u32 s1, $0x2  }
0xb8: {  	s3 =	sand.u32 $0x4000, s31;
	s1 =	sadd.s32 s1, s30  }
0xb9: {  	s0 =	sor.u32 s3, s0;
	s1 =	sshll.u32 s1, $0x11  }
0xba: {  	s0 =	sor.u32 s1, s0  }
0xbb: {  	s0 =	sadd.s32 $0x8F2B, s0  }
0xbc: {  	[sflag:s0] =	ssyncadd.remote.s32 $0x1  }
0xbd: {  	_ =	sfence.sel $0xFFFF  }
0xbe: {  	[dreg:$0x0] =	wrdreg $0xFFFFFFFF;
	(pc) =	sbr.abs _section_cstart, $3  }
0xbf: {  	[dreg:$0x1] =	wrdreg $0xFFFFFFFF  }
0xc0: {  	_ =	task.clear_ibuf [dreg:s6], $0x2FFFF;
	_ =	strace $0x9FFFFFFF  }
0xc1: {  	(tm) =	ssettm $0x7FFFFFFF  }
tec
execute0_lowered:
.L_overlay_start_1:
0x0: {  	(tag) =	ssettag $0x1  }
0x1: {  	s0 =	srdreg.scid  }
0x2: {  	s2 =	stileid.u32;
	s1 =	rddreg [dreg:$0x0]  }
0x3: {  	s11 =	simm.s32 $0x6600;
	s12 =	simm.s32 $0x5;
	s13 =	simm.s32 $0x80  }
0x4: {  	s17 =	simm.s32 $0xC0;
	s18 =	simm.s32 $0x600;
	s19 =	simm.s32 $0x3600  }
0x5: {  	s20 =	simm.s32 $0x1;
	s22 =	simm.s32 $0x2;
	s28 =	simm.s32 $0x540  }
0x6: {  	s29 =	simm.s32 $0xE700;
	s30 =	simm.s32 $0xF700;
	s31 =	simm.s32 $0x10700  }
0x7: {  	s14 =	simm.s32 $0xA700;
	s0 =	sand.u32 $0x1, s0;
	s3 =	sshll.u32 s2, $0x1  }
0x8: {  	s15 =	simm.s32 $0x0;
	s2 =	simm.s32 $0x0;
	s4 =	sor.u32 s0, s3  }
0x9: {  	[smem:$0x7FF] =	sst s2;
	s3 =	sadd.s32 $0xE00, s1;
	s0 =	ssub.s32 $0x2, s0  }
0xa: {  	s5 =	smul.u32 $0xC0, s4;
	_ =	strace $0x80000047;
	s6 =	sshll.u32 s4, $0x5  }
0xb: {  	s7 =	sshll.u32 s4, $0x9;
	s4 =	sshll.u32 s4, $0xB;
	s26 =	sshrl.u32 s0, $0x1  }
0xc: {  	s6 =	sadd.s32 s6, s1;
	s8 =	sadd.s32 s7, s1;
	s0 =	ssub.s32 s0, s26  }
0xd: {  	s26 =	simm.s32 $0x480;
	s5 =	sadd.s32 s5, s1;
	s1 =	sadd.s32 s4, s1  }
0xe: {  	s4 =	sadd.s32 $0x2E00, s6;
	s6 =	sadd.s32 $0x14A00, s8;
	s7 =	sadd.s32 $0x18A00, s8  }
0xf: {  	s8 =	sadd.s32 $0x1CA00, s8;
	s10 =	smax.u32 s0, $0x1;
	s0 =	simm.s32 $0x4  }
0x10: {  	s5 =	sadd.s32 $0x3200, s5;
	s9 =	sadd.s32 $0x4A00, s1;
	s1 =	simm.s32 $0x3  }
.LBB2_1:
0x11: {  	[tilespmem:s11], [sflag:$0x5] =	stream.linear.gather [hbm4b:s4+s2], $0x100, $0x38;
	[tilespmem:$0x11700] =	vst v63  }
0x12: {  	_ =	swait.ge [sflag:s12], $0x100  }
0x13: {  	[sflag:s12] =	ssyncset.done $0x0  }
0x14: {  	s16 =	simm.s32 $0x6700;
	[sflag:s12] =	ssyncadd.s32 $0xFFFFFF00  }
0x15: {  	[tilespmem:s16], [sflag:$0x3] =	stream.indirect.gather [hbm4b:s3+s13], $0x40, s11, s13, $0xb8;
	[tilespmem:$0x11700] =	vst v63  }
0x16: {  	s25 =	simm.s32 $0x6680;
	s21 =	simm.s32 $0x8700  }
0x17: {  	[tilespmem:s21], [sflag:$0x4] =	stream.indirect.gather [hbm4b:s3+s13], $0x40, s25, s13, $0xb8;
	[tilespmem:$0x11700] =	vst v63  }
0x18: {  	_ = 	snop  }
0x19: {  	[tilespmem:s2], [sflag:$0x5] =	stream.linear.gather [hbm4b:s5+s2], $0x600, $0x38;
	[tilespmem:$0x11700] =	vst v63  }
0x1a: {  	_ =	swait.ge [sflag:s12], $0x600  }
0x1b: {  	[sflag:s12] =	ssyncset.done $0x0  }
0x1c: {  	[sflag:s12] =	ssyncadd.s32 $0xFFFFFA00  }
0x1d: {  	[tilespmem:s18], [sflag:$0x1] =	stream.indirect.gather [hbm4b:s3+s17], $0x40, s2, s17, $0xb8;
	[tilespmem:$0x11700] =	vst v63  }
0x1e: {  	_ = 	snop  }
0x1f: {  	[tilespmem:s19], [sflag:$0x2] =	stream.indirect.gather [hbm4b:s3+s17], $0x40, s17, s17, $0xb8;
	[tilespmem:$0x11700] =	vst v63  }
0x20: {  	_ =	swait.ge [sflag:s20], $0x3000  }
0x21: {  	[sflag:s20] =	ssyncset.done $0x0  }
0x22: {  	s16 =	simm.s32 $0x680;
	s21 =	simm.s32 $0x0;
	[sflag:s20] =	ssyncadd.s32 $0xFFFFD000  }
.LBB2_2:
0x23: {  	v0 =	vmov s16;
	_ =	sdelay $0x3  }
0x24: {  	s23 =	simm.s32 $0x0  }
0x25: {  	v1 =	vld.idx.msk [tilespmem:v0+s23+$0x40 ss:$0x1], $0xffff  }
0x26: {  	v2 =	vld.idx.msk [tilespmem:v0+s23+$0x50 ss:$0x1], $0xffff  }
0x27: {  	v3 =	vld.idx.msk [tilespmem:v0+s23+$0x60 ss:$0x1], $0xffff  }
0x28: {  	v5 =	vld.idx.msk [tilespmem:v0+s23+$0x0 ss:$0x1], $0xffff  }
0x29: {  	v7 =	vld.idx.msk [tilespmem:v0+s23+$0x10 ss:$0x1], $0xffff  }
0x2a: {  	v9 =	vld.idx.msk [tilespmem:v0+s23+$0x20 ss:$0x1], $0xffff  }
0x2b: {  	v12 =	vld.idx.msk [tilespmem:v0+s23+$0xFFFFFFC0 ss:$0x1], $0xffff  }
0x2c: {  	v16 =	vld.idx.msk [tilespmem:v0+s23+$0xFFFFFF80 ss:$0x1], $0xffff  }
0x2d: {  	v4 =	vimm.f32 $0.0e+00;
	v19 =	vld.idx.msk [tilespmem:v0+s23+$0xFFFFFF90 ss:$0x1], $0xffff;
	v8 =	vunpack.i.u.bf16.f32 v1;
	v11 =	vunpack.i.l.bf16.f32 v1  }
0x2e: {  	v18 =	vld.idx.msk [tilespmem:v0+s23+$0xFFFFFFD0 ss:$0x1], $0xffff;
	v6 =	vunpack.i.u.bf16.f32 v2;
	v10 =	vunpack.i.l.bf16.f32 v2;
	v1 =	vunpack.i.u.bf16.f32 v3  }
0x2f: {  	v14 =	vunpack.i.u.bf16.f32 v5;
	v17 =	vunpack.i.l.bf16.f32 v5;
	v2 =	vunpack.i.l.bf16.f32 v3  }
0x30: {  	v13 =	vunpack.i.u.bf16.f32 v7;
	v15 =	vunpack.i.l.bf16.f32 v7;
	v3 =	vunpack.i.u.bf16.f32 v9  }
0x31: {  	v21 =	vunpack.i.u.bf16.f32 v12;
	v22 =	vunpack.i.l.bf16.f32 v12;
	v5 =	vunpack.i.l.bf16.f32 v9  }
0x32: {  	v20 =	vld.idx.msk [tilespmem:v0+s23+$0xFFFFFFE0 ss:$0x1], $0xffff;
	v7 =	vunpack.i.u.bf16.f32 v16;
	v9 =	vunpack.i.l.bf16.f32 v16;
	v12 =	vunpack.i.u.bf16.f32 v19  }
0x33: {  	v27 =	vunpack.i.u.bf16.f32 v18;
	v23 =	vadd.f32 v9, v4;
	v24 =	vadd.f32 v7, v4  }
0x34: {  	v7 =	vunpack.i.l.bf16.f32 v19;
	v19 =	vld.idx.msk [tilespmem:v0+s23+$0xFFFFFFA0 ss:$0x1], $0xffff;
	v26 =	vadd.f32 v12, v4;
	v12 =	vimm.f32 $0.0e+00  }
0x35: {  	s24 =	simm.s32 $0x400;
	v16 =	vld.idx.msk [tilespmem:v0+s23+$0xFFFFFFB0 ss:$0x1], $0xffff;
	v9 =	vimm.f32 $0.0e+00;
	v25 =	vadd.f32 v7, v4;
	v7 =	vimm.f32 $0.0e+00  }
.LBB2_3:
0x36: {  	p0 =	sne.s32 s24, $0xC00;
	v22 =	vadd.f32 v22, v23;
	v21 =	vadd.f32 v21, v24;
	v18 =	vunpack.i.l.bf16.f32 v18  }
0x37: {  	v24 =	vunpack.i.u.bf16.f32 v20;
	v18 =	vadd.f32 v18, v25;
	v23 =	vadd.f32 v27, v26;
	v25 =	vld.idx.msk [tilespmem:v0+s23+$0xFFFFFFF0 ss:$0x1], $0xffff  }
0x38: {  	v20 =	vunpack.i.l.bf16.f32 v20;
	v17 =	vadd.f32 v17, v22;
	v14 =	vadd.f32 v14, v21  }
0x39: {  	s25 =	sshra.s32 s24, $0x2;
	v21 =	vunpack.i.u.bf16.f32 v19;
	v15 =	vadd.f32 v15, v18;
	v13 =	vadd.f32 v13, v23;
	v18 =	vld.idx.msk [tilespmem:v0+s23+$0x30 ss:$0x1], $0xffff  }
0x3a: {  	v19 =	vunpack.i.l.bf16.f32 v19;
	v22 =	vld.idx.msk [tilespmem:v0+s25+$0x40 ss:$0x1], $0xffff;
	v23 =	vadd.f32 v11, v17;
	v26 =	vadd.f32 v8, v14  }
0x3b: {  	v8 =	vunpack.i.u.bf16.f32 v16;
	v27 =	vadd.f32 v10, v15;
	v28 =	vadd.f32 v6, v13;
	v6 =	vld.idx.msk [tilespmem:v0+s23+$0x70 ss:$0x1], $0xffff;
	s23 =	smov.u32 s25  }
0x3c: {  	v4 =	vadd.f32 v19, v4;
	v11 =	vadd.f32 v21, v12;
	v12 =	vunpack.i.l.bf16.f32 v16;
	v10 =	vld.idx.msk [tilespmem:v0+s23+$0x50 ss:$0x1], $0xffff  }
0x3d: {  	v9 =	vadd.f32 v12, v9;
	v7 =	vadd.f32 v8, v7;
	v8 =	vunpack.i.u.bf16.f32 v25;
	v13 =	vld.idx.msk [tilespmem:v0+s23+$0x60 ss:$0x1], $0xffff  }
0x3e: {  	v4 =	vadd.f32 v20, v4;
	v11 =	vadd.f32 v24, v11;
	v12 =	vunpack.i.l.bf16.f32 v25;
	v15 =	vld.idx.msk [tilespmem:v0+s23+$0x0 ss:$0x1], $0xffff  }
0x3f: {  	v9 =	vadd.f32 v12, v9;
	v7 =	vadd.f32 v8, v7;
	v8 =	vunpack.i.u.bf16.f32 v18;
	v16 =	vld.idx.msk [tilespmem:v0+s23+$0x10 ss:$0x1], $0xffff  }
0x40: {  	v4 =	vadd.f32 v5, v4;
	v3 =	vadd.f32 v3, v11;
	v5 =	vunpack.i.l.bf16.f32 v18;
	v19 =	vld.idx.msk [tilespmem:v0+s23+$0x20 ss:$0x1], $0xffff  }
0x41: {  	v5 =	vadd.f32 v5, v9;
	v7 =	vadd.f32 v8, v7;
	v8 =	vunpack.i.u.bf16.f32 v6;
	v24 =	vld.idx.msk [tilespmem:v0+s23+$0xFFFFFFC0 ss:$0x1], $0xffff  }
0x42: {  	v4 =	vadd.f32 v2, v4;
	v12 =	vadd.f32 v1, v3;
	v1 =	vunpack.i.l.bf16.f32 v6;
	v25 =	vld.idx.msk [tilespmem:v0+s23+$0xFFFFFF80 ss:$0x1], $0xffff  }
0x43: {  	v9 =	vadd.f32 v1, v5;
	v7 =	vadd.f32 v8, v7;
	v29 =	vld.idx.msk [tilespmem:v0+s23+$0xFFFFFF90 ss:$0x1], $0xffff  }
0x44: {  	v11 =	vunpack.i.l.bf16.f32 v22;
	v8 =	vunpack.i.u.bf16.f32 v22  }
0x45: {  	v6 =	vunpack.i.u.bf16.f32 v10;
	v10 =	vunpack.i.l.bf16.f32 v10;
	v1 =	vunpack.i.u.bf16.f32 v13;
	v18 =	vld.idx.msk [tilespmem:v0+s23+$0xFFFFFFD0 ss:$0x1], $0xffff  }
0x46: {  	v2 =	vunpack.i.l.bf16.f32 v13;
	v14 =	vunpack.i.u.bf16.f32 v15;
	v17 =	vunpack.i.l.bf16.f32 v15  }
.Ltmp0:
0x47: {  	v13 =	vunpack.i.u.bf16.f32 v16;
	v15 =	vunpack.i.l.bf16.f32 v16;
	v3 =	vunpack.i.u.bf16.f32 v19;
	v20 =	vld.idx.msk [tilespmem:v0+s23+$0xFFFFFFE0 ss:$0x1], $0xffff;
	(pc) =	sbr.rel @p0 .LBB2_3-.Ltmp0, $4  }
0x48: {  	v5 =	vunpack.i.l.bf16.f32 v19;
	v21 =	vunpack.i.u.bf16.f32 v24;
	v22 =	vunpack.i.l.bf16.f32 v24  }
0x49: {  	v16 =	vunpack.i.u.bf16.f32 v25;
	v24 =	vunpack.i.l.bf16.f32 v25;
	v30 =	vunpack.i.u.bf16.f32 v29;
	v19 =	vld.idx.msk [tilespmem:v0+s23+$0xFFFFFFA0 ss:$0x1], $0xffff  }
0x4a: {  	v23 =	vadd.f32 v24, v23;
	v24 =	vadd.f32 v16, v26;
	v16 =	vunpack.i.l.bf16.f32 v29  }
0x4b: {  	s24 =	sadd.s32 $0x400, s24;
	v25 =	vadd.f32 v16, v27;
	v26 =	vadd.f32 v30, v28;
	v27 =	vunpack.i.u.bf16.f32 v18;
	v16 =	vld.idx.msk [tilespmem:v0+s23+$0xFFFFFFB0 ss:$0x1], $0xffff  }
0x4c: {  	s24 =	smul.u32 $0xAB, s21  }
0x4d: {  	v22 =	vadd.f32 v22, v23;
	v21 =	vadd.f32 v21, v24;
	v18 =	vunpack.i.l.bf16.f32 v18  }
0x4e: {  	v18 =	vadd.f32 v18, v25;
	v47 =	vadd.f32 v27, v26;
	s24 =	sshrl.u32 s24, $0x9  }
0x4f: {  	v17 =	vadd.f32 v17, v22;
	v14 =	vadd.f32 v14, v21;
	v51 =	vunpack.i.l.bf16.f32 v19;
	s24 =	sand.u32 $0x7F, s24  }
0x50: {  	v49 =	vld.idx.msk [tilespmem:v0+s23+$0xFFFFFFF0 ss:$0x1], $0xffff;
	v52 =	vunpack.i.u.bf16.f32 v19;
	v15 =	vadd.f32 v15, v18;
	v13 =	vadd.f32 v13, v47;
	s25 =	smul.u32 $0x3FFFD, s24  }
0x51: {  	v48 =	vunpack.i.u.bf16.f32 v20;
	v4 =	vadd.f32 v51, v4;
	v12 =	vadd.f32 v52, v12  }
0x52: {  	v50 =	vunpack.i.l.bf16.f32 v20;
	v53 =	vld.idx.msk [tilespmem:v0+s23+$0x30 ss:$0x1], $0xffff;
	v11 =	vadd.f32 v11, v17;
	v8 =	vadd.f32 v8, v14;
	s25 =	sadd.s32 s21, s25  }
0x53: {  	v54 =	vunpack.i.l.bf16.f32 v16;
	v10 =	vadd.f32 v10, v15;
	v6 =	vadd.f32 v6, v13;
	s25 =	sshll.u32 s25, $0xE  }
0x54: {  	v55 =	vld.idx.msk [tilespmem:v0+s23+$0x70 ss:$0x1], $0xffff;
	v56 =	vunpack.i.u.bf16.f32 v16;
	s24 =	sshll.u32 s24, $0x7;
	v9 =	vadd.f32 v54, v9;
	v4 =	vadd.f32 v50, v4;
	s25 =	sshra.s32 s25, $0x2  }
0x55: {  	v7 =	vadd.f32 v56, v7;
	v12 =	vadd.f32 v48, v12;
	v57 =	vunpack.i.l.bf16.f32 v49;
	s23 =	sadd.s32 s24, s25  }
0x56: {  	v58 =	vunpack.i.u.bf16.f32 v49;
	v9 =	vadd.f32 v57, v9;
	v4 =	vadd.f32 v5, v4;
	[tilespmem:s23+$0xE700] =	vst v11  }
0x57: {  	v60 =	vunpack.i.l.bf16.f32 v53;
	s21 =	sadd.s32 $0x1, s21;
	v59 =	vadd.f32 v58, v7;
	v3 =	vadd.f32 v3, v12;
	[tilespmem:s23+$0xE710] =	vst v8  }
0x58: {  	v61 =	vunpack.i.u.bf16.f32 v53;
	p0 =	sne.s32 s21, $0xC;
	v7 =	vadd.f32 v60, v9;
	v2 =	vadd.f32 v2, v4;
	[tilespmem:s23+$0xE720] =	vst v10  }
.Ltmp1:
0x59: {  	v63 =	vunpack.i.l.bf16.f32 v55;
	v62 =	vadd.f32 v61, v59;
	v1 =	vadd.f32 v1, v3;
	[tilespmem:s23+$0xE730] =	vst v6;
	(pc) =	sbr.rel @p0 .LBB2_2-.Ltmp1, $4  }
0x5a: {  	v0 =	vunpack.i.u.bf16.f32 v55;
	v3 =	vadd.f32 v63, v7;
	[tilespmem:s23+$0xE740] =	vst v2  }
0x5b: {  	v0 =	vadd.f32 v0, v62;
	[tilespmem:s23+$0xE750] =	vst v1  }
0x5c: {  	[tilespmem:s23+$0xE760] =	vst v3  }
0x5d: {  	s16 =	sadd.s32 $0x400, s16;
	[tilespmem:s23+$0xE770] =	vst v0  }
0x5e: {  	s16 =	simm.s32 $0x180  }
0x5f: {  	[tilespmem:s18], [sflag:$0x1] =	stream.indirect.gather [hbm4b:s3+s17], $0x40, s16, s17, $0xb8;
	[tilespmem:$0x11700] =	vst v63  }
0x60: {  	_ =	swait.ge [sflag:s22], $0x3000  }
0x61: {  	[sflag:s22] =	ssyncset.done $0x0  }
0x62: {  	s21 =	simm.s32 $0x3680;
	s16 =	simm.s32 $0x0;
	[sflag:s22] =	ssyncadd.s32 $0xFFFFD000  }
.LBB2_6:
0x63: {  	v0 =	vmov s21;
	_ =	sdelay $0x3  }
0x64: {  	s23 =	simm.s32 $0x0  }
0x65: {  	v1 =	vld.idx.msk [tilespmem:v0+s23+$0x40 ss:$0x1], $0xffff  }
0x66: {  	v2 =	vld.idx.msk [tilespmem:v0+s23+$0x50 ss:$0x1], $0xffff  }
0x67: {  	v3 =	vld.idx.msk [tilespmem:v0+s23+$0x60 ss:$0x1], $0xffff  }
0x68: {  	v5 =	vld.idx.msk [tilespmem:v0+s23+$0x0 ss:$0x1], $0xffff  }
0x69: {  	v7 =	vld.idx.msk [tilespmem:v0+s23+$0x10 ss:$0x1], $0xffff  }
0x6a: {  	v9 =	vld.idx.msk [tilespmem:v0+s23+$0x20 ss:$0x1], $0xffff  }
0x6b: {  	v12 =	vld.idx.msk [tilespmem:v0+s23+$0xFFFFFFC0 ss:$0x1], $0xffff  }
0x6c: {  	v16 =	vld.idx.msk [tilespmem:v0+s23+$0xFFFFFF80 ss:$0x1], $0xffff  }
0x6d: {  	v4 =	vimm.f32 $0.0e+00;
	v19 =	vld.idx.msk [tilespmem:v0+s23+$0xFFFFFF90 ss:$0x1], $0xffff;
	v8 =	vunpack.i.u.bf16.f32 v1;
	v11 =	vunpack.i.l.bf16.f32 v1  }
0x6e: {  	v18 =	vld.idx.msk [tilespmem:v0+s23+$0xFFFFFFD0 ss:$0x1], $0xffff;
	v6 =	vunpack.i.u.bf16.f32 v2;
	v10 =	vunpack.i.l.bf16.f32 v2;
	v1 =	vunpack.i.u.bf16.f32 v3  }
0x6f: {  	v14 =	vunpack.i.u.bf16.f32 v5;
	v17 =	vunpack.i.l.bf16.f32 v5;
	v2 =	vunpack.i.l.bf16.f32 v3  }
0x70: {  	v13 =	vunpack.i.u.bf16.f32 v7;
	v15 =	vunpack.i.l.bf16.f32 v7;
	v3 =	vunpack.i.u.bf16.f32 v9  }
0x71: {  	v21 =	vunpack.i.u.bf16.f32 v12;
	v22 =	vunpack.i.l.bf16.f32 v12;
	v5 =	vunpack.i.l.bf16.f32 v9  }
0x72: {  	v20 =	vld.idx.msk [tilespmem:v0+s23+$0xFFFFFFE0 ss:$0x1], $0xffff;
	v7 =	vunpack.i.u.bf16.f32 v16;
	v9 =	vunpack.i.l.bf16.f32 v16;
	v12 =	vunpack.i.u.bf16.f32 v19  }
0x73: {  	v27 =	vunpack.i.u.bf16.f32 v18;
	v23 =	vadd.f32 v9, v4;
	v24 =	vadd.f32 v7, v4  }
0x74: {  	v7 =	vunpack.i.l.bf16.f32 v19;
	v19 =	vld.idx.msk [tilespmem:v0+s23+$0xFFFFFFA0 ss:$0x1], $0xffff;
	v26 =	vadd.f32 v12, v4;
	v12 =	vimm.f32 $0.0e+00  }
0x75: {  	s24 =	simm.s32 $0x400;
	v16 =	vld.idx.msk [tilespmem:v0+s23+$0xFFFFFFB0 ss:$0x1], $0xffff;
	v9 =	vimm.f32 $0.0e+00;
	v25 =	vadd.f32 v7, v4;
	v7 =	vimm.f32 $0.0e+00  }
.LBB2_7:
0x76: {  	p0 =	sne.s32 s24, $0xC00;
	v22 =	vadd.f32 v22, v23;
	v21 =	vadd.f32 v21, v24;
	v18 =	vunpack.i.l.bf16.f32 v18  }
0x77: {  	v24 =	vunpack.i.u.bf16.f32 v20;
	v18 =	vadd.f32 v18, v25;
	v23 =	vadd.f32 v27, v26;
	v25 =	vld.idx.msk [tilespmem:v0+s23+$0xFFFFFFF0 ss:$0x1], $0xffff  }
0x78: {  	v20 =	vunpack.i.l.bf16.f32 v20;
	v17 =	vadd.f32 v17, v22;
	v14 =	vadd.f32 v14, v21  }
0x79: {  	s25 =	sshra.s32 s24, $0x2;
	v21 =	vunpack.i.u.bf16.f32 v19;
	v15 =	vadd.f32 v15, v18;
	v13 =	vadd.f32 v13, v23;
	v18 =	vld.idx.msk [tilespmem:v0+s23+$0x30 ss:$0x1], $0xffff  }
0x7a: {  	v19 =	vunpack.i.l.bf16.f32 v19;
	v22 =	vld.idx.msk [tilespmem:v0+s25+$0x40 ss:$0x1], $0xffff;
	v23 =	vadd.f32 v11, v17;
	v26 =	vadd.f32 v8, v14  }
0x7b: {  	v8 =	vunpack.i.u.bf16.f32 v16;
	v27 =	vadd.f32 v10, v15;
	v28 =	vadd.f32 v6, v13;
	v6 =	vld.idx.msk [tilespmem:v0+s23+$0x70 ss:$0x1], $0xffff;
	s23 =	smov.u32 s25  }
0x7c: {  	v4 =	vadd.f32 v19, v4;
	v11 =	vadd.f32 v21, v12;
	v12 =	vunpack.i.l.bf16.f32 v16;
	v10 =	vld.idx.msk [tilespmem:v0+s23+$0x50 ss:$0x1], $0xffff  }
0x7d: {  	v9 =	vadd.f32 v12, v9;
	v7 =	vadd.f32 v8, v7;
	v8 =	vunpack.i.u.bf16.f32 v25;
	v13 =	vld.idx.msk [tilespmem:v0+s23+$0x60 ss:$0x1], $0xffff  }
0x7e: {  	v4 =	vadd.f32 v20, v4;
	v11 =	vadd.f32 v24, v11;
	v12 =	vunpack.i.l.bf16.f32 v25;
	v15 =	vld.idx.msk [tilespmem:v0+s23+$0x0 ss:$0x1], $0xffff  }
0x7f: {  	v9 =	vadd.f32 v12, v9;
	v7 =	vadd.f32 v8, v7;
	v8 =	vunpack.i.u.bf16.f32 v18;
	v16 =	vld.idx.msk [tilespmem:v0+s23+$0x10 ss:$0x1], $0xffff  }
0x80: {  	v4 =	vadd.f32 v5, v4;
	v3 =	vadd.f32 v3, v11;
	v5 =	vunpack.i.l.bf16.f32 v18;
	v19 =	vld.idx.msk [tilespmem:v0+s23+$0x20 ss:$0x1], $0xffff  }
0x81: {  	v5 =	vadd.f32 v5, v9;
	v7 =	vadd.f32 v8, v7;
	v8 =	vunpack.i.u.bf16.f32 v6;
	v24 =	vld.idx.msk [tilespmem:v0+s23+$0xFFFFFFC0 ss:$0x1], $0xffff  }
0x82: {  	v4 =	vadd.f32 v2, v4;
	v12 =	vadd.f32 v1, v3;
	v1 =	vunpack.i.l.bf16.f32 v6;
	v25 =	vld.idx.msk [tilespmem:v0+s23+$0xFFFFFF80 ss:$0x1], $0xffff  }
0x83: {  	v9 =	vadd.f32 v1, v5;
	v7 =	vadd.f32 v8, v7;
	v29 =	vld.idx.msk [tilespmem:v0+s23+$0xFFFFFF90 ss:$0x1], $0xffff  }
0x84: {  	v11 =	vunpack.i.l.bf16.f32 v22;
	v8 =	vunpack.i.u.bf16.f32 v22  }
0x85: {  	v6 =	vunpack.i.u.bf16.f32 v10;
	v10 =	vunpack.i.l.bf16.f32 v10;
	v1 =	vunpack.i.u.bf16.f32 v13;
	v18 =	vld.idx.msk [tilespmem:v0+s23+$0xFFFFFFD0 ss:$0x1], $0xffff  }
0x86: {  	v2 =	vunpack.i.l.bf16.f32 v13;
	v14 =	vunpack.i.u.bf16.f32 v15;
	v17 =	vunpack.i.l.bf16.f32 v15  }
.Ltmp2:
0x87: {  	v13 =	vunpack.i.u.bf16.f32 v16;
	v15 =	vunpack.i.l.bf16.f32 v16;
	v3 =	vunpack.i.u.bf16.f32 v19;
	v20 =	vld.idx.msk [tilespmem:v0+s23+$0xFFFFFFE0 ss:$0x1], $0xffff;
	(pc) =	sbr.rel @p0 .LBB2_7-.Ltmp2, $4  }
0x88: {  	v5 =	vunpack.i.l.bf16.f32 v19;
	v21 =	vunpack.i.u.bf16.f32 v24;
	v22 =	vunpack.i.l.bf16.f32 v24  }
0x89: {  	v16 =	vunpack.i.u.bf16.f32 v25;
	v24 =	vunpack.i.l.bf16.f32 v25;
	v30 =	vunpack.i.u.bf16.f32 v29;
	v19 =	vld.idx.msk [tilespmem:v0+s23+$0xFFFFFFA0 ss:$0x1], $0xffff  }
0x8a: {  	v23 =	vadd.f32 v24, v23;
	v24 =	vadd.f32 v16, v26;
	v16 =	vunpack.i.l.bf16.f32 v29  }
0x8b: {  	s24 =	sadd.s32 $0x400, s24;
	v25 =	vadd.f32 v16, v27;
	v26 =	vadd.f32 v30, v28;
	v27 =	vunpack.i.u.bf16.f32 v18;
	v16 =	vld.idx.msk [tilespmem:v0+s23+$0xFFFFFFB0 ss:$0x1], $0xffff  }
0x8c: {  	s24 =	smul.u32 $0xAB, s16  }
0x8d: {  	v22 =	vadd.f32 v22, v23;
	v21 =	vadd.f32 v21, v24;
	v18 =	vunpack.i.l.bf16.f32 v18  }
0x8e: {  	v18 =	vadd.f32 v18, v25;
	v47 =	vadd.f32 v27, v26;
	s24 =	sshrl.u32 s24, $0x9  }
0x8f: {  	v17 =	vadd.f32 v17, v22;
	v14 =	vadd.f32 v14, v21;
	v51 =	vunpack.i.l.bf16.f32 v19;
	s24 =	sand.u32 $0x7F, s24  }
0x90: {  	v49 =	vld.idx.msk [tilespmem:v0+s23+$0xFFFFFFF0 ss:$0x1], $0xffff;
	v52 =	vunpack.i.u.bf16.f32 v19;
	v15 =	vadd.f32 v15, v18;
	v13 =	vadd.f32 v13, v47;
	s25 =	smul.u32 $0x3FFFD, s24  }
0x91: {  	v48 =	vunpack.i.u.bf16.f32 v20;
	v4 =	vadd.f32 v51, v4;
	v12 =	vadd.f32 v52, v12  }
0x92: {  	v50 =	vunpack.i.l.bf16.f32 v20;
	v53 =	vld.idx.msk [tilespmem:v0+s23+$0x30 ss:$0x1], $0xffff;
	v11 =	vadd.f32 v11, v17;
	v8 =	vadd.f32 v8, v14;
	s25 =	sadd.s32 s16, s25  }
0x93: {  	v54 =	vunpack.i.l.bf16.f32 v16;
	v10 =	vadd.f32 v10, v15;
	v6 =	vadd.f32 v6, v13;
	s25 =	sshll.u32 s25, $0xE  }
0x94: {  	v55 =	vld.idx.msk [tilespmem:v0+s23+$0x70 ss:$0x1], $0xffff;
	v56 =	vunpack.i.u.bf16.f32 v16;
	s24 =	sshll.u32 s24, $0x7;
	v9 =	vadd.f32 v54, v9;
	v4 =	vadd.f32 v50, v4;
	s25 =	sshra.s32 s25, $0x2  }
0x95: {  	v7 =	vadd.f32 v56, v7;
	v12 =	vadd.f32 v48, v12;
	v57 =	vunpack.i.l.bf16.f32 v49;
	s23 =	sadd.s32 s24, s25  }
0x96: {  	v58 =	vunpack.i.u.bf16.f32 v49;
	v9 =	vadd.f32 v57, v9;
	v4 =	vadd.f32 v5, v4;
	[tilespmem:s23+$0xE900] =	vst v11  }
0x97: {  	v60 =	vunpack.i.l.bf16.f32 v53;
	s16 =	sadd.s32 $0x1, s16;
	v59 =	vadd.f32 v58, v7;
	v3 =	vadd.f32 v3, v12;
	[tilespmem:s23+$0xE910] =	vst v8  }
0x98: {  	v61 =	vunpack.i.u.bf16.f32 v53;
	p0 =	sne.s32 s16, $0xC;
	v7 =	vadd.f32 v60, v9;
	v2 =	vadd.f32 v2, v4;
	[tilespmem:s23+$0xE920] =	vst v10  }
.Ltmp3:
0x99: {  	v63 =	vunpack.i.l.bf16.f32 v55;
	v62 =	vadd.f32 v61, v59;
	v1 =	vadd.f32 v1, v3;
	[tilespmem:s23+$0xE930] =	vst v6;
	(pc) =	sbr.rel @p0 .LBB2_6-.Ltmp3, $4  }
0x9a: {  	v0 =	vunpack.i.u.bf16.f32 v55;
	v3 =	vadd.f32 v63, v7;
	[tilespmem:s23+$0xE940] =	vst v2  }
0x9b: {  	v0 =	vadd.f32 v0, v62;
	[tilespmem:s23+$0xE950] =	vst v1  }
0x9c: {  	[tilespmem:s23+$0xE960] =	vst v3  }
0x9d: {  	s21 =	sadd.s32 $0x400, s21;
	[tilespmem:s23+$0xE970] =	vst v0  }
0x9e: {  	s16 =	simm.s32 $0x240  }
0x9f: {  	[tilespmem:s19], [sflag:$0x2] =	stream.indirect.gather [hbm4b:s3+s17], $0x40, s16, s17, $0xb8;
	[tilespmem:$0x11700] =	vst v63  }
0xa0: {  	_ =	swait.ge [sflag:s20], $0x3000  }
0xa1: {  	[sflag:s20] =	ssyncset.done $0x0  }
0xa2: {  	s21 =	simm.s32 $0x680;
	s16 =	simm.s32 $0x0;
	[sflag:s20] =	ssyncadd.s32 $0xFFFFD000  }
.LBB2_10:
0xa3: {  	v0 =	vmov s21;
	_ =	sdelay $0x3  }
0xa4: {  	s23 =	simm.s32 $0x0  }
0xa5: {  	v1 =	vld.idx.msk [tilespmem:v0+s23+$0x40 ss:$0x1], $0xffff  }
0xa6: {  	v2 =	vld.idx.msk [tilespmem:v0+s23+$0x50 ss:$0x1], $0xffff  }
0xa7: {  	v3 =	vld.idx.msk [tilespmem:v0+s23+$0x60 ss:$0x1], $0xffff  }
0xa8: {  	v5 =	vld.idx.msk [tilespmem:v0+s23+$0x0 ss:$0x1], $0xffff  }
0xa9: {  	v7 =	vld.idx.msk [tilespmem:v0+s23+$0x10 ss:$0x1], $0xffff  }
0xaa: {  	v9 =	vld.idx.msk [tilespmem:v0+s23+$0x20 ss:$0x1], $0xffff  }
0xab: {  	v12 =	vld.idx.msk [tilespmem:v0+s23+$0xFFFFFFC0 ss:$0x1], $0xffff  }
0xac: {  	v16 =	vld.idx.msk [tilespmem:v0+s23+$0xFFFFFF80 ss:$0x1], $0xffff  }
0xad: {  	v4 =	vimm.f32 $0.0e+00;
	v19 =	vld.idx.msk [tilespmem:v0+s23+$0xFFFFFF90 ss:$0x1], $0xffff;
	v8 =	vunpack.i.u.bf16.f32 v1;
	v11 =	vunpack.i.l.bf16.f32 v1  }
0xae: {  	v18 =	vld.idx.msk [tilespmem:v0+s23+$0xFFFFFFD0 ss:$0x1], $0xffff;
	v6 =	vunpack.i.u.bf16.f32 v2;
	v10 =	vunpack.i.l.bf16.f32 v2;
	v1 =	vunpack.i.u.bf16.f32 v3  }
0xaf: {  	v14 =	vunpack.i.u.bf16.f32 v5;
	v17 =	vunpack.i.l.bf16.f32 v5;
	v2 =	vunpack.i.l.bf16.f32 v3  }
0xb0: {  	v13 =	vunpack.i.u.bf16.f32 v7;
	v15 =	vunpack.i.l.bf16.f32 v7;
	v3 =	vunpack.i.u.bf16.f32 v9  }
0xb1: {  	v21 =	vunpack.i.u.bf16.f32 v12;
	v22 =	vunpack.i.l.bf16.f32 v12;
	v5 =	vunpack.i.l.bf16.f32 v9  }
0xb2: {  	v20 =	vld.idx.msk [tilespmem:v0+s23+$0xFFFFFFE0 ss:$0x1], $0xffff;
	v7 =	vunpack.i.u.bf16.f32 v16;
	v9 =	vunpack.i.l.bf16.f32 v16;
	v12 =	vunpack.i.u.bf16.f32 v19  }
0xb3: {  	v27 =	vunpack.i.u.bf16.f32 v18;
	v23 =	vadd.f32 v9, v4;
	v24 =	vadd.f32 v7, v4  }
0xb4: {  	v7 =	vunpack.i.l.bf16.f32 v19;
	v19 =	vld.idx.msk [tilespmem:v0+s23+$0xFFFFFFA0 ss:$0x1], $0xffff;
	v26 =	vadd.f32 v12, v4;
	v12 =	vimm.f32 $0.0e+00  }
0xb5: {  	s24 =	simm.s32 $0x400;
	v16 =	vld.idx.msk [tilespmem:v0+s23+$0xFFFFFFB0 ss:$0x1], $0xffff;
	v9 =	vimm.f32 $0.0e+00;
	v25 =	vadd.f32 v7, v4;
	v7 =	vimm.f32 $0.0e+00  }
.LBB2_11:
0xb6: {  	p0 =	sne.s32 s24, $0xC00;
	v22 =	vadd.f32 v22, v23;
	v21 =	vadd.f32 v21, v24;
	v18 =	vunpack.i.l.bf16.f32 v18  }
0xb7: {  	v24 =	vunpack.i.u.bf16.f32 v20;
	v18 =	vadd.f32 v18, v25;
	v23 =	vadd.f32 v27, v26;
	v25 =	vld.idx.msk [tilespmem:v0+s23+$0xFFFFFFF0 ss:$0x1], $0xffff  }
0xb8: {  	v20 =	vunpack.i.l.bf16.f32 v20;
	v17 =	vadd.f32 v17, v22;
	v14 =	vadd.f32 v14, v21  }
0xb9: {  	s25 =	sshra.s32 s24, $0x2;
	v21 =	vunpack.i.u.bf16.f32 v19;
	v15 =	vadd.f32 v15, v18;
	v13 =	vadd.f32 v13, v23;
	v18 =	vld.idx.msk [tilespmem:v0+s23+$0x30 ss:$0x1], $0xffff  }
0xba: {  	v19 =	vunpack.i.l.bf16.f32 v19;
	v22 =	vld.idx.msk [tilespmem:v0+s25+$0x40 ss:$0x1], $0xffff;
	v23 =	vadd.f32 v11, v17;
	v26 =	vadd.f32 v8, v14  }
0xbb: {  	v8 =	vunpack.i.u.bf16.f32 v16;
	v27 =	vadd.f32 v10, v15;
	v28 =	vadd.f32 v6, v13;
	v6 =	vld.idx.msk [tilespmem:v0+s23+$0x70 ss:$0x1], $0xffff;
	s23 =	smov.u32 s25  }
0xbc: {  	v4 =	vadd.f32 v19, v4;
	v11 =	vadd.f32 v21, v12;
	v12 =	vunpack.i.l.bf16.f32 v16;
	v10 =	vld.idx.msk [tilespmem:v0+s23+$0x50 ss:$0x1], $0xffff  }
0xbd: {  	v9 =	vadd.f32 v12, v9;
	v7 =	vadd.f32 v8, v7;
	v8 =	vunpack.i.u.bf16.f32 v25;
	v13 =	vld.idx.msk [tilespmem:v0+s23+$0x60 ss:$0x1], $0xffff  }
0xbe: {  	v4 =	vadd.f32 v20, v4;
	v11 =	vadd.f32 v24, v11;
	v12 =	vunpack.i.l.bf16.f32 v25;
	v15 =	vld.idx.msk [tilespmem:v0+s23+$0x0 ss:$0x1], $0xffff  }
0xbf: {  	v9 =	vadd.f32 v12, v9;
	v7 =	vadd.f32 v8, v7;
	v8 =	vunpack.i.u.bf16.f32 v18;
	v16 =	vld.idx.msk [tilespmem:v0+s23+$0x10 ss:$0x1], $0xffff  }
0xc0: {  	v4 =	vadd.f32 v5, v4;
	v3 =	vadd.f32 v3, v11;
	v5 =	vunpack.i.l.bf16.f32 v18;
	v19 =	vld.idx.msk [tilespmem:v0+s23+$0x20 ss:$0x1], $0xffff  }
0xc1: {  	v5 =	vadd.f32 v5, v9;
	v7 =	vadd.f32 v8, v7;
	v8 =	vunpack.i.u.bf16.f32 v6;
	v24 =	vld.idx.msk [tilespmem:v0+s23+$0xFFFFFFC0 ss:$0x1], $0xffff  }
0xc2: {  	v4 =	vadd.f32 v2, v4;
	v12 =	vadd.f32 v1, v3;
	v1 =	vunpack.i.l.bf16.f32 v6;
	v25 =	vld.idx.msk [tilespmem:v0+s23+$0xFFFFFF80 ss:$0x1], $0xffff  }
0xc3: {  	v9 =	vadd.f32 v1, v5;
	v7 =	vadd.f32 v8, v7;
	v29 =	vld.idx.msk [tilespmem:v0+s23+$0xFFFFFF90 ss:$0x1], $0xffff  }
0xc4: {  	v11 =	vunpack.i.l.bf16.f32 v22;
	v8 =	vunpack.i.u.bf16.f32 v22  }
0xc5: {  	v6 =	vunpack.i.u.bf16.f32 v10;
	v10 =	vunpack.i.l.bf16.f32 v10;
	v1 =	vunpack.i.u.bf16.f32 v13;
	v18 =	vld.idx.msk [tilespmem:v0+s23+$0xFFFFFFD0 ss:$0x1], $0xffff  }
0xc6: {  	v2 =	vunpack.i.l.bf16.f32 v13;
	v14 =	vunpack.i.u.bf16.f32 v15;
	v17 =	vunpack.i.l.bf16.f32 v15  }
.Ltmp4:
0xc7: {  	v13 =	vunpack.i.u.bf16.f32 v16;
	v15 =	vunpack.i.l.bf16.f32 v16;
	v3 =	vunpack.i.u.bf16.f32 v19;
	v20 =	vld.idx.msk [tilespmem:v0+s23+$0xFFFFFFE0 ss:$0x1], $0xffff;
	(pc) =	sbr.rel @p0 .LBB2_11-.Ltmp4, $4  }
0xc8: {  	v5 =	vunpack.i.l.bf16.f32 v19;
	v21 =	vunpack.i.u.bf16.f32 v24;
	v22 =	vunpack.i.l.bf16.f32 v24  }
0xc9: {  	v16 =	vunpack.i.u.bf16.f32 v25;
	v24 =	vunpack.i.l.bf16.f32 v25;
	v30 =	vunpack.i.u.bf16.f32 v29;
	v19 =	vld.idx.msk [tilespmem:v0+s23+$0xFFFFFFA0 ss:$0x1], $0xffff  }
0xca: {  	v23 =	vadd.f32 v24, v23;
	v24 =	vadd.f32 v16, v26;
	v16 =	vunpack.i.l.bf16.f32 v29  }
0xcb: {  	s24 =	sadd.s32 $0x400, s24;
	v25 =	vadd.f32 v16, v27;
	v26 =	vadd.f32 v30, v28;
	v27 =	vunpack.i.u.bf16.f32 v18;
	v16 =	vld.idx.msk [tilespmem:v0+s23+$0xFFFFFFB0 ss:$0x1], $0xffff  }
0xcc: {  	s24 =	smul.u32 $0xAB, s16  }
0xcd: {  	v22 =	vadd.f32 v22, v23;
	v21 =	vadd.f32 v21, v24;
	v18 =	vunpack.i.l.bf16.f32 v18  }
0xce: {  	v18 =	vadd.f32 v18, v25;
	v47 =	vadd.f32 v27, v26;
	s24 =	sshrl.u32 s24, $0x9  }
0xcf: {  	v17 =	vadd.f32 v17, v22;
	v14 =	vadd.f32 v14, v21;
	v51 =	vunpack.i.l.bf16.f32 v19;
	s24 =	sand.u32 $0x7F, s24  }
0xd0: {  	v49 =	vld.idx.msk [tilespmem:v0+s23+$0xFFFFFFF0 ss:$0x1], $0xffff;
	v52 =	vunpack.i.u.bf16.f32 v19;
	v15 =	vadd.f32 v15, v18;
	v13 =	vadd.f32 v13, v47;
	s25 =	smul.u32 $0x3FFFD, s24  }
0xd1: {  	v48 =	vunpack.i.u.bf16.f32 v20;
	v4 =	vadd.f32 v51, v4;
	v12 =	vadd.f32 v52, v12  }
0xd2: {  	v50 =	vunpack.i.l.bf16.f32 v20;
	v53 =	vld.idx.msk [tilespmem:v0+s23+$0x30 ss:$0x1], $0xffff;
	v11 =	vadd.f32 v11, v17;
	v8 =	vadd.f32 v8, v14;
	s25 =	sadd.s32 s16, s25  }
0xd3: {  	v54 =	vunpack.i.l.bf16.f32 v16;
	v10 =	vadd.f32 v10, v15;
	v6 =	vadd.f32 v6, v13;
	s25 =	sshll.u32 s25, $0xE  }
0xd4: {  	v55 =	vld.idx.msk [tilespmem:v0+s23+$0x70 ss:$0x1], $0xffff;
	v56 =	vunpack.i.u.bf16.f32 v16;
	s24 =	sshll.u32 s24, $0x7;
	v9 =	vadd.f32 v54, v9;
	v4 =	vadd.f32 v50, v4;
	s25 =	sshra.s32 s25, $0x2  }
0xd5: {  	v7 =	vadd.f32 v56, v7;
	v12 =	vadd.f32 v48, v12;
	v57 =	vunpack.i.l.bf16.f32 v49;
	s23 =	sadd.s32 s24, s25  }
0xd6: {  	v58 =	vunpack.i.u.bf16.f32 v49;
	v9 =	vadd.f32 v57, v9;
	v4 =	vadd.f32 v5, v4;
	[tilespmem:s23+$0xEB00] =	vst v11  }
0xd7: {  	v60 =	vunpack.i.l.bf16.f32 v53;
	s16 =	sadd.s32 $0x1, s16;
	v59 =	vadd.f32 v58, v7;
	v3 =	vadd.f32 v3, v12;
	[tilespmem:s23+$0xEB10] =	vst v8  }
0xd8: {  	v61 =	vunpack.i.u.bf16.f32 v53;
	p0 =	sne.s32 s16, $0xC;
	v7 =	vadd.f32 v60, v9;
	v2 =	vadd.f32 v2, v4;
	[tilespmem:s23+$0xEB20] =	vst v10  }
.Ltmp5:
0xd9: {  	v63 =	vunpack.i.l.bf16.f32 v55;
	v62 =	vadd.f32 v61, v59;
	v1 =	vadd.f32 v1, v3;
	[tilespmem:s23+$0xEB30] =	vst v6;
	(pc) =	sbr.rel @p0 .LBB2_10-.Ltmp5, $4  }
0xda: {  	v0 =	vunpack.i.u.bf16.f32 v55;
	v3 =	vadd.f32 v63, v7;
	[tilespmem:s23+$0xEB40] =	vst v2  }
0xdb: {  	v0 =	vadd.f32 v0, v62;
	[tilespmem:s23+$0xEB50] =	vst v1  }
0xdc: {  	[tilespmem:s23+$0xEB60] =	vst v3  }
0xdd: {  	s21 =	sadd.s32 $0x400, s21;
	[tilespmem:s23+$0xEB70] =	vst v0  }
0xde: {  	s16 =	simm.s32 $0x300  }
0xdf: {  	[tilespmem:s18], [sflag:$0x1] =	stream.indirect.gather [hbm4b:s3+s17], $0x40, s16, s17, $0xb8;
	[tilespmem:$0x11700] =	vst v63  }
0xe0: {  	_ =	swait.ge [sflag:s22], $0x3000  }
0xe1: {  	[sflag:s22] =	ssyncset.done $0x0  }
0xe2: {  	s21 =	simm.s32 $0x3680;
	s16 =	simm.s32 $0x0;
	[sflag:s22] =	ssyncadd.s32 $0xFFFFD000  }
.LBB2_14:
0xe3: {  	v0 =	vmov s21;
	_ =	sdelay $0x3  }
0xe4: {  	s23 =	simm.s32 $0x0  }
0xe5: {  	v1 =	vld.idx.msk [tilespmem:v0+s23+$0x40 ss:$0x1], $0xffff  }
0xe6: {  	v2 =	vld.idx.msk [tilespmem:v0+s23+$0x50 ss:$0x1], $0xffff  }
0xe7: {  	v3 =	vld.idx.msk [tilespmem:v0+s23+$0x60 ss:$0x1], $0xffff  }
0xe8: {  	v5 =	vld.idx.msk [tilespmem:v0+s23+$0x0 ss:$0x1], $0xffff  }
0xe9: {  	v7 =	vld.idx.msk [tilespmem:v0+s23+$0x10 ss:$0x1], $0xffff  }
0xea: {  	v9 =	vld.idx.msk [tilespmem:v0+s23+$0x20 ss:$0x1], $0xffff  }
0xeb: {  	v12 =	vld.idx.msk [tilespmem:v0+s23+$0xFFFFFFC0 ss:$0x1], $0xffff  }
0xec: {  	v16 =	vld.idx.msk [tilespmem:v0+s23+$0xFFFFFF80 ss:$0x1], $0xffff  }
0xed: {  	v4 =	vimm.f32 $0.0e+00;
	v19 =	vld.idx.msk [tilespmem:v0+s23+$0xFFFFFF90 ss:$0x1], $0xffff;
	v8 =	vunpack.i.u.bf16.f32 v1;
	v11 =	vunpack.i.l.bf16.f32 v1  }
0xee: {  	v18 =	vld.idx.msk [tilespmem:v0+s23+$0xFFFFFFD0 ss:$0x1], $0xffff;
	v6 =	vunpack.i.u.bf16.f32 v2;
	v10 =	vunpack.i.l.bf16.f32 v2;
	v1 =	vunpack.i.u.bf16.f32 v3  }
0xef: {  	v14 =	vunpack.i.u.bf16.f32 v5;
	v17 =	vunpack.i.l.bf16.f32 v5;
	v2 =	vunpack.i.l.bf16.f32 v3  }
0xf0: {  	v13 =	vunpack.i.u.bf16.f32 v7;
	v15 =	vunpack.i.l.bf16.f32 v7;
	v3 =	vunpack.i.u.bf16.f32 v9  }
0xf1: {  	v21 =	vunpack.i.u.bf16.f32 v12;
	v22 =	vunpack.i.l.bf16.f32 v12;
	v5 =	vunpack.i.l.bf16.f32 v9  }
0xf2: {  	v20 =	vld.idx.msk [tilespmem:v0+s23+$0xFFFFFFE0 ss:$0x1], $0xffff;
	v7 =	vunpack.i.u.bf16.f32 v16;
	v9 =	vunpack.i.l.bf16.f32 v16;
	v12 =	vunpack.i.u.bf16.f32 v19  }
0xf3: {  	v27 =	vunpack.i.u.bf16.f32 v18;
	v23 =	vadd.f32 v9, v4;
	v24 =	vadd.f32 v7, v4  }
0xf4: {  	v7 =	vunpack.i.l.bf16.f32 v19;
	v19 =	vld.idx.msk [tilespmem:v0+s23+$0xFFFFFFA0 ss:$0x1], $0xffff;
	v26 =	vadd.f32 v12, v4;
	v12 =	vimm.f32 $0.0e+00  }
0xf5: {  	s24 =	simm.s32 $0x400;
	v16 =	vld.idx.msk [tilespmem:v0+s23+$0xFFFFFFB0 ss:$0x1], $0xffff;
	v9 =	vimm.f32 $0.0e+00;
	v25 =	vadd.f32 v7, v4;
	v7 =	vimm.f32 $0.0e+00  }
.LBB2_15:
0xf6: {  	p0 =	sne.s32 s24, $0xC00;
	v22 =	vadd.f32 v22, v23;
	v21 =	vadd.f32 v21, v24;
	v18 =	vunpack.i.l.bf16.f32 v18  }
0xf7: {  	v24 =	vunpack.i.u.bf16.f32 v20;
	v18 =	vadd.f32 v18, v25;
	v23 =	vadd.f32 v27, v26;
	v25 =	vld.idx.msk [tilespmem:v0+s23+$0xFFFFFFF0 ss:$0x1], $0xffff  }
0xf8: {  	v20 =	vunpack.i.l.bf16.f32 v20;
	v17 =	vadd.f32 v17, v22;
	v14 =	vadd.f32 v14, v21  }
0xf9: {  	s25 =	sshra.s32 s24, $0x2;
	v21 =	vunpack.i.u.bf16.f32 v19;
	v15 =	vadd.f32 v15, v18;
	v13 =	vadd.f32 v13, v23;
	v18 =	vld.idx.msk [tilespmem:v0+s23+$0x30 ss:$0x1], $0xffff  }
0xfa: {  	v19 =	vunpack.i.l.bf16.f32 v19;
	v22 =	vld.idx.msk [tilespmem:v0+s25+$0x40 ss:$0x1], $0xffff;
	v23 =	vadd.f32 v11, v17;
	v26 =	vadd.f32 v8, v14  }
0xfb: {  	v8 =	vunpack.i.u.bf16.f32 v16;
	v27 =	vadd.f32 v10, v15;
	v28 =	vadd.f32 v6, v13;
	v6 =	vld.idx.msk [tilespmem:v0+s23+$0x70 ss:$0x1], $0xffff;
	s23 =	smov.u32 s25  }
0xfc: {  	v4 =	vadd.f32 v19, v4;
	v11 =	vadd.f32 v21, v12;
	v12 =	vunpack.i.l.bf16.f32 v16;
	v10 =	vld.idx.msk [tilespmem:v0+s23+$0x50 ss:$0x1], $0xffff  }
0xfd: {  	v9 =	vadd.f32 v12, v9;
	v7 =	vadd.f32 v8, v7;
	v8 =	vunpack.i.u.bf16.f32 v25;
	v13 =	vld.idx.msk [tilespmem:v0+s23+$0x60 ss:$0x1], $0xffff  }
0xfe: {  	v4 =	vadd.f32 v20, v4;
	v11 =	vadd.f32 v24, v11;
	v12 =	vunpack.i.l.bf16.f32 v25;
	v15 =	vld.idx.msk [tilespmem:v0+s23+$0x0 ss:$0x1], $0xffff  }
0xff: {  	v9 =	vadd.f32 v12, v9;
	v7 =	vadd.f32 v8, v7;
	v8 =	vunpack.i.u.bf16.f32 v18;
	v16 =	vld.idx.msk [tilespmem:v0+s23+$0x10 ss:$0x1], $0xffff  }
0x100: {  	v4 =	vadd.f32 v5, v4;
	v3 =	vadd.f32 v3, v11;
	v5 =	vunpack.i.l.bf16.f32 v18;
	v19 =	vld.idx.msk [tilespmem:v0+s23+$0x20 ss:$0x1], $0xffff  }
0x101: {  	v5 =	vadd.f32 v5, v9;
	v7 =	vadd.f32 v8, v7;
	v8 =	vunpack.i.u.bf16.f32 v6;
	v24 =	vld.idx.msk [tilespmem:v0+s23+$0xFFFFFFC0 ss:$0x1], $0xffff  }
0x102: {  	v4 =	vadd.f32 v2, v4;
	v12 =	vadd.f32 v1, v3;
	v1 =	vunpack.i.l.bf16.f32 v6;
	v25 =	vld.idx.msk [tilespmem:v0+s23+$0xFFFFFF80 ss:$0x1], $0xffff  }
0x103: {  	v9 =	vadd.f32 v1, v5;
	v7 =	vadd.f32 v8, v7;
	v29 =	vld.idx.msk [tilespmem:v0+s23+$0xFFFFFF90 ss:$0x1], $0xffff  }
0x104: {  	v11 =	vunpack.i.l.bf16.f32 v22;
	v8 =	vunpack.i.u.bf16.f32 v22  }
0x105: {  	v6 =	vunpack.i.u.bf16.f32 v10;
	v10 =	vunpack.i.l.bf16.f32 v10;
	v1 =	vunpack.i.u.bf16.f32 v13;
	v18 =	vld.idx.msk [tilespmem:v0+s23+$0xFFFFFFD0 ss:$0x1], $0xffff  }
0x106: {  	v2 =	vunpack.i.l.bf16.f32 v13;
	v14 =	vunpack.i.u.bf16.f32 v15;
	v17 =	vunpack.i.l.bf16.f32 v15  }
.Ltmp6:
0x107: {  	v13 =	vunpack.i.u.bf16.f32 v16;
	v15 =	vunpack.i.l.bf16.f32 v16;
	v3 =	vunpack.i.u.bf16.f32 v19;
	v20 =	vld.idx.msk [tilespmem:v0+s23+$0xFFFFFFE0 ss:$0x1], $0xffff;
	(pc) =	sbr.rel @p0 .LBB2_15-.Ltmp6, $4  }
0x108: {  	v5 =	vunpack.i.l.bf16.f32 v19;
	v21 =	vunpack.i.u.bf16.f32 v24;
	v22 =	vunpack.i.l.bf16.f32 v24  }
0x109: {  	v16 =	vunpack.i.u.bf16.f32 v25;
	v24 =	vunpack.i.l.bf16.f32 v25;
	v30 =	vunpack.i.u.bf16.f32 v29;
	v19 =	vld.idx.msk [tilespmem:v0+s23+$0xFFFFFFA0 ss:$0x1], $0xffff  }
0x10a: {  	v23 =	vadd.f32 v24, v23;
	v24 =	vadd.f32 v16, v26;
	v16 =	vunpack.i.l.bf16.f32 v29  }
0x10b: {  	s24 =	sadd.s32 $0x400, s24;
	v25 =	vadd.f32 v16, v27;
	v26 =	vadd.f32 v30, v28;
	v27 =	vunpack.i.u.bf16.f32 v18;
	v16 =	vld.idx.msk [tilespmem:v0+s23+$0xFFFFFFB0 ss:$0x1], $0xffff  }
0x10c: {  	s24 =	smul.u32 $0xAB, s16  }
0x10d: {  	v22 =	vadd.f32 v22, v23;
	v21 =	vadd.f32 v21, v24;
	v18 =	vunpack.i.l.bf16.f32 v18  }
0x10e: {  	v18 =	vadd.f32 v18, v25;
	v47 =	vadd.f32 v27, v26;
	s24 =	sshrl.u32 s24, $0x9  }
0x10f: {  	v17 =	vadd.f32 v17, v22;
	v14 =	vadd.f32 v14, v21;
	v51 =	vunpack.i.l.bf16.f32 v19;
	s24 =	sand.u32 $0x7F, s24  }
0x110: {  	v49 =	vld.idx.msk [tilespmem:v0+s23+$0xFFFFFFF0 ss:$0x1], $0xffff;
	v52 =	vunpack.i.u.bf16.f32 v19;
	v15 =	vadd.f32 v15, v18;
	v13 =	vadd.f32 v13, v47;
	s25 =	smul.u32 $0x3FFFD, s24  }
0x111: {  	v48 =	vunpack.i.u.bf16.f32 v20;
	v4 =	vadd.f32 v51, v4;
	v12 =	vadd.f32 v52, v12  }
0x112: {  	v50 =	vunpack.i.l.bf16.f32 v20;
	v53 =	vld.idx.msk [tilespmem:v0+s23+$0x30 ss:$0x1], $0xffff;
	v11 =	vadd.f32 v11, v17;
	v8 =	vadd.f32 v8, v14;
	s25 =	sadd.s32 s16, s25  }
0x113: {  	v54 =	vunpack.i.l.bf16.f32 v16;
	v10 =	vadd.f32 v10, v15;
	v6 =	vadd.f32 v6, v13;
	s25 =	sshll.u32 s25, $0xE  }
0x114: {  	v55 =	vld.idx.msk [tilespmem:v0+s23+$0x70 ss:$0x1], $0xffff;
	v56 =	vunpack.i.u.bf16.f32 v16;
	s24 =	sshll.u32 s24, $0x7;
	v9 =	vadd.f32 v54, v9;
	v4 =	vadd.f32 v50, v4;
	s25 =	sshra.s32 s25, $0x2  }
0x115: {  	v7 =	vadd.f32 v56, v7;
	v12 =	vadd.f32 v48, v12;
	v57 =	vunpack.i.l.bf16.f32 v49;
	s23 =	sadd.s32 s24, s25  }
0x116: {  	v58 =	vunpack.i.u.bf16.f32 v49;
	v9 =	vadd.f32 v57, v9;
	v4 =	vadd.f32 v5, v4;
	[tilespmem:s23+$0xED00] =	vst v11  }
0x117: {  	v60 =	vunpack.i.l.bf16.f32 v53;
	s16 =	sadd.s32 $0x1, s16;
	v59 =	vadd.f32 v58, v7;
	v3 =	vadd.f32 v3, v12;
	[tilespmem:s23+$0xED10] =	vst v8  }
0x118: {  	v61 =	vunpack.i.u.bf16.f32 v53;
	p0 =	sne.s32 s16, $0xC;
	v7 =	vadd.f32 v60, v9;
	v2 =	vadd.f32 v2, v4;
	[tilespmem:s23+$0xED20] =	vst v10  }
.Ltmp7:
0x119: {  	v63 =	vunpack.i.l.bf16.f32 v55;
	v62 =	vadd.f32 v61, v59;
	v1 =	vadd.f32 v1, v3;
	[tilespmem:s23+$0xED30] =	vst v6;
	(pc) =	sbr.rel @p0 .LBB2_14-.Ltmp7, $4  }
0x11a: {  	v0 =	vunpack.i.u.bf16.f32 v55;
	v3 =	vadd.f32 v63, v7;
	[tilespmem:s23+$0xED40] =	vst v2  }
0x11b: {  	v0 =	vadd.f32 v0, v62;
	[tilespmem:s23+$0xED50] =	vst v1  }
0x11c: {  	[tilespmem:s23+$0xED60] =	vst v3  }
0x11d: {  	s21 =	sadd.s32 $0x400, s21;
	[tilespmem:s23+$0xED70] =	vst v0  }
0x11e: {  	s16 =	simm.s32 $0x3C0  }
0x11f: {  	[tilespmem:s19], [sflag:$0x2] =	stream.indirect.gather [hbm4b:s3+s17], $0x40, s16, s17, $0xb8;
	[tilespmem:$0x11700] =	vst v63  }
0x120: {  	_ =	swait.ge [sflag:s20], $0x3000  }
0x121: {  	[sflag:s20] =	ssyncset.done $0x0  }
0x122: {  	s21 =	simm.s32 $0x680;
	s16 =	simm.s32 $0x0;
	[sflag:s20] =	ssyncadd.s32 $0xFFFFD000  }
.LBB2_18:
0x123: {  	v0 =	vmov s21;
	_ =	sdelay $0x3  }
0x124: {  	s23 =	simm.s32 $0x0  }
0x125: {  	v1 =	vld.idx.msk [tilespmem:v0+s23+$0x40 ss:$0x1], $0xffff  }
0x126: {  	v2 =	vld.idx.msk [tilespmem:v0+s23+$0x50 ss:$0x1], $0xffff  }
0x127: {  	v3 =	vld.idx.msk [tilespmem:v0+s23+$0x60 ss:$0x1], $0xffff  }
0x128: {  	v5 =	vld.idx.msk [tilespmem:v0+s23+$0x0 ss:$0x1], $0xffff  }
0x129: {  	v7 =	vld.idx.msk [tilespmem:v0+s23+$0x10 ss:$0x1], $0xffff  }
0x12a: {  	v9 =	vld.idx.msk [tilespmem:v0+s23+$0x20 ss:$0x1], $0xffff  }
0x12b: {  	v12 =	vld.idx.msk [tilespmem:v0+s23+$0xFFFFFFC0 ss:$0x1], $0xffff  }
0x12c: {  	v16 =	vld.idx.msk [tilespmem:v0+s23+$0xFFFFFF80 ss:$0x1], $0xffff  }
0x12d: {  	v4 =	vimm.f32 $0.0e+00;
	v19 =	vld.idx.msk [tilespmem:v0+s23+$0xFFFFFF90 ss:$0x1], $0xffff;
	v8 =	vunpack.i.u.bf16.f32 v1;
	v11 =	vunpack.i.l.bf16.f32 v1  }
0x12e: {  	v18 =	vld.idx.msk [tilespmem:v0+s23+$0xFFFFFFD0 ss:$0x1], $0xffff;
	v6 =	vunpack.i.u.bf16.f32 v2;
	v10 =	vunpack.i.l.bf16.f32 v2;
	v1 =	vunpack.i.u.bf16.f32 v3  }
0x12f: {  	v14 =	vunpack.i.u.bf16.f32 v5;
	v17 =	vunpack.i.l.bf16.f32 v5;
	v2 =	vunpack.i.l.bf16.f32 v3  }
0x130: {  	v13 =	vunpack.i.u.bf16.f32 v7;
	v15 =	vunpack.i.l.bf16.f32 v7;
	v3 =	vunpack.i.u.bf16.f32 v9  }
0x131: {  	v21 =	vunpack.i.u.bf16.f32 v12;
	v22 =	vunpack.i.l.bf16.f32 v12;
	v5 =	vunpack.i.l.bf16.f32 v9  }
0x132: {  	v20 =	vld.idx.msk [tilespmem:v0+s23+$0xFFFFFFE0 ss:$0x1], $0xffff;
	v7 =	vunpack.i.u.bf16.f32 v16;
	v9 =	vunpack.i.l.bf16.f32 v16;
	v12 =	vunpack.i.u.bf16.f32 v19  }
0x133: {  	v27 =	vunpack.i.u.bf16.f32 v18;
	v23 =	vadd.f32 v9, v4;
	v24 =	vadd.f32 v7, v4  }
0x134: {  	v7 =	vunpack.i.l.bf16.f32 v19;
	v19 =	vld.idx.msk [tilespmem:v0+s23+$0xFFFFFFA0 ss:$0x1], $0xffff;
	v26 =	vadd.f32 v12, v4;
	v12 =	vimm.f32 $0.0e+00  }
0x135: {  	s24 =	simm.s32 $0x400;
	v16 =	vld.idx.msk [tilespmem:v0+s23+$0xFFFFFFB0 ss:$0x1], $0xffff;
	v9 =	vimm.f32 $0.0e+00;
	v25 =	vadd.f32 v7, v4;
	v7 =	vimm.f32 $0.0e+00  }
.LBB2_19:
0x136: {  	p0 =	sne.s32 s24, $0xC00;
	v22 =	vadd.f32 v22, v23;
	v21 =	vadd.f32 v21, v24;
	v18 =	vunpack.i.l.bf16.f32 v18  }
0x137: {  	v24 =	vunpack.i.u.bf16.f32 v20;
	v18 =	vadd.f32 v18, v25;
	v23 =	vadd.f32 v27, v26;
	v25 =	vld.idx.msk [tilespmem:v0+s23+$0xFFFFFFF0 ss:$0x1], $0xffff  }
0x138: {  	v20 =	vunpack.i.l.bf16.f32 v20;
	v17 =	vadd.f32 v17, v22;
	v14 =	vadd.f32 v14, v21  }
0x139: {  	s25 =	sshra.s32 s24, $0x2;
	v21 =	vunpack.i.u.bf16.f32 v19;
	v15 =	vadd.f32 v15, v18;
	v13 =	vadd.f32 v13, v23;
	v18 =	vld.idx.msk [tilespmem:v0+s23+$0x30 ss:$0x1], $0xffff  }
0x13a: {  	v19 =	vunpack.i.l.bf16.f32 v19;
	v22 =	vld.idx.msk [tilespmem:v0+s25+$0x40 ss:$0x1], $0xffff;
	v23 =	vadd.f32 v11, v17;
	v26 =	vadd.f32 v8, v14  }
0x13b: {  	v8 =	vunpack.i.u.bf16.f32 v16;
	v27 =	vadd.f32 v10, v15;
	v28 =	vadd.f32 v6, v13;
	v6 =	vld.idx.msk [tilespmem:v0+s23+$0x70 ss:$0x1], $0xffff;
	s23 =	smov.u32 s25  }
0x13c: {  	v4 =	vadd.f32 v19, v4;
	v11 =	vadd.f32 v21, v12;
	v12 =	vunpack.i.l.bf16.f32 v16;
	v10 =	vld.idx.msk [tilespmem:v0+s23+$0x50 ss:$0x1], $0xffff  }
0x13d: {  	v9 =	vadd.f32 v12, v9;
	v7 =	vadd.f32 v8, v7;
	v8 =	vunpack.i.u.bf16.f32 v25;
	v13 =	vld.idx.msk [tilespmem:v0+s23+$0x60 ss:$0x1], $0xffff  }
0x13e: {  	v4 =	vadd.f32 v20, v4;
	v11 =	vadd.f32 v24, v11;
	v12 =	vunpack.i.l.bf16.f32 v25;
	v15 =	vld.idx.msk [tilespmem:v0+s23+$0x0 ss:$0x1], $0xffff  }
0x13f: {  	v9 =	vadd.f32 v12, v9;
	v7 =	vadd.f32 v8, v7;
	v8 =	vunpack.i.u.bf16.f32 v18;
	v16 =	vld.idx.msk [tilespmem:v0+s23+$0x10 ss:$0x1], $0xffff  }
0x140: {  	v4 =	vadd.f32 v5, v4;
	v3 =	vadd.f32 v3, v11;
	v5 =	vunpack.i.l.bf16.f32 v18;
	v19 =	vld.idx.msk [tilespmem:v0+s23+$0x20 ss:$0x1], $0xffff  }
0x141: {  	v5 =	vadd.f32 v5, v9;
	v7 =	vadd.f32 v8, v7;
	v8 =	vunpack.i.u.bf16.f32 v6;
	v24 =	vld.idx.msk [tilespmem:v0+s23+$0xFFFFFFC0 ss:$0x1], $0xffff  }
0x142: {  	v4 =	vadd.f32 v2, v4;
	v12 =	vadd.f32 v1, v3;
	v1 =	vunpack.i.l.bf16.f32 v6;
	v25 =	vld.idx.msk [tilespmem:v0+s23+$0xFFFFFF80 ss:$0x1], $0xffff  }
0x143: {  	v9 =	vadd.f32 v1, v5;
	v7 =	vadd.f32 v8, v7;
	v29 =	vld.idx.msk [tilespmem:v0+s23+$0xFFFFFF90 ss:$0x1], $0xffff  }
0x144: {  	v11 =	vunpack.i.l.bf16.f32 v22;
	v8 =	vunpack.i.u.bf16.f32 v22  }
0x145: {  	v6 =	vunpack.i.u.bf16.f32 v10;
	v10 =	vunpack.i.l.bf16.f32 v10;
	v1 =	vunpack.i.u.bf16.f32 v13;
	v18 =	vld.idx.msk [tilespmem:v0+s23+$0xFFFFFFD0 ss:$0x1], $0xffff  }
0x146: {  	v2 =	vunpack.i.l.bf16.f32 v13;
	v14 =	vunpack.i.u.bf16.f32 v15;
	v17 =	vunpack.i.l.bf16.f32 v15  }
.Ltmp8:
0x147: {  	v13 =	vunpack.i.u.bf16.f32 v16;
	v15 =	vunpack.i.l.bf16.f32 v16;
	v3 =	vunpack.i.u.bf16.f32 v19;
	v20 =	vld.idx.msk [tilespmem:v0+s23+$0xFFFFFFE0 ss:$0x1], $0xffff;
	(pc) =	sbr.rel @p0 .LBB2_19-.Ltmp8, $4  }
0x148: {  	v5 =	vunpack.i.l.bf16.f32 v19;
	v21 =	vunpack.i.u.bf16.f32 v24;
	v22 =	vunpack.i.l.bf16.f32 v24  }
0x149: {  	v16 =	vunpack.i.u.bf16.f32 v25;
	v24 =	vunpack.i.l.bf16.f32 v25;
	v30 =	vunpack.i.u.bf16.f32 v29;
	v19 =	vld.idx.msk [tilespmem:v0+s23+$0xFFFFFFA0 ss:$0x1], $0xffff  }
0x14a: {  	v23 =	vadd.f32 v24, v23;
	v24 =	vadd.f32 v16, v26;
	v16 =	vunpack.i.l.bf16.f32 v29  }
0x14b: {  	s24 =	sadd.s32 $0x400, s24;
	v25 =	vadd.f32 v16, v27;
	v26 =	vadd.f32 v30, v28;
	v27 =	vunpack.i.u.bf16.f32 v18;
	v16 =	vld.idx.msk [tilespmem:v0+s23+$0xFFFFFFB0 ss:$0x1], $0xffff  }
0x14c: {  	s24 =	smul.u32 $0xAB, s16  }
0x14d: {  	v22 =	vadd.f32 v22, v23;
	v21 =	vadd.f32 v21, v24;
	v18 =	vunpack.i.l.bf16.f32 v18  }
0x14e: {  	v18 =	vadd.f32 v18, v25;
	v47 =	vadd.f32 v27, v26;
	s24 =	sshrl.u32 s24, $0x9  }
0x14f: {  	v17 =	vadd.f32 v17, v22;
	v14 =	vadd.f32 v14, v21;
	v51 =	vunpack.i.l.bf16.f32 v19;
	s24 =	sand.u32 $0x7F, s24  }
0x150: {  	v49 =	vld.idx.msk [tilespmem:v0+s23+$0xFFFFFFF0 ss:$0x1], $0xffff;
	v52 =	vunpack.i.u.bf16.f32 v19;
	v15 =	vadd.f32 v15, v18;
	v13 =	vadd.f32 v13, v47;
	s25 =	smul.u32 $0x3FFFD, s24  }
0x151: {  	v48 =	vunpack.i.u.bf16.f32 v20;
	v4 =	vadd.f32 v51, v4;
	v12 =	vadd.f32 v52, v12  }
0x152: {  	v50 =	vunpack.i.l.bf16.f32 v20;
	v53 =	vld.idx.msk [tilespmem:v0+s23+$0x30 ss:$0x1], $0xffff;
	v11 =	vadd.f32 v11, v17;
	v8 =	vadd.f32 v8, v14;
	s25 =	sadd.s32 s16, s25  }
0x153: {  	v54 =	vunpack.i.l.bf16.f32 v16;
	v10 =	vadd.f32 v10, v15;
	v6 =	vadd.f32 v6, v13;
	s25 =	sshll.u32 s25, $0xE  }
0x154: {  	v55 =	vld.idx.msk [tilespmem:v0+s23+$0x70 ss:$0x1], $0xffff;
	v56 =	vunpack.i.u.bf16.f32 v16;
	s24 =	sshll.u32 s24, $0x7;
	v9 =	vadd.f32 v54, v9;
	v4 =	vadd.f32 v50, v4;
	s25 =	sshra.s32 s25, $0x2  }
0x155: {  	v7 =	vadd.f32 v56, v7;
	v12 =	vadd.f32 v48, v12;
	v57 =	vunpack.i.l.bf16.f32 v49;
	s23 =	sadd.s32 s24, s25  }
0x156: {  	v58 =	vunpack.i.u.bf16.f32 v49;
	v9 =	vadd.f32 v57, v9;
	v4 =	vadd.f32 v5, v4;
	[tilespmem:s23+$0xEF00] =	vst v11  }
0x157: {  	v60 =	vunpack.i.l.bf16.f32 v53;
	s16 =	sadd.s32 $0x1, s16;
	v59 =	vadd.f32 v58, v7;
	v3 =	vadd.f32 v3, v12;
	[tilespmem:s23+$0xEF10] =	vst v8  }
0x158: {  	v61 =	vunpack.i.u.bf16.f32 v53;
	p0 =	sne.s32 s16, $0xC;
	v7 =	vadd.f32 v60, v9;
	v2 =	vadd.f32 v2, v4;
	[tilespmem:s23+$0xEF20] =	vst v10  }
.Ltmp9:
0x159: {  	v63 =	vunpack.i.l.bf16.f32 v55;
	v62 =	vadd.f32 v61, v59;
	v1 =	vadd.f32 v1, v3;
	[tilespmem:s23+$0xEF30] =	vst v6;
	(pc) =	sbr.rel @p0 .LBB2_18-.Ltmp9, $4  }
0x15a: {  	v0 =	vunpack.i.u.bf16.f32 v55;
	v3 =	vadd.f32 v63, v7;
	[tilespmem:s23+$0xEF40] =	vst v2  }
0x15b: {  	v0 =	vadd.f32 v0, v62;
	[tilespmem:s23+$0xEF50] =	vst v1  }
0x15c: {  	[tilespmem:s23+$0xEF60] =	vst v3  }
0x15d: {  	s21 =	sadd.s32 $0x400, s21;
	[tilespmem:s23+$0xEF70] =	vst v0  }
0x15e: {  	[tilespmem:s18], [sflag:$0x1] =	stream.indirect.gather [hbm4b:s3+s17], $0x40, s26, s17, $0xb8;
	[tilespmem:$0x11700] =	vst v63  }
0x15f: {  	_ =	swait.ge [sflag:s22], $0x3000  }
0x160: {  	[sflag:s22] =	ssyncset.done $0x0  }
0x161: {  	s16 =	simm.s32 $0x0;
	s21 =	simm.s32 $0x3680;
	[sflag:s22] =	ssyncadd.s32 $0xFFFFD000  }
.LBB2_22:
0x162: {  	v0 =	vmov s21;
	_ =	sdelay $0x3  }
0x163: {  	s23 =	simm.s32 $0x0  }
0x164: {  	v1 =	vld.idx.msk [tilespmem:v0+s23+$0x40 ss:$0x1], $0xffff  }
0x165: {  	v2 =	vld.idx.msk [tilespmem:v0+s23+$0x50 ss:$0x1], $0xffff  }
0x166: {  	v3 =	vld.idx.msk [tilespmem:v0+s23+$0x60 ss:$0x1], $0xffff  }
0x167: {  	v5 =	vld.idx.msk [tilespmem:v0+s23+$0x0 ss:$0x1], $0xffff  }
0x168: {  	v7 =	vld.idx.msk [tilespmem:v0+s23+$0x10 ss:$0x1], $0xffff  }
0x169: {  	v9 =	vld.idx.msk [tilespmem:v0+s23+$0x20 ss:$0x1], $0xffff  }
0x16a: {  	v12 =	vld.idx.msk [tilespmem:v0+s23+$0xFFFFFFC0 ss:$0x1], $0xffff  }
0x16b: {  	v16 =	vld.idx.msk [tilespmem:v0+s23+$0xFFFFFF80 ss:$0x1], $0xffff  }
0x16c: {  	v4 =	vimm.f32 $0.0e+00;
	v19 =	vld.idx.msk [tilespmem:v0+s23+$0xFFFFFF90 ss:$0x1], $0xffff;
	v8 =	vunpack.i.u.bf16.f32 v1;
	v11 =	vunpack.i.l.bf16.f32 v1  }
0x16d: {  	v18 =	vld.idx.msk [tilespmem:v0+s23+$0xFFFFFFD0 ss:$0x1], $0xffff;
	v6 =	vunpack.i.u.bf16.f32 v2;
	v10 =	vunpack.i.l.bf16.f32 v2;
	v1 =	vunpack.i.u.bf16.f32 v3  }
0x16e: {  	v14 =	vunpack.i.u.bf16.f32 v5;
	v17 =	vunpack.i.l.bf16.f32 v5;
	v2 =	vunpack.i.l.bf16.f32 v3  }
0x16f: {  	v13 =	vunpack.i.u.bf16.f32 v7;
	v15 =	vunpack.i.l.bf16.f32 v7;
	v3 =	vunpack.i.u.bf16.f32 v9  }
0x170: {  	v21 =	vunpack.i.u.bf16.f32 v12;
	v22 =	vunpack.i.l.bf16.f32 v12;
	v5 =	vunpack.i.l.bf16.f32 v9  }
0x171: {  	v20 =	vld.idx.msk [tilespmem:v0+s23+$0xFFFFFFE0 ss:$0x1], $0xffff;
	v7 =	vunpack.i.u.bf16.f32 v16;
	v9 =	vunpack.i.l.bf16.f32 v16;
	v12 =	vunpack.i.u.bf16.f32 v19  }
0x172: {  	v27 =	vunpack.i.u.bf16.f32 v18;
	v23 =	vadd.f32 v9, v4;
	v24 =	vadd.f32 v7, v4  }
0x173: {  	v7 =	vunpack.i.l.bf16.f32 v19;
	v19 =	vld.idx.msk [tilespmem:v0+s23+$0xFFFFFFA0 ss:$0x1], $0xffff;
	v26 =	vadd.f32 v12, v4;
	v12 =	vimm.f32 $0.0e+00  }
0x174: {  	s24 =	simm.s32 $0x400;
	v16 =	vld.idx.msk [tilespmem:v0+s23+$0xFFFFFFB0 ss:$0x1], $0xffff;
	v9 =	vimm.f32 $0.0e+00;
	v25 =	vadd.f32 v7, v4;
	v7 =	vimm.f32 $0.0e+00  }
.LBB2_23:
0x175: {  	p0 =	sne.s32 s24, $0xC00;
	v22 =	vadd.f32 v22, v23;
	v21 =	vadd.f32 v21, v24;
	v18 =	vunpack.i.l.bf16.f32 v18  }
0x176: {  	v24 =	vunpack.i.u.bf16.f32 v20;
	v18 =	vadd.f32 v18, v25;
	v23 =	vadd.f32 v27, v26;
	v25 =	vld.idx.msk [tilespmem:v0+s23+$0xFFFFFFF0 ss:$0x1], $0xffff  }
0x177: {  	v20 =	vunpack.i.l.bf16.f32 v20;
	v17 =	vadd.f32 v17, v22;
	v14 =	vadd.f32 v14, v21  }
0x178: {  	s25 =	sshra.s32 s24, $0x2;
	v21 =	vunpack.i.u.bf16.f32 v19;
	v15 =	vadd.f32 v15, v18;
	v13 =	vadd.f32 v13, v23;
	v18 =	vld.idx.msk [tilespmem:v0+s23+$0x30 ss:$0x1], $0xffff  }
0x179: {  	v19 =	vunpack.i.l.bf16.f32 v19;
	v22 =	vld.idx.msk [tilespmem:v0+s25+$0x40 ss:$0x1], $0xffff;
	v23 =	vadd.f32 v11, v17;
	v26 =	vadd.f32 v8, v14  }
0x17a: {  	v8 =	vunpack.i.u.bf16.f32 v16;
	v27 =	vadd.f32 v10, v15;
	v28 =	vadd.f32 v6, v13;
	v6 =	vld.idx.msk [tilespmem:v0+s23+$0x70 ss:$0x1], $0xffff;
	s23 =	smov.u32 s25  }
0x17b: {  	v4 =	vadd.f32 v19, v4;
	v11 =	vadd.f32 v21, v12;
	v12 =	vunpack.i.l.bf16.f32 v16;
	v10 =	vld.idx.msk [tilespmem:v0+s23+$0x50 ss:$0x1], $0xffff  }
0x17c: {  	v9 =	vadd.f32 v12, v9;
	v7 =	vadd.f32 v8, v7;
	v8 =	vunpack.i.u.bf16.f32 v25;
	v13 =	vld.idx.msk [tilespmem:v0+s23+$0x60 ss:$0x1], $0xffff  }
0x17d: {  	v4 =	vadd.f32 v20, v4;
	v11 =	vadd.f32 v24, v11;
	v12 =	vunpack.i.l.bf16.f32 v25;
	v15 =	vld.idx.msk [tilespmem:v0+s23+$0x0 ss:$0x1], $0xffff  }
0x17e: {  	v9 =	vadd.f32 v12, v9;
	v7 =	vadd.f32 v8, v7;
	v8 =	vunpack.i.u.bf16.f32 v18;
	v16 =	vld.idx.msk [tilespmem:v0+s23+$0x10 ss:$0x1], $0xffff  }
0x17f: {  	v4 =	vadd.f32 v5, v4;
	v3 =	vadd.f32 v3, v11;
	v5 =	vunpack.i.l.bf16.f32 v18;
	v19 =	vld.idx.msk [tilespmem:v0+s23+$0x20 ss:$0x1], $0xffff  }
0x180: {  	v5 =	vadd.f32 v5, v9;
	v7 =	vadd.f32 v8, v7;
	v8 =	vunpack.i.u.bf16.f32 v6;
	v24 =	vld.idx.msk [tilespmem:v0+s23+$0xFFFFFFC0 ss:$0x1], $0xffff  }
0x181: {  	v4 =	vadd.f32 v2, v4;
	v12 =	vadd.f32 v1, v3;
	v1 =	vunpack.i.l.bf16.f32 v6;
	v25 =	vld.idx.msk [tilespmem:v0+s23+$0xFFFFFF80 ss:$0x1], $0xffff  }
0x182: {  	v9 =	vadd.f32 v1, v5;
	v7 =	vadd.f32 v8, v7;
	v29 =	vld.idx.msk [tilespmem:v0+s23+$0xFFFFFF90 ss:$0x1], $0xffff  }
0x183: {  	v11 =	vunpack.i.l.bf16.f32 v22;
	v8 =	vunpack.i.u.bf16.f32 v22  }
0x184: {  	v6 =	vunpack.i.u.bf16.f32 v10;
	v10 =	vunpack.i.l.bf16.f32 v10;
	v1 =	vunpack.i.u.bf16.f32 v13;
	v18 =	vld.idx.msk [tilespmem:v0+s23+$0xFFFFFFD0 ss:$0x1], $0xffff  }
0x185: {  	v2 =	vunpack.i.l.bf16.f32 v13;
	v14 =	vunpack.i.u.bf16.f32 v15;
	v17 =	vunpack.i.l.bf16.f32 v15  }
.Ltmp10:
0x186: {  	v13 =	vunpack.i.u.bf16.f32 v16;
	v15 =	vunpack.i.l.bf16.f32 v16;
	v3 =	vunpack.i.u.bf16.f32 v19;
	v20 =	vld.idx.msk [tilespmem:v0+s23+$0xFFFFFFE0 ss:$0x1], $0xffff;
	(pc) =	sbr.rel @p0 .LBB2_23-.Ltmp10, $4  }
0x187: {  	v5 =	vunpack.i.l.bf16.f32 v19;
	v21 =	vunpack.i.u.bf16.f32 v24;
	v22 =	vunpack.i.l.bf16.f32 v24  }
0x188: {  	v16 =	vunpack.i.u.bf16.f32 v25;
	v24 =	vunpack.i.l.bf16.f32 v25;
	v30 =	vunpack.i.u.bf16.f32 v29;
	v19 =	vld.idx.msk [tilespmem:v0+s23+$0xFFFFFFA0 ss:$0x1], $0xffff  }
0x189: {  	v23 =	vadd.f32 v24, v23;
	v24 =	vadd.f32 v16, v26;
	v16 =	vunpack.i.l.bf16.f32 v29  }
0x18a: {  	s24 =	sadd.s32 $0x400, s24;
	v25 =	vadd.f32 v16, v27;
	v26 =	vadd.f32 v30, v28;
	v27 =	vunpack.i.u.bf16.f32 v18;
	v16 =	vld.idx.msk [tilespmem:v0+s23+$0xFFFFFFB0 ss:$0x1], $0xffff  }
0x18b: {  	s24 =	smul.u32 $0xAB, s16  }
0x18c: {  	v22 =	vadd.f32 v22, v23;
	v21 =	vadd.f32 v21, v24;
	v18 =	vunpack.i.l.bf16.f32 v18  }
0x18d: {  	v18 =	vadd.f32 v18, v25;
	v47 =	vadd.f32 v27, v26;
	s24 =	sshrl.u32 s24, $0x9  }
0x18e: {  	v17 =	vadd.f32 v17, v22;
	v14 =	vadd.f32 v14, v21;
	v51 =	vunpack.i.l.bf16.f32 v19;
	s24 =	sand.u32 $0x7F, s24  }
0x18f: {  	v49 =	vld.idx.msk [tilespmem:v0+s23+$0xFFFFFFF0 ss:$0x1], $0xffff;
	v52 =	vunpack.i.u.bf16.f32 v19;
	v15 =	vadd.f32 v15, v18;
	v13 =	vadd.f32 v13, v47;
	s25 =	smul.u32 $0x3FFFD, s24  }
0x190: {  	v48 =	vunpack.i.u.bf16.f32 v20;
	v4 =	vadd.f32 v51, v4;
	v12 =	vadd.f32 v52, v12  }
0x191: {  	v50 =	vunpack.i.l.bf16.f32 v20;
	v53 =	vld.idx.msk [tilespmem:v0+s23+$0x30 ss:$0x1], $0xffff;
	v11 =	vadd.f32 v11, v17;
	v8 =	vadd.f32 v8, v14;
	s25 =	sadd.s32 s16, s25  }
0x192: {  	v54 =	vunpack.i.l.bf16.f32 v16;
	v10 =	vadd.f32 v10, v15;
	v6 =	vadd.f32 v6, v13;
	s25 =	sshll.u32 s25, $0xE  }
0x193: {  	v55 =	vld.idx.msk [tilespmem:v0+s23+$0x70 ss:$0x1], $0xffff;
	v56 =	vunpack.i.u.bf16.f32 v16;
	s24 =	sshll.u32 s24, $0x7;
	v9 =	vadd.f32 v54, v9;
	v4 =	vadd.f32 v50, v4;
	s25 =	sshra.s32 s25, $0x2  }
0x194: {  	v7 =	vadd.f32 v56, v7;
	v12 =	vadd.f32 v48, v12;
	v57 =	vunpack.i.l.bf16.f32 v49;
	s23 =	sadd.s32 s24, s25  }
0x195: {  	v58 =	vunpack.i.u.bf16.f32 v49;
	v9 =	vadd.f32 v57, v9;
	v4 =	vadd.f32 v5, v4;
	[tilespmem:s23+$0xF100] =	vst v11  }
0x196: {  	v60 =	vunpack.i.l.bf16.f32 v53;
	s16 =	sadd.s32 $0x1, s16;
	v59 =	vadd.f32 v58, v7;
	v3 =	vadd.f32 v3, v12;
	[tilespmem:s23+$0xF110] =	vst v8  }
0x197: {  	v61 =	vunpack.i.u.bf16.f32 v53;
	p0 =	sne.s32 s16, $0xC;
	v7 =	vadd.f32 v60, v9;
	v2 =	vadd.f32 v2, v4;
	[tilespmem:s23+$0xF120] =	vst v10  }
.Ltmp11:
0x198: {  	v63 =	vunpack.i.l.bf16.f32 v55;
	v62 =	vadd.f32 v61, v59;
	v1 =	vadd.f32 v1, v3;
	[tilespmem:s23+$0xF130] =	vst v6;
	(pc) =	sbr.rel @p0 .LBB2_22-.Ltmp11, $4  }
0x199: {  	v0 =	vunpack.i.u.bf16.f32 v55;
	v3 =	vadd.f32 v63, v7;
	[tilespmem:s23+$0xF140] =	vst v2  }
0x19a: {  	v0 =	vadd.f32 v0, v62;
	[tilespmem:s23+$0xF150] =	vst v1  }
0x19b: {  	[tilespmem:s23+$0xF160] =	vst v3  }
0x19c: {  	s21 =	sadd.s32 $0x400, s21;
	[tilespmem:s23+$0xF170] =	vst v0  }
0x19d: {  	[tilespmem:s19], [sflag:$0x2] =	stream.indirect.gather [hbm4b:s3+s17], $0x40, s28, s17, $0xb8;
	[tilespmem:$0x11700] =	vst v63  }
0x19e: {  	_ =	swait.ge [sflag:s20], $0x3000  }
0x19f: {  	[sflag:s20] =	ssyncset.done $0x0  }
0x1a0: {  	s16 =	simm.s32 $0x0;
	s21 =	simm.s32 $0x680;
	[sflag:s20] =	ssyncadd.s32 $0xFFFFD000  }
.LBB2_26:
0x1a1: {  	v0 =	vmov s21;
	_ =	sdelay $0x3  }
0x1a2: {  	s23 =	simm.s32 $0x0  }
0x1a3: {  	v1 =	vld.idx.msk [tilespmem:v0+s23+$0x40 ss:$0x1], $0xffff  }
0x1a4: {  	v2 =	vld.idx.msk [tilespmem:v0+s23+$0x50 ss:$0x1], $0xffff  }
0x1a5: {  	v3 =	vld.idx.msk [tilespmem:v0+s23+$0x60 ss:$0x1], $0xffff  }
0x1a6: {  	v5 =	vld.idx.msk [tilespmem:v0+s23+$0x0 ss:$0x1], $0xffff  }
0x1a7: {  	v7 =	vld.idx.msk [tilespmem:v0+s23+$0x10 ss:$0x1], $0xffff  }
0x1a8: {  	v9 =	vld.idx.msk [tilespmem:v0+s23+$0x20 ss:$0x1], $0xffff  }
0x1a9: {  	v12 =	vld.idx.msk [tilespmem:v0+s23+$0xFFFFFFC0 ss:$0x1], $0xffff  }
0x1aa: {  	v16 =	vld.idx.msk [tilespmem:v0+s23+$0xFFFFFF80 ss:$0x1], $0xffff  }
0x1ab: {  	v4 =	vimm.f32 $0.0e+00;
	v19 =	vld.idx.msk [tilespmem:v0+s23+$0xFFFFFF90 ss:$0x1], $0xffff;
	v8 =	vunpack.i.u.bf16.f32 v1;
	v11 =	vunpack.i.l.bf16.f32 v1  }
0x1ac: {  	v18 =	vld.idx.msk [tilespmem:v0+s23+$0xFFFFFFD0 ss:$0x1], $0xffff;
	v6 =	vunpack.i.u.bf16.f32 v2;
	v10 =	vunpack.i.l.bf16.f32 v2;
	v1 =	vunpack.i.u.bf16.f32 v3  }
0x1ad: {  	v14 =	vunpack.i.u.bf16.f32 v5;
	v17 =	vunpack.i.l.bf16.f32 v5;
	v2 =	vunpack.i.l.bf16.f32 v3  }
0x1ae: {  	v13 =	vunpack.i.u.bf16.f32 v7;
	v15 =	vunpack.i.l.bf16.f32 v7;
	v3 =	vunpack.i.u.bf16.f32 v9  }
0x1af: {  	v21 =	vunpack.i.u.bf16.f32 v12;
	v22 =	vunpack.i.l.bf16.f32 v12;
	v5 =	vunpack.i.l.bf16.f32 v9  }
0x1b0: {  	v20 =	vld.idx.msk [tilespmem:v0+s23+$0xFFFFFFE0 ss:$0x1], $0xffff;
	v7 =	vunpack.i.u.bf16.f32 v16;
	v9 =	vunpack.i.l.bf16.f32 v16;
	v12 =	vunpack.i.u.bf16.f32 v19  }
0x1b1: {  	v27 =	vunpack.i.u.bf16.f32 v18;
	v23 =	vadd.f32 v9, v4;
	v24 =	vadd.f32 v7, v4  }
0x1b2: {  	v7 =	vunpack.i.l.bf16.f32 v19;
	v19 =	vld.idx.msk [tilespmem:v0+s23+$0xFFFFFFA0 ss:$0x1], $0xffff;
	v26 =	vadd.f32 v12, v4;
	v12 =	vimm.f32 $0.0e+00  }
0x1b3: {  	s24 =	simm.s32 $0x400;
	v16 =	vld.idx.msk [tilespmem:v0+s23+$0xFFFFFFB0 ss:$0x1], $0xffff;
	v9 =	vimm.f32 $0.0e+00;
	v25 =	vadd.f32 v7, v4;
	v7 =	vimm.f32 $0.0e+00  }
.LBB2_27:
0x1b4: {  	p0 =	sne.s32 s24, $0xC00;
	v22 =	vadd.f32 v22, v23;
	v21 =	vadd.f32 v21, v24;
	v18 =	vunpack.i.l.bf16.f32 v18  }
0x1b5: {  	v24 =	vunpack.i.u.bf16.f32 v20;
	v18 =	vadd.f32 v18, v25;
	v23 =	vadd.f32 v27, v26;
	v25 =	vld.idx.msk [tilespmem:v0+s23+$0xFFFFFFF0 ss:$0x1], $0xffff  }
0x1b6: {  	v20 =	vunpack.i.l.bf16.f32 v20;
	v17 =	vadd.f32 v17, v22;
	v14 =	vadd.f32 v14, v21  }
0x1b7: {  	s25 =	sshra.s32 s24, $0x2;
	v21 =	vunpack.i.u.bf16.f32 v19;
	v15 =	vadd.f32 v15, v18;
	v13 =	vadd.f32 v13, v23;
	v18 =	vld.idx.msk [tilespmem:v0+s23+$0x30 ss:$0x1], $0xffff  }
0x1b8: {  	v19 =	vunpack.i.l.bf16.f32 v19;
	v22 =	vld.idx.msk [tilespmem:v0+s25+$0x40 ss:$0x1], $0xffff;
	v23 =	vadd.f32 v11, v17;
	v26 =	vadd.f32 v8, v14  }
0x1b9: {  	v8 =	vunpack.i.u.bf16.f32 v16;
	v27 =	vadd.f32 v10, v15;
	v28 =	vadd.f32 v6, v13;
	v6 =	vld.idx.msk [tilespmem:v0+s23+$0x70 ss:$0x1], $0xffff;
	s23 =	smov.u32 s25  }
0x1ba: {  	v4 =	vadd.f32 v19, v4;
	v11 =	vadd.f32 v21, v12;
	v12 =	vunpack.i.l.bf16.f32 v16;
	v10 =	vld.idx.msk [tilespmem:v0+s23+$0x50 ss:$0x1], $0xffff  }
0x1bb: {  	v9 =	vadd.f32 v12, v9;
	v7 =	vadd.f32 v8, v7;
	v8 =	vunpack.i.u.bf16.f32 v25;
	v13 =	vld.idx.msk [tilespmem:v0+s23+$0x60 ss:$0x1], $0xffff  }
0x1bc: {  	v4 =	vadd.f32 v20, v4;
	v11 =	vadd.f32 v24, v11;
	v12 =	vunpack.i.l.bf16.f32 v25;
	v15 =	vld.idx.msk [tilespmem:v0+s23+$0x0 ss:$0x1], $0xffff  }
0x1bd: {  	v9 =	vadd.f32 v12, v9;
	v7 =	vadd.f32 v8, v7;
	v8 =	vunpack.i.u.bf16.f32 v18;
	v16 =	vld.idx.msk [tilespmem:v0+s23+$0x10 ss:$0x1], $0xffff  }
0x1be: {  	v4 =	vadd.f32 v5, v4;
	v3 =	vadd.f32 v3, v11;
	v5 =	vunpack.i.l.bf16.f32 v18;
	v19 =	vld.idx.msk [tilespmem:v0+s23+$0x20 ss:$0x1], $0xffff  }
0x1bf: {  	v5 =	vadd.f32 v5, v9;
	v7 =	vadd.f32 v8, v7;
	v8 =	vunpack.i.u.bf16.f32 v6;
	v24 =	vld.idx.msk [tilespmem:v0+s23+$0xFFFFFFC0 ss:$0x1], $0xffff  }
0x1c0: {  	v4 =	vadd.f32 v2, v4;
	v12 =	vadd.f32 v1, v3;
	v1 =	vunpack.i.l.bf16.f32 v6;
	v25 =	vld.idx.msk [tilespmem:v0+s23+$0xFFFFFF80 ss:$0x1], $0xffff  }
0x1c1: {  	v9 =	vadd.f32 v1, v5;
	v7 =	vadd.f32 v8, v7;
	v29 =	vld.idx.msk [tilespmem:v0+s23+$0xFFFFFF90 ss:$0x1], $0xffff  }
0x1c2: {  	v11 =	vunpack.i.l.bf16.f32 v22;
	v8 =	vunpack.i.u.bf16.f32 v22  }
0x1c3: {  	v6 =	vunpack.i.u.bf16.f32 v10;
	v10 =	vunpack.i.l.bf16.f32 v10;
	v1 =	vunpack.i.u.bf16.f32 v13;
	v18 =	vld.idx.msk [tilespmem:v0+s23+$0xFFFFFFD0 ss:$0x1], $0xffff  }
0x1c4: {  	v2 =	vunpack.i.l.bf16.f32 v13;
	v14 =	vunpack.i.u.bf16.f32 v15;
	v17 =	vunpack.i.l.bf16.f32 v15  }
.Ltmp12:
0x1c5: {  	v13 =	vunpack.i.u.bf16.f32 v16;
	v15 =	vunpack.i.l.bf16.f32 v16;
	v3 =	vunpack.i.u.bf16.f32 v19;
	v20 =	vld.idx.msk [tilespmem:v0+s23+$0xFFFFFFE0 ss:$0x1], $0xffff;
	(pc) =	sbr.rel @p0 .LBB2_27-.Ltmp12, $4  }
0x1c6: {  	v5 =	vunpack.i.l.bf16.f32 v19;
	v21 =	vunpack.i.u.bf16.f32 v24;
	v22 =	vunpack.i.l.bf16.f32 v24  }
0x1c7: {  	v16 =	vunpack.i.u.bf16.f32 v25;
	v24 =	vunpack.i.l.bf16.f32 v25;
	v30 =	vunpack.i.u.bf16.f32 v29;
	v19 =	vld.idx.msk [tilespmem:v0+s23+$0xFFFFFFA0 ss:$0x1], $0xffff  }
0x1c8: {  	v23 =	vadd.f32 v24, v23;
	v24 =	vadd.f32 v16, v26;
	v16 =	vunpack.i.l.bf16.f32 v29  }
0x1c9: {  	s24 =	sadd.s32 $0x400, s24;
	v25 =	vadd.f32 v16, v27;
	v26 =	vadd.f32 v30, v28;
	v27 =	vunpack.i.u.bf16.f32 v18;
	v16 =	vld.idx.msk [tilespmem:v0+s23+$0xFFFFFFB0 ss:$0x1], $0xffff  }
0x1ca: {  	s24 =	smul.u32 $0xAB, s16  }
0x1cb: {  	v22 =	vadd.f32 v22, v23;
	v21 =	vadd.f32 v21, v24;
	v18 =	vunpack.i.l.bf16.f32 v18  }
0x1cc: {  	v18 =	vadd.f32 v18, v25;
	v47 =	vadd.f32 v27, v26;
	s24 =	sshrl.u32 s24, $0x9  }
0x1cd: {  	v17 =	vadd.f32 v17, v22;
	v14 =	vadd.f32 v14, v21;
	v51 =	vunpack.i.l.bf16.f32 v19;
	s24 =	sand.u32 $0x7F, s24  }
0x1ce: {  	v49 =	vld.idx.msk [tilespmem:v0+s23+$0xFFFFFFF0 ss:$0x1], $0xffff;
	v52 =	vunpack.i.u.bf16.f32 v19;
	v15 =	vadd.f32 v15, v18;
	v13 =	vadd.f32 v13, v47;
	s25 =	smul.u32 $0x3FFFD, s24  }
0x1cf: {  	v48 =	vunpack.i.u.bf16.f32 v20;
	v4 =	vadd.f32 v51, v4;
	v12 =	vadd.f32 v52, v12  }
0x1d0: {  	v50 =	vunpack.i.l.bf16.f32 v20;
	v53 =	vld.idx.msk [tilespmem:v0+s23+$0x30 ss:$0x1], $0xffff;
	v11 =	vadd.f32 v11, v17;
	v8 =	vadd.f32 v8, v14;
	s25 =	sadd.s32 s16, s25  }
0x1d1: {  	v54 =	vunpack.i.l.bf16.f32 v16;
	v10 =	vadd.f32 v10, v15;
	v6 =	vadd.f32 v6, v13;
	s25 =	sshll.u32 s25, $0xE  }
0x1d2: {  	v55 =	vld.idx.msk [tilespmem:v0+s23+$0x70 ss:$0x1], $0xffff;
	v56 =	vunpack.i.u.bf16.f32 v16;
	s24 =	sshll.u32 s24, $0x7;
	v9 =	vadd.f32 v54, v9;
	v4 =	vadd.f32 v50, v4;
	s25 =	sshra.s32 s25, $0x2  }
0x1d3: {  	v7 =	vadd.f32 v56, v7;
	v12 =	vadd.f32 v48, v12;
	v57 =	vunpack.i.l.bf16.f32 v49;
	s23 =	sadd.s32 s24, s25  }
0x1d4: {  	v58 =	vunpack.i.u.bf16.f32 v49;
	v9 =	vadd.f32 v57, v9;
	v4 =	vadd.f32 v5, v4;
	[tilespmem:s23+$0xF300] =	vst v11  }
0x1d5: {  	v60 =	vunpack.i.l.bf16.f32 v53;
	s16 =	sadd.s32 $0x1, s16;
	v59 =	vadd.f32 v58, v7;
	v3 =	vadd.f32 v3, v12;
	[tilespmem:s23+$0xF310] =	vst v8  }
0x1d6: {  	v61 =	vunpack.i.u.bf16.f32 v53;
	p0 =	sne.s32 s16, $0xC;
	v7 =	vadd.f32 v60, v9;
	v2 =	vadd.f32 v2, v4;
	[tilespmem:s23+$0xF320] =	vst v10  }
.Ltmp13:
0x1d7: {  	v63 =	vunpack.i.l.bf16.f32 v55;
	v62 =	vadd.f32 v61, v59;
	v1 =	vadd.f32 v1, v3;
	[tilespmem:s23+$0xF330] =	vst v6;
	(pc) =	sbr.rel @p0 .LBB2_26-.Ltmp13, $4  }
0x1d8: {  	v0 =	vunpack.i.u.bf16.f32 v55;
	v3 =	vadd.f32 v63, v7;
	[tilespmem:s23+$0xF340] =	vst v2  }
0x1d9: {  	v0 =	vadd.f32 v0, v62;
	[tilespmem:s23+$0xF350] =	vst v1  }
0x1da: {  	[tilespmem:s23+$0xF360] =	vst v3  }
0x1db: {  	s21 =	sadd.s32 $0x400, s21;
	[tilespmem:s23+$0xF370] =	vst v0  }
0x1dc: {  	_ =	swait.ge [sflag:s22], $0x3000  }
0x1dd: {  	[sflag:s22] =	ssyncset.done $0x0  }
0x1de: {  	s16 =	simm.s32 $0x0;
	s21 =	simm.s32 $0x3680;
	[sflag:s22] =	ssyncadd.s32 $0xFFFFD000  }
.LBB2_30:
0x1df: {  	v0 =	vmov s21;
	_ =	sdelay $0x3  }
0x1e0: {  	s23 =	simm.s32 $0x0  }
0x1e1: {  	v1 =	vld.idx.msk [tilespmem:v0+s23+$0x40 ss:$0x1], $0xffff  }
0x1e2: {  	v2 =	vld.idx.msk [tilespmem:v0+s23+$0x50 ss:$0x1], $0xffff  }
0x1e3: {  	v3 =	vld.idx.msk [tilespmem:v0+s23+$0x60 ss:$0x1], $0xffff  }
0x1e4: {  	v5 =	vld.idx.msk [tilespmem:v0+s23+$0x0 ss:$0x1], $0xffff  }
0x1e5: {  	v7 =	vld.idx.msk [tilespmem:v0+s23+$0x10 ss:$0x1], $0xffff  }
0x1e6: {  	v9 =	vld.idx.msk [tilespmem:v0+s23+$0x20 ss:$0x1], $0xffff  }
0x1e7: {  	v12 =	vld.idx.msk [tilespmem:v0+s23+$0xFFFFFFC0 ss:$0x1], $0xffff  }
0x1e8: {  	v16 =	vld.idx.msk [tilespmem:v0+s23+$0xFFFFFF80 ss:$0x1], $0xffff  }
0x1e9: {  	v4 =	vimm.f32 $0.0e+00;
	v19 =	vld.idx.msk [tilespmem:v0+s23+$0xFFFFFF90 ss:$0x1], $0xffff;
	v8 =	vunpack.i.u.bf16.f32 v1;
	v11 =	vunpack.i.l.bf16.f32 v1  }
0x1ea: {  	v18 =	vld.idx.msk [tilespmem:v0+s23+$0xFFFFFFD0 ss:$0x1], $0xffff;
	v6 =	vunpack.i.u.bf16.f32 v2;
	v10 =	vunpack.i.l.bf16.f32 v2;
	v1 =	vunpack.i.u.bf16.f32 v3  }
0x1eb: {  	v14 =	vunpack.i.u.bf16.f32 v5;
	v17 =	vunpack.i.l.bf16.f32 v5;
	v2 =	vunpack.i.l.bf16.f32 v3  }
0x1ec: {  	v13 =	vunpack.i.u.bf16.f32 v7;
	v15 =	vunpack.i.l.bf16.f32 v7;
	v3 =	vunpack.i.u.bf16.f32 v9  }
0x1ed: {  	v21 =	vunpack.i.u.bf16.f32 v12;
	v22 =	vunpack.i.l.bf16.f32 v12;
	v5 =	vunpack.i.l.bf16.f32 v9  }
0x1ee: {  	v20 =	vld.idx.msk [tilespmem:v0+s23+$0xFFFFFFE0 ss:$0x1], $0xffff;
	v7 =	vunpack.i.u.bf16.f32 v16;
	v9 =	vunpack.i.l.bf16.f32 v16;
	v12 =	vunpack.i.u.bf16.f32 v19  }
0x1ef: {  	v27 =	vunpack.i.u.bf16.f32 v18;
	v23 =	vadd.f32 v9, v4;
	v24 =	vadd.f32 v7, v4  }
0x1f0: {  	v7 =	vunpack.i.l.bf16.f32 v19;
	v19 =	vld.idx.msk [tilespmem:v0+s23+$0xFFFFFFA0 ss:$0x1], $0xffff;
	v26 =	vadd.f32 v12, v4;
	v12 =	vimm.f32 $0.0e+00  }
0x1f1: {  	s24 =	simm.s32 $0x400;
	v16 =	vld.idx.msk [tilespmem:v0+s23+$0xFFFFFFB0 ss:$0x1], $0xffff;
	v9 =	vimm.f32 $0.0e+00;
	v25 =	vadd.f32 v7, v4;
	v7 =	vimm.f32 $0.0e+00  }
.LBB2_31:
0x1f2: {  	p0 =	sne.s32 s24, $0xC00;
	v22 =	vadd.f32 v22, v23;
	v21 =	vadd.f32 v21, v24;
	v18 =	vunpack.i.l.bf16.f32 v18  }
0x1f3: {  	v24 =	vunpack.i.u.bf16.f32 v20;
	v18 =	vadd.f32 v18, v25;
	v23 =	vadd.f32 v27, v26;
	v25 =	vld.idx.msk [tilespmem:v0+s23+$0xFFFFFFF0 ss:$0x1], $0xffff  }
0x1f4: {  	v20 =	vunpack.i.l.bf16.f32 v20;
	v17 =	vadd.f32 v17, v22;
	v14 =	vadd.f32 v14, v21  }
0x1f5: {  	s25 =	sshra.s32 s24, $0x2;
	v21 =	vunpack.i.u.bf16.f32 v19;
	v15 =	vadd.f32 v15, v18;
	v13 =	vadd.f32 v13, v23;
	v18 =	vld.idx.msk [tilespmem:v0+s23+$0x30 ss:$0x1], $0xffff  }
0x1f6: {  	v19 =	vunpack.i.l.bf16.f32 v19;
	v22 =	vld.idx.msk [tilespmem:v0+s25+$0x40 ss:$0x1], $0xffff;
	v23 =	vadd.f32 v11, v17;
	v26 =	vadd.f32 v8, v14  }
0x1f7: {  	v8 =	vunpack.i.u.bf16.f32 v16;
	v27 =	vadd.f32 v10, v15;
	v28 =	vadd.f32 v6, v13;
	v6 =	vld.idx.msk [tilespmem:v0+s23+$0x70 ss:$0x1], $0xffff;
	s23 =	smov.u32 s25  }
0x1f8: {  	v4 =	vadd.f32 v19, v4;
	v11 =	vadd.f32 v21, v12;
	v12 =	vunpack.i.l.bf16.f32 v16;
	v10 =	vld.idx.msk [tilespmem:v0+s23+$0x50 ss:$0x1], $0xffff  }
0x1f9: {  	v9 =	vadd.f32 v12, v9;
	v7 =	vadd.f32 v8, v7;
	v8 =	vunpack.i.u.bf16.f32 v25;
	v13 =	vld.idx.msk [tilespmem:v0+s23+$0x60 ss:$0x1], $0xffff  }
0x1fa: {  	v4 =	vadd.f32 v20, v4;
	v11 =	vadd.f32 v24, v11;
	v12 =	vunpack.i.l.bf16.f32 v25;
	v15 =	vld.idx.msk [tilespmem:v0+s23+$0x0 ss:$0x1], $0xffff  }
0x1fb: {  	v9 =	vadd.f32 v12, v9;
	v7 =	vadd.f32 v8, v7;
	v8 =	vunpack.i.u.bf16.f32 v18;
	v16 =	vld.idx.msk [tilespmem:v0+s23+$0x10 ss:$0x1], $0xffff  }
0x1fc: {  	v4 =	vadd.f32 v5, v4;
	v3 =	vadd.f32 v3, v11;
	v5 =	vunpack.i.l.bf16.f32 v18;
	v19 =	vld.idx.msk [tilespmem:v0+s23+$0x20 ss:$0x1], $0xffff  }
0x1fd: {  	v5 =	vadd.f32 v5, v9;
	v7 =	vadd.f32 v8, v7;
	v8 =	vunpack.i.u.bf16.f32 v6;
	v24 =	vld.idx.msk [tilespmem:v0+s23+$0xFFFFFFC0 ss:$0x1], $0xffff  }
0x1fe: {  	v4 =	vadd.f32 v2, v4;
	v12 =	vadd.f32 v1, v3;
	v1 =	vunpack.i.l.bf16.f32 v6;
	v25 =	vld.idx.msk [tilespmem:v0+s23+$0xFFFFFF80 ss:$0x1], $0xffff  }
0x1ff: {  	v9 =	vadd.f32 v1, v5;
	v7 =	vadd.f32 v8, v7;
	v29 =	vld.idx.msk [tilespmem:v0+s23+$0xFFFFFF90 ss:$0x1], $0xffff  }
0x200: {  	v11 =	vunpack.i.l.bf16.f32 v22;
	v8 =	vunpack.i.u.bf16.f32 v22  }
0x201: {  	v6 =	vunpack.i.u.bf16.f32 v10;
	v10 =	vunpack.i.l.bf16.f32 v10;
	v1 =	vunpack.i.u.bf16.f32 v13;
	v18 =	vld.idx.msk [tilespmem:v0+s23+$0xFFFFFFD0 ss:$0x1], $0xffff  }
0x202: {  	v2 =	vunpack.i.l.bf16.f32 v13;
	v14 =	vunpack.i.u.bf16.f32 v15;
	v17 =	vunpack.i.l.bf16.f32 v15  }
.Ltmp14:
0x203: {  	v13 =	vunpack.i.u.bf16.f32 v16;
	v15 =	vunpack.i.l.bf16.f32 v16;
	v3 =	vunpack.i.u.bf16.f32 v19;
	v20 =	vld.idx.msk [tilespmem:v0+s23+$0xFFFFFFE0 ss:$0x1], $0xffff;
	(pc) =	sbr.rel @p0 .LBB2_31-.Ltmp14, $4  }
0x204: {  	v5 =	vunpack.i.l.bf16.f32 v19;
	v21 =	vunpack.i.u.bf16.f32 v24;
	v22 =	vunpack.i.l.bf16.f32 v24  }
0x205: {  	v16 =	vunpack.i.u.bf16.f32 v25;
	v24 =	vunpack.i.l.bf16.f32 v25;
	v30 =	vunpack.i.u.bf16.f32 v29;
	v19 =	vld.idx.msk [tilespmem:v0+s23+$0xFFFFFFA0 ss:$0x1], $0xffff  }
0x206: {  	v23 =	vadd.f32 v24, v23;
	v24 =	vadd.f32 v16, v26;
	v16 =	vunpack.i.l.bf16.f32 v29  }
0x207: {  	s24 =	sadd.s32 $0x400, s24;
	v25 =	vadd.f32 v16, v27;
	v26 =	vadd.f32 v30, v28;
	v27 =	vunpack.i.u.bf16.f32 v18;
	v16 =	vld.idx.msk [tilespmem:v0+s23+$0xFFFFFFB0 ss:$0x1], $0xffff  }
0x208: {  	s24 =	smul.u32 $0xAB, s16  }
0x209: {  	v22 =	vadd.f32 v22, v23;
	v21 =	vadd.f32 v21, v24;
	v18 =	vunpack.i.l.bf16.f32 v18  }
0x20a: {  	v18 =	vadd.f32 v18, v25;
	v47 =	vadd.f32 v27, v26;
	s24 =	sshrl.u32 s24, $0x9  }
0x20b: {  	v17 =	vadd.f32 v17, v22;
	v14 =	vadd.f32 v14, v21;
	v51 =	vunpack.i.l.bf16.f32 v19;
	s24 =	sand.u32 $0x7F, s24  }
0x20c: {  	v49 =	vld.idx.msk [tilespmem:v0+s23+$0xFFFFFFF0 ss:$0x1], $0xffff;
	v52 =	vunpack.i.u.bf16.f32 v19;
	v15 =	vadd.f32 v15, v18;
	v13 =	vadd.f32 v13, v47;
	s25 =	smul.u32 $0x3FFFD, s24  }
0x20d: {  	v48 =	vunpack.i.u.bf16.f32 v20;
	v4 =	vadd.f32 v51, v4;
	v12 =	vadd.f32 v52, v12  }
0x20e: {  	v50 =	vunpack.i.l.bf16.f32 v20;
	v53 =	vld.idx.msk [tilespmem:v0+s23+$0x30 ss:$0x1], $0xffff;
	v11 =	vadd.f32 v11, v17;
	v8 =	vadd.f32 v8, v14;
	s25 =	sadd.s32 s16, s25  }
0x20f: {  	v54 =	vunpack.i.l.bf16.f32 v16;
	v10 =	vadd.f32 v10, v15;
	v6 =	vadd.f32 v6, v13;
	s25 =	sshll.u32 s25, $0xE  }
0x210: {  	v55 =	vld.idx.msk [tilespmem:v0+s23+$0x70 ss:$0x1], $0xffff;
	v56 =	vunpack.i.u.bf16.f32 v16;
	s24 =	sshll.u32 s24, $0x7;
	v9 =	vadd.f32 v54, v9;
	v4 =	vadd.f32 v50, v4;
	s25 =	sshra.s32 s25, $0x2  }
0x211: {  	v7 =	vadd.f32 v56, v7;
	v12 =	vadd.f32 v48, v12;
	v57 =	vunpack.i.l.bf16.f32 v49;
	s23 =	sadd.s32 s24, s25  }
0x212: {  	v58 =	vunpack.i.u.bf16.f32 v49;
	v9 =	vadd.f32 v57, v9;
	v4 =	vadd.f32 v5, v4;
	[tilespmem:s23+$0xF500] =	vst v11  }
0x213: {  	v60 =	vunpack.i.l.bf16.f32 v53;
	s16 =	sadd.s32 $0x1, s16;
	v59 =	vadd.f32 v58, v7;
	v3 =	vadd.f32 v3, v12;
	[tilespmem:s23+$0xF510] =	vst v8  }
0x214: {  	v61 =	vunpack.i.u.bf16.f32 v53;
	p0 =	sne.s32 s16, $0xC;
	v7 =	vadd.f32 v60, v9;
	v2 =	vadd.f32 v2, v4;
	[tilespmem:s23+$0xF520] =	vst v10  }
.Ltmp15:
0x215: {  	v63 =	vunpack.i.l.bf16.f32 v55;
	v62 =	vadd.f32 v61, v59;
	v1 =	vadd.f32 v1, v3;
	[tilespmem:s23+$0xF530] =	vst v6;
	(pc) =	sbr.rel @p0 .LBB2_30-.Ltmp15, $4  }
0x216: {  	v0 =	vunpack.i.u.bf16.f32 v55;
	v3 =	vadd.f32 v63, v7;
	[tilespmem:s23+$0xF540] =	vst v2  }
0x217: {  	v0 =	vadd.f32 v0, v62;
	[tilespmem:s23+$0xF550] =	vst v1  }
0x218: {  	[tilespmem:s23+$0xF560] =	vst v3  }
0x219: {  	s21 =	sadd.s32 $0x400, s21;
	[tilespmem:s23+$0xF570] =	vst v0  }
0x21a: {  	s16 =	simm.s32 $0x0  }
0x21b: {  	[hbm4b:s6+s16] =	stream.linear.scatter [tilespmem:s29], [sflag:$0x5], $0x1000, $0x38;
	[tilespmem:$0x11700] =	vst v63  }
0x21c: {  	_ =	swait.ge [sflag:s12], $0x1000  }
0x21d: {  	[sflag:s12] =	ssyncset.done $0x0  }
0x21e: {  	[sflag:s12] =	ssyncadd.s32 $0xFFFFF000  }
0x21f: {  	[hbm4b:s7+s16] =	stream.linear.scatter [tilespmem:s30], [sflag:$0x5], $0x1000, $0x38;
	[tilespmem:$0x11700] =	vst v63  }
0x220: {  	_ =	swait.ge [sflag:s12], $0x1000  }
0x221: {  	[sflag:s12] =	ssyncset.done $0x0  }
0x222: {  	[sflag:s12] =	ssyncadd.s32 $0xFFFFF000  }
0x223: {  	[hbm4b:s8+s16] =	stream.linear.scatter [tilespmem:s31], [sflag:$0x5], $0x1000, $0x38;
	[tilespmem:$0x11700] =	vst v63  }
0x224: {  	_ =	swait.ge [sflag:s12], $0x1000  }
0x225: {  	[sflag:s12] =	ssyncset.done $0x0  }
0x226: {  	[sflag:s12] =	ssyncadd.s32 $0xFFFFF000  }
0x227: {  	_ =	swait.ge [sflag:s1], $0x2000  }
0x228: {  	[sflag:s1] =	ssyncset.done $0x0  }
0x229: {  	[sflag:s1] =	ssyncadd.s32 $0xFFFFE000  }
0x22a: {  	_ =	swait.ge [sflag:s0], $0x2000  }
0x22b: {  	[sflag:s0] =	ssyncset.done $0x0  }
0x22c: {  	s21 =	simm.s32 $0x0;
	[sflag:s0] =	ssyncadd.s32 $0xFFFFE000  }
0x22d: {  	v0 =	vld [tilespmem:s21+$0x6730]  }
0x22e: {  	v4 =	vld [tilespmem:s21+$0x6770]  }
0x22f: {  	v6 =	vld [tilespmem:s21+$0x6700]  }
0x230: {  	v9 =	vld [tilespmem:s21+$0x6740]  }
0x231: {  	v2 =	vld [tilespmem:s21+$0x6710]  }
0x232: {  	v3 =	vld [tilespmem:s21+$0x6750];
	v11 =	vunpack.i.l.bf16.f32 v0  }
0x233: {  	v1 =	vld [tilespmem:s21+$0x6720];
	v0 =	vunpack.i.u.bf16.f32 v0;
	v7 =	vunpack.i.u.bf16.f32 v4;
	v12 =	vunpack.i.l.bf16.f32 v4  }
0x234: {  	s16 =	simm.s32 $0x80;
	v5 =	vunpack.i.u.bf16.f32 v6;
	v6 =	vunpack.i.l.bf16.f32 v6;
	v4 =	vld [tilespmem:s21+$0x6760];
	v7 =	vsub.f32 v0, v7  }
0x235: {  	s23 =	simm.s32 $0x400;
	v8 =	vunpack.i.u.bf16.f32 v9;
	v10 =	vunpack.i.l.bf16.f32 v9;
	v0 =	vld [tilespmem:s16+$0x6730];
	v9 =	vsub.f32 v11, v12  }
.LBB2_34:
0x236: {  	p0 =	sne.s32 s23, $0xFE00;
	v11 =	vld [tilespmem:s16+$0x6770];
	v6 =	vsub.f32 v6, v10;
	v10 =	vunpack.i.u.bf16.f32 v2;
	v2 =	vunpack.i.l.bf16.f32 v2;
	[tilespmem:s21+$0xA770] =	vst v7  }
0x237: {  	v5 =	vsub.f32 v5, v8;
	v7 =	vld [tilespmem:s16+$0x6700];
	v8 =	vunpack.i.u.bf16.f32 v3;
	v3 =	vunpack.i.l.bf16.f32 v3;
	[tilespmem:s21+$0xA760] =	vst v9  }
0x238: {  	v9 =	vld [tilespmem:s16+$0x6740];
	[tilespmem:s21+$0xA700] =	vst v6;
	v6 =	vsub.f32 v2, v3;
	v12 =	vunpack.i.u.bf16.f32 v1;
	v1 =	vunpack.i.l.bf16.f32 v1  }
.Ltmp16:
0x239: {  	v2 =	vld [tilespmem:s16+$0x6710];
	[tilespmem:s21+$0xA710] =	vst v5;
	v5 =	vsub.f32 v10, v8;
	v8 =	vunpack.i.u.bf16.f32 v4;
	v4 =	vunpack.i.l.bf16.f32 v4;
	(pc) =	sbr.rel @p0 .LBB2_34-.Ltmp16, $4  }
0x23a: {  	v3 =	vld [tilespmem:s16+$0x6750];
	v13 =	vunpack.i.l.bf16.f32 v0;
	[tilespmem:s21+$0xA720] =	vst v6;
	v10 =	vsub.f32 v1, v4;
	v12 =	vsub.f32 v12, v8  }
0x23b: {  	v0 =	vunpack.i.u.bf16.f32 v0;
	v1 =	vld [tilespmem:s16+$0x6720];
	v8 =	vunpack.i.u.bf16.f32 v11;
	v11 =	vunpack.i.l.bf16.f32 v11;
	[tilespmem:s21+$0xA730] =	vst v5  }
0x23c: {  	s24 =	sshra.s32 s23, $0x2;
	v5 =	vunpack.i.u.bf16.f32 v7;
	v6 =	vunpack.i.l.bf16.f32 v7;
	v4 =	vld [tilespmem:s16+$0x6760];
	v7 =	vsub.f32 v0, v8;
	[tilespmem:s21+$0xA740] =	vst v10  }
0x23d: {  	s23 =	sadd.s32 $0x200, s23;
	v0 =	vld [tilespmem:s24+$0x6730];
	v8 =	vunpack.i.u.bf16.f32 v9;
	v10 =	vunpack.i.l.bf16.f32 v9;
	v9 =	vsub.f32 v13, v11;
	[tilespmem:s21+$0xA750] =	vst v12;
	s21 =	smov.u32 s16;
	s16 =	smov.u32 s24  }
0x23e: {  	v11 =	vld [tilespmem:s16+$0x6770];
	[tilespmem:s21+$0xA770] =	vst v7;
	v6 =	vsub.f32 v6, v10  }
0x23f: {  	v5 =	vsub.f32 v5, v8;
	v38 =	vunpack.i.l.bf16.f32 v2;
	v7 =	vld [tilespmem:s16+$0x6700];
	[tilespmem:s21+$0xA760] =	vst v9;
	v39 =	vunpack.i.l.bf16.f32 v3  }
0x240: {  	v41 =	vunpack.i.u.bf16.f32 v2;
	v42 =	vunpack.i.u.bf16.f32 v3;
	v9 =	vld [tilespmem:s16+$0x6740];
	[tilespmem:s21+$0xA700] =	vst v6;
	v6 =	vsub.f32 v38, v39  }
0x241: {  	v2 =	vsub.f32 v41, v42;
	v43 =	vunpack.i.l.bf16.f32 v1;
	v40 =	vld [tilespmem:s16+$0x6710];
	[tilespmem:s21+$0xA710] =	vst v5;
	v44 =	vunpack.i.l.bf16.f32 v4  }
0x242: {  	v46 =	vunpack.i.u.bf16.f32 v1;
	v47 =	vunpack.i.u.bf16.f32 v4;
	v5 =	vld [tilespmem:s16+$0x6750];
	[tilespmem:s21+$0xA720] =	vst v6;
	v3 =	vsub.f32 v43, v44  }
0x243: {  	v1 =	vsub.f32 v46, v47;
	v48 =	vunpack.i.u.bf16.f32 v0;
	v45 =	vld [tilespmem:s16+$0x6720];
	[tilespmem:s21+$0xA730] =	vst v2;
	v49 =	vunpack.i.u.bf16.f32 v11  }
0x244: {  	v51 =	vunpack.i.l.bf16.f32 v0;
	v11 =	vunpack.i.l.bf16.f32 v11;
	v50 =	vld [tilespmem:s16+$0x6760];
	v2 =	vsub.f32 v48, v49;
	[tilespmem:s21+$0xA740] =	vst v3  }
0x245: {  	v52 =	vunpack.i.l.bf16.f32 v7;
	v0 =	vsub.f32 v51, v11;
	[tilespmem:s21+$0xA750] =	vst v1;
	v53 =	vunpack.i.l.bf16.f32 v9  }
0x246: {  	v54 =	vunpack.i.u.bf16.f32 v7;
	v55 =	vunpack.i.u.bf16.f32 v9;
	v3 =	vsub.f32 v52, v53;
	[tilespmem:s16+$0xA770] =	vst v2  }
0x247: {  	v56 =	vunpack.i.l.bf16.f32 v40;
	v1 =	vsub.f32 v54, v55;
	[tilespmem:s16+$0xA760] =	vst v0;
	v57 =	vunpack.i.l.bf16.f32 v5  }
0x248: {  	v58 =	vunpack.i.u.bf16.f32 v40;
	v5 =	vunpack.i.u.bf16.f32 v5;
	[tilespmem:s16+$0xA700] =	vst v3;
	v2 =	vsub.f32 v56, v57  }
0x249: {  	v59 =	vunpack.i.l.bf16.f32 v45;
	[tilespmem:s16+$0xA710] =	vst v1;
	v0 =	vsub.f32 v58, v5;
	v60 =	vunpack.i.l.bf16.f32 v50  }
0x24a: {  	v61 =	vunpack.i.u.bf16.f32 v45;
	v62 =	vunpack.i.u.bf16.f32 v50;
	[tilespmem:s16+$0xA720] =	vst v2;
	v1 =	vsub.f32 v59, v60  }
0x24b: {  	s15 =	sadd.s32 $0x1, s15;
	v63 =	vsub.f32 v61, v62;
	[tilespmem:s16+$0xA730] =	vst v0  }
0x24c: {  	p0 =	sne.s32 s15, s10;
	[tilespmem:s16+$0xA740] =	vst v1  }
.Ltmp17:
0x24d: {  	[tilespmem:s16+$0xA750] =	vst v63;
	(pc) =	sbr.rel @p0 .LBB2_1-.Ltmp17, $4  }
0x24e: {  	[hbm4b:s9+s2] =	stream.linear.scatter [tilespmem:s14], [sflag:$0x5], $0x4000, $0x38;
	[tilespmem:$0x11700] =	vst v63  }
0x24f: {  	_ =	swait.ge [sflag:s12], $0x4000  }
0x250: {  	[sflag:s12] =	ssyncset.done $0x0  }
0x251: {  	[sflag:s12] =	ssyncadd.s32 $0xFFFFC000  }
0x252: {  	_ =	sfence.sel $0x180000  }
0x253: {  	[bflag:$0x0] =	sbarrier.arrive $0xFFFF  }
0x254: {  	_ =	strace $0x90000047  }
0x255: {  	s0 =	stileid.u32;
	[bflag:$0x2] =	sbarrier.arrive $0xFFFF  }
0x256: {  	p0 =	sne.s32 s0, $0x0;
	s0 =	rddreg [dreg:$0x1]  }
0x257: {  	s0 =	sadd.s32 @!p0 $0x100000, s0  }
0x258: {  	[sflag:s0] =	ssyncadd.tile.s32 @!p0 $0x1;
	_ =	shalt  }
.Lfunc_end2:
_tile_overlayer_lowered:
.L_overlay_start_2:
0x259: {  	(tag) =	ssettag $0x2  }
0x25a: {  	s0 =	rddreg [dreg:$0x0];
	s2 =	stileid.u32  }
0x25b: {  	s1 =	rddreg [dreg:$0x1];
	p0 =	sne.s32 s2, $0x0  }
0x25c: {  	s3 =	rddreg [dreg:$0x2];
	[bflag:$0x3] =	sbarrier.arrive $0xFFFF;
	s2 =	simm.s32 @!p0 $0x1C05  }
0x25d: {  	[timem:s3], [sflag:s2] =	dma.local @!p0 [hbm:s0], s1  }
0x25e: {  	s0 =	simm.s32 @!p0 $0x5  }
0x25f: {  	_ =	swait.ge @!p0 [sflag:s0], s1  }
0x260: {  	s1 =	ssub.s32 @!p0 $0x0, s1;
	[sflag:s0] =	ssyncset.done @!p0 $0x0  }
0x261: {  	[sflag:s0] =	ssyncadd.s32 @!p0 s1  }
0x262: {  	[bflag:$0x3] =	sbarrier.arrive $0xFFFF  }
0x263: {  	_ =	shalt  }

</sc_bundles>
